<compile_context>
chip_gen: v7x
topology: tpu7x:2x2x1
jax: 0.10.2.dev20260603
libtpu: 0.0.44.dev20260713+nightly
codegen_flags: <defaults>
</compile_context>

<pallas_src>
import jax
import jax.numpy as jnp
from jax import lax
from jax.experimental import pallas as pl
from jax.experimental.pallas import tpu as pltpu
from jax.experimental.pallas import tpu_sc as plsc

N_NODES = 10000
N_EDGES = 320000
D = 128

NC, NS, L = 2, 16, 16
NW = NC * NS
EPW = N_EDGES // NW
CHUNK = 80
NCH = EPW // CHUNK
NBUF = 4
UNROLL = 8


def _score_kernel(h_hbm, src_hbm, dst_hbm, out_hbm,
                  sidx, didx, sr0, dr0, sr1, dr1, sr2, dr2, sr3, dr3, outv,
                  sem_g0, sem_g1, sem_g2, sem_g3, sem_w):
    wid = lax.axis_index("s") * NC + lax.axis_index("c")
    base0 = wid * EPW
    pltpu.sync_copy(src_hbm.at[pl.ds(base0, EPW)], sidx)
    pltpu.sync_copy(dst_hbm.at[pl.ds(base0, EPW)], didx)

    srows = (sr0, sr1, sr2, sr3)
    drows = (dr0, dr1, dr2, dr3)
    sems = (sem_g0, sem_g1, sem_g2, sem_g3)

    def fire(ci, p):
        off = pl.multiple_of(ci * CHUNK, 8)
        pltpu.async_copy(h_hbm.at[sidx.at[pl.ds(off, CHUNK)]],
                         srows[p], sems[p])
        pltpu.async_copy(h_hbm.at[didx.at[pl.ds(off, CHUNK)]],
                         drows[p], sems[p])

    def wait_rows(p):
        pltpu.make_async_copy(
            h_hbm.at[sidx.at[pl.ds(0, CHUNK)]], srows[p], sems[p]).wait()
        pltpu.make_async_copy(
            h_hbm.at[didx.at[pl.ds(0, CHUNK)]], drows[p], sems[p]).wait()

    def wait_wb():
        pltpu.make_async_copy(
            outv, out_hbm.at[pl.ds(base0, NBUF * CHUNK)], sem_w).wait()

    iota16 = lax.iota(jnp.int32, L)

    def compute(p):
        sref = srows[p]
        dref = drows[p]
        for g in range(CHUNK // L):
            rows = iota16 + g * L

            def dbody(k, carry):
                acc, dvec = carry
                for _ in range(UNROLL):
                    s = plsc.load_gather(sref, [rows, dvec])
                    t = plsc.load_gather(dref, [rows, dvec])
                    acc = acc + s * t
                    dvec = (dvec + 1) & (D - 1)
                return acc, dvec

            acc, _ = lax.fori_loop(0, D // UNROLL, dbody,
                                   (jnp.zeros((L,), jnp.float32), iota16))
            outv[pl.ds(p * CHUNK + g * L, L)] = acc

    for q in range(NBUF - 1):
        fire(q, q)

    def body(i, carry):
        @pl.when(i > 0)
        def _():
            wait_wb()
        for p in range(NBUF):
            ci = NBUF * i + p
            nxt = ci + NBUF - 1

            @pl.when(nxt < NCH)
            def _():
                fire(nxt, (p + NBUF - 1) % NBUF)

            wait_rows(p)
            compute(p)
        wb_off = pl.multiple_of(base0 + i * NBUF * CHUNK, 8)
        pltpu.async_copy(outv, out_hbm.at[pl.ds(wb_off, NBUF * CHUNK)], sem_w)
        return carry

    lax.fori_loop(0, NCH // NBUF, body, 0)

    wait_wb()
    wait_rows((NCH - 1) % NBUF)
    compute((NCH - 1) % NBUF)
    tail_off = pl.multiple_of(base0 + (NCH - 1) * CHUNK, 8)
    tail_buf = (NCH - 1) % NBUF
    pltpu.sync_copy(outv.at[pl.ds(tail_buf * CHUNK, CHUNK)],
                    out_hbm.at[pl.ds(tail_off, CHUNK)])


def kernel(h, edge_index):
    src = edge_index[0].astype(jnp.int32)
    dst = edge_index[1].astype(jnp.int32)
    run = pl.kernel(
        _score_kernel,
        mesh=plsc.VectorSubcoreMesh(core_axis_name="c", subcore_axis_name="s"),
        compiler_params=pltpu.CompilerParams(needs_layout_passes=False),
        out_type=jax.ShapeDtypeStruct((N_EDGES,), jnp.float32),
        scratch_types=[
            pltpu.VMEM((EPW,), jnp.int32),
            pltpu.VMEM((EPW,), jnp.int32),
            pltpu.VMEM((CHUNK, D), jnp.float32),
            pltpu.VMEM((CHUNK, D), jnp.float32),
            pltpu.VMEM((CHUNK, D), jnp.float32),
            pltpu.VMEM((CHUNK, D), jnp.float32),
            pltpu.VMEM((CHUNK, D), jnp.float32),
            pltpu.VMEM((CHUNK, D), jnp.float32),
            pltpu.VMEM((CHUNK, D), jnp.float32),
            pltpu.VMEM((CHUNK, D), jnp.float32),
            pltpu.VMEM((NBUF * CHUNK,), jnp.float32),
            pltpu.SemaphoreType.DMA,
            pltpu.SemaphoreType.DMA,
            pltpu.SemaphoreType.DMA,
            pltpu.SemaphoreType.DMA,
            pltpu.SemaphoreType.DMA,
        ],
    )
    score = run(h, src, dst)
    return score.reshape(N_EDGES, 1)

# --- scband reference (transcript-rebuilt; emitter-appended) ---
"""Pipeline reference for scband-hetero-dot-product-predictor-987842478632 (READ-ONLY COPY).

The authoritative reference and input builder live on the scoring server;
editing this copy changes nothing except your own understanding.
"""

import jax, jax.numpy as jnp
import numpy as np

N_NODES = 10000
N_EDGES = 320000
D_FEAT = 128

def setup_inputs(seed: int = 0) -> dict:
    key = jax.random.key(seed)
    k1, k2 = jax.random.split(key)
    h = jax.random.normal(k1, (N_NODES, D_FEAT), dtype=jnp.float32)
    edge_index = jax.random.randint(k2, (2, N_EDGES), 0, N_NODES, dtype=jnp.int64)
    return {"h": h, "edge_index": edge_index}

def reference(h, edge_index):
    # DGL fn.u_dot_v('h', 'h', 'score'): per-edge dot product of src and dst node features.
    src = edge_index[0]
    dst = edge_index[1]
    h_u = jnp.take(h, src, axis=0)   # gather src features [E, d]
    h_v = jnp.take(h, dst, axis=0)   # gather dst features [E, d]
    score = jnp.sum(h_u * h_v, axis=-1, keepdims=True)  # [E, 1], matches DGL u_dot_v output shape
    return score

if __name__ == "__main__":
    import jax
    _d = setup_inputs()
    print(jax.jit(kernel)(*tuple(_d.values())))

</pallas_src>

<mosaic_0001>
#map = affine_map<(d0, d1) -> (0, 0)>
#map1 = affine_map<(d0, d1) -> (0)>
module attributes {stable_mosaic.version = 14 : i64} {
  func.func @_score_kernel(%arg0: i32, %arg1: i32, %arg2: memref<10000x128xf32, #tpu.memory_space<hbm>>, %arg3: memref<320000xi32, #tpu.memory_space<hbm>>, %arg4: memref<320000xi32, #tpu.memory_space<hbm>>, %arg5: memref<320000xf32, #tpu.memory_space<hbm>>, %arg6: memref<10000xi32, #tpu.memory_space<vmem>>, %arg7: memref<10000xi32, #tpu.memory_space<vmem>>, %arg8: memref<80x128xf32, #tpu.memory_space<vmem>>, %arg9: memref<80x128xf32, #tpu.memory_space<vmem>>, %arg10: memref<80x128xf32, #tpu.memory_space<vmem>>, %arg11: memref<80x128xf32, #tpu.memory_space<vmem>>, %arg12: memref<80x128xf32, #tpu.memory_space<vmem>>, %arg13: memref<80x128xf32, #tpu.memory_space<vmem>>, %arg14: memref<80x128xf32, #tpu.memory_space<vmem>>, %arg15: memref<80x128xf32, #tpu.memory_space<vmem>>, %arg16: memref<320xf32, #tpu.memory_space<vmem>>, %arg17: memref<!tpu.dma_semaphore, #tpu.memory_space<semaphore_mem>>, %arg18: memref<!tpu.dma_semaphore, #tpu.memory_space<semaphore_mem>>, %arg19: memref<!tpu.dma_semaphore, #tpu.memory_space<semaphore_mem>>, %arg20: memref<!tpu.dma_semaphore, #tpu.memory_space<semaphore_mem>>, %arg21: memref<!tpu.dma_semaphore, #tpu.memory_space<semaphore_mem>>) attributes {dimension_semantics = [#tpu.dimension_semantics<core_parallel>, #tpu.dimension_semantics<subcore_parallel>], iteration_bounds = array<i64: 2, 16>, scalar_prefetch = 0 : i64, scratch_operands = 16 : i64, tpu.core_type = #tpu.core_type<sc_vector_subcore>, window_params = [{transform_indices = #map}, {transform_indices = #map1}, {transform_indices = #map1}, {transform_indices = #map1}]} {
    %mul3A = arith.constant 2 : i32
    %mul3A_0 = arith.muli %arg1, %mul3A : i32
    %add3A = arith.addi %mul3A_0, %arg0 : i32
    %mul3A_1 = arith.constant 10000 : i32
    %mul3A_2 = arith.muli %add3A, %mul3A_1 : i32
    "tpu.region"() ({
      %run_scoped3A = tpu.sem_alloc : memref<!tpu.dma_semaphore, #tpu.memory_space<semaphore_mem>>
      %dma_start3A_113 = tpu.memref_slice %arg3[%mul3A_2] : memref<320000xi32, #tpu.memory_space<hbm>> -> memref<10000xi32, #tpu.memory_space<hbm>>
      %dma_start3A_114 = tpu.memref_slice %arg3[%mul3A_2] : memref<320000xi32, #tpu.memory_space<hbm>> -> memref<10000xi32, #tpu.memory_space<hbm>>
      tpu.enqueue_dma source(%dma_start3A_114 : memref<10000xi32, #tpu.memory_space<hbm>>) target(%arg6 : memref<10000xi32, #tpu.memory_space<vmem>>) target_semaphore(%run_scoped3A : memref<!tpu.dma_semaphore, #tpu.memory_space<semaphore_mem>>)
      %dma_wait3A_115 = tpu.memref_slice %arg3[%mul3A_2] : memref<320000xi32, #tpu.memory_space<hbm>> -> memref<10000xi32, #tpu.memory_space<hbm>>
      %dma_wait3A_116 = tpu.memref_slice %arg3[%mul3A_2] : memref<320000xi32, #tpu.memory_space<hbm>> -> memref<10000xi32, #tpu.memory_space<hbm>>
      tpu.wait_dma2 semaphore(%run_scoped3A : memref<!tpu.dma_semaphore, #tpu.memory_space<semaphore_mem>>) src(%dma_wait3A_116 : memref<10000xi32, #tpu.memory_space<hbm>>) dst(%arg6 : memref<10000xi32, #tpu.memory_space<vmem>>)
      tpu.yield
    }) : () -> ()
    "tpu.region"() ({
      %run_scoped3A = tpu.sem_alloc : memref<!tpu.dma_semaphore, #tpu.memory_space<semaphore_mem>>
      %dma_start3A_113 = tpu.memref_slice %arg4[%mul3A_2] : memref<320000xi32, #tpu.memory_space<hbm>> -> memref<10000xi32, #tpu.memory_space<hbm>>
      %dma_start3A_114 = tpu.memref_slice %arg4[%mul3A_2] : memref<320000xi32, #tpu.memory_space<hbm>> -> memref<10000xi32, #tpu.memory_space<hbm>>
      tpu.enqueue_dma source(%dma_start3A_114 : memref<10000xi32, #tpu.memory_space<hbm>>) target(%arg7 : memref<10000xi32, #tpu.memory_space<vmem>>) target_semaphore(%run_scoped3A : memref<!tpu.dma_semaphore, #tpu.memory_space<semaphore_mem>>)
      %dma_wait3A_115 = tpu.memref_slice %arg4[%mul3A_2] : memref<320000xi32, #tpu.memory_space<hbm>> -> memref<10000xi32, #tpu.memory_space<hbm>>
      %dma_wait3A_116 = tpu.memref_slice %arg4[%mul3A_2] : memref<320000xi32, #tpu.memory_space<hbm>> -> memref<10000xi32, #tpu.memory_space<hbm>>
      tpu.wait_dma2 semaphore(%run_scoped3A : memref<!tpu.dma_semaphore, #tpu.memory_space<semaphore_mem>>) src(%dma_wait3A_116 : memref<10000xi32, #tpu.memory_space<hbm>>) dst(%arg7 : memref<10000xi32, #tpu.memory_space<vmem>>)
      tpu.yield
    }) : () -> ()
    %iota3A = tpu.iota {dimensions = array<i32: 0>} : vector<16xi32>
    %multiple_of3A = arith.constant 0 : i32
    %multiple_of3A_3 = tpu.assume_multiple %multiple_of3A, 8 : i32
    %dma_start3A = tpu.memref_slice %arg6[%multiple_of3A_3] : memref<10000xi32, #tpu.memory_space<vmem>> -> memref<80xi32, #tpu.memory_space<vmem>>
    %dma_start3A_4 = arith.constant 0 : i32
    %dma_start3A_5 = arith.constant 0 : i32
    %dma_start3A_6 = tpu.memref_slice %arg2[%dma_start3A_4, %dma_start3A_5] : memref<10000x128xf32, #tpu.memory_space<hbm>> -> memref<10000x128xf32, #tpu.memory_space<hbm>>
    tpu.enqueue_indirect_dma source(%dma_start3A_6 : memref<10000x128xf32, #tpu.memory_space<hbm>>) target(%arg8 : memref<80x128xf32, #tpu.memory_space<vmem>>) offsets(%dma_start3A : memref<80xi32, #tpu.memory_space<vmem>>) semaphore(%arg17 : memref<!tpu.dma_semaphore, #tpu.memory_space<semaphore_mem>>)
    %dma_start3A_7 = tpu.memref_slice %arg7[%multiple_of3A_3] : memref<10000xi32, #tpu.memory_space<vmem>> -> memref<80xi32, #tpu.memory_space<vmem>>
    %dma_start3A_8 = arith.constant 0 : i32
    %dma_start3A_9 = arith.constant 0 : i32
    %dma_start3A_10 = tpu.memref_slice %arg2[%dma_start3A_8, %dma_start3A_9] : memref<10000x128xf32, #tpu.memory_space<hbm>> -> memref<10000x128xf32, #tpu.memory_space<hbm>>
    tpu.enqueue_indirect_dma source(%dma_start3A_10 : memref<10000x128xf32, #tpu.memory_space<hbm>>) target(%arg9 : memref<80x128xf32, #tpu.memory_space<vmem>>) offsets(%dma_start3A_7 : memref<80xi32, #tpu.memory_space<vmem>>) semaphore(%arg17 : memref<!tpu.dma_semaphore, #tpu.memory_space<semaphore_mem>>)
    %multiple_of3A_11 = arith.constant 80 : i32
    %multiple_of3A_12 = tpu.assume_multiple %multiple_of3A_11, 8 : i32
    %dma_start3A_13 = tpu.memref_slice %arg6[%multiple_of3A_12] : memref<10000xi32, #tpu.memory_space<vmem>> -> memref<80xi32, #tpu.memory_space<vmem>>
    %dma_start3A_14 = arith.constant 0 : i32
    %dma_start3A_15 = arith.constant 0 : i32
    %dma_start3A_16 = tpu.memref_slice %arg2[%dma_start3A_14, %dma_start3A_15] : memref<10000x128xf32, #tpu.memory_space<hbm>> -> memref<10000x128xf32, #tpu.memory_space<hbm>>
    tpu.enqueue_indirect_dma source(%dma_start3A_16 : memref<10000x128xf32, #tpu.memory_space<hbm>>) target(%arg10 : memref<80x128xf32, #tpu.memory_space<vmem>>) offsets(%dma_start3A_13 : memref<80xi32, #tpu.memory_space<vmem>>) semaphore(%arg18 : memref<!tpu.dma_semaphore, #tpu.memory_space<semaphore_mem>>)
    %dma_start3A_17 = tpu.memref_slice %arg7[%multiple_of3A_12] : memref<10000xi32, #tpu.memory_space<vmem>> -> memref<80xi32, #tpu.memory_space<vmem>>
    %dma_start3A_18 = arith.constant 0 : i32
    %dma_start3A_19 = arith.constant 0 : i32
    %dma_start3A_20 = tpu.memref_slice %arg2[%dma_start3A_18, %dma_start3A_19] : memref<10000x128xf32, #tpu.memory_space<hbm>> -> memref<10000x128xf32, #tpu.memory_space<hbm>>
    tpu.enqueue_indirect_dma source(%dma_start3A_20 : memref<10000x128xf32, #tpu.memory_space<hbm>>) target(%arg11 : memref<80x128xf32, #tpu.memory_space<vmem>>) offsets(%dma_start3A_17 : memref<80xi32, #tpu.memory_space<vmem>>) semaphore(%arg18 : memref<!tpu.dma_semaphore, #tpu.memory_space<semaphore_mem>>)
    %multiple_of3A_21 = arith.constant 160 : i32
    %multiple_of3A_22 = tpu.assume_multiple %multiple_of3A_21, 8 : i32
    %dma_start3A_23 = tpu.memref_slice %arg6[%multiple_of3A_22] : memref<10000xi32, #tpu.memory_space<vmem>> -> memref<80xi32, #tpu.memory_space<vmem>>
    %dma_start3A_24 = arith.constant 0 : i32
    %dma_start3A_25 = arith.constant 0 : i32
    %dma_start3A_26 = tpu.memref_slice %arg2[%dma_start3A_24, %dma_start3A_25] : memref<10000x128xf32, #tpu.memory_space<hbm>> -> memref<10000x128xf32, #tpu.memory_space<hbm>>
    tpu.enqueue_indirect_dma source(%dma_start3A_26 : memref<10000x128xf32, #tpu.memory_space<hbm>>) target(%arg12 : memref<80x128xf32, #tpu.memory_space<vmem>>) offsets(%dma_start3A_23 : memref<80xi32, #tpu.memory_space<vmem>>) semaphore(%arg19 : memref<!tpu.dma_semaphore, #tpu.memory_space<semaphore_mem>>)
    %dma_start3A_27 = tpu.memref_slice %arg7[%multiple_of3A_22] : memref<10000xi32, #tpu.memory_space<vmem>> -> memref<80xi32, #tpu.memory_space<vmem>>
    %dma_start3A_28 = arith.constant 0 : i32
    %dma_start3A_29 = arith.constant 0 : i32
    %dma_start3A_30 = tpu.memref_slice %arg2[%dma_start3A_28, %dma_start3A_29] : memref<10000x128xf32, #tpu.memory_space<hbm>> -> memref<10000x128xf32, #tpu.memory_space<hbm>>
    tpu.enqueue_indirect_dma source(%dma_start3A_30 : memref<10000x128xf32, #tpu.memory_space<hbm>>) target(%arg13 : memref<80x128xf32, #tpu.memory_space<vmem>>) offsets(%dma_start3A_27 : memref<80xi32, #tpu.memory_space<vmem>>) semaphore(%arg19 : memref<!tpu.dma_semaphore, #tpu.memory_space<semaphore_mem>>)
    %scan3A = arith.constant 0 : i32
    %scan3A_31 = arith.constant 0 : i32
    %scan3A_32 = arith.constant 31 : i32
    %scan3A_33 = arith.addi %scan3A_31, %scan3A_32 : i32
    %scan3A_34 = arith.constant 1 : i32
    scf.for %scan3A_113 = %scan3A_31 to %scan3A_33 step %scan3A_34  : i32 {
      %gt3A = arith.constant 0 : i32
      %gt3A_114 = arith.cmpi sgt, %scan3A_113, %gt3A : i32
      %convert_element_type3A = arith.extui %gt3A_114 : i1 to i32
      %cond3A = arith.constant 0 : i32
      %cond3A_115 = arith.cmpi ne, %convert_element_type3A, %cond3A : i32
      scf.if %cond3A_115 {
        %dma_wait3A_474 = tpu.memref_slice %arg5[%mul3A_2] : memref<320000xf32, #tpu.memory_space<hbm>> -> memref<320xf32, #tpu.memory_space<hbm>>
        %dma_wait3A_475 = tpu.memref_slice %arg5[%mul3A_2] : memref<320000xf32, #tpu.memory_space<hbm>> -> memref<320xf32, #tpu.memory_space<hbm>>
        tpu.wait_dma2 semaphore(%arg21 : memref<!tpu.dma_semaphore, #tpu.memory_space<semaphore_mem>>) src(%arg16 : memref<320xf32, #tpu.memory_space<vmem>>) dst(%dma_wait3A_475 : memref<320xf32, #tpu.memory_space<hbm>>)
      } else {
      }
      %mul3A_116 = arith.constant 4 : i32
      %mul3A_117 = arith.muli %mul3A_116, %scan3A_113 : i32
      %add3A_118 = arith.constant 0 : i32
      %add3A_119 = arith.addi %mul3A_117, %add3A_118 : i32
      %add3A_120 = arith.constant 4 : i32
      %add3A_121 = arith.addi %add3A_119, %add3A_120 : i32
      %sub3A = arith.constant 1 : i32
      %sub3A_122 = arith.subi %add3A_121, %sub3A : i32
      %lt3A = arith.constant 125 : i32
      %lt3A_123 = arith.cmpi slt, %sub3A_122, %lt3A : i32
      %convert_element_type3A_124 = arith.extui %lt3A_123 : i1 to i32
      %cond3A_125 = arith.constant 0 : i32
      %cond3A_126 = arith.cmpi ne, %convert_element_type3A_124, %cond3A_125 : i32
      scf.if %cond3A_126 {
        %mul3A_474 = arith.constant 80 : i32
        %mul3A_475 = arith.muli %sub3A_122, %mul3A_474 : i32
        %multiple_of3A_476 = tpu.assume_multiple %mul3A_475, 8 : i32
        %dma_start3A_477 = tpu.memref_slice %arg6[%multiple_of3A_476] : memref<10000xi32, #tpu.memory_space<vmem>> -> memref<80xi32, #tpu.memory_space<vmem>>
        %dma_start3A_478 = arith.constant 0 : i32
        %dma_start3A_479 = arith.constant 0 : i32
        %dma_start3A_480 = tpu.memref_slice %arg2[%dma_start3A_478, %dma_start3A_479] : memref<10000x128xf32, #tpu.memory_space<hbm>> -> memref<10000x128xf32, #tpu.memory_space<hbm>>
        tpu.enqueue_indirect_dma source(%dma_start3A_480 : memref<10000x128xf32, #tpu.memory_space<hbm>>) target(%arg14 : memref<80x128xf32, #tpu.memory_space<vmem>>) offsets(%dma_start3A_477 : memref<80xi32, #tpu.memory_space<vmem>>) semaphore(%arg20 : memref<!tpu.dma_semaphore, #tpu.memory_space<semaphore_mem>>)
        %dma_start3A_481 = tpu.memref_slice %arg7[%multiple_of3A_476] : memref<10000xi32, #tpu.memory_space<vmem>> -> memref<80xi32, #tpu.memory_space<vmem>>
        %dma_start3A_482 = arith.constant 0 : i32
        %dma_start3A_483 = arith.constant 0 : i32
        %dma_start3A_484 = tpu.memref_slice %arg2[%dma_start3A_482, %dma_start3A_483] : memref<10000x128xf32, #tpu.memory_space<hbm>> -> memref<10000x128xf32, #tpu.memory_space<hbm>>
        tpu.enqueue_indirect_dma source(%dma_start3A_484 : memref<10000x128xf32, #tpu.memory_space<hbm>>) target(%arg15 : memref<80x128xf32, #tpu.memory_space<vmem>>) offsets(%dma_start3A_481 : memref<80xi32, #tpu.memory_space<vmem>>) semaphore(%arg20 : memref<!tpu.dma_semaphore, #tpu.memory_space<semaphore_mem>>)
      } else {
      }
      %dma_wait3A_127 = arith.constant 0 : i32
      %dma_wait3A_128 = tpu.memref_slice %arg6[%dma_wait3A_127] : memref<10000xi32, #tpu.memory_space<vmem>> -> memref<80xi32, #tpu.memory_space<vmem>>
      %dma_wait3A_129 = arith.constant 0 : i32
      %dma_wait3A_130 = arith.constant 0 : i32
      %dma_wait3A_131 = tpu.memref_slice %arg2[%dma_wait3A_129, %dma_wait3A_130] : memref<10000x128xf32, #tpu.memory_space<hbm>> -> memref<10000x128xf32, #tpu.memory_space<hbm>>
      tpu.wait_indirect_dma semaphore(%arg17 : memref<!tpu.dma_semaphore, #tpu.memory_space<semaphore_mem>>) src(%dma_wait3A_131 : memref<10000x128xf32, #tpu.memory_space<hbm>>) dst(%arg8 : memref<80x128xf32, #tpu.memory_space<vmem>>)
      %dma_wait3A_132 = arith.constant 0 : i32
      %dma_wait3A_133 = tpu.memref_slice %arg7[%dma_wait3A_132] : memref<10000xi32, #tpu.memory_space<vmem>> -> memref<80xi32, #tpu.memory_space<vmem>>
      %dma_wait3A_134 = arith.constant 0 : i32
      %dma_wait3A_135 = arith.constant 0 : i32
      %dma_wait3A_136 = tpu.memref_slice %arg2[%dma_wait3A_134, %dma_wait3A_135] : memref<10000x128xf32, #tpu.memory_space<hbm>> -> memref<10000x128xf32, #tpu.memory_space<hbm>>
      tpu.wait_indirect_dma semaphore(%arg17 : memref<!tpu.dma_semaphore, #tpu.memory_space<semaphore_mem>>) src(%dma_wait3A_136 : memref<10000x128xf32, #tpu.memory_space<hbm>>) dst(%arg9 : memref<80x128xf32, #tpu.memory_space<vmem>>)
      %add3A_137 = arith.constant 0 : i32
      %add3A_138 = vector.broadcast %add3A_137 : i32 to vector<16xi32>
      %add3A_139 = arith.addi %iota3A, %add3A_138 : vector<16xi32>
      %broadcast_in_dim3A_140 = arith.constant 0.000000e+00 : f32
      %broadcast_in_dim3A_141 = vector.broadcast %broadcast_in_dim3A_140 : f32 to vector<16xf32>
      %scan3A_142 = arith.constant 0 : i32
      %scan3A_143 = arith.constant 16 : i32
      %scan3A_144 = arith.addi %scan3A_142, %scan3A_143 : i32
      %scan3A_145 = arith.constant 1 : i32
      %scan3A_146:2 = scf.for %scan3A_474 = %scan3A_142 to %scan3A_144 step %scan3A_145 iter_args(%scan3A_475 = %broadcast_in_dim3A_141, %scan3A_476 = %iota3A) -> (vector<16xf32>, vector<16xi32>)  : i32 {
        %gather3A = tpu.vector_load_idx %arg8[%add3A_139, %scan3A_476] : memref<80x128xf32, #tpu.memory_space<vmem>>[vector<16xi32>, vector<16xi32>], vector<16xf32>,
        %gather3A_477 = tpu.vector_load_idx %arg9[%add3A_139, %scan3A_476] : memref<80x128xf32, #tpu.memory_space<vmem>>[vector<16xi32>, vector<16xi32>], vector<16xf32>,
        %mul3A_478 = arith.mulf %gather3A, %gather3A_477 : vector<16xf32>
        %add3A_479 = arith.addf %scan3A_475, %mul3A_478 : vector<16xf32>
        %add3A_480 = arith.constant 1 : i32
        %add3A_481 = vector.broadcast %add3A_480 : i32 to vector<16xi32>
        %add3A_482 = arith.addi %scan3A_476, %add3A_481 : vector<16xi32>
        %and3A = arith.constant 127 : i32
        %and3A_483 = vector.broadcast %and3A : i32 to vector<16xi32>
        %and3A_484 = arith.andi %add3A_482, %and3A_483 : vector<16xi32>
        %gather3A_485 = tpu.vector_load_idx %arg8[%add3A_139, %and3A_484] : memref<80x128xf32, #tpu.memory_space<vmem>>[vector<16xi32>, vector<16xi32>], vector<16xf32>,
        %gather3A_486 = tpu.vector_load_idx %arg9[%add3A_139, %and3A_484] : memref<80x128xf32, #tpu.memory_space<vmem>>[vector<16xi32>, vector<16xi32>], vector<16xf32>,
        %mul3A_487 = arith.mulf %gather3A_485, %gather3A_486 : vector<16xf32>
        %add3A_488 = arith.addf %add3A_479, %mul3A_487 : vector<16xf32>
        %add3A_489 = arith.constant 1 : i32
        %add3A_490 = vector.broadcast %add3A_489 : i32 to vector<16xi32>
        %add3A_491 = arith.addi %and3A_484, %add3A_490 : vector<16xi32>
        %and3A_492 = arith.constant 127 : i32
        %and3A_493 = vector.broadcast %and3A_492 : i32 to vector<16xi32>
        %and3A_494 = arith.andi %add3A_491, %and3A_493 : vector<16xi32>
        %gather3A_495 = tpu.vector_load_idx %arg8[%add3A_139, %and3A_494] : memref<80x128xf32, #tpu.memory_space<vmem>>[vector<16xi32>, vector<16xi32>], vector<16xf32>,
        %gather3A_496 = tpu.vector_load_idx %arg9[%add3A_139, %and3A_494] : memref<80x128xf32, #tpu.memory_space<vmem>>[vector<16xi32>, vector<16xi32>], vector<16xf32>,
        %mul3A_497 = arith.mulf %gather3A_495, %gather3A_496 : vector<16xf32>
        %add3A_498 = arith.addf %add3A_488, %mul3A_497 : vector<16xf32>
        %add3A_499 = arith.constant 1 : i32
        %add3A_500 = vector.broadcast %add3A_499 : i32 to vector<16xi32>
        %add3A_501 = arith.addi %and3A_494, %add3A_500 : vector<16xi32>
        %and3A_502 = arith.constant 127 : i32
        %and3A_503 = vector.broadcast %and3A_502 : i32 to vector<16xi32>
        %and3A_504 = arith.andi %add3A_501, %and3A_503 : vector<16xi32>
        %gather3A_505 = tpu.vector_load_idx %arg8[%add3A_139, %and3A_504] : memref<80x128xf32, #tpu.memory_space<vmem>>[vector<16xi32>, vector<16xi32>], vector<16xf32>,
        %gather3A_506 = tpu.vector_load_idx %arg9[%add3A_139, %and3A_504] : memref<80x128xf32, #tpu.memory_space<vmem>>[vector<16xi32>, vector<16xi32>], vector<16xf32>,
        %mul3A_507 = arith.mulf %gather3A_505, %gather3A_506 : vector<16xf32>
        %add3A_508 = arith.addf %add3A_498, %mul3A_507 : vector<16xf32>
        %add3A_509 = arith.constant 1 : i32
        %add3A_510 = vector.broadcast %add3A_509 : i32 to vector<16xi32>
        %add3A_511 = arith.addi %and3A_504, %add3A_510 : vector<16xi32>
        %and3A_512 = arith.constant 127 : i32
        %and3A_513 = vector.broadcast %and3A_512 : i32 to vector<16xi32>
        %and3A_514 = arith.andi %add3A_511, %and3A_513 : vector<16xi32>
        %gather3A_515 = tpu.vector_load_idx %arg8[%add3A_139, %and3A_514] : memref<80x128xf32, #tpu.memory_space<vmem>>[vector<16xi32>, vector<16xi32>], vector<16xf32>,
        %gather3A_516 = tpu.vector_load_idx %arg9[%add3A_139, %and3A_514] : memref<80x128xf32, #tpu.memory_space<vmem>>[vector<16xi32>, vector<16xi32>], vector<16xf32>,
        %mul3A_517 = arith.mulf %gather3A_515, %gather3A_516 : vector<16xf32>
        %add3A_518 = arith.addf %add3A_508, %mul3A_517 : vector<16xf32>
        %add3A_519 = arith.constant 1 : i32
        %add3A_520 = vector.broadcast %add3A_519 : i32 to vector<16xi32>
        %add3A_521 = arith.addi %and3A_514, %add3A_520 : vector<16xi32>
        %and3A_522 = arith.constant 127 : i32
        %and3A_523 = vector.broadcast %and3A_522 : i32 to vector<16xi32>
        %and3A_524 = arith.andi %add3A_521, %and3A_523 : vector<16xi32>
        %gather3A_525 = tpu.vector_load_idx %arg8[%add3A_139, %and3A_524] : memref<80x128xf32, #tpu.memory_space<vmem>>[vector<16xi32>, vector<16xi32>], vector<16xf32>,
        %gather3A_526 = tpu.vector_load_idx %arg9[%add3A_139, %and3A_524] : memref<80x128xf32, #tpu.memory_space<vmem>>[vector<16xi32>, vector<16xi32>], vector<16xf32>,
        %mul3A_527 = arith.mulf %gather3A_525, %gather3A_526 : vector<16xf32>
        %add3A_528 = arith.addf %add3A_518, %mul3A_527 : vector<16xf32>
        %add3A_529 = arith.constant 1 : i32
        %add3A_530 = vector.broadcast %add3A_529 : i32 to vector<16xi32>
        %add3A_531 = arith.addi %and3A_524, %add3A_530 : vector<16xi32>
        %and3A_532 = arith.constant 127 : i32
        %and3A_533 = vector.broadcast %and3A_532 : i32 to vector<16xi32>
        %and3A_534 = arith.andi %add3A_531, %and3A_533 : vector<16xi32>
        %gather3A_535 = tpu.vector_load_idx %arg8[%add3A_139, %and3A_534] : memref<80x128xf32, #tpu.memory_space<vmem>>[vector<16xi32>, vector<16xi32>], vector<16xf32>,
        %gather3A_536 = tpu.vector_load_idx %arg9[%add3A_139, %and3A_534] : memref<80x128xf32, #tpu.memory_space<vmem>>[vector<16xi32>, vector<16xi32>], vector<16xf32>,
        %mul3A_537 = arith.mulf %gather3A_535, %gather3A_536 : vector<16xf32>
        %add3A_538 = arith.addf %add3A_528, %mul3A_537 : vector<16xf32>
        %add3A_539 = arith.constant 1 : i32
        %add3A_540 = vector.broadcast %add3A_539 : i32 to vector<16xi32>
        %add3A_541 = arith.addi %and3A_534, %add3A_540 : vector<16xi32>
        %and3A_542 = arith.constant 127 : i32
        %and3A_543 = vector.broadcast %and3A_542 : i32 to vector<16xi32>
        %and3A_544 = arith.andi %add3A_541, %and3A_543 : vector<16xi32>
        %gather3A_545 = tpu.vector_load_idx %arg8[%add3A_139, %and3A_544] : memref<80x128xf32, #tpu.memory_space<vmem>>[vector<16xi32>, vector<16xi32>], vector<16xf32>,
        %gather3A_546 = tpu.vector_load_idx %arg9[%add3A_139, %and3A_544] : memref<80x128xf32, #tpu.memory_space<vmem>>[vector<16xi32>, vector<16xi32>], vector<16xf32>,
        %mul3A_547 = arith.mulf %gather3A_545, %gather3A_546 : vector<16xf32>
        %add3A_548 = arith.addf %add3A_538, %mul3A_547 : vector<16xf32>
        %add3A_549 = arith.constant 1 : i32
        %add3A_550 = vector.broadcast %add3A_549 : i32 to vector<16xi32>
        %add3A_551 = arith.addi %and3A_544, %add3A_550 : vector<16xi32>
        %and3A_552 = arith.constant 127 : i32
        %and3A_553 = vector.broadcast %and3A_552 : i32 to vector<16xi32>
        %and3A_554 = arith.andi %add3A_551, %and3A_553 : vector<16xi32>
        scf.yield %add3A_548, %and3A_554 : vector<16xf32>, vector<16xi32>
      }
      %scan3A_147 = arith.constant 16 : i32
      %swap3A_148 = arith.constant 0 : index
      %swap3A_149 = tpu.vector_load %arg16[%swap3A_148] {strides = array<i32>} : memref<320xf32, #tpu.memory_space<vmem>>, vector<16xf32>,
      tpu.vector_store %arg16[%swap3A_148], %scan3A_146#0 {strides = array<i32>} : memref<320xf32, #tpu.memory_space<vmem>>, vector<16xf32>,
      %add3A_150 = arith.constant 16 : i32
      %add3A_151 = vector.broadcast %add3A_150 : i32 to vector<16xi32>
      %add3A_152 = arith.addi %iota3A, %add3A_151 : vector<16xi32>
      %broadcast_in_dim3A_153 = arith.constant 0.000000e+00 : f32
      %broadcast_in_dim3A_154 = vector.broadcast %broadcast_in_dim3A_153 : f32 to vector<16xf32>
      %scan3A_155 = arith.constant 0 : i32
      %scan3A_156 = arith.constant 16 : i32
      %scan3A_157 = arith.addi %scan3A_155, %scan3A_156 : i32
      %scan3A_158 = arith.constant 1 : i32
      %scan3A_159:2 = scf.for %scan3A_474 = %scan3A_155 to %scan3A_157 step %scan3A_158 iter_args(%scan3A_475 = %broadcast_in_dim3A_154, %scan3A_476 = %iota3A) -> (vector<16xf32>, vector<16xi32>)  : i32 {
        %gather3A = tpu.vector_load_idx %arg8[%add3A_152, %scan3A_476] : memref<80x128xf32, #tpu.memory_space<vmem>>[vector<16xi32>, vector<16xi32>], vector<16xf32>,
        %gather3A_477 = tpu.vector_load_idx %arg9[%add3A_152, %scan3A_476] : memref<80x128xf32, #tpu.memory_space<vmem>>[vector<16xi32>, vector<16xi32>], vector<16xf32>,
        %mul3A_478 = arith.mulf %gather3A, %gather3A_477 : vector<16xf32>
        %add3A_479 = arith.addf %scan3A_475, %mul3A_478 : vector<16xf32>
        %add3A_480 = arith.constant 1 : i32
        %add3A_481 = vector.broadcast %add3A_480 : i32 to vector<16xi32>
        %add3A_482 = arith.addi %scan3A_476, %add3A_481 : vector<16xi32>
        %and3A = arith.constant 127 : i32
        %and3A_483 = vector.broadcast %and3A : i32 to vector<16xi32>
        %and3A_484 = arith.andi %add3A_482, %and3A_483 : vector<16xi32>
        %gather3A_485 = tpu.vector_load_idx %arg8[%add3A_152, %and3A_484] : memref<80x128xf32, #tpu.memory_space<vmem>>[vector<16xi32>, vector<16xi32>], vector<16xf32>,
        %gather3A_486 = tpu.vector_load_idx %arg9[%add3A_152, %and3A_484] : memref<80x128xf32, #tpu.memory_space<vmem>>[vector<16xi32>, vector<16xi32>], vector<16xf32>,
        %mul3A_487 = arith.mulf %gather3A_485, %gather3A_486 : vector<16xf32>
        %add3A_488 = arith.addf %add3A_479, %mul3A_487 : vector<16xf32>
        %add3A_489 = arith.constant 1 : i32
        %add3A_490 = vector.broadcast %add3A_489 : i32 to vector<16xi32>
        %add3A_491 = arith.addi %and3A_484, %add3A_490 : vector<16xi32>
        %and3A_492 = arith.constant 127 : i32
        %and3A_493 = vector.broadcast %and3A_492 : i32 to vector<16xi32>
        %and3A_494 = arith.andi %add3A_491, %and3A_493 : vector<16xi32>
        %gather3A_495 = tpu.vector_load_idx %arg8[%add3A_152, %and3A_494] : memref<80x128xf32, #tpu.memory_space<vmem>>[vector<16xi32>, vector<16xi32>], vector<16xf32>,
        %gather3A_496 = tpu.vector_load_idx %arg9[%add3A_152, %and3A_494] : memref<80x128xf32, #tpu.memory_space<vmem>>[vector<16xi32>, vector<16xi32>], vector<16xf32>,
        %mul3A_497 = arith.mulf %gather3A_495, %gather3A_496 : vector<16xf32>
        %add3A_498 = arith.addf %add3A_488, %mul3A_497 : vector<16xf32>
        %add3A_499 = arith.constant 1 : i32
        %add3A_500 = vector.broadcast %add3A_499 : i32 to vector<16xi32>
        %add3A_501 = arith.addi %and3A_494, %add3A_500 : vector<16xi32>
        %and3A_502 = arith.constant 127 : i32
        %and3A_503 = vector.broadcast %and3A_502 : i32 to vector<16xi32>
        %and3A_504 = arith.andi %add3A_501, %and3A_503 : vector<16xi32>
        %gather3A_505 = tpu.vector_load_idx %arg8[%add3A_152, %and3A_504] : memref<80x128xf32, #tpu.memory_space<vmem>>[vector<16xi32>, vector<16xi32>], vector<16xf32>,
        %gather3A_506 = tpu.vector_load_idx %arg9[%add3A_152, %and3A_504] : memref<80x128xf32, #tpu.memory_space<vmem>>[vector<16xi32>, vector<16xi32>], vector<16xf32>,
        %mul3A_507 = arith.mulf %gather3A_505, %gather3A_506 : vector<16xf32>
        %add3A_508 = arith.addf %add3A_498, %mul3A_507 : vector<16xf32>
        %add3A_509 = arith.constant 1 : i32
        %add3A_510 = vector.broadcast %add3A_509 : i32 to vector<16xi32>
        %add3A_511 = arith.addi %and3A_504, %add3A_510 : vector<16xi32>
        %and3A_512 = arith.constant 127 : i32
        %and3A_513 = vector.broadcast %and3A_512 : i32 to vector<16xi32>
        %and3A_514 = arith.andi %add3A_511, %and3A_513 : vector<16xi32>
        %gather3A_515 = tpu.vector_load_idx %arg8[%add3A_152, %and3A_514] : memref<80x128xf32, #tpu.memory_space<vmem>>[vector<16xi32>, vector<16xi32>], vector<16xf32>,
        %gather3A_516 = tpu.vector_load_idx %arg9[%add3A_152, %and3A_514] : memref<80x128xf32, #tpu.memory_space<vmem>>[vector<16xi32>, vector<16xi32>], vector<16xf32>,
        %mul3A_517 = arith.mulf %gather3A_515, %gather3A_516 : vector<16xf32>
        %add3A_518 = arith.addf %add3A_508, %mul3A_517 : vector<16xf32>
        %add3A_519 = arith.constant 1 : i32
        %add3A_520 = vector.broadcast %add3A_519 : i32 to vector<16xi32>
        %add3A_521 = arith.addi %and3A_514, %add3A_520 : vector<16xi32>
        %and3A_522 = arith.constant 127 : i32
        %and3A_523 = vector.broadcast %and3A_522 : i32 to vector<16xi32>
        %and3A_524 = arith.andi %add3A_521, %and3A_523 : vector<16xi32>
        %gather3A_525 = tpu.vector_load_idx %arg8[%add3A_152, %and3A_524] : memref<80x128xf32, #tpu.memory_space<vmem>>[vector<16xi32>, vector<16xi32>], vector<16xf32>,
        %gather3A_526 = tpu.vector_load_idx %arg9[%add3A_152, %and3A_524] : memref<80x128xf32, #tpu.memory_space<vmem>>[vector<16xi32>, vector<16xi32>], vector<16xf32>,
        %mul3A_527 = arith.mulf %gather3A_525, %gather3A_526 : vector<16xf32>
        %add3A_528 = arith.addf %add3A_518, %mul3A_527 : vector<16xf32>
        %add3A_529 = arith.constant 1 : i32
        %add3A_530 = vector.broadcast %add3A_529 : i32 to vector<16xi32>
        %add3A_531 = arith.addi %and3A_524, %add3A_530 : vector<16xi32>
        %and3A_532 = arith.constant 127 : i32
        %and3A_533 = vector.broadcast %and3A_532 : i32 to vector<16xi32>
        %and3A_534 = arith.andi %add3A_531, %and3A_533 : vector<16xi32>
        %gather3A_535 = tpu.vector_load_idx %arg8[%add3A_152, %and3A_534] : memref<80x128xf32, #tpu.memory_space<vmem>>[vector<16xi32>, vector<16xi32>], vector<16xf32>,
        %gather3A_536 = tpu.vector_load_idx %arg9[%add3A_152, %and3A_534] : memref<80x128xf32, #tpu.memory_space<vmem>>[vector<16xi32>, vector<16xi32>], vector<16xf32>,
        %mul3A_537 = arith.mulf %gather3A_535, %gather3A_536 : vector<16xf32>
        %add3A_538 = arith.addf %add3A_528, %mul3A_537 : vector<16xf32>
        %add3A_539 = arith.constant 1 : i32
        %add3A_540 = vector.broadcast %add3A_539 : i32 to vector<16xi32>
        %add3A_541 = arith.addi %and3A_534, %add3A_540 : vector<16xi32>
        %and3A_542 = arith.constant 127 : i32
        %and3A_543 = vector.broadcast %and3A_542 : i32 to vector<16xi32>
        %and3A_544 = arith.andi %add3A_541, %and3A_543 : vector<16xi32>
        %gather3A_545 = tpu.vector_load_idx %arg8[%add3A_152, %and3A_544] : memref<80x128xf32, #tpu.memory_space<vmem>>[vector<16xi32>, vector<16xi32>], vector<16xf32>,
        %gather3A_546 = tpu.vector_load_idx %arg9[%add3A_152, %and3A_544] : memref<80x128xf32, #tpu.memory_space<vmem>>[vector<16xi32>, vector<16xi32>], vector<16xf32>,
        %mul3A_547 = arith.mulf %gather3A_545, %gather3A_546 : vector<16xf32>
        %add3A_548 = arith.addf %add3A_538, %mul3A_547 : vector<16xf32>
        %add3A_549 = arith.constant 1 : i32
        %add3A_550 = vector.broadcast %add3A_549 : i32 to vector<16xi32>
        %add3A_551 = arith.addi %and3A_544, %add3A_550 : vector<16xi32>
        %and3A_552 = arith.constant 127 : i32
        %and3A_553 = vector.broadcast %and3A_552 : i32 to vector<16xi32>
        %and3A_554 = arith.andi %add3A_551, %and3A_553 : vector<16xi32>
        scf.yield %add3A_548, %and3A_554 : vector<16xf32>, vector<16xi32>
      }
      %scan3A_160 = arith.constant 16 : i32
      %swap3A_161 = arith.constant 16 : index
      %swap3A_162 = tpu.vector_load %arg16[%swap3A_161] {strides = array<i32>} : memref<320xf32, #tpu.memory_space<vmem>>, vector<16xf32>,
      tpu.vector_store %arg16[%swap3A_161], %scan3A_159#0 {strides = array<i32>} : memref<320xf32, #tpu.memory_space<vmem>>, vector<16xf32>,
      %add3A_163 = arith.constant 32 : i32
      %add3A_164 = vector.broadcast %add3A_163 : i32 to vector<16xi32>
      %add3A_165 = arith.addi %iota3A, %add3A_164 : vector<16xi32>
      %broadcast_in_dim3A_166 = arith.constant 0.000000e+00 : f32
      %broadcast_in_dim3A_167 = vector.broadcast %broadcast_in_dim3A_166 : f32 to vector<16xf32>
      %scan3A_168 = arith.constant 0 : i32
      %scan3A_169 = arith.constant 16 : i32
      %scan3A_170 = arith.addi %scan3A_168, %scan3A_169 : i32
      %scan3A_171 = arith.constant 1 : i32
      %scan3A_172:2 = scf.for %scan3A_474 = %scan3A_168 to %scan3A_170 step %scan3A_171 iter_args(%scan3A_475 = %broadcast_in_dim3A_167, %scan3A_476 = %iota3A) -> (vector<16xf32>, vector<16xi32>)  : i32 {
        %gather3A = tpu.vector_load_idx %arg8[%add3A_165, %scan3A_476] : memref<80x128xf32, #tpu.memory_space<vmem>>[vector<16xi32>, vector<16xi32>], vector<16xf32>,
        %gather3A_477 = tpu.vector_load_idx %arg9[%add3A_165, %scan3A_476] : memref<80x128xf32, #tpu.memory_space<vmem>>[vector<16xi32>, vector<16xi32>], vector<16xf32>,
        %mul3A_478 = arith.mulf %gather3A, %gather3A_477 : vector<16xf32>
        %add3A_479 = arith.addf %scan3A_475, %mul3A_478 : vector<16xf32>
        %add3A_480 = arith.constant 1 : i32
        %add3A_481 = vector.broadcast %add3A_480 : i32 to vector<16xi32>
        %add3A_482 = arith.addi %scan3A_476, %add3A_481 : vector<16xi32>
        %and3A = arith.constant 127 : i32
        %and3A_483 = vector.broadcast %and3A : i32 to vector<16xi32>
        %and3A_484 = arith.andi %add3A_482, %and3A_483 : vector<16xi32>
        %gather3A_485 = tpu.vector_load_idx %arg8[%add3A_165, %and3A_484] : memref<80x128xf32, #tpu.memory_space<vmem>>[vector<16xi32>, vector<16xi32>], vector<16xf32>,
        %gather3A_486 = tpu.vector_load_idx %arg9[%add3A_165, %and3A_484] : memref<80x128xf32, #tpu.memory_space<vmem>>[vector<16xi32>, vector<16xi32>], vector<16xf32>,
        %mul3A_487 = arith.mulf %gather3A_485, %gather3A_486 : vector<16xf32>
        %add3A_488 = arith.addf %add3A_479, %mul3A_487 : vector<16xf32>
        %add3A_489 = arith.constant 1 : i32
        %add3A_490 = vector.broadcast %add3A_489 : i32 to vector<16xi32>
        %add3A_491 = arith.addi %and3A_484, %add3A_490 : vector<16xi32>
        %and3A_492 = arith.constant 127 : i32
        %and3A_493 = vector.broadcast %and3A_492 : i32 to vector<16xi32>
        %and3A_494 = arith.andi %add3A_491, %and3A_493 : vector<16xi32>
        %gather3A_495 = tpu.vector_load_idx %arg8[%add3A_165, %and3A_494] : memref<80x128xf32, #tpu.memory_space<vmem>>[vector<16xi32>, vector<16xi32>], vector<16xf32>,
        %gather3A_496 = tpu.vector_load_idx %arg9[%add3A_165, %and3A_494] : memref<80x128xf32, #tpu.memory_space<vmem>>[vector<16xi32>, vector<16xi32>], vector<16xf32>,
        %mul3A_497 = arith.mulf %gather3A_495, %gather3A_496 : vector<16xf32>
        %add3A_498 = arith.addf %add3A_488, %mul3A_497 : vector<16xf32>
        %add3A_499 = arith.constant 1 : i32
        %add3A_500 = vector.broadcast %add3A_499 : i32 to vector<16xi32>
        %add3A_501 = arith.addi %and3A_494, %add3A_500 : vector<16xi32>
        %and3A_502 = arith.constant 127 : i32
        %and3A_503 = vector.broadcast %and3A_502 : i32 to vector<16xi32>
        %and3A_504 = arith.andi %add3A_501, %and3A_503 : vector<16xi32>
        %gather3A_505 = tpu.vector_load_idx %arg8[%add3A_165, %and3A_504] : memref<80x128xf32, #tpu.memory_space<vmem>>[vector<16xi32>, vector<16xi32>], vector<16xf32>,
        %gather3A_506 = tpu.vector_load_idx %arg9[%add3A_165, %and3A_504] : memref<80x128xf32, #tpu.memory_space<vmem>>[vector<16xi32>, vector<16xi32>], vector<16xf32>,
        %mul3A_507 = arith.mulf %gather3A_505, %gather3A_506 : vector<16xf32>
        %add3A_508 = arith.addf %add3A_498, %mul3A_507 : vector<16xf32>
        %add3A_509 = arith.constant 1 : i32
        %add3A_510 = vector.broadcast %add3A_509 : i32 to vector<16xi32>
        %add3A_511 = arith.addi %and3A_504, %add3A_510 : vector<16xi32>
        %and3A_512 = arith.constant 127 : i32
        %and3A_513 = vector.broadcast %and3A_512 : i32 to vector<16xi32>
        %and3A_514 = arith.andi %add3A_511, %and3A_513 : vector<16xi32>
        %gather3A_515 = tpu.vector_load_idx %arg8[%add3A_165, %and3A_514] : memref<80x128xf32, #tpu.memory_space<vmem>>[vector<16xi32>, vector<16xi32>], vector<16xf32>,
        %gather3A_516 = tpu.vector_load_idx %arg9[%add3A_165, %and3A_514] : memref<80x128xf32, #tpu.memory_space<vmem>>[vector<16xi32>, vector<16xi32>], vector<16xf32>,
        %mul3A_517 = arith.mulf %gather3A_515, %gather3A_516 : vector<16xf32>
        %add3A_518 = arith.addf %add3A_508, %mul3A_517 : vector<16xf32>
        %add3A_519 = arith.constant 1 : i32
        %add3A_520 = vector.broadcast %add3A_519 : i32 to vector<16xi32>
        %add3A_521 = arith.addi %and3A_514, %add3A_520 : vector<16xi32>
        %and3A_522 = arith.constant 127 : i32
        %and3A_523 = vector.broadcast %and3A_522 : i32 to vector<16xi32>
        %and3A_524 = arith.andi %add3A_521, %and3A_523 : vector<16xi32>
        %gather3A_525 = tpu.vector_load_idx %arg8[%add3A_165, %and3A_524] : memref<80x128xf32, #tpu.memory_space<vmem>>[vector<16xi32>, vector<16xi32>], vector<16xf32>,
        %gather3A_526 = tpu.vector_load_idx %arg9[%add3A_165, %and3A_524] : memref<80x128xf32, #tpu.memory_space<vmem>>[vector<16xi32>, vector<16xi32>], vector<16xf32>,
        %mul3A_527 = arith.mulf %gather3A_525, %gather3A_526 : vector<16xf32>
        %add3A_528 = arith.addf %add3A_518, %mul3A_527 : vector<16xf32>
        %add3A_529 = arith.constant 1 : i32
        %add3A_530 = vector.broadcast %add3A_529 : i32 to vector<16xi32>
        %add3A_531 = arith.addi %and3A_524, %add3A_530 : vector<16xi32>
        %and3A_532 = arith.constant 127 : i32
        %and3A_533 = vector.broadcast %and3A_532 : i32 to vector<16xi32>
        %and3A_534 = arith.andi %add3A_531, %and3A_533 : vector<16xi32>
        %gather3A_535 = tpu.vector_load_idx %arg8[%add3A_165, %and3A_534] : memref<80x128xf32, #tpu.memory_space<vmem>>[vector<16xi32>, vector<16xi32>], vector<16xf32>,
        %gather3A_536 = tpu.vector_load_idx %arg9[%add3A_165, %and3A_534] : memref<80x128xf32, #tpu.memory_space<vmem>>[vector<16xi32>, vector<16xi32>], vector<16xf32>,
        %mul3A_537 = arith.mulf %gather3A_535, %gather3A_536 : vector<16xf32>
        %add3A_538 = arith.addf %add3A_528, %mul3A_537 : vector<16xf32>
        %add3A_539 = arith.constant 1 : i32
        %add3A_540 = vector.broadcast %add3A_539 : i32 to vector<16xi32>
        %add3A_541 = arith.addi %and3A_534, %add3A_540 : vector<16xi32>
        %and3A_542 = arith.constant 127 : i32
        %and3A_543 = vector.broadcast %and3A_542 : i32 to vector<16xi32>
        %and3A_544 = arith.andi %add3A_541, %and3A_543 : vector<16xi32>
        %gather3A_545 = tpu.vector_load_idx %arg8[%add3A_165, %and3A_544] : memref<80x128xf32, #tpu.memory_space<vmem>>[vector<16xi32>, vector<16xi32>], vector<16xf32>,
        %gather3A_546 = tpu.vector_load_idx %arg9[%add3A_165, %and3A_544] : memref<80x128xf32, #tpu.memory_space<vmem>>[vector<16xi32>, vector<16xi32>], vector<16xf32>,
        %mul3A_547 = arith.mulf %gather3A_545, %gather3A_546 : vector<16xf32>
        %add3A_548 = arith.addf %add3A_538, %mul3A_547 : vector<16xf32>
        %add3A_549 = arith.constant 1 : i32
        %add3A_550 = vector.broadcast %add3A_549 : i32 to vector<16xi32>
        %add3A_551 = arith.addi %and3A_544, %add3A_550 : vector<16xi32>
        %and3A_552 = arith.constant 127 : i32
        %and3A_553 = vector.broadcast %and3A_552 : i32 to vector<16xi32>
        %and3A_554 = arith.andi %add3A_551, %and3A_553 : vector<16xi32>
        scf.yield %add3A_548, %and3A_554 : vector<16xf32>, vector<16xi32>
      }
      %scan3A_173 = arith.constant 16 : i32
      %swap3A_174 = arith.constant 32 : index
      %swap3A_175 = tpu.vector_load %arg16[%swap3A_174] {strides = array<i32>} : memref<320xf32, #tpu.memory_space<vmem>>, vector<16xf32>,
      tpu.vector_store %arg16[%swap3A_174], %scan3A_172#0 {strides = array<i32>} : memref<320xf32, #tpu.memory_space<vmem>>, vector<16xf32>,
      %add3A_176 = arith.constant 48 : i32
      %add3A_177 = vector.broadcast %add3A_176 : i32 to vector<16xi32>
      %add3A_178 = arith.addi %iota3A, %add3A_177 : vector<16xi32>
      %broadcast_in_dim3A_179 = arith.constant 0.000000e+00 : f32
      %broadcast_in_dim3A_180 = vector.broadcast %broadcast_in_dim3A_179 : f32 to vector<16xf32>
      %scan3A_181 = arith.constant 0 : i32
      %scan3A_182 = arith.constant 16 : i32
      %scan3A_183 = arith.addi %scan3A_181, %scan3A_182 : i32
      %scan3A_184 = arith.constant 1 : i32
      %scan3A_185:2 = scf.for %scan3A_474 = %scan3A_181 to %scan3A_183 step %scan3A_184 iter_args(%scan3A_475 = %broadcast_in_dim3A_180, %scan3A_476 = %iota3A) -> (vector<16xf32>, vector<16xi32>)  : i32 {
        %gather3A = tpu.vector_load_idx %arg8[%add3A_178, %scan3A_476] : memref<80x128xf32, #tpu.memory_space<vmem>>[vector<16xi32>, vector<16xi32>], vector<16xf32>,
        %gather3A_477 = tpu.vector_load_idx %arg9[%add3A_178, %scan3A_476] : memref<80x128xf32, #tpu.memory_space<vmem>>[vector<16xi32>, vector<16xi32>], vector<16xf32>,
        %mul3A_478 = arith.mulf %gather3A, %gather3A_477 : vector<16xf32>
        %add3A_479 = arith.addf %scan3A_475, %mul3A_478 : vector<16xf32>
        %add3A_480 = arith.constant 1 : i32
        %add3A_481 = vector.broadcast %add3A_480 : i32 to vector<16xi32>
        %add3A_482 = arith.addi %scan3A_476, %add3A_481 : vector<16xi32>
        %and3A = arith.constant 127 : i32
        %and3A_483 = vector.broadcast %and3A : i32 to vector<16xi32>
        %and3A_484 = arith.andi %add3A_482, %and3A_483 : vector<16xi32>
        %gather3A_485 = tpu.vector_load_idx %arg8[%add3A_178, %and3A_484] : memref<80x128xf32, #tpu.memory_space<vmem>>[vector<16xi32>, vector<16xi32>], vector<16xf32>,
        %gather3A_486 = tpu.vector_load_idx %arg9[%add3A_178, %and3A_484] : memref<80x128xf32, #tpu.memory_space<vmem>>[vector<16xi32>, vector<16xi32>], vector<16xf32>,
        %mul3A_487 = arith.mulf %gather3A_485, %gather3A_486 : vector<16xf32>
        %add3A_488 = arith.addf %add3A_479, %mul3A_487 : vector<16xf32>
        %add3A_489 = arith.constant 1 : i32
        %add3A_490 = vector.broadcast %add3A_489 : i32 to vector<16xi32>
        %add3A_491 = arith.addi %and3A_484, %add3A_490 : vector<16xi32>
        %and3A_492 = arith.constant 127 : i32
        %and3A_493 = vector.broadcast %and3A_492 : i32 to vector<16xi32>
        %and3A_494 = arith.andi %add3A_491, %and3A_493 : vector<16xi32>
        %gather3A_495 = tpu.vector_load_idx %arg8[%add3A_178, %and3A_494] : memref<80x128xf32, #tpu.memory_space<vmem>>[vector<16xi32>, vector<16xi32>], vector<16xf32>,
        %gather3A_496 = tpu.vector_load_idx %arg9[%add3A_178, %and3A_494] : memref<80x128xf32, #tpu.memory_space<vmem>>[vector<16xi32>, vector<16xi32>], vector<16xf32>,
        %mul3A_497 = arith.mulf %gather3A_495, %gather3A_496 : vector<16xf32>
        %add3A_498 = arith.addf %add3A_488, %mul3A_497 : vector<16xf32>
        %add3A_499 = arith.constant 1 : i32
        %add3A_500 = vector.broadcast %add3A_499 : i32 to vector<16xi32>
        %add3A_501 = arith.addi %and3A_494, %add3A_500 : vector<16xi32>
        %and3A_502 = arith.constant 127 : i32
        %and3A_503 = vector.broadcast %and3A_502 : i32 to vector<16xi32>
        %and3A_504 = arith.andi %add3A_501, %and3A_503 : vector<16xi32>
        %gather3A_505 = tpu.vector_load_idx %arg8[%add3A_178, %and3A_504] : memref<80x128xf32, #tpu.memory_space<vmem>>[vector<16xi32>, vector<16xi32>], vector<16xf32>,
        %gather3A_506 = tpu.vector_load_idx %arg9[%add3A_178, %and3A_504] : memref<80x128xf32, #tpu.memory_space<vmem>>[vector<16xi32>, vector<16xi32>], vector<16xf32>,
        %mul3A_507 = arith.mulf %gather3A_505, %gather3A_506 : vector<16xf32>
        %add3A_508 = arith.addf %add3A_498, %mul3A_507 : vector<16xf32>
        %add3A_509 = arith.constant 1 : i32
        %add3A_510 = vector.broadcast %add3A_509 : i32 to vector<16xi32>
        %add3A_511 = arith.addi %and3A_504, %add3A_510 : vector<16xi32>
        %and3A_512 = arith.constant 127 : i32
        %and3A_513 = vector.broadcast %and3A_512 : i32 to vector<16xi32>
        %and3A_514 = arith.andi %add3A_511, %and3A_513 : vector<16xi32>
        %gather3A_515 = tpu.vector_load_idx %arg8[%add3A_178, %and3A_514] : memref<80x128xf32, #tpu.memory_space<vmem>>[vector<16xi32>, vector<16xi32>], vector<16xf32>,
        %gather3A_516 = tpu.vector_load_idx %arg9[%add3A_178, %and3A_514] : memref<80x128xf32, #tpu.memory_space<vmem>>[vector<16xi32>, vector<16xi32>], vector<16xf32>,
        %mul3A_517 = arith.mulf %gather3A_515, %gather3A_516 : vector<16xf32>
        %add3A_518 = arith.addf %add3A_508, %mul3A_517 : vector<16xf32>
        %add3A_519 = arith.constant 1 : i32
        %add3A_520 = vector.broadcast %add3A_519 : i32 to vector<16xi32>
        %add3A_521 = arith.addi %and3A_514, %add3A_520 : vector<16xi32>
        %and3A_522 = arith.constant 127 : i32
        %and3A_523 = vector.broadcast %and3A_522 : i32 to vector<16xi32>
        %and3A_524 = arith.andi %add3A_521, %and3A_523 : vector<16xi32>
        %gather3A_525 = tpu.vector_load_idx %arg8[%add3A_178, %and3A_524] : memref<80x128xf32, #tpu.memory_space<vmem>>[vector<16xi32>, vector<16xi32>], vector<16xf32>,
        %gather3A_526 = tpu.vector_load_idx %arg9[%add3A_178, %and3A_524] : memref<80x128xf32, #tpu.memory_space<vmem>>[vector<16xi32>, vector<16xi32>], vector<16xf32>,
        %mul3A_527 = arith.mulf %gather3A_525, %gather3A_526 : vector<16xf32>
        %add3A_528 = arith.addf %add3A_518, %mul3A_527 : vector<16xf32>
        %add3A_529 = arith.constant 1 : i32
        %add3A_530 = vector.broadcast %add3A_529 : i32 to vector<16xi32>
        %add3A_531 = arith.addi %and3A_524, %add3A_530 : vector<16xi32>
        %and3A_532 = arith.constant 127 : i32
        %and3A_533 = vector.broadcast %and3A_532 : i32 to vector<16xi32>
        %and3A_534 = arith.andi %add3A_531, %and3A_533 : vector<16xi32>
        %gather3A_535 = tpu.vector_load_idx %arg8[%add3A_178, %and3A_534] : memref<80x128xf32, #tpu.memory_space<vmem>>[vector<16xi32>, vector<16xi32>], vector<16xf32>,
        %gather3A_536 = tpu.vector_load_idx %arg9[%add3A_178, %and3A_534] : memref<80x128xf32, #tpu.memory_space<vmem>>[vector<16xi32>, vector<16xi32>], vector<16xf32>,
        %mul3A_537 = arith.mulf %gather3A_535, %gather3A_536 : vector<16xf32>
        %add3A_538 = arith.addf %add3A_528, %mul3A_537 : vector<16xf32>
        %add3A_539 = arith.constant 1 : i32
        %add3A_540 = vector.broadcast %add3A_539 : i32 to vector<16xi32>
        %add3A_541 = arith.addi %and3A_534, %add3A_540 : vector<16xi32>
        %and3A_542 = arith.constant 127 : i32
        %and3A_543 = vector.broadcast %and3A_542 : i32 to vector<16xi32>
        %and3A_544 = arith.andi %add3A_541, %and3A_543 : vector<16xi32>
        %gather3A_545 = tpu.vector_load_idx %arg8[%add3A_178, %and3A_544] : memref<80x128xf32, #tpu.memory_space<vmem>>[vector<16xi32>, vector<16xi32>], vector<16xf32>,
        %gather3A_546 = tpu.vector_load_idx %arg9[%add3A_178, %and3A_544] : memref<80x128xf32, #tpu.memory_space<vmem>>[vector<16xi32>, vector<16xi32>], vector<16xf32>,
        %mul3A_547 = arith.mulf %gather3A_545, %gather3A_546 : vector<16xf32>
        %add3A_548 = arith.addf %add3A_538, %mul3A_547 : vector<16xf32>
        %add3A_549 = arith.constant 1 : i32
        %add3A_550 = vector.broadcast %add3A_549 : i32 to vector<16xi32>
        %add3A_551 = arith.addi %and3A_544, %add3A_550 : vector<16xi32>
        %and3A_552 = arith.constant 127 : i32
        %and3A_553 = vector.broadcast %and3A_552 : i32 to vector<16xi32>
        %and3A_554 = arith.andi %add3A_551, %and3A_553 : vector<16xi32>
        scf.yield %add3A_548, %and3A_554 : vector<16xf32>, vector<16xi32>
      }
      %scan3A_186 = arith.constant 16 : i32
      %swap3A_187 = arith.constant 48 : index
      %swap3A_188 = tpu.vector_load %arg16[%swap3A_187] {strides = array<i32>} : memref<320xf32, #tpu.memory_space<vmem>>, vector<16xf32>,
      tpu.vector_store %arg16[%swap3A_187], %scan3A_185#0 {strides = array<i32>} : memref<320xf32, #tpu.memory_space<vmem>>, vector<16xf32>,
      %add3A_189 = arith.constant 64 : i32
      %add3A_190 = vector.broadcast %add3A_189 : i32 to vector<16xi32>
      %add3A_191 = arith.addi %iota3A, %add3A_190 : vector<16xi32>
      %broadcast_in_dim3A_192 = arith.constant 0.000000e+00 : f32
      %broadcast_in_dim3A_193 = vector.broadcast %broadcast_in_dim3A_192 : f32 to vector<16xf32>
      %scan3A_194 = arith.constant 0 : i32
      %scan3A_195 = arith.constant 16 : i32
      %scan3A_196 = arith.addi %scan3A_194, %scan3A_195 : i32
      %scan3A_197 = arith.constant 1 : i32
      %scan3A_198:2 = scf.for %scan3A_474 = %scan3A_194 to %scan3A_196 step %scan3A_197 iter_args(%scan3A_475 = %broadcast_in_dim3A_193, %scan3A_476 = %iota3A) -> (vector<16xf32>, vector<16xi32>)  : i32 {
        %gather3A = tpu.vector_load_idx %arg8[%add3A_191, %scan3A_476] : memref<80x128xf32, #tpu.memory_space<vmem>>[vector<16xi32>, vector<16xi32>], vector<16xf32>,
        %gather3A_477 = tpu.vector_load_idx %arg9[%add3A_191, %scan3A_476] : memref<80x128xf32, #tpu.memory_space<vmem>>[vector<16xi32>, vector<16xi32>], vector<16xf32>,
        %mul3A_478 = arith.mulf %gather3A, %gather3A_477 : vector<16xf32>
        %add3A_479 = arith.addf %scan3A_475, %mul3A_478 : vector<16xf32>
        %add3A_480 = arith.constant 1 : i32
        %add3A_481 = vector.broadcast %add3A_480 : i32 to vector<16xi32>
        %add3A_482 = arith.addi %scan3A_476, %add3A_481 : vector<16xi32>
        %and3A = arith.constant 127 : i32
        %and3A_483 = vector.broadcast %and3A : i32 to vector<16xi32>
        %and3A_484 = arith.andi %add3A_482, %and3A_483 : vector<16xi32>
        %gather3A_485 = tpu.vector_load_idx %arg8[%add3A_191, %and3A_484] : memref<80x128xf32, #tpu.memory_space<vmem>>[vector<16xi32>, vector<16xi32>], vector<16xf32>,
        %gather3A_486 = tpu.vector_load_idx %arg9[%add3A_191, %and3A_484] : memref<80x128xf32, #tpu.memory_space<vmem>>[vector<16xi32>, vector<16xi32>], vector<16xf32>,
        %mul3A_487 = arith.mulf %gather3A_485, %gather3A_486 : vector<16xf32>
        %add3A_488 = arith.addf %add3A_479, %mul3A_487 : vector<16xf32>
        %add3A_489 = arith.constant 1 : i32
        %add3A_490 = vector.broadcast %add3A_489 : i32 to vector<16xi32>
        %add3A_491 = arith.addi %and3A_484, %add3A_490 : vector<16xi32>
        %and3A_492 = arith.constant 127 : i32
        %and3A_493 = vector.broadcast %and3A_492 : i32 to vector<16xi32>
        %and3A_494 = arith.andi %add3A_491, %and3A_493 : vector<16xi32>
        %gather3A_495 = tpu.vector_load_idx %arg8[%add3A_191, %and3A_494] : memref<80x128xf32, #tpu.memory_space<vmem>>[vector<16xi32>, vector<16xi32>], vector<16xf32>,
        %gather3A_496 = tpu.vector_load_idx %arg9[%add3A_191, %and3A_494] : memref<80x128xf32, #tpu.memory_space<vmem>>[vector<16xi32>, vector<16xi32>], vector<16xf32>,
        %mul3A_497 = arith.mulf %gather3A_495, %gather3A_496 : vector<16xf32>
        %add3A_498 = arith.addf %add3A_488, %mul3A_497 : vector<16xf32>
        %add3A_499 = arith.constant 1 : i32
        %add3A_500 = vector.broadcast %add3A_499 : i32 to vector<16xi32>
        %add3A_501 = arith.addi %and3A_494, %add3A_500 : vector<16xi32>
        %and3A_502 = arith.constant 127 : i32
        %and3A_503 = vector.broadcast %and3A_502 : i32 to vector<16xi32>
        %and3A_504 = arith.andi %add3A_501, %and3A_503 : vector<16xi32>
        %gather3A_505 = tpu.vector_load_idx %arg8[%add3A_191, %and3A_504] : memref<80x128xf32, #tpu.memory_space<vmem>>[vector<16xi32>, vector<16xi32>], vector<16xf32>,
        %gather3A_506 = tpu.vector_load_idx %arg9[%add3A_191, %and3A_504] : memref<80x128xf32, #tpu.memory_space<vmem>>[vector<16xi32>, vector<16xi32>], vector<16xf32>,
        %mul3A_507 = arith.mulf %gather3A_505, %gather3A_506 : vector<16xf32>
        %add3A_508 = arith.addf %add3A_498, %mul3A_507 : vector<16xf32>
        %add3A_509 = arith.constant 1 : i32
        %add3A_510 = vector.broadcast %add3A_509 : i32 to vector<16xi32>
        %add3A_511 = arith.addi %and3A_504, %add3A_510 : vector<16xi32>
        %and3A_512 = arith.constant 127 : i32
        %and3A_513 = vector.broadcast %and3A_512 : i32 to vector<16xi32>
        %and3A_514 = arith.andi %add3A_511, %and3A_513 : vector<16xi32>
        %gather3A_515 = tpu.vector_load_idx %arg8[%add3A_191, %and3A_514] : memref<80x128xf32, #tpu.memory_space<vmem>>[vector<16xi32>, vector<16xi32>], vector<16xf32>,
        %gather3A_516 = tpu.vector_load_idx %arg9[%add3A_191, %and3A_514] : memref<80x128xf32, #tpu.memory_space<vmem>>[vector<16xi32>, vector<16xi32>], vector<16xf32>,
        %mul3A_517 = arith.mulf %gather3A_515, %gather3A_516 : vector<16xf32>
        %add3A_518 = arith.addf %add3A_508, %mul3A_517 : vector<16xf32>
        %add3A_519 = arith.constant 1 : i32
        %add3A_520 = vector.broadcast %add3A_519 : i32 to vector<16xi32>
        %add3A_521 = arith.addi %and3A_514, %add3A_520 : vector<16xi32>
        %and3A_522 = arith.constant 127 : i32
        %and3A_523 = vector.broadcast %and3A_522 : i32 to vector<16xi32>
        %and3A_524 = arith.andi %add3A_521, %and3A_523 : vector<16xi32>
        %gather3A_525 = tpu.vector_load_idx %arg8[%add3A_191, %and3A_524] : memref<80x128xf32, #tpu.memory_space<vmem>>[vector<16xi32>, vector<16xi32>], vector<16xf32>,
        %gather3A_526 = tpu.vector_load_idx %arg9[%add3A_191, %and3A_524] : memref<80x128xf32, #tpu.memory_space<vmem>>[vector<16xi32>, vector<16xi32>], vector<16xf32>,
        %mul3A_527 = arith.mulf %gather3A_525, %gather3A_526 : vector<16xf32>
        %add3A_528 = arith.addf %add3A_518, %mul3A_527 : vector<16xf32>
        %add3A_529 = arith.constant 1 : i32
        %add3A_530 = vector.broadcast %add3A_529 : i32 to vector<16xi32>
        %add3A_531 = arith.addi %and3A_524, %add3A_530 : vector<16xi32>
        %and3A_532 = arith.constant 127 : i32
        %and3A_533 = vector.broadcast %and3A_532 : i32 to vector<16xi32>
        %and3A_534 = arith.andi %add3A_531, %and3A_533 : vector<16xi32>
        %gather3A_535 = tpu.vector_load_idx %arg8[%add3A_191, %and3A_534] : memref<80x128xf32, #tpu.memory_space<vmem>>[vector<16xi32>, vector<16xi32>], vector<16xf32>,
        %gather3A_536 = tpu.vector_load_idx %arg9[%add3A_191, %and3A_534] : memref<80x128xf32, #tpu.memory_space<vmem>>[vector<16xi32>, vector<16xi32>], vector<16xf32>,
        %mul3A_537 = arith.mulf %gather3A_535, %gather3A_536 : vector<16xf32>
        %add3A_538 = arith.addf %add3A_528, %mul3A_537 : vector<16xf32>
        %add3A_539 = arith.constant 1 : i32
        %add3A_540 = vector.broadcast %add3A_539 : i32 to vector<16xi32>
        %add3A_541 = arith.addi %and3A_534, %add3A_540 : vector<16xi32>
        %and3A_542 = arith.constant 127 : i32
        %and3A_543 = vector.broadcast %and3A_542 : i32 to vector<16xi32>
        %and3A_544 = arith.andi %add3A_541, %and3A_543 : vector<16xi32>
        %gather3A_545 = tpu.vector_load_idx %arg8[%add3A_191, %and3A_544] : memref<80x128xf32, #tpu.memory_space<vmem>>[vector<16xi32>, vector<16xi32>], vector<16xf32>,
        %gather3A_546 = tpu.vector_load_idx %arg9[%add3A_191, %and3A_544] : memref<80x128xf32, #tpu.memory_space<vmem>>[vector<16xi32>, vector<16xi32>], vector<16xf32>,
        %mul3A_547 = arith.mulf %gather3A_545, %gather3A_546 : vector<16xf32>
        %add3A_548 = arith.addf %add3A_538, %mul3A_547 : vector<16xf32>
        %add3A_549 = arith.constant 1 : i32
        %add3A_550 = vector.broadcast %add3A_549 : i32 to vector<16xi32>
        %add3A_551 = arith.addi %and3A_544, %add3A_550 : vector<16xi32>
        %and3A_552 = arith.constant 127 : i32
        %and3A_553 = vector.broadcast %and3A_552 : i32 to vector<16xi32>
        %and3A_554 = arith.andi %add3A_551, %and3A_553 : vector<16xi32>
        scf.yield %add3A_548, %and3A_554 : vector<16xf32>, vector<16xi32>
      }
      %scan3A_199 = arith.constant 16 : i32
      %swap3A_200 = arith.constant 64 : index
      %swap3A_201 = tpu.vector_load %arg16[%swap3A_200] {strides = array<i32>} : memref<320xf32, #tpu.memory_space<vmem>>, vector<16xf32>,
      tpu.vector_store %arg16[%swap3A_200], %scan3A_198#0 {strides = array<i32>} : memref<320xf32, #tpu.memory_space<vmem>>, vector<16xf32>,
      %mul3A_202 = arith.constant 4 : i32
      %mul3A_203 = arith.muli %mul3A_202, %scan3A_113 : i32
      %add3A_204 = arith.constant 1 : i32
      %add3A_205 = arith.addi %mul3A_203, %add3A_204 : i32
      %add3A_206 = arith.constant 4 : i32
      %add3A_207 = arith.addi %add3A_205, %add3A_206 : i32
      %sub3A_208 = arith.constant 1 : i32
      %sub3A_209 = arith.subi %add3A_207, %sub3A_208 : i32
      %lt3A_210 = arith.constant 125 : i32
      %lt3A_211 = arith.cmpi slt, %sub3A_209, %lt3A_210 : i32
      %convert_element_type3A_212 = arith.extui %lt3A_211 : i1 to i32
      %cond3A_213 = arith.constant 0 : i32
      %cond3A_214 = arith.cmpi ne, %convert_element_type3A_212, %cond3A_213 : i32
      scf.if %cond3A_214 {
        %mul3A_474 = arith.constant 80 : i32
        %mul3A_475 = arith.muli %sub3A_209, %mul3A_474 : i32
        %multiple_of3A_476 = tpu.assume_multiple %mul3A_475, 8 : i32
        %dma_start3A_477 = tpu.memref_slice %arg6[%multiple_of3A_476] : memref<10000xi32, #tpu.memory_space<vmem>> -> memref<80xi32, #tpu.memory_space<vmem>>
        %dma_start3A_478 = arith.constant 0 : i32
        %dma_start3A_479 = arith.constant 0 : i32
        %dma_start3A_480 = tpu.memref_slice %arg2[%dma_start3A_478, %dma_start3A_479] : memref<10000x128xf32, #tpu.memory_space<hbm>> -> memref<10000x128xf32, #tpu.memory_space<hbm>>
        tpu.enqueue_indirect_dma source(%dma_start3A_480 : memref<10000x128xf32, #tpu.memory_space<hbm>>) target(%arg8 : memref<80x128xf32, #tpu.memory_space<vmem>>) offsets(%dma_start3A_477 : memref<80xi32, #tpu.memory_space<vmem>>) semaphore(%arg17 : memref<!tpu.dma_semaphore, #tpu.memory_space<semaphore_mem>>)
        %dma_start3A_481 = tpu.memref_slice %arg7[%multiple_of3A_476] : memref<10000xi32, #tpu.memory_space<vmem>> -> memref<80xi32, #tpu.memory_space<vmem>>
        %dma_start3A_482 = arith.constant 0 : i32
        %dma_start3A_483 = arith.constant 0 : i32
        %dma_start3A_484 = tpu.memref_slice %arg2[%dma_start3A_482, %dma_start3A_483] : memref<10000x128xf32, #tpu.memory_space<hbm>> -> memref<10000x128xf32, #tpu.memory_space<hbm>>
        tpu.enqueue_indirect_dma source(%dma_start3A_484 : memref<10000x128xf32, #tpu.memory_space<hbm>>) target(%arg9 : memref<80x128xf32, #tpu.memory_space<vmem>>) offsets(%dma_start3A_481 : memref<80xi32, #tpu.memory_space<vmem>>) semaphore(%arg17 : memref<!tpu.dma_semaphore, #tpu.memory_space<semaphore_mem>>)
      } else {
      }
      %dma_wait3A_215 = arith.constant 0 : i32
      %dma_wait3A_216 = tpu.memref_slice %arg6[%dma_wait3A_215] : memref<10000xi32, #tpu.memory_space<vmem>> -> memref<80xi32, #tpu.memory_space<vmem>>
      %dma_wait3A_217 = arith.constant 0 : i32
      %dma_wait3A_218 = arith.constant 0 : i32
      %dma_wait3A_219 = tpu.memref_slice %arg2[%dma_wait3A_217, %dma_wait3A_218] : memref<10000x128xf32, #tpu.memory_space<hbm>> -> memref<10000x128xf32, #tpu.memory_space<hbm>>
      tpu.wait_indirect_dma semaphore(%arg18 : memref<!tpu.dma_semaphore, #tpu.memory_space<semaphore_mem>>) src(%dma_wait3A_219 : memref<10000x128xf32, #tpu.memory_space<hbm>>) dst(%arg10 : memref<80x128xf32, #tpu.memory_space<vmem>>)
      %dma_wait3A_220 = arith.constant 0 : i32
      %dma_wait3A_221 = tpu.memref_slice %arg7[%dma_wait3A_220] : memref<10000xi32, #tpu.memory_space<vmem>> -> memref<80xi32, #tpu.memory_space<vmem>>
      %dma_wait3A_222 = arith.constant 0 : i32
      %dma_wait3A_223 = arith.constant 0 : i32
      %dma_wait3A_224 = tpu.memref_slice %arg2[%dma_wait3A_222, %dma_wait3A_223] : memref<10000x128xf32, #tpu.memory_space<hbm>> -> memref<10000x128xf32, #tpu.memory_space<hbm>>
      tpu.wait_indirect_dma semaphore(%arg18 : memref<!tpu.dma_semaphore, #tpu.memory_space<semaphore_mem>>) src(%dma_wait3A_224 : memref<10000x128xf32, #tpu.memory_space<hbm>>) dst(%arg11 : memref<80x128xf32, #tpu.memory_space<vmem>>)
      %add3A_225 = arith.constant 0 : i32
      %add3A_226 = vector.broadcast %add3A_225 : i32 to vector<16xi32>
      %add3A_227 = arith.addi %iota3A, %add3A_226 : vector<16xi32>
      %broadcast_in_dim3A_228 = arith.constant 0.000000e+00 : f32
      %broadcast_in_dim3A_229 = vector.broadcast %broadcast_in_dim3A_228 : f32 to vector<16xf32>
      %scan3A_230 = arith.constant 0 : i32
      %scan3A_231 = arith.constant 16 : i32
      %scan3A_232 = arith.addi %scan3A_230, %scan3A_231 : i32
      %scan3A_233 = arith.constant 1 : i32
      %scan3A_234:2 = scf.for %scan3A_474 = %scan3A_230 to %scan3A_232 step %scan3A_233 iter_args(%scan3A_475 = %broadcast_in_dim3A_229, %scan3A_476 = %iota3A) -> (vector<16xf32>, vector<16xi32>)  : i32 {
        %gather3A = tpu.vector_load_idx %arg10[%add3A_227, %scan3A_476] : memref<80x128xf32, #tpu.memory_space<vmem>>[vector<16xi32>, vector<16xi32>], vector<16xf32>,
        %gather3A_477 = tpu.vector_load_idx %arg11[%add3A_227, %scan3A_476] : memref<80x128xf32, #tpu.memory_space<vmem>>[vector<16xi32>, vector<16xi32>], vector<16xf32>,
        %mul3A_478 = arith.mulf %gather3A, %gather3A_477 : vector<16xf32>
        %add3A_479 = arith.addf %scan3A_475, %mul3A_478 : vector<16xf32>
        %add3A_480 = arith.constant 1 : i32
        %add3A_481 = vector.broadcast %add3A_480 : i32 to vector<16xi32>
        %add3A_482 = arith.addi %scan3A_476, %add3A_481 : vector<16xi32>
        %and3A = arith.constant 127 : i32
        %and3A_483 = vector.broadcast %and3A : i32 to vector<16xi32>
        %and3A_484 = arith.andi %add3A_482, %and3A_483 : vector<16xi32>
        %gather3A_485 = tpu.vector_load_idx %arg10[%add3A_227, %and3A_484] : memref<80x128xf32, #tpu.memory_space<vmem>>[vector<16xi32>, vector<16xi32>], vector<16xf32>,
        %gather3A_486 = tpu.vector_load_idx %arg11[%add3A_227, %and3A_484] : memref<80x128xf32, #tpu.memory_space<vmem>>[vector<16xi32>, vector<16xi32>], vector<16xf32>,
        %mul3A_487 = arith.mulf %gather3A_485, %gather3A_486 : vector<16xf32>
        %add3A_488 = arith.addf %add3A_479, %mul3A_487 : vector<16xf32>
        %add3A_489 = arith.constant 1 : i32
        %add3A_490 = vector.broadcast %add3A_489 : i32 to vector<16xi32>
        %add3A_491 = arith.addi %and3A_484, %add3A_490 : vector<16xi32>
        %and3A_492 = arith.constant 127 : i32
        %and3A_493 = vector.broadcast %and3A_492 : i32 to vector<16xi32>
        %and3A_494 = arith.andi %add3A_491, %and3A_493 : vector<16xi32>
        %gather3A_495 = tpu.vector_load_idx %arg10[%add3A_227, %and3A_494] : memref<80x128xf32, #tpu.memory_space<vmem>>[vector<16xi32>, vector<16xi32>], vector<16xf32>,
        %gather3A_496 = tpu.vector_load_idx %arg11[%add3A_227, %and3A_494] : memref<80x128xf32, #tpu.memory_space<vmem>>[vector<16xi32>, vector<16xi32>], vector<16xf32>,
        %mul3A_497 = arith.mulf %gather3A_495, %gather3A_496 : vector<16xf32>
        %add3A_498 = arith.addf %add3A_488, %mul3A_497 : vector<16xf32>
        %add3A_499 = arith.constant 1 : i32
        %add3A_500 = vector.broadcast %add3A_499 : i32 to vector<16xi32>
        %add3A_501 = arith.addi %and3A_494, %add3A_500 : vector<16xi32>
        %and3A_502 = arith.constant 127 : i32
        %and3A_503 = vector.broadcast %and3A_502 : i32 to vector<16xi32>
        %and3A_504 = arith.andi %add3A_501, %and3A_503 : vector<16xi32>
        %gather3A_505 = tpu.vector_load_idx %arg10[%add3A_227, %and3A_504] : memref<80x128xf32, #tpu.memory_space<vmem>>[vector<16xi32>, vector<16xi32>], vector<16xf32>,
        %gather3A_506 = tpu.vector_load_idx %arg11[%add3A_227, %and3A_504] : memref<80x128xf32, #tpu.memory_space<vmem>>[vector<16xi32>, vector<16xi32>], vector<16xf32>,
        %mul3A_507 = arith.mulf %gather3A_505, %gather3A_506 : vector<16xf32>
        %add3A_508 = arith.addf %add3A_498, %mul3A_507 : vector<16xf32>
        %add3A_509 = arith.constant 1 : i32
        %add3A_510 = vector.broadcast %add3A_509 : i32 to vector<16xi32>
        %add3A_511 = arith.addi %and3A_504, %add3A_510 : vector<16xi32>
        %and3A_512 = arith.constant 127 : i32
        %and3A_513 = vector.broadcast %and3A_512 : i32 to vector<16xi32>
        %and3A_514 = arith.andi %add3A_511, %and3A_513 : vector<16xi32>
        %gather3A_515 = tpu.vector_load_idx %arg10[%add3A_227, %and3A_514] : memref<80x128xf32, #tpu.memory_space<vmem>>[vector<16xi32>, vector<16xi32>], vector<16xf32>,
        %gather3A_516 = tpu.vector_load_idx %arg11[%add3A_227, %and3A_514] : memref<80x128xf32, #tpu.memory_space<vmem>>[vector<16xi32>, vector<16xi32>], vector<16xf32>,
        %mul3A_517 = arith.mulf %gather3A_515, %gather3A_516 : vector<16xf32>
        %add3A_518 = arith.addf %add3A_508, %mul3A_517 : vector<16xf32>
        %add3A_519 = arith.constant 1 : i32
        %add3A_520 = vector.broadcast %add3A_519 : i32 to vector<16xi32>
        %add3A_521 = arith.addi %and3A_514, %add3A_520 : vector<16xi32>
        %and3A_522 = arith.constant 127 : i32
        %and3A_523 = vector.broadcast %and3A_522 : i32 to vector<16xi32>
        %and3A_524 = arith.andi %add3A_521, %and3A_523 : vector<16xi32>
        %gather3A_525 = tpu.vector_load_idx %arg10[%add3A_227, %and3A_524] : memref<80x128xf32, #tpu.memory_space<vmem>>[vector<16xi32>, vector<16xi32>], vector<16xf32>,
        %gather3A_526 = tpu.vector_load_idx %arg11[%add3A_227, %and3A_524] : memref<80x128xf32, #tpu.memory_space<vmem>>[vector<16xi32>, vector<16xi32>], vector<16xf32>,
        %mul3A_527 = arith.mulf %gather3A_525, %gather3A_526 : vector<16xf32>
        %add3A_528 = arith.addf %add3A_518, %mul3A_527 : vector<16xf32>
        %add3A_529 = arith.constant 1 : i32
        %add3A_530 = vector.broadcast %add3A_529 : i32 to vector<16xi32>
        %add3A_531 = arith.addi %and3A_524, %add3A_530 : vector<16xi32>
        %and3A_532 = arith.constant 127 : i32
        %and3A_533 = vector.broadcast %and3A_532 : i32 to vector<16xi32>
        %and3A_534 = arith.andi %add3A_531, %and3A_533 : vector<16xi32>
        %gather3A_535 = tpu.vector_load_idx %arg10[%add3A_227, %and3A_534] : memref<80x128xf32, #tpu.memory_space<vmem>>[vector<16xi32>, vector<16xi32>], vector<16xf32>,
        %gather3A_536 = tpu.vector_load_idx %arg11[%add3A_227, %and3A_534] : memref<80x128xf32, #tpu.memory_space<vmem>>[vector<16xi32>, vector<16xi32>], vector<16xf32>,
        %mul3A_537 = arith.mulf %gather3A_535, %gather3A_536 : vector<16xf32>
        %add3A_538 = arith.addf %add3A_528, %mul3A_537 : vector<16xf32>
        %add3A_539 = arith.constant 1 : i32
        %add3A_540 = vector.broadcast %add3A_539 : i32 to vector<16xi32>
        %add3A_541 = arith.addi %and3A_534, %add3A_540 : vector<16xi32>
        %and3A_542 = arith.constant 127 : i32
        %and3A_543 = vector.broadcast %and3A_542 : i32 to vector<16xi32>
        %and3A_544 = arith.andi %add3A_541, %and3A_543 : vector<16xi32>
        %gather3A_545 = tpu.vector_load_idx %arg10[%add3A_227, %and3A_544] : memref<80x128xf32, #tpu.memory_space<vmem>>[vector<16xi32>, vector<16xi32>], vector<16xf32>,
        %gather3A_546 = tpu.vector_load_idx %arg11[%add3A_227, %and3A_544] : memref<80x128xf32, #tpu.memory_space<vmem>>[vector<16xi32>, vector<16xi32>], vector<16xf32>,
        %mul3A_547 = arith.mulf %gather3A_545, %gather3A_546 : vector<16xf32>
        %add3A_548 = arith.addf %add3A_538, %mul3A_547 : vector<16xf32>
        %add3A_549 = arith.constant 1 : i32
        %add3A_550 = vector.broadcast %add3A_549 : i32 to vector<16xi32>
        %add3A_551 = arith.addi %and3A_544, %add3A_550 : vector<16xi32>
        %and3A_552 = arith.constant 127 : i32
        %and3A_553 = vector.broadcast %and3A_552 : i32 to vector<16xi32>
        %and3A_554 = arith.andi %add3A_551, %and3A_553 : vector<16xi32>
        scf.yield %add3A_548, %and3A_554 : vector<16xf32>, vector<16xi32>
      }
      %scan3A_235 = arith.constant 16 : i32
      %swap3A_236 = arith.constant 80 : index
      %swap3A_237 = tpu.vector_load %arg16[%swap3A_236] {strides = array<i32>} : memref<320xf32, #tpu.memory_space<vmem>>, vector<16xf32>,
      tpu.vector_store %arg16[%swap3A_236], %scan3A_234#0 {strides = array<i32>} : memref<320xf32, #tpu.memory_space<vmem>>, vector<16xf32>,
      %add3A_238 = arith.constant 16 : i32
      %add3A_239 = vector.broadcast %add3A_238 : i32 to vector<16xi32>
      %add3A_240 = arith.addi %iota3A, %add3A_239 : vector<16xi32>
      %broadcast_in_dim3A_241 = arith.constant 0.000000e+00 : f32
      %broadcast_in_dim3A_242 = vector.broadcast %broadcast_in_dim3A_241 : f32 to vector<16xf32>
      %scan3A_243 = arith.constant 0 : i32
      %scan3A_244 = arith.constant 16 : i32
      %scan3A_245 = arith.addi %scan3A_243, %scan3A_244 : i32
      %scan3A_246 = arith.constant 1 : i32
      %scan3A_247:2 = scf.for %scan3A_474 = %scan3A_243 to %scan3A_245 step %scan3A_246 iter_args(%scan3A_475 = %broadcast_in_dim3A_242, %scan3A_476 = %iota3A) -> (vector<16xf32>, vector<16xi32>)  : i32 {
        %gather3A = tpu.vector_load_idx %arg10[%add3A_240, %scan3A_476] : memref<80x128xf32, #tpu.memory_space<vmem>>[vector<16xi32>, vector<16xi32>], vector<16xf32>,
        %gather3A_477 = tpu.vector_load_idx %arg11[%add3A_240, %scan3A_476] : memref<80x128xf32, #tpu.memory_space<vmem>>[vector<16xi32>, vector<16xi32>], vector<16xf32>,
        %mul3A_478 = arith.mulf %gather3A, %gather3A_477 : vector<16xf32>
        %add3A_479 = arith.addf %scan3A_475, %mul3A_478 : vector<16xf32>
        %add3A_480 = arith.constant 1 : i32
        %add3A_481 = vector.broadcast %add3A_480 : i32 to vector<16xi32>
        %add3A_482 = arith.addi %scan3A_476, %add3A_481 : vector<16xi32>
        %and3A = arith.constant 127 : i32
        %and3A_483 = vector.broadcast %and3A : i32 to vector<16xi32>
        %and3A_484 = arith.andi %add3A_482, %and3A_483 : vector<16xi32>
        %gather3A_485 = tpu.vector_load_idx %arg10[%add3A_240, %and3A_484] : memref<80x128xf32, #tpu.memory_space<vmem>>[vector<16xi32>, vector<16xi32>], vector<16xf32>,
        %gather3A_486 = tpu.vector_load_idx %arg11[%add3A_240, %and3A_484] : memref<80x128xf32, #tpu.memory_space<vmem>>[vector<16xi32>, vector<16xi32>], vector<16xf32>,
        %mul3A_487 = arith.mulf %gather3A_485, %gather3A_486 : vector<16xf32>
        %add3A_488 = arith.addf %add3A_479, %mul3A_487 : vector<16xf32>
        %add3A_489 = arith.constant 1 : i32
        %add3A_490 = vector.broadcast %add3A_489 : i32 to vector<16xi32>
        %add3A_491 = arith.addi %and3A_484, %add3A_490 : vector<16xi32>
        %and3A_492 = arith.constant 127 : i32
        %and3A_493 = vector.broadcast %and3A_492 : i32 to vector<16xi32>
        %and3A_494 = arith.andi %add3A_491, %and3A_493 : vector<16xi32>
        %gather3A_495 = tpu.vector_load_idx %arg10[%add3A_240, %and3A_494] : memref<80x128xf32, #tpu.memory_space<vmem>>[vector<16xi32>, vector<16xi32>], vector<16xf32>,
        %gather3A_496 = tpu.vector_load_idx %arg11[%add3A_240, %and3A_494] : memref<80x128xf32, #tpu.memory_space<vmem>>[vector<16xi32>, vector<16xi32>], vector<16xf32>,
        %mul3A_497 = arith.mulf %gather3A_495, %gather3A_496 : vector<16xf32>
        %add3A_498 = arith.addf %add3A_488, %mul3A_497 : vector<16xf32>
        %add3A_499 = arith.constant 1 : i32
        %add3A_500 = vector.broadcast %add3A_499 : i32 to vector<16xi32>
        %add3A_501 = arith.addi %and3A_494, %add3A_500 : vector<16xi32>
        %and3A_502 = arith.constant 127 : i32
        %and3A_503 = vector.broadcast %and3A_502 : i32 to vector<16xi32>
        %and3A_504 = arith.andi %add3A_501, %and3A_503 : vector<16xi32>
        %gather3A_505 = tpu.vector_load_idx %arg10[%add3A_240, %and3A_504] : memref<80x128xf32, #tpu.memory_space<vmem>>[vector<16xi32>, vector<16xi32>], vector<16xf32>,
        %gather3A_506 = tpu.vector_load_idx %arg11[%add3A_240, %and3A_504] : memref<80x128xf32, #tpu.memory_space<vmem>>[vector<16xi32>, vector<16xi32>], vector<16xf32>,
        %mul3A_507 = arith.mulf %gather3A_505, %gather3A_506 : vector<16xf32>
        %add3A_508 = arith.addf %add3A_498, %mul3A_507 : vector<16xf32>
        %add3A_509 = arith.constant 1 : i32
        %add3A_510 = vector.broadcast %add3A_509 : i32 to vector<16xi32>
        %add3A_511 = arith.addi %and3A_504, %add3A_510 : vector<16xi32>
        %and3A_512 = arith.constant 127 : i32
        %and3A_513 = vector.broadcast %and3A_512 : i32 to vector<16xi32>
        %and3A_514 = arith.andi %add3A_511, %and3A_513 : vector<16xi32>
        %gather3A_515 = tpu.vector_load_idx %arg10[%add3A_240, %and3A_514] : memref<80x128xf32, #tpu.memory_space<vmem>>[vector<16xi32>, vector<16xi32>], vector<16xf32>,
        %gather3A_516 = tpu.vector_load_idx %arg11[%add3A_240, %and3A_514] : memref<80x128xf32, #tpu.memory_space<vmem>>[vector<16xi32>, vector<16xi32>], vector<16xf32>,
        %mul3A_517 = arith.mulf %gather3A_515, %gather3A_516 : vector<16xf32>
        %add3A_518 = arith.addf %add3A_508, %mul3A_517 : vector<16xf32>
        %add3A_519 = arith.constant 1 : i32
        %add3A_520 = vector.broadcast %add3A_519 : i32 to vector<16xi32>
        %add3A_521 = arith.addi %and3A_514, %add3A_520 : vector<16xi32>
        %and3A_522 = arith.constant 127 : i32
        %and3A_523 = vector.broadcast %and3A_522 : i32 to vector<16xi32>
        %and3A_524 = arith.andi %add3A_521, %and3A_523 : vector<16xi32>
        %gather3A_525 = tpu.vector_load_idx %arg10[%add3A_240, %and3A_524] : memref<80x128xf32, #tpu.memory_space<vmem>>[vector<16xi32>, vector<16xi32>], vector<16xf32>,
        %gather3A_526 = tpu.vector_load_idx %arg11[%add3A_240, %and3A_524] : memref<80x128xf32, #tpu.memory_space<vmem>>[vector<16xi32>, vector<16xi32>], vector<16xf32>,
        %mul3A_527 = arith.mulf %gather3A_525, %gather3A_526 : vector<16xf32>
        %add3A_528 = arith.addf %add3A_518, %mul3A_527 : vector<16xf32>
        %add3A_529 = arith.constant 1 : i32
        %add3A_530 = vector.broadcast %add3A_529 : i32 to vector<16xi32>
        %add3A_531 = arith.addi %and3A_524, %add3A_530 : vector<16xi32>
        %and3A_532 = arith.constant 127 : i32
        %and3A_533 = vector.broadcast %and3A_532 : i32 to vector<16xi32>
        %and3A_534 = arith.andi %add3A_531, %and3A_533 : vector<16xi32>
        %gather3A_535 = tpu.vector_load_idx %arg10[%add3A_240, %and3A_534] : memref<80x128xf32, #tpu.memory_space<vmem>>[vector<16xi32>, vector<16xi32>], vector<16xf32>,
        %gather3A_536 = tpu.vector_load_idx %arg11[%add3A_240, %and3A_534] : memref<80x128xf32, #tpu.memory_space<vmem>>[vector<16xi32>, vector<16xi32>], vector<16xf32>,
        %mul3A_537 = arith.mulf %gather3A_535, %gather3A_536 : vector<16xf32>
        %add3A_538 = arith.addf %add3A_528, %mul3A_537 : vector<16xf32>
        %add3A_539 = arith.constant 1 : i32
        %add3A_540 = vector.broadcast %add3A_539 : i32 to vector<16xi32>
        %add3A_541 = arith.addi %and3A_534, %add3A_540 : vector<16xi32>
        %and3A_542 = arith.constant 127 : i32
        %and3A_543 = vector.broadcast %and3A_542 : i32 to vector<16xi32>
        %and3A_544 = arith.andi %add3A_541, %and3A_543 : vector<16xi32>
        %gather3A_545 = tpu.vector_load_idx %arg10[%add3A_240, %and3A_544] : memref<80x128xf32, #tpu.memory_space<vmem>>[vector<16xi32>, vector<16xi32>], vector<16xf32>,
        %gather3A_546 = tpu.vector_load_idx %arg11[%add3A_240, %and3A_544] : memref<80x128xf32, #tpu.memory_space<vmem>>[vector<16xi32>, vector<16xi32>], vector<16xf32>,
        %mul3A_547 = arith.mulf %gather3A_545, %gather3A_546 : vector<16xf32>
        %add3A_548 = arith.addf %add3A_538, %mul3A_547 : vector<16xf32>
        %add3A_549 = arith.constant 1 : i32
        %add3A_550 = vector.broadcast %add3A_549 : i32 to vector<16xi32>
        %add3A_551 = arith.addi %and3A_544, %add3A_550 : vector<16xi32>
        %and3A_552 = arith.constant 127 : i32
        %and3A_553 = vector.broadcast %and3A_552 : i32 to vector<16xi32>
        %and3A_554 = arith.andi %add3A_551, %and3A_553 : vector<16xi32>
        scf.yield %add3A_548, %and3A_554 : vector<16xf32>, vector<16xi32>
      }
      %scan3A_248 = arith.constant 16 : i32
      %swap3A_249 = arith.constant 96 : index
      %swap3A_250 = tpu.vector_load %arg16[%swap3A_249] {strides = array<i32>} : memref<320xf32, #tpu.memory_space<vmem>>, vector<16xf32>,
      tpu.vector_store %arg16[%swap3A_249], %scan3A_247#0 {strides = array<i32>} : memref<320xf32, #tpu.memory_space<vmem>>, vector<16xf32>,
      %add3A_251 = arith.constant 32 : i32
      %add3A_252 = vector.broadcast %add3A_251 : i32 to vector<16xi32>
      %add3A_253 = arith.addi %iota3A, %add3A_252 : vector<16xi32>
      %broadcast_in_dim3A_254 = arith.constant 0.000000e+00 : f32
      %broadcast_in_dim3A_255 = vector.broadcast %broadcast_in_dim3A_254 : f32 to vector<16xf32>
      %scan3A_256 = arith.constant 0 : i32
      %scan3A_257 = arith.constant 16 : i32
      %scan3A_258 = arith.addi %scan3A_256, %scan3A_257 : i32
      %scan3A_259 = arith.constant 1 : i32
      %scan3A_260:2 = scf.for %scan3A_474 = %scan3A_256 to %scan3A_258 step %scan3A_259 iter_args(%scan3A_475 = %broadcast_in_dim3A_255, %scan3A_476 = %iota3A) -> (vector<16xf32>, vector<16xi32>)  : i32 {
        %gather3A = tpu.vector_load_idx %arg10[%add3A_253, %scan3A_476] : memref<80x128xf32, #tpu.memory_space<vmem>>[vector<16xi32>, vector<16xi32>], vector<16xf32>,
        %gather3A_477 = tpu.vector_load_idx %arg11[%add3A_253, %scan3A_476] : memref<80x128xf32, #tpu.memory_space<vmem>>[vector<16xi32>, vector<16xi32>], vector<16xf32>,
        %mul3A_478 = arith.mulf %gather3A, %gather3A_477 : vector<16xf32>
        %add3A_479 = arith.addf %scan3A_475, %mul3A_478 : vector<16xf32>
        %add3A_480 = arith.constant 1 : i32
        %add3A_481 = vector.broadcast %add3A_480 : i32 to vector<16xi32>
        %add3A_482 = arith.addi %scan3A_476, %add3A_481 : vector<16xi32>
        %and3A = arith.constant 127 : i32
        %and3A_483 = vector.broadcast %and3A : i32 to vector<16xi32>
        %and3A_484 = arith.andi %add3A_482, %and3A_483 : vector<16xi32>
        %gather3A_485 = tpu.vector_load_idx %arg10[%add3A_253, %and3A_484] : memref<80x128xf32, #tpu.memory_space<vmem>>[vector<16xi32>, vector<16xi32>], vector<16xf32>,
        %gather3A_486 = tpu.vector_load_idx %arg11[%add3A_253, %and3A_484] : memref<80x128xf32, #tpu.memory_space<vmem>>[vector<16xi32>, vector<16xi32>], vector<16xf32>,
        %mul3A_487 = arith.mulf %gather3A_485, %gather3A_486 : vector<16xf32>
        %add3A_488 = arith.addf %add3A_479, %mul3A_487 : vector<16xf32>
        %add3A_489 = arith.constant 1 : i32
        %add3A_490 = vector.broadcast %add3A_489 : i32 to vector<16xi32>
        %add3A_491 = arith.addi %and3A_484, %add3A_490 : vector<16xi32>
        %and3A_492 = arith.constant 127 : i32
        %and3A_493 = vector.broadcast %and3A_492 : i32 to vector<16xi32>
        %and3A_494 = arith.andi %add3A_491, %and3A_493 : vector<16xi32>
        %gather3A_495 = tpu.vector_load_idx %arg10[%add3A_253, %and3A_494] : memref<80x128xf32, #tpu.memory_space<vmem>>[vector<16xi32>, vector<16xi32>], vector<16xf32>,
        %gather3A_496 = tpu.vector_load_idx %arg11[%add3A_253, %and3A_494] : memref<80x128xf32, #tpu.memory_space<vmem>>[vector<16xi32>, vector<16xi32>], vector<16xf32>,
        %mul3A_497 = arith.mulf %gather3A_495, %gather3A_496 : vector<16xf32>
        %add3A_498 = arith.addf %add3A_488, %mul3A_497 : vector<16xf32>
        %add3A_499 = arith.constant 1 : i32
        %add3A_500 = vector.broadcast %add3A_499 : i32 to vector<16xi32>
        %add3A_501 = arith.addi %and3A_494, %add3A_500 : vector<16xi32>
        %and3A_502 = arith.constant 127 : i32
        %and3A_503 = vector.broadcast %and3A_502 : i32 to vector<16xi32>
        %and3A_504 = arith.andi %add3A_501, %and3A_503 : vector<16xi32>
        %gather3A_505 = tpu.vector_load_idx %arg10[%add3A_253, %and3A_504] : memref<80x128xf32, #tpu.memory_space<vmem>>[vector<16xi32>, vector<16xi32>], vector<16xf32>,
        %gather3A_506 = tpu.vector_load_idx %arg11[%add3A_253, %and3A_504] : memref<80x128xf32, #tpu.memory_space<vmem>>[vector<16xi32>, vector<16xi32>], vector<16xf32>,
        %mul3A_507 = arith.mulf %gather3A_505, %gather3A_506 : vector<16xf32>
        %add3A_508 = arith.addf %add3A_498, %mul3A_507 : vector<16xf32>
        %add3A_509 = arith.constant 1 : i32
        %add3A_510 = vector.broadcast %add3A_509 : i32 to vector<16xi32>
        %add3A_511 = arith.addi %and3A_504, %add3A_510 : vector<16xi32>
        %and3A_512 = arith.constant 127 : i32
        %and3A_513 = vector.broadcast %and3A_512 : i32 to vector<16xi32>
        %and3A_514 = arith.andi %add3A_511, %and3A_513 : vector<16xi32>
        %gather3A_515 = tpu.vector_load_idx %arg10[%add3A_253, %and3A_514] : memref<80x128xf32, #tpu.memory_space<vmem>>[vector<16xi32>, vector<16xi32>], vector<16xf32>,
        %gather3A_516 = tpu.vector_load_idx %arg11[%add3A_253, %and3A_514] : memref<80x128xf32, #tpu.memory_space<vmem>>[vector<16xi32>, vector<16xi32>], vector<16xf32>,
        %mul3A_517 = arith.mulf %gather3A_515, %gather3A_516 : vector<16xf32>
        %add3A_518 = arith.addf %add3A_508, %mul3A_517 : vector<16xf32>
        %add3A_519 = arith.constant 1 : i32
        %add3A_520 = vector.broadcast %add3A_519 : i32 to vector<16xi32>
        %add3A_521 = arith.addi %and3A_514, %add3A_520 : vector<16xi32>
        %and3A_522 = arith.constant 127 : i32
        %and3A_523 = vector.broadcast %and3A_522 : i32 to vector<16xi32>
        %and3A_524 = arith.andi %add3A_521, %and3A_523 : vector<16xi32>
        %gather3A_525 = tpu.vector_load_idx %arg10[%add3A_253, %and3A_524] : memref<80x128xf32, #tpu.memory_space<vmem>>[vector<16xi32>, vector<16xi32>], vector<16xf32>,
        %gather3A_526 = tpu.vector_load_idx %arg11[%add3A_253, %and3A_524] : memref<80x128xf32, #tpu.memory_space<vmem>>[vector<16xi32>, vector<16xi32>], vector<16xf32>,
        %mul3A_527 = arith.mulf %gather3A_525, %gather3A_526 : vector<16xf32>
        %add3A_528 = arith.addf %add3A_518, %mul3A_527 : vector<16xf32>
        %add3A_529 = arith.constant 1 : i32
        %add3A_530 = vector.broadcast %add3A_529 : i32 to vector<16xi32>
        %add3A_531 = arith.addi %and3A_524, %add3A_530 : vector<16xi32>
        %and3A_532 = arith.constant 127 : i32
        %and3A_533 = vector.broadcast %and3A_532 : i32 to vector<16xi32>
        %and3A_534 = arith.andi %add3A_531, %and3A_533 : vector<16xi32>
        %gather3A_535 = tpu.vector_load_idx %arg10[%add3A_253, %and3A_534] : memref<80x128xf32, #tpu.memory_space<vmem>>[vector<16xi32>, vector<16xi32>], vector<16xf32>,
        %gather3A_536 = tpu.vector_load_idx %arg11[%add3A_253, %and3A_534] : memref<80x128xf32, #tpu.memory_space<vmem>>[vector<16xi32>, vector<16xi32>], vector<16xf32>,
        %mul3A_537 = arith.mulf %gather3A_535, %gather3A_536 : vector<16xf32>
        %add3A_538 = arith.addf %add3A_528, %mul3A_537 : vector<16xf32>
        %add3A_539 = arith.constant 1 : i32
        %add3A_540 = vector.broadcast %add3A_539 : i32 to vector<16xi32>
        %add3A_541 = arith.addi %and3A_534, %add3A_540 : vector<16xi32>
        %and3A_542 = arith.constant 127 : i32
        %and3A_543 = vector.broadcast %and3A_542 : i32 to vector<16xi32>
        %and3A_544 = arith.andi %add3A_541, %and3A_543 : vector<16xi32>
        %gather3A_545 = tpu.vector_load_idx %arg10[%add3A_253, %and3A_544] : memref<80x128xf32, #tpu.memory_space<vmem>>[vector<16xi32>, vector<16xi32>], vector<16xf32>,
        %gather3A_546 = tpu.vector_load_idx %arg11[%add3A_253, %and3A_544] : memref<80x128xf32, #tpu.memory_space<vmem>>[vector<16xi32>, vector<16xi32>], vector<16xf32>,
        %mul3A_547 = arith.mulf %gather3A_545, %gather3A_546 : vector<16xf32>
        %add3A_548 = arith.addf %add3A_538, %mul3A_547 : vector<16xf32>
        %add3A_549 = arith.constant 1 : i32
        %add3A_550 = vector.broadcast %add3A_549 : i32 to vector<16xi32>
        %add3A_551 = arith.addi %and3A_544, %add3A_550 : vector<16xi32>
        %and3A_552 = arith.constant 127 : i32
        %and3A_553 = vector.broadcast %and3A_552 : i32 to vector<16xi32>
        %and3A_554 = arith.andi %add3A_551, %and3A_553 : vector<16xi32>
        scf.yield %add3A_548, %and3A_554 : vector<16xf32>, vector<16xi32>
      }
      %scan3A_261 = arith.constant 16 : i32
      %swap3A_262 = arith.constant 112 : index
      %swap3A_263 = tpu.vector_load %arg16[%swap3A_262] {strides = array<i32>} : memref<320xf32, #tpu.memory_space<vmem>>, vector<16xf32>,
      tpu.vector_store %arg16[%swap3A_262], %scan3A_260#0 {strides = array<i32>} : memref<320xf32, #tpu.memory_space<vmem>>, vector<16xf32>,
      %add3A_264 = arith.constant 48 : i32
      %add3A_265 = vector.broadcast %add3A_264 : i32 to vector<16xi32>
      %add3A_266 = arith.addi %iota3A, %add3A_265 : vector<16xi32>
      %broadcast_in_dim3A_267 = arith.constant 0.000000e+00 : f32
      %broadcast_in_dim3A_268 = vector.broadcast %broadcast_in_dim3A_267 : f32 to vector<16xf32>
      %scan3A_269 = arith.constant 0 : i32
      %scan3A_270 = arith.constant 16 : i32
      %scan3A_271 = arith.addi %scan3A_269, %scan3A_270 : i32
      %scan3A_272 = arith.constant 1 : i32
      %scan3A_273:2 = scf.for %scan3A_474 = %scan3A_269 to %scan3A_271 step %scan3A_272 iter_args(%scan3A_475 = %broadcast_in_dim3A_268, %scan3A_476 = %iota3A) -> (vector<16xf32>, vector<16xi32>)  : i32 {
        %gather3A = tpu.vector_load_idx %arg10[%add3A_266, %scan3A_476] : memref<80x128xf32, #tpu.memory_space<vmem>>[vector<16xi32>, vector<16xi32>], vector<16xf32>,
        %gather3A_477 = tpu.vector_load_idx %arg11[%add3A_266, %scan3A_476] : memref<80x128xf32, #tpu.memory_space<vmem>>[vector<16xi32>, vector<16xi32>], vector<16xf32>,
        %mul3A_478 = arith.mulf %gather3A, %gather3A_477 : vector<16xf32>
        %add3A_479 = arith.addf %scan3A_475, %mul3A_478 : vector<16xf32>
        %add3A_480 = arith.constant 1 : i32
        %add3A_481 = vector.broadcast %add3A_480 : i32 to vector<16xi32>
        %add3A_482 = arith.addi %scan3A_476, %add3A_481 : vector<16xi32>
        %and3A = arith.constant 127 : i32
        %and3A_483 = vector.broadcast %and3A : i32 to vector<16xi32>
        %and3A_484 = arith.andi %add3A_482, %and3A_483 : vector<16xi32>
        %gather3A_485 = tpu.vector_load_idx %arg10[%add3A_266, %and3A_484] : memref<80x128xf32, #tpu.memory_space<vmem>>[vector<16xi32>, vector<16xi32>], vector<16xf32>,
        %gather3A_486 = tpu.vector_load_idx %arg11[%add3A_266, %and3A_484] : memref<80x128xf32, #tpu.memory_space<vmem>>[vector<16xi32>, vector<16xi32>], vector<16xf32>,
        %mul3A_487 = arith.mulf %gather3A_485, %gather3A_486 : vector<16xf32>
        %add3A_488 = arith.addf %add3A_479, %mul3A_487 : vector<16xf32>
        %add3A_489 = arith.constant 1 : i32
        %add3A_490 = vector.broadcast %add3A_489 : i32 to vector<16xi32>
        %add3A_491 = arith.addi %and3A_484, %add3A_490 : vector<16xi32>
        %and3A_492 = arith.constant 127 : i32
        %and3A_493 = vector.broadcast %and3A_492 : i32 to vector<16xi32>
        %and3A_494 = arith.andi %add3A_491, %and3A_493 : vector<16xi32>
        %gather3A_495 = tpu.vector_load_idx %arg10[%add3A_266, %and3A_494] : memref<80x128xf32, #tpu.memory_space<vmem>>[vector<16xi32>, vector<16xi32>], vector<16xf32>,
        %gather3A_496 = tpu.vector_load_idx %arg11[%add3A_266, %and3A_494] : memref<80x128xf32, #tpu.memory_space<vmem>>[vector<16xi32>, vector<16xi32>], vector<16xf32>,
        %mul3A_497 = arith.mulf %gather3A_495, %gather3A_496 : vector<16xf32>
        %add3A_498 = arith.addf %add3A_488, %mul3A_497 : vector<16xf32>
        %add3A_499 = arith.constant 1 : i32
        %add3A_500 = vector.broadcast %add3A_499 : i32 to vector<16xi32>
        %add3A_501 = arith.addi %and3A_494, %add3A_500 : vector<16xi32>
        %and3A_502 = arith.constant 127 : i32
        %and3A_503 = vector.broadcast %and3A_502 : i32 to vector<16xi32>
        %and3A_504 = arith.andi %add3A_501, %and3A_503 : vector<16xi32>
        %gather3A_505 = tpu.vector_load_idx %arg10[%add3A_266, %and3A_504] : memref<80x128xf32, #tpu.memory_space<vmem>>[vector<16xi32>, vector<16xi32>], vector<16xf32>,
        %gather3A_506 = tpu.vector_load_idx %arg11[%add3A_266, %and3A_504] : memref<80x128xf32, #tpu.memory_space<vmem>>[vector<16xi32>, vector<16xi32>], vector<16xf32>,
        %mul3A_507 = arith.mulf %gather3A_505, %gather3A_506 : vector<16xf32>
        %add3A_508 = arith.addf %add3A_498, %mul3A_507 : vector<16xf32>
        %add3A_509 = arith.constant 1 : i32
        %add3A_510 = vector.broadcast %add3A_509 : i32 to vector<16xi32>
        %add3A_511 = arith.addi %and3A_504, %add3A_510 : vector<16xi32>
        %and3A_512 = arith.constant 127 : i32
        %and3A_513 = vector.broadcast %and3A_512 : i32 to vector<16xi32>
        %and3A_514 = arith.andi %add3A_511, %and3A_513 : vector<16xi32>
        %gather3A_515 = tpu.vector_load_idx %arg10[%add3A_266, %and3A_514] : memref<80x128xf32, #tpu.memory_space<vmem>>[vector<16xi32>, vector<16xi32>], vector<16xf32>,
        %gather3A_516 = tpu.vector_load_idx %arg11[%add3A_266, %and3A_514] : memref<80x128xf32, #tpu.memory_space<vmem>>[vector<16xi32>, vector<16xi32>], vector<16xf32>,
        %mul3A_517 = arith.mulf %gather3A_515, %gather3A_516 : vector<16xf32>
        %add3A_518 = arith.addf %add3A_508, %mul3A_517 : vector<16xf32>
        %add3A_519 = arith.constant 1 : i32
        %add3A_520 = vector.broadcast %add3A_519 : i32 to vector<16xi32>
        %add3A_521 = arith.addi %and3A_514, %add3A_520 : vector<16xi32>
        %and3A_522 = arith.constant 127 : i32
        %and3A_523 = vector.broadcast %and3A_522 : i32 to vector<16xi32>
        %and3A_524 = arith.andi %add3A_521, %and3A_523 : vector<16xi32>
        %gather3A_525 = tpu.vector_load_idx %arg10[%add3A_266, %and3A_524] : memref<80x128xf32, #tpu.memory_space<vmem>>[vector<16xi32>, vector<16xi32>], vector<16xf32>,
        %gather3A_526 = tpu.vector_load_idx %arg11[%add3A_266, %and3A_524] : memref<80x128xf32, #tpu.memory_space<vmem>>[vector<16xi32>, vector<16xi32>], vector<16xf32>,
        %mul3A_527 = arith.mulf %gather3A_525, %gather3A_526 : vector<16xf32>
        %add3A_528 = arith.addf %add3A_518, %mul3A_527 : vector<16xf32>
        %add3A_529 = arith.constant 1 : i32
        %add3A_530 = vector.broadcast %add3A_529 : i32 to vector<16xi32>
        %add3A_531 = arith.addi %and3A_524, %add3A_530 : vector<16xi32>
        %and3A_532 = arith.constant 127 : i32
        %and3A_533 = vector.broadcast %and3A_532 : i32 to vector<16xi32>
        %and3A_534 = arith.andi %add3A_531, %and3A_533 : vector<16xi32>
        %gather3A_535 = tpu.vector_load_idx %arg10[%add3A_266, %and3A_534] : memref<80x128xf32, #tpu.memory_space<vmem>>[vector<16xi32>, vector<16xi32>], vector<16xf32>,
        %gather3A_536 = tpu.vector_load_idx %arg11[%add3A_266, %and3A_534] : memref<80x128xf32, #tpu.memory_space<vmem>>[vector<16xi32>, vector<16xi32>], vector<16xf32>,
        %mul3A_537 = arith.mulf %gather3A_535, %gather3A_536 : vector<16xf32>
        %add3A_538 = arith.addf %add3A_528, %mul3A_537 : vector<16xf32>
        %add3A_539 = arith.constant 1 : i32
        %add3A_540 = vector.broadcast %add3A_539 : i32 to vector<16xi32>
        %add3A_541 = arith.addi %and3A_534, %add3A_540 : vector<16xi32>
        %and3A_542 = arith.constant 127 : i32
        %and3A_543 = vector.broadcast %and3A_542 : i32 to vector<16xi32>
        %and3A_544 = arith.andi %add3A_541, %and3A_543 : vector<16xi32>
        %gather3A_545 = tpu.vector_load_idx %arg10[%add3A_266, %and3A_544] : memref<80x128xf32, #tpu.memory_space<vmem>>[vector<16xi32>, vector<16xi32>], vector<16xf32>,
        %gather3A_546 = tpu.vector_load_idx %arg11[%add3A_266, %and3A_544] : memref<80x128xf32, #tpu.memory_space<vmem>>[vector<16xi32>, vector<16xi32>], vector<16xf32>,
        %mul3A_547 = arith.mulf %gather3A_545, %gather3A_546 : vector<16xf32>
        %add3A_548 = arith.addf %add3A_538, %mul3A_547 : vector<16xf32>
        %add3A_549 = arith.constant 1 : i32
        %add3A_550 = vector.broadcast %add3A_549 : i32 to vector<16xi32>
        %add3A_551 = arith.addi %and3A_544, %add3A_550 : vector<16xi32>
        %and3A_552 = arith.constant 127 : i32
        %and3A_553 = vector.broadcast %and3A_552 : i32 to vector<16xi32>
        %and3A_554 = arith.andi %add3A_551, %and3A_553 : vector<16xi32>
        scf.yield %add3A_548, %and3A_554 : vector<16xf32>, vector<16xi32>
      }
      %scan3A_274 = arith.constant 16 : i32
      %swap3A_275 = arith.constant 128 : index
      %swap3A_276 = tpu.vector_load %arg16[%swap3A_275] {strides = array<i32>} : memref<320xf32, #tpu.memory_space<vmem>>, vector<16xf32>,
      tpu.vector_store %arg16[%swap3A_275], %scan3A_273#0 {strides = array<i32>} : memref<320xf32, #tpu.memory_space<vmem>>, vector<16xf32>,
      %add3A_277 = arith.constant 64 : i32
      %add3A_278 = vector.broadcast %add3A_277 : i32 to vector<16xi32>
      %add3A_279 = arith.addi %iota3A, %add3A_278 : vector<16xi32>
      %broadcast_in_dim3A_280 = arith.constant 0.000000e+00 : f32
      %broadcast_in_dim3A_281 = vector.broadcast %broadcast_in_dim3A_280 : f32 to vector<16xf32>
      %scan3A_282 = arith.constant 0 : i32
      %scan3A_283 = arith.constant 16 : i32
      %scan3A_284 = arith.addi %scan3A_282, %scan3A_283 : i32
      %scan3A_285 = arith.constant 1 : i32
      %scan3A_286:2 = scf.for %scan3A_474 = %scan3A_282 to %scan3A_284 step %scan3A_285 iter_args(%scan3A_475 = %broadcast_in_dim3A_281, %scan3A_476 = %iota3A) -> (vector<16xf32>, vector<16xi32>)  : i32 {
        %gather3A = tpu.vector_load_idx %arg10[%add3A_279, %scan3A_476] : memref<80x128xf32, #tpu.memory_space<vmem>>[vector<16xi32>, vector<16xi32>], vector<16xf32>,
        %gather3A_477 = tpu.vector_load_idx %arg11[%add3A_279, %scan3A_476] : memref<80x128xf32, #tpu.memory_space<vmem>>[vector<16xi32>, vector<16xi32>], vector<16xf32>,
        %mul3A_478 = arith.mulf %gather3A, %gather3A_477 : vector<16xf32>
        %add3A_479 = arith.addf %scan3A_475, %mul3A_478 : vector<16xf32>
        %add3A_480 = arith.constant 1 : i32
        %add3A_481 = vector.broadcast %add3A_480 : i32 to vector<16xi32>
        %add3A_482 = arith.addi %scan3A_476, %add3A_481 : vector<16xi32>
        %and3A = arith.constant 127 : i32
        %and3A_483 = vector.broadcast %and3A : i32 to vector<16xi32>
        %and3A_484 = arith.andi %add3A_482, %and3A_483 : vector<16xi32>
        %gather3A_485 = tpu.vector_load_idx %arg10[%add3A_279, %and3A_484] : memref<80x128xf32, #tpu.memory_space<vmem>>[vector<16xi32>, vector<16xi32>], vector<16xf32>,
        %gather3A_486 = tpu.vector_load_idx %arg11[%add3A_279, %and3A_484] : memref<80x128xf32, #tpu.memory_space<vmem>>[vector<16xi32>, vector<16xi32>], vector<16xf32>,
        %mul3A_487 = arith.mulf %gather3A_485, %gather3A_486 : vector<16xf32>
        %add3A_488 = arith.addf %add3A_479, %mul3A_487 : vector<16xf32>
        %add3A_489 = arith.constant 1 : i32
        %add3A_490 = vector.broadcast %add3A_489 : i32 to vector<16xi32>
        %add3A_491 = arith.addi %and3A_484, %add3A_490 : vector<16xi32>
        %and3A_492 = arith.constant 127 : i32
        %and3A_493 = vector.broadcast %and3A_492 : i32 to vector<16xi32>
        %and3A_494 = arith.andi %add3A_491, %and3A_493 : vector<16xi32>
        %gather3A_495 = tpu.vector_load_idx %arg10[%add3A_279, %and3A_494] : memref<80x128xf32, #tpu.memory_space<vmem>>[vector<16xi32>, vector<16xi32>], vector<16xf32>,
        %gather3A_496 = tpu.vector_load_idx %arg11[%add3A_279, %and3A_494] : memref<80x128xf32, #tpu.memory_space<vmem>>[vector<16xi32>, vector<16xi32>], vector<16xf32>,
        %mul3A_497 = arith.mulf %gather3A_495, %gather3A_496 : vector<16xf32>
        %add3A_498 = arith.addf %add3A_488, %mul3A_497 : vector<16xf32>
        %add3A_499 = arith.constant 1 : i32
        %add3A_500 = vector.broadcast %add3A_499 : i32 to vector<16xi32>
        %add3A_501 = arith.addi %and3A_494, %add3A_500 : vector<16xi32>
        %and3A_502 = arith.constant 127 : i32
        %and3A_503 = vector.broadcast %and3A_502 : i32 to vector<16xi32>
        %and3A_504 = arith.andi %add3A_501, %and3A_503 : vector<16xi32>
        %gather3A_505 = tpu.vector_load_idx %arg10[%add3A_279, %and3A_504] : memref<80x128xf32, #tpu.memory_space<vmem>>[vector<16xi32>, vector<16xi32>], vector<16xf32>,
        %gather3A_506 = tpu.vector_load_idx %arg11[%add3A_279, %and3A_504] : memref<80x128xf32, #tpu.memory_space<vmem>>[vector<16xi32>, vector<16xi32>], vector<16xf32>,
        %mul3A_507 = arith.mulf %gather3A_505, %gather3A_506 : vector<16xf32>
        %add3A_508 = arith.addf %add3A_498, %mul3A_507 : vector<16xf32>
        %add3A_509 = arith.constant 1 : i32
        %add3A_510 = vector.broadcast %add3A_509 : i32 to vector<16xi32>
        %add3A_511 = arith.addi %and3A_504, %add3A_510 : vector<16xi32>
        %and3A_512 = arith.constant 127 : i32
        %and3A_513 = vector.broadcast %and3A_512 : i32 to vector<16xi32>
        %and3A_514 = arith.andi %add3A_511, %and3A_513 : vector<16xi32>
        %gather3A_515 = tpu.vector_load_idx %arg10[%add3A_279, %and3A_514] : memref<80x128xf32, #tpu.memory_space<vmem>>[vector<16xi32>, vector<16xi32>], vector<16xf32>,
        %gather3A_516 = tpu.vector_load_idx %arg11[%add3A_279, %and3A_514] : memref<80x128xf32, #tpu.memory_space<vmem>>[vector<16xi32>, vector<16xi32>], vector<16xf32>,
        %mul3A_517 = arith.mulf %gather3A_515, %gather3A_516 : vector<16xf32>
        %add3A_518 = arith.addf %add3A_508, %mul3A_517 : vector<16xf32>
        %add3A_519 = arith.constant 1 : i32
        %add3A_520 = vector.broadcast %add3A_519 : i32 to vector<16xi32>
        %add3A_521 = arith.addi %and3A_514, %add3A_520 : vector<16xi32>
        %and3A_522 = arith.constant 127 : i32
        %and3A_523 = vector.broadcast %and3A_522 : i32 to vector<16xi32>
        %and3A_524 = arith.andi %add3A_521, %and3A_523 : vector<16xi32>
        %gather3A_525 = tpu.vector_load_idx %arg10[%add3A_279, %and3A_524] : memref<80x128xf32, #tpu.memory_space<vmem>>[vector<16xi32>, vector<16xi32>], vector<16xf32>,
        %gather3A_526 = tpu.vector_load_idx %arg11[%add3A_279, %and3A_524] : memref<80x128xf32, #tpu.memory_space<vmem>>[vector<16xi32>, vector<16xi32>], vector<16xf32>,
        %mul3A_527 = arith.mulf %gather3A_525, %gather3A_526 : vector<16xf32>
        %add3A_528 = arith.addf %add3A_518, %mul3A_527 : vector<16xf32>
        %add3A_529 = arith.constant 1 : i32
        %add3A_530 = vector.broadcast %add3A_529 : i32 to vector<16xi32>
        %add3A_531 = arith.addi %and3A_524, %add3A_530 : vector<16xi32>
        %and3A_532 = arith.constant 127 : i32
        %and3A_533 = vector.broadcast %and3A_532 : i32 to vector<16xi32>
        %and3A_534 = arith.andi %add3A_531, %and3A_533 : vector<16xi32>
        %gather3A_535 = tpu.vector_load_idx %arg10[%add3A_279, %and3A_534] : memref<80x128xf32, #tpu.memory_space<vmem>>[vector<16xi32>, vector<16xi32>], vector<16xf32>,
        %gather3A_536 = tpu.vector_load_idx %arg11[%add3A_279, %and3A_534] : memref<80x128xf32, #tpu.memory_space<vmem>>[vector<16xi32>, vector<16xi32>], vector<16xf32>,
        %mul3A_537 = arith.mulf %gather3A_535, %gather3A_536 : vector<16xf32>
        %add3A_538 = arith.addf %add3A_528, %mul3A_537 : vector<16xf32>
        %add3A_539 = arith.constant 1 : i32
        %add3A_540 = vector.broadcast %add3A_539 : i32 to vector<16xi32>
        %add3A_541 = arith.addi %and3A_534, %add3A_540 : vector<16xi32>
        %and3A_542 = arith.constant 127 : i32
        %and3A_543 = vector.broadcast %and3A_542 : i32 to vector<16xi32>
        %and3A_544 = arith.andi %add3A_541, %and3A_543 : vector<16xi32>
        %gather3A_545 = tpu.vector_load_idx %arg10[%add3A_279, %and3A_544] : memref<80x128xf32, #tpu.memory_space<vmem>>[vector<16xi32>, vector<16xi32>], vector<16xf32>,
        %gather3A_546 = tpu.vector_load_idx %arg11[%add3A_279, %and3A_544] : memref<80x128xf32, #tpu.memory_space<vmem>>[vector<16xi32>, vector<16xi32>], vector<16xf32>,
        %mul3A_547 = arith.mulf %gather3A_545, %gather3A_546 : vector<16xf32>
        %add3A_548 = arith.addf %add3A_538, %mul3A_547 : vector<16xf32>
        %add3A_549 = arith.constant 1 : i32
        %add3A_550 = vector.broadcast %add3A_549 : i32 to vector<16xi32>
        %add3A_551 = arith.addi %and3A_544, %add3A_550 : vector<16xi32>
        %and3A_552 = arith.constant 127 : i32
        %and3A_553 = vector.broadcast %and3A_552 : i32 to vector<16xi32>
        %and3A_554 = arith.andi %add3A_551, %and3A_553 : vector<16xi32>
        scf.yield %add3A_548, %and3A_554 : vector<16xf32>, vector<16xi32>
      }
      %scan3A_287 = arith.constant 16 : i32
      %swap3A_288 = arith.constant 144 : index
      %swap3A_289 = tpu.vector_load %arg16[%swap3A_288] {strides = array<i32>} : memref<320xf32, #tpu.memory_space<vmem>>, vector<16xf32>,
      tpu.vector_store %arg16[%swap3A_288], %scan3A_286#0 {strides = array<i32>} : memref<320xf32, #tpu.memory_space<vmem>>, vector<16xf32>,
      %mul3A_290 = arith.constant 4 : i32
      %mul3A_291 = arith.muli %mul3A_290, %scan3A_113 : i32
      %add3A_292 = arith.constant 2 : i32
      %add3A_293 = arith.addi %mul3A_291, %add3A_292 : i32
      %add3A_294 = arith.constant 4 : i32
      %add3A_295 = arith.addi %add3A_293, %add3A_294 : i32
      %sub3A_296 = arith.constant 1 : i32
      %sub3A_297 = arith.subi %add3A_295, %sub3A_296 : i32
      %lt3A_298 = arith.constant 125 : i32
      %lt3A_299 = arith.cmpi slt, %sub3A_297, %lt3A_298 : i32
      %convert_element_type3A_300 = arith.extui %lt3A_299 : i1 to i32
      %cond3A_301 = arith.constant 0 : i32
      %cond3A_302 = arith.cmpi ne, %convert_element_type3A_300, %cond3A_301 : i32
      scf.if %cond3A_302 {
        %mul3A_474 = arith.constant 80 : i32
        %mul3A_475 = arith.muli %sub3A_297, %mul3A_474 : i32
        %multiple_of3A_476 = tpu.assume_multiple %mul3A_475, 8 : i32
        %dma_start3A_477 = tpu.memref_slice %arg6[%multiple_of3A_476] : memref<10000xi32, #tpu.memory_space<vmem>> -> memref<80xi32, #tpu.memory_space<vmem>>
        %dma_start3A_478 = arith.constant 0 : i32
        %dma_start3A_479 = arith.constant 0 : i32
        %dma_start3A_480 = tpu.memref_slice %arg2[%dma_start3A_478, %dma_start3A_479] : memref<10000x128xf32, #tpu.memory_space<hbm>> -> memref<10000x128xf32, #tpu.memory_space<hbm>>
        tpu.enqueue_indirect_dma source(%dma_start3A_480 : memref<10000x128xf32, #tpu.memory_space<hbm>>) target(%arg10 : memref<80x128xf32, #tpu.memory_space<vmem>>) offsets(%dma_start3A_477 : memref<80xi32, #tpu.memory_space<vmem>>) semaphore(%arg18 : memref<!tpu.dma_semaphore, #tpu.memory_space<semaphore_mem>>)
        %dma_start3A_481 = tpu.memref_slice %arg7[%multiple_of3A_476] : memref<10000xi32, #tpu.memory_space<vmem>> -> memref<80xi32, #tpu.memory_space<vmem>>
        %dma_start3A_482 = arith.constant 0 : i32
        %dma_start3A_483 = arith.constant 0 : i32
        %dma_start3A_484 = tpu.memref_slice %arg2[%dma_start3A_482, %dma_start3A_483] : memref<10000x128xf32, #tpu.memory_space<hbm>> -> memref<10000x128xf32, #tpu.memory_space<hbm>>
        tpu.enqueue_indirect_dma source(%dma_start3A_484 : memref<10000x128xf32, #tpu.memory_space<hbm>>) target(%arg11 : memref<80x128xf32, #tpu.memory_space<vmem>>) offsets(%dma_start3A_481 : memref<80xi32, #tpu.memory_space<vmem>>) semaphore(%arg18 : memref<!tpu.dma_semaphore, #tpu.memory_space<semaphore_mem>>)
      } else {
      }
      %dma_wait3A_303 = arith.constant 0 : i32
      %dma_wait3A_304 = tpu.memref_slice %arg6[%dma_wait3A_303] : memref<10000xi32, #tpu.memory_space<vmem>> -> memref<80xi32, #tpu.memory_space<vmem>>
      %dma_wait3A_305 = arith.constant 0 : i32
      %dma_wait3A_306 = arith.constant 0 : i32
      %dma_wait3A_307 = tpu.memref_slice %arg2[%dma_wait3A_305, %dma_wait3A_306] : memref<10000x128xf32, #tpu.memory_space<hbm>> -> memref<10000x128xf32, #tpu.memory_space<hbm>>
      tpu.wait_indirect_dma semaphore(%arg19 : memref<!tpu.dma_semaphore, #tpu.memory_space<semaphore_mem>>) src(%dma_wait3A_307 : memref<10000x128xf32, #tpu.memory_space<hbm>>) dst(%arg12 : memref<80x128xf32, #tpu.memory_space<vmem>>)
      %dma_wait3A_308 = arith.constant 0 : i32
      %dma_wait3A_309 = tpu.memref_slice %arg7[%dma_wait3A_308] : memref<10000xi32, #tpu.memory_space<vmem>> -> memref<80xi32, #tpu.memory_space<vmem>>
      %dma_wait3A_310 = arith.constant 0 : i32
      %dma_wait3A_311 = arith.constant 0 : i32
      %dma_wait3A_312 = tpu.memref_slice %arg2[%dma_wait3A_310, %dma_wait3A_311] : memref<10000x128xf32, #tpu.memory_space<hbm>> -> memref<10000x128xf32, #tpu.memory_space<hbm>>
      tpu.wait_indirect_dma semaphore(%arg19 : memref<!tpu.dma_semaphore, #tpu.memory_space<semaphore_mem>>) src(%dma_wait3A_312 : memref<10000x128xf32, #tpu.memory_space<hbm>>) dst(%arg13 : memref<80x128xf32, #tpu.memory_space<vmem>>)
      %add3A_313 = arith.constant 0 : i32
      %add3A_314 = vector.broadcast %add3A_313 : i32 to vector<16xi32>
      %add3A_315 = arith.addi %iota3A, %add3A_314 : vector<16xi32>
      %broadcast_in_dim3A_316 = arith.constant 0.000000e+00 : f32
      %broadcast_in_dim3A_317 = vector.broadcast %broadcast_in_dim3A_316 : f32 to vector<16xf32>
      %scan3A_318 = arith.constant 0 : i32
      %scan3A_319 = arith.constant 16 : i32
      %scan3A_320 = arith.addi %scan3A_318, %scan3A_319 : i32
      %scan3A_321 = arith.constant 1 : i32
      %scan3A_322:2 = scf.for %scan3A_474 = %scan3A_318 to %scan3A_320 step %scan3A_321 iter_args(%scan3A_475 = %broadcast_in_dim3A_317, %scan3A_476 = %iota3A) -> (vector<16xf32>, vector<16xi32>)  : i32 {
        %gather3A = tpu.vector_load_idx %arg12[%add3A_315, %scan3A_476] : memref<80x128xf32, #tpu.memory_space<vmem>>[vector<16xi32>, vector<16xi32>], vector<16xf32>,
        %gather3A_477 = tpu.vector_load_idx %arg13[%add3A_315, %scan3A_476] : memref<80x128xf32, #tpu.memory_space<vmem>>[vector<16xi32>, vector<16xi32>], vector<16xf32>,
        %mul3A_478 = arith.mulf %gather3A, %gather3A_477 : vector<16xf32>
        %add3A_479 = arith.addf %scan3A_475, %mul3A_478 : vector<16xf32>
        %add3A_480 = arith.constant 1 : i32
        %add3A_481 = vector.broadcast %add3A_480 : i32 to vector<16xi32>
        %add3A_482 = arith.addi %scan3A_476, %add3A_481 : vector<16xi32>
        %and3A = arith.constant 127 : i32
        %and3A_483 = vector.broadcast %and3A : i32 to vector<16xi32>
        %and3A_484 = arith.andi %add3A_482, %and3A_483 : vector<16xi32>
        %gather3A_485 = tpu.vector_load_idx %arg12[%add3A_315, %and3A_484] : memref<80x128xf32, #tpu.memory_space<vmem>>[vector<16xi32>, vector<16xi32>], vector<16xf32>,
        %gather3A_486 = tpu.vector_load_idx %arg13[%add3A_315, %and3A_484] : memref<80x128xf32, #tpu.memory_space<vmem>>[vector<16xi32>, vector<16xi32>], vector<16xf32>,
        %mul3A_487 = arith.mulf %gather3A_485, %gather3A_486 : vector<16xf32>
        %add3A_488 = arith.addf %add3A_479, %mul3A_487 : vector<16xf32>
        %add3A_489 = arith.constant 1 : i32
        %add3A_490 = vector.broadcast %add3A_489 : i32 to vector<16xi32>
        %add3A_491 = arith.addi %and3A_484, %add3A_490 : vector<16xi32>
        %and3A_492 = arith.constant 127 : i32
        %and3A_493 = vector.broadcast %and3A_492 : i32 to vector<16xi32>
        %and3A_494 = arith.andi %add3A_491, %and3A_493 : vector<16xi32>
        %gather3A_495 = tpu.vector_load_idx %arg12[%add3A_315, %and3A_494] : memref<80x128xf32, #tpu.memory_space<vmem>>[vector<16xi32>, vector<16xi32>], vector<16xf32>,
        %gather3A_496 = tpu.vector_load_idx %arg13[%add3A_315, %and3A_494] : memref<80x128xf32, #tpu.memory_space<vmem>>[vector<16xi32>, vector<16xi32>], vector<16xf32>,
        %mul3A_497 = arith.mulf %gather3A_495, %gather3A_496 : vector<16xf32>
        %add3A_498 = arith.addf %add3A_488, %mul3A_497 : vector<16xf32>
        %add3A_499 = arith.constant 1 : i32
        %add3A_500 = vector.broadcast %add3A_499 : i32 to vector<16xi32>
        %add3A_501 = arith.addi %and3A_494, %add3A_500 : vector<16xi32>
        %and3A_502 = arith.constant 127 : i32
        %and3A_503 = vector.broadcast %and3A_502 : i32 to vector<16xi32>
        %and3A_504 = arith.andi %add3A_501, %and3A_503 : vector<16xi32>
        %gather3A_505 = tpu.vector_load_idx %arg12[%add3A_315, %and3A_504] : memref<80x128xf32, #tpu.memory_space<vmem>>[vector<16xi32>, vector<16xi32>], vector<16xf32>,
        %gather3A_506 = tpu.vector_load_idx %arg13[%add3A_315, %and3A_504] : memref<80x128xf32, #tpu.memory_space<vmem>>[vector<16xi32>, vector<16xi32>], vector<16xf32>,
        %mul3A_507 = arith.mulf %gather3A_505, %gather3A_506 : vector<16xf32>
        %add3A_508 = arith.addf %add3A_498, %mul3A_507 : vector<16xf32>
        %add3A_509 = arith.constant 1 : i32
        %add3A_510 = vector.broadcast %add3A_509 : i32 to vector<16xi32>
        %add3A_511 = arith.addi %and3A_504, %add3A_510 : vector<16xi32>
        %and3A_512 = arith.constant 127 : i32
        %and3A_513 = vector.broadcast %and3A_512 : i32 to vector<16xi32>
        %and3A_514 = arith.andi %add3A_511, %and3A_513 : vector<16xi32>
        %gather3A_515 = tpu.vector_load_idx %arg12[%add3A_315, %and3A_514] : memref<80x128xf32, #tpu.memory_space<vmem>>[vector<16xi32>, vector<16xi32>], vector<16xf32>,
        %gather3A_516 = tpu.vector_load_idx %arg13[%add3A_315, %and3A_514] : memref<80x128xf32, #tpu.memory_space<vmem>>[vector<16xi32>, vector<16xi32>], vector<16xf32>,
        %mul3A_517 = arith.mulf %gather3A_515, %gather3A_516 : vector<16xf32>
        %add3A_518 = arith.addf %add3A_508, %mul3A_517 : vector<16xf32>
        %add3A_519 = arith.constant 1 : i32
        %add3A_520 = vector.broadcast %add3A_519 : i32 to vector<16xi32>
        %add3A_521 = arith.addi %and3A_514, %add3A_520 : vector<16xi32>
        %and3A_522 = arith.constant 127 : i32
        %and3A_523 = vector.broadcast %and3A_522 : i32 to vector<16xi32>
        %and3A_524 = arith.andi %add3A_521, %and3A_523 : vector<16xi32>
        %gather3A_525 = tpu.vector_load_idx %arg12[%add3A_315, %and3A_524] : memref<80x128xf32, #tpu.memory_space<vmem>>[vector<16xi32>, vector<16xi32>], vector<16xf32>,
        %gather3A_526 = tpu.vector_load_idx %arg13[%add3A_315, %and3A_524] : memref<80x128xf32, #tpu.memory_space<vmem>>[vector<16xi32>, vector<16xi32>], vector<16xf32>,
        %mul3A_527 = arith.mulf %gather3A_525, %gather3A_526 : vector<16xf32>
        %add3A_528 = arith.addf %add3A_518, %mul3A_527 : vector<16xf32>
        %add3A_529 = arith.constant 1 : i32
        %add3A_530 = vector.broadcast %add3A_529 : i32 to vector<16xi32>
        %add3A_531 = arith.addi %and3A_524, %add3A_530 : vector<16xi32>
        %and3A_532 = arith.constant 127 : i32
        %and3A_533 = vector.broadcast %and3A_532 : i32 to vector<16xi32>
        %and3A_534 = arith.andi %add3A_531, %and3A_533 : vector<16xi32>
        %gather3A_535 = tpu.vector_load_idx %arg12[%add3A_315, %and3A_534] : memref<80x128xf32, #tpu.memory_space<vmem>>[vector<16xi32>, vector<16xi32>], vector<16xf32>,
        %gather3A_536 = tpu.vector_load_idx %arg13[%add3A_315, %and3A_534] : memref<80x128xf32, #tpu.memory_space<vmem>>[vector<16xi32>, vector<16xi32>], vector<16xf32>,
        %mul3A_537 = arith.mulf %gather3A_535, %gather3A_536 : vector<16xf32>
        %add3A_538 = arith.addf %add3A_528, %mul3A_537 : vector<16xf32>
        %add3A_539 = arith.constant 1 : i32
        %add3A_540 = vector.broadcast %add3A_539 : i32 to vector<16xi32>
        %add3A_541 = arith.addi %and3A_534, %add3A_540 : vector<16xi32>
        %and3A_542 = arith.constant 127 : i32
        %and3A_543 = vector.broadcast %and3A_542 : i32 to vector<16xi32>
        %and3A_544 = arith.andi %add3A_541, %and3A_543 : vector<16xi32>
        %gather3A_545 = tpu.vector_load_idx %arg12[%add3A_315, %and3A_544] : memref<80x128xf32, #tpu.memory_space<vmem>>[vector<16xi32>, vector<16xi32>], vector<16xf32>,
        %gather3A_546 = tpu.vector_load_idx %arg13[%add3A_315, %and3A_544] : memref<80x128xf32, #tpu.memory_space<vmem>>[vector<16xi32>, vector<16xi32>], vector<16xf32>,
        %mul3A_547 = arith.mulf %gather3A_545, %gather3A_546 : vector<16xf32>
        %add3A_548 = arith.addf %add3A_538, %mul3A_547 : vector<16xf32>
        %add3A_549 = arith.constant 1 : i32
        %add3A_550 = vector.broadcast %add3A_549 : i32 to vector<16xi32>
        %add3A_551 = arith.addi %and3A_544, %add3A_550 : vector<16xi32>
        %and3A_552 = arith.constant 127 : i32
        %and3A_553 = vector.broadcast %and3A_552 : i32 to vector<16xi32>
        %and3A_554 = arith.andi %add3A_551, %and3A_553 : vector<16xi32>
        scf.yield %add3A_548, %and3A_554 : vector<16xf32>, vector<16xi32>
      }
      %scan3A_323 = arith.constant 16 : i32
      %swap3A_324 = arith.constant 160 : index
      %swap3A_325 = tpu.vector_load %arg16[%swap3A_324] {strides = array<i32>} : memref<320xf32, #tpu.memory_space<vmem>>, vector<16xf32>,
      tpu.vector_store %arg16[%swap3A_324], %scan3A_322#0 {strides = array<i32>} : memref<320xf32, #tpu.memory_space<vmem>>, vector<16xf32>,
      %add3A_326 = arith.constant 16 : i32
      %add3A_327 = vector.broadcast %add3A_326 : i32 to vector<16xi32>
      %add3A_328 = arith.addi %iota3A, %add3A_327 : vector<16xi32>
      %broadcast_in_dim3A_329 = arith.constant 0.000000e+00 : f32
      %broadcast_in_dim3A_330 = vector.broadcast %broadcast_in_dim3A_329 : f32 to vector<16xf32>
      %scan3A_331 = arith.constant 0 : i32
      %scan3A_332 = arith.constant 16 : i32
      %scan3A_333 = arith.addi %scan3A_331, %scan3A_332 : i32
      %scan3A_334 = arith.constant 1 : i32
      %scan3A_335:2 = scf.for %scan3A_474 = %scan3A_331 to %scan3A_333 step %scan3A_334 iter_args(%scan3A_475 = %broadcast_in_dim3A_330, %scan3A_476 = %iota3A) -> (vector<16xf32>, vector<16xi32>)  : i32 {
        %gather3A = tpu.vector_load_idx %arg12[%add3A_328, %scan3A_476] : memref<80x128xf32, #tpu.memory_space<vmem>>[vector<16xi32>, vector<16xi32>], vector<16xf32>,
        %gather3A_477 = tpu.vector_load_idx %arg13[%add3A_328, %scan3A_476] : memref<80x128xf32, #tpu.memory_space<vmem>>[vector<16xi32>, vector<16xi32>], vector<16xf32>,
        %mul3A_478 = arith.mulf %gather3A, %gather3A_477 : vector<16xf32>
        %add3A_479 = arith.addf %scan3A_475, %mul3A_478 : vector<16xf32>
        %add3A_480 = arith.constant 1 : i32
        %add3A_481 = vector.broadcast %add3A_480 : i32 to vector<16xi32>
        %add3A_482 = arith.addi %scan3A_476, %add3A_481 : vector<16xi32>
        %and3A = arith.constant 127 : i32
        %and3A_483 = vector.broadcast %and3A : i32 to vector<16xi32>
        %and3A_484 = arith.andi %add3A_482, %and3A_483 : vector<16xi32>
        %gather3A_485 = tpu.vector_load_idx %arg12[%add3A_328, %and3A_484] : memref<80x128xf32, #tpu.memory_space<vmem>>[vector<16xi32>, vector<16xi32>], vector<16xf32>,
        %gather3A_486 = tpu.vector_load_idx %arg13[%add3A_328, %and3A_484] : memref<80x128xf32, #tpu.memory_space<vmem>>[vector<16xi32>, vector<16xi32>], vector<16xf32>,
        %mul3A_487 = arith.mulf %gather3A_485, %gather3A_486 : vector<16xf32>
        %add3A_488 = arith.addf %add3A_479, %mul3A_487 : vector<16xf32>
        %add3A_489 = arith.constant 1 : i32
        %add3A_490 = vector.broadcast %add3A_489 : i32 to vector<16xi32>
        %add3A_491 = arith.addi %and3A_484, %add3A_490 : vector<16xi32>
        %and3A_492 = arith.constant 127 : i32
        %and3A_493 = vector.broadcast %and3A_492 : i32 to vector<16xi32>
        %and3A_494 = arith.andi %add3A_491, %and3A_493 : vector<16xi32>
        %gather3A_495 = tpu.vector_load_idx %arg12[%add3A_328, %and3A_494] : memref<80x128xf32, #tpu.memory_space<vmem>>[vector<16xi32>, vector<16xi32>], vector<16xf32>,
        %gather3A_496 = tpu.vector_load_idx %arg13[%add3A_328, %and3A_494] : memref<80x128xf32, #tpu.memory_space<vmem>>[vector<16xi32>, vector<16xi32>], vector<16xf32>,
        %mul3A_497 = arith.mulf %gather3A_495, %gather3A_496 : vector<16xf32>
        %add3A_498 = arith.addf %add3A_488, %mul3A_497 : vector<16xf32>
        %add3A_499 = arith.constant 1 : i32
        %add3A_500 = vector.broadcast %add3A_499 : i32 to vector<16xi32>
        %add3A_501 = arith.addi %and3A_494, %add3A_500 : vector<16xi32>
        %and3A_502 = arith.constant 127 : i32
        %and3A_503 = vector.broadcast %and3A_502 : i32 to vector<16xi32>
        %and3A_504 = arith.andi %add3A_501, %and3A_503 : vector<16xi32>
        %gather3A_505 = tpu.vector_load_idx %arg12[%add3A_328, %and3A_504] : memref<80x128xf32, #tpu.memory_space<vmem>>[vector<16xi32>, vector<16xi32>], vector<16xf32>,
        %gather3A_506 = tpu.vector_load_idx %arg13[%add3A_328, %and3A_504] : memref<80x128xf32, #tpu.memory_space<vmem>>[vector<16xi32>, vector<16xi32>], vector<16xf32>,
        %mul3A_507 = arith.mulf %gather3A_505, %gather3A_506 : vector<16xf32>
        %add3A_508 = arith.addf %add3A_498, %mul3A_507 : vector<16xf32>
        %add3A_509 = arith.constant 1 : i32
        %add3A_510 = vector.broadcast %add3A_509 : i32 to vector<16xi32>
        %add3A_511 = arith.addi %and3A_504, %add3A_510 : vector<16xi32>
        %and3A_512 = arith.constant 127 : i32
        %and3A_513 = vector.broadcast %and3A_512 : i32 to vector<16xi32>
        %and3A_514 = arith.andi %add3A_511, %and3A_513 : vector<16xi32>
        %gather3A_515 = tpu.vector_load_idx %arg12[%add3A_328, %and3A_514] : memref<80x128xf32, #tpu.memory_space<vmem>>[vector<16xi32>, vector<16xi32>], vector<16xf32>,
        %gather3A_516 = tpu.vector_load_idx %arg13[%add3A_328, %and3A_514] : memref<80x128xf32, #tpu.memory_space<vmem>>[vector<16xi32>, vector<16xi32>], vector<16xf32>,
        %mul3A_517 = arith.mulf %gather3A_515, %gather3A_516 : vector<16xf32>
        %add3A_518 = arith.addf %add3A_508, %mul3A_517 : vector<16xf32>
        %add3A_519 = arith.constant 1 : i32
        %add3A_520 = vector.broadcast %add3A_519 : i32 to vector<16xi32>
        %add3A_521 = arith.addi %and3A_514, %add3A_520 : vector<16xi32>
        %and3A_522 = arith.constant 127 : i32
        %and3A_523 = vector.broadcast %and3A_522 : i32 to vector<16xi32>
        %and3A_524 = arith.andi %add3A_521, %and3A_523 : vector<16xi32>
        %gather3A_525 = tpu.vector_load_idx %arg12[%add3A_328, %and3A_524] : memref<80x128xf32, #tpu.memory_space<vmem>>[vector<16xi32>, vector<16xi32>], vector<16xf32>,
        %gather3A_526 = tpu.vector_load_idx %arg13[%add3A_328, %and3A_524] : memref<80x128xf32, #tpu.memory_space<vmem>>[vector<16xi32>, vector<16xi32>], vector<16xf32>,
        %mul3A_527 = arith.mulf %gather3A_525, %gather3A_526 : vector<16xf32>
        %add3A_528 = arith.addf %add3A_518, %mul3A_527 : vector<16xf32>
        %add3A_529 = arith.constant 1 : i32
        %add3A_530 = vector.broadcast %add3A_529 : i32 to vector<16xi32>
        %add3A_531 = arith.addi %and3A_524, %add3A_530 : vector<16xi32>
        %and3A_532 = arith.constant 127 : i32
        %and3A_533 = vector.broadcast %and3A_532 : i32 to vector<16xi32>
        %and3A_534 = arith.andi %add3A_531, %and3A_533 : vector<16xi32>
        %gather3A_535 = tpu.vector_load_idx %arg12[%add3A_328, %and3A_534] : memref<80x128xf32, #tpu.memory_space<vmem>>[vector<16xi32>, vector<16xi32>], vector<16xf32>,
        %gather3A_536 = tpu.vector_load_idx %arg13[%add3A_328, %and3A_534] : memref<80x128xf32, #tpu.memory_space<vmem>>[vector<16xi32>, vector<16xi32>], vector<16xf32>,
        %mul3A_537 = arith.mulf %gather3A_535, %gather3A_536 : vector<16xf32>
        %add3A_538 = arith.addf %add3A_528, %mul3A_537 : vector<16xf32>
        %add3A_539 = arith.constant 1 : i32
        %add3A_540 = vector.broadcast %add3A_539 : i32 to vector<16xi32>
        %add3A_541 = arith.addi %and3A_534, %add3A_540 : vector<16xi32>
        %and3A_542 = arith.constant 127 : i32
        %and3A_543 = vector.broadcast %and3A_542 : i32 to vector<16xi32>
        %and3A_544 = arith.andi %add3A_541, %and3A_543 : vector<16xi32>
        %gather3A_545 = tpu.vector_load_idx %arg12[%add3A_328, %and3A_544] : memref<80x128xf32, #tpu.memory_space<vmem>>[vector<16xi32>, vector<16xi32>], vector<16xf32>,
        %gather3A_546 = tpu.vector_load_idx %arg13[%add3A_328, %and3A_544] : memref<80x128xf32, #tpu.memory_space<vmem>>[vector<16xi32>, vector<16xi32>], vector<16xf32>,
        %mul3A_547 = arith.mulf %gather3A_545, %gather3A_546 : vector<16xf32>
        %add3A_548 = arith.addf %add3A_538, %mul3A_547 : vector<16xf32>
        %add3A_549 = arith.constant 1 : i32
        %add3A_550 = vector.broadcast %add3A_549 : i32 to vector<16xi32>
        %add3A_551 = arith.addi %and3A_544, %add3A_550 : vector<16xi32>
        %and3A_552 = arith.constant 127 : i32
        %and3A_553 = vector.broadcast %and3A_552 : i32 to vector<16xi32>
        %and3A_554 = arith.andi %add3A_551, %and3A_553 : vector<16xi32>
        scf.yield %add3A_548, %and3A_554 : vector<16xf32>, vector<16xi32>
      }
      %scan3A_336 = arith.constant 16 : i32
      %swap3A_337 = arith.constant 176 : index
      %swap3A_338 = tpu.vector_load %arg16[%swap3A_337] {strides = array<i32>} : memref<320xf32, #tpu.memory_space<vmem>>, vector<16xf32>,
      tpu.vector_store %arg16[%swap3A_337], %scan3A_335#0 {strides = array<i32>} : memref<320xf32, #tpu.memory_space<vmem>>, vector<16xf32>,
      %add3A_339 = arith.constant 32 : i32
      %add3A_340 = vector.broadcast %add3A_339 : i32 to vector<16xi32>
      %add3A_341 = arith.addi %iota3A, %add3A_340 : vector<16xi32>
      %broadcast_in_dim3A_342 = arith.constant 0.000000e+00 : f32
      %broadcast_in_dim3A_343 = vector.broadcast %broadcast_in_dim3A_342 : f32 to vector<16xf32>
      %scan3A_344 = arith.constant 0 : i32
      %scan3A_345 = arith.constant 16 : i32
      %scan3A_346 = arith.addi %scan3A_344, %scan3A_345 : i32
      %scan3A_347 = arith.constant 1 : i32
      %scan3A_348:2 = scf.for %scan3A_474 = %scan3A_344 to %scan3A_346 step %scan3A_347 iter_args(%scan3A_475 = %broadcast_in_dim3A_343, %scan3A_476 = %iota3A) -> (vector<16xf32>, vector<16xi32>)  : i32 {
        %gather3A = tpu.vector_load_idx %arg12[%add3A_341, %scan3A_476] : memref<80x128xf32, #tpu.memory_space<vmem>>[vector<16xi32>, vector<16xi32>], vector<16xf32>,
        %gather3A_477 = tpu.vector_load_idx %arg13[%add3A_341, %scan3A_476] : memref<80x128xf32, #tpu.memory_space<vmem>>[vector<16xi32>, vector<16xi32>], vector<16xf32>,
        %mul3A_478 = arith.mulf %gather3A, %gather3A_477 : vector<16xf32>
        %add3A_479 = arith.addf %scan3A_475, %mul3A_478 : vector<16xf32>
        %add3A_480 = arith.constant 1 : i32
        %add3A_481 = vector.broadcast %add3A_480 : i32 to vector<16xi32>
        %add3A_482 = arith.addi %scan3A_476, %add3A_481 : vector<16xi32>
        %and3A = arith.constant 127 : i32
        %and3A_483 = vector.broadcast %and3A : i32 to vector<16xi32>
        %and3A_484 = arith.andi %add3A_482, %and3A_483 : vector<16xi32>
        %gather3A_485 = tpu.vector_load_idx %arg12[%add3A_341, %and3A_484] : memref<80x128xf32, #tpu.memory_space<vmem>>[vector<16xi32>, vector<16xi32>], vector<16xf32>,
        %gather3A_486 = tpu.vector_load_idx %arg13[%add3A_341, %and3A_484] : memref<80x128xf32, #tpu.memory_space<vmem>>[vector<16xi32>, vector<16xi32>], vector<16xf32>,
        %mul3A_487 = arith.mulf %gather3A_485, %gather3A_486 : vector<16xf32>
        %add3A_488 = arith.addf %add3A_479, %mul3A_487 : vector<16xf32>
        %add3A_489 = arith.constant 1 : i32
        %add3A_490 = vector.broadcast %add3A_489 : i32 to vector<16xi32>
        %add3A_491 = arith.addi %and3A_484, %add3A_490 : vector<16xi32>
        %and3A_492 = arith.constant 127 : i32
        %and3A_493 = vector.broadcast %and3A_492 : i32 to vector<16xi32>
        %and3A_494 = arith.andi %add3A_491, %and3A_493 : vector<16xi32>
        %gather3A_495 = tpu.vector_load_idx %arg12[%add3A_341, %and3A_494] : memref<80x128xf32, #tpu.memory_space<vmem>>[vector<16xi32>, vector<16xi32>], vector<16xf32>,
        %gather3A_496 = tpu.vector_load_idx %arg13[%add3A_341, %and3A_494] : memref<80x128xf32, #tpu.memory_space<vmem>>[vector<16xi32>, vector<16xi32>], vector<16xf32>,
        %mul3A_497 = arith.mulf %gather3A_495, %gather3A_496 : vector<16xf32>
        %add3A_498 = arith.addf %add3A_488, %mul3A_497 : vector<16xf32>
        %add3A_499 = arith.constant 1 : i32
        %add3A_500 = vector.broadcast %add3A_499 : i32 to vector<16xi32>
        %add3A_501 = arith.addi %and3A_494, %add3A_500 : vector<16xi32>
        %and3A_502 = arith.constant 127 : i32
        %and3A_503 = vector.broadcast %and3A_502 : i32 to vector<16xi32>
        %and3A_504 = arith.andi %add3A_501, %and3A_503 : vector<16xi32>
        %gather3A_505 = tpu.vector_load_idx %arg12[%add3A_341, %and3A_504] : memref<80x128xf32, #tpu.memory_space<vmem>>[vector<16xi32>, vector<16xi32>], vector<16xf32>,
        %gather3A_506 = tpu.vector_load_idx %arg13[%add3A_341, %and3A_504] : memref<80x128xf32, #tpu.memory_space<vmem>>[vector<16xi32>, vector<16xi32>], vector<16xf32>,
        %mul3A_507 = arith.mulf %gather3A_505, %gather3A_506 : vector<16xf32>
        %add3A_508 = arith.addf %add3A_498, %mul3A_507 : vector<16xf32>
        %add3A_509 = arith.constant 1 : i32
        %add3A_510 = vector.broadcast %add3A_509 : i32 to vector<16xi32>
        %add3A_511 = arith.addi %and3A_504, %add3A_510 : vector<16xi32>
        %and3A_512 = arith.constant 127 : i32
        %and3A_513 = vector.broadcast %and3A_512 : i32 to vector<16xi32>
        %and3A_514 = arith.andi %add3A_511, %and3A_513 : vector<16xi32>
        %gather3A_515 = tpu.vector_load_idx %arg12[%add3A_341, %and3A_514] : memref<80x128xf32, #tpu.memory_space<vmem>>[vector<16xi32>, vector<16xi32>], vector<16xf32>,
        %gather3A_516 = tpu.vector_load_idx %arg13[%add3A_341, %and3A_514] : memref<80x128xf32, #tpu.memory_space<vmem>>[vector<16xi32>, vector<16xi32>], vector<16xf32>,
        %mul3A_517 = arith.mulf %gather3A_515, %gather3A_516 : vector<16xf32>
        %add3A_518 = arith.addf %add3A_508, %mul3A_517 : vector<16xf32>
        %add3A_519 = arith.constant 1 : i32
        %add3A_520 = vector.broadcast %add3A_519 : i32 to vector<16xi32>
        %add3A_521 = arith.addi %and3A_514, %add3A_520 : vector<16xi32>
        %and3A_522 = arith.constant 127 : i32
        %and3A_523 = vector.broadcast %and3A_522 : i32 to vector<16xi32>
        %and3A_524 = arith.andi %add3A_521, %and3A_523 : vector<16xi32>
        %gather3A_525 = tpu.vector_load_idx %arg12[%add3A_341, %and3A_524] : memref<80x128xf32, #tpu.memory_space<vmem>>[vector<16xi32>, vector<16xi32>], vector<16xf32>,
        %gather3A_526 = tpu.vector_load_idx %arg13[%add3A_341, %and3A_524] : memref<80x128xf32, #tpu.memory_space<vmem>>[vector<16xi32>, vector<16xi32>], vector<16xf32>,
        %mul3A_527 = arith.mulf %gather3A_525, %gather3A_526 : vector<16xf32>
        %add3A_528 = arith.addf %add3A_518, %mul3A_527 : vector<16xf32>
        %add3A_529 = arith.constant 1 : i32
        %add3A_530 = vector.broadcast %add3A_529 : i32 to vector<16xi32>
        %add3A_531 = arith.addi %and3A_524, %add3A_530 : vector<16xi32>
        %and3A_532 = arith.constant 127 : i32
        %and3A_533 = vector.broadcast %and3A_532 : i32 to vector<16xi32>
        %and3A_534 = arith.andi %add3A_531, %and3A_533 : vector<16xi32>
        %gather3A_535 = tpu.vector_load_idx %arg12[%add3A_341, %and3A_534] : memref<80x128xf32, #tpu.memory_space<vmem>>[vector<16xi32>, vector<16xi32>], vector<16xf32>,
        %gather3A_536 = tpu.vector_load_idx %arg13[%add3A_341, %and3A_534] : memref<80x128xf32, #tpu.memory_space<vmem>>[vector<16xi32>, vector<16xi32>], vector<16xf32>,
        %mul3A_537 = arith.mulf %gather3A_535, %gather3A_536 : vector<16xf32>
        %add3A_538 = arith.addf %add3A_528, %mul3A_537 : vector<16xf32>
        %add3A_539 = arith.constant 1 : i32
        %add3A_540 = vector.broadcast %add3A_539 : i32 to vector<16xi32>
        %add3A_541 = arith.addi %and3A_534, %add3A_540 : vector<16xi32>
        %and3A_542 = arith.constant 127 : i32
        %and3A_543 = vector.broadcast %and3A_542 : i32 to vector<16xi32>
        %and3A_544 = arith.andi %add3A_541, %and3A_543 : vector<16xi32>
        %gather3A_545 = tpu.vector_load_idx %arg12[%add3A_341, %and3A_544] : memref<80x128xf32, #tpu.memory_space<vmem>>[vector<16xi32>, vector<16xi32>], vector<16xf32>,
        %gather3A_546 = tpu.vector_load_idx %arg13[%add3A_341, %and3A_544] : memref<80x128xf32, #tpu.memory_space<vmem>>[vector<16xi32>, vector<16xi32>], vector<16xf32>,
        %mul3A_547 = arith.mulf %gather3A_545, %gather3A_546 : vector<16xf32>
        %add3A_548 = arith.addf %add3A_538, %mul3A_547 : vector<16xf32>
        %add3A_549 = arith.constant 1 : i32
        %add3A_550 = vector.broadcast %add3A_549 : i32 to vector<16xi32>
        %add3A_551 = arith.addi %and3A_544, %add3A_550 : vector<16xi32>
        %and3A_552 = arith.constant 127 : i32
        %and3A_553 = vector.broadcast %and3A_552 : i32 to vector<16xi32>
        %and3A_554 = arith.andi %add3A_551, %and3A_553 : vector<16xi32>
        scf.yield %add3A_548, %and3A_554 : vector<16xf32>, vector<16xi32>
      }
      %scan3A_349 = arith.constant 16 : i32
      %swap3A_350 = arith.constant 192 : index
      %swap3A_351 = tpu.vector_load %arg16[%swap3A_350] {strides = array<i32>} : memref<320xf32, #tpu.memory_space<vmem>>, vector<16xf32>,
      tpu.vector_store %arg16[%swap3A_350], %scan3A_348#0 {strides = array<i32>} : memref<320xf32, #tpu.memory_space<vmem>>, vector<16xf32>,
      %add3A_352 = arith.constant 48 : i32
      %add3A_353 = vector.broadcast %add3A_352 : i32 to vector<16xi32>
      %add3A_354 = arith.addi %iota3A, %add3A_353 : vector<16xi32>
      %broadcast_in_dim3A_355 = arith.constant 0.000000e+00 : f32
      %broadcast_in_dim3A_356 = vector.broadcast %broadcast_in_dim3A_355 : f32 to vector<16xf32>
      %scan3A_357 = arith.constant 0 : i32
      %scan3A_358 = arith.constant 16 : i32
      %scan3A_359 = arith.addi %scan3A_357, %scan3A_358 : i32
      %scan3A_360 = arith.constant 1 : i32
      %scan3A_361:2 = scf.for %scan3A_474 = %scan3A_357 to %scan3A_359 step %scan3A_360 iter_args(%scan3A_475 = %broadcast_in_dim3A_356, %scan3A_476 = %iota3A) -> (vector<16xf32>, vector<16xi32>)  : i32 {
        %gather3A = tpu.vector_load_idx %arg12[%add3A_354, %scan3A_476] : memref<80x128xf32, #tpu.memory_space<vmem>>[vector<16xi32>, vector<16xi32>], vector<16xf32>,
        %gather3A_477 = tpu.vector_load_idx %arg13[%add3A_354, %scan3A_476] : memref<80x128xf32, #tpu.memory_space<vmem>>[vector<16xi32>, vector<16xi32>], vector<16xf32>,
        %mul3A_478 = arith.mulf %gather3A, %gather3A_477 : vector<16xf32>
        %add3A_479 = arith.addf %scan3A_475, %mul3A_478 : vector<16xf32>
        %add3A_480 = arith.constant 1 : i32
        %add3A_481 = vector.broadcast %add3A_480 : i32 to vector<16xi32>
        %add3A_482 = arith.addi %scan3A_476, %add3A_481 : vector<16xi32>
        %and3A = arith.constant 127 : i32
        %and3A_483 = vector.broadcast %and3A : i32 to vector<16xi32>
        %and3A_484 = arith.andi %add3A_482, %and3A_483 : vector<16xi32>
        %gather3A_485 = tpu.vector_load_idx %arg12[%add3A_354, %and3A_484] : memref<80x128xf32, #tpu.memory_space<vmem>>[vector<16xi32>, vector<16xi32>], vector<16xf32>,
        %gather3A_486 = tpu.vector_load_idx %arg13[%add3A_354, %and3A_484] : memref<80x128xf32, #tpu.memory_space<vmem>>[vector<16xi32>, vector<16xi32>], vector<16xf32>,
        %mul3A_487 = arith.mulf %gather3A_485, %gather3A_486 : vector<16xf32>
        %add3A_488 = arith.addf %add3A_479, %mul3A_487 : vector<16xf32>
        %add3A_489 = arith.constant 1 : i32
        %add3A_490 = vector.broadcast %add3A_489 : i32 to vector<16xi32>
        %add3A_491 = arith.addi %and3A_484, %add3A_490 : vector<16xi32>
        %and3A_492 = arith.constant 127 : i32
        %and3A_493 = vector.broadcast %and3A_492 : i32 to vector<16xi32>
        %and3A_494 = arith.andi %add3A_491, %and3A_493 : vector<16xi32>
        %gather3A_495 = tpu.vector_load_idx %arg12[%add3A_354, %and3A_494] : memref<80x128xf32, #tpu.memory_space<vmem>>[vector<16xi32>, vector<16xi32>], vector<16xf32>,
        %gather3A_496 = tpu.vector_load_idx %arg13[%add3A_354, %and3A_494] : memref<80x128xf32, #tpu.memory_space<vmem>>[vector<16xi32>, vector<16xi32>], vector<16xf32>,
        %mul3A_497 = arith.mulf %gather3A_495, %gather3A_496 : vector<16xf32>
        %add3A_498 = arith.addf %add3A_488, %mul3A_497 : vector<16xf32>
        %add3A_499 = arith.constant 1 : i32
        %add3A_500 = vector.broadcast %add3A_499 : i32 to vector<16xi32>
        %add3A_501 = arith.addi %and3A_494, %add3A_500 : vector<16xi32>
        %and3A_502 = arith.constant 127 : i32
        %and3A_503 = vector.broadcast %and3A_502 : i32 to vector<16xi32>
        %and3A_504 = arith.andi %add3A_501, %and3A_503 : vector<16xi32>
        %gather3A_505 = tpu.vector_load_idx %arg12[%add3A_354, %and3A_504] : memref<80x128xf32, #tpu.memory_space<vmem>>[vector<16xi32>, vector<16xi32>], vector<16xf32>,
        %gather3A_506 = tpu.vector_load_idx %arg13[%add3A_354, %and3A_504] : memref<80x128xf32, #tpu.memory_space<vmem>>[vector<16xi32>, vector<16xi32>], vector<16xf32>,
        %mul3A_507 = arith.mulf %gather3A_505, %gather3A_506 : vector<16xf32>
        %add3A_508 = arith.addf %add3A_498, %mul3A_507 : vector<16xf32>
        %add3A_509 = arith.constant 1 : i32
        %add3A_510 = vector.broadcast %add3A_509 : i32 to vector<16xi32>
        %add3A_511 = arith.addi %and3A_504, %add3A_510 : vector<16xi32>
        %and3A_512 = arith.constant 127 : i32
        %and3A_513 = vector.broadcast %and3A_512 : i32 to vector<16xi32>
        %and3A_514 = arith.andi %add3A_511, %and3A_513 : vector<16xi32>
        %gather3A_515 = tpu.vector_load_idx %arg12[%add3A_354, %and3A_514] : memref<80x128xf32, #tpu.memory_space<vmem>>[vector<16xi32>, vector<16xi32>], vector<16xf32>,
        %gather3A_516 = tpu.vector_load_idx %arg13[%add3A_354, %and3A_514] : memref<80x128xf32, #tpu.memory_space<vmem>>[vector<16xi32>, vector<16xi32>], vector<16xf32>,
        %mul3A_517 = arith.mulf %gather3A_515, %gather3A_516 : vector<16xf32>
        %add3A_518 = arith.addf %add3A_508, %mul3A_517 : vector<16xf32>
        %add3A_519 = arith.constant 1 : i32
        %add3A_520 = vector.broadcast %add3A_519 : i32 to vector<16xi32>
        %add3A_521 = arith.addi %and3A_514, %add3A_520 : vector<16xi32>
        %and3A_522 = arith.constant 127 : i32
        %and3A_523 = vector.broadcast %and3A_522 : i32 to vector<16xi32>
        %and3A_524 = arith.andi %add3A_521, %and3A_523 : vector<16xi32>
        %gather3A_525 = tpu.vector_load_idx %arg12[%add3A_354, %and3A_524] : memref<80x128xf32, #tpu.memory_space<vmem>>[vector<16xi32>, vector<16xi32>], vector<16xf32>,
        %gather3A_526 = tpu.vector_load_idx %arg13[%add3A_354, %and3A_524] : memref<80x128xf32, #tpu.memory_space<vmem>>[vector<16xi32>, vector<16xi32>], vector<16xf32>,
        %mul3A_527 = arith.mulf %gather3A_525, %gather3A_526 : vector<16xf32>
        %add3A_528 = arith.addf %add3A_518, %mul3A_527 : vector<16xf32>
        %add3A_529 = arith.constant 1 : i32
        %add3A_530 = vector.broadcast %add3A_529 : i32 to vector<16xi32>
        %add3A_531 = arith.addi %and3A_524, %add3A_530 : vector<16xi32>
        %and3A_532 = arith.constant 127 : i32
        %and3A_533 = vector.broadcast %and3A_532 : i32 to vector<16xi32>
        %and3A_534 = arith.andi %add3A_531, %and3A_533 : vector<16xi32>
        %gather3A_535 = tpu.vector_load_idx %arg12[%add3A_354, %and3A_534] : memref<80x128xf32, #tpu.memory_space<vmem>>[vector<16xi32>, vector<16xi32>], vector<16xf32>,
        %gather3A_536 = tpu.vector_load_idx %arg13[%add3A_354, %and3A_534] : memref<80x128xf32, #tpu.memory_space<vmem>>[vector<16xi32>, vector<16xi32>], vector<16xf32>,
        %mul3A_537 = arith.mulf %gather3A_535, %gather3A_536 : vector<16xf32>
        %add3A_538 = arith.addf %add3A_528, %mul3A_537 : vector<16xf32>
        %add3A_539 = arith.constant 1 : i32
        %add3A_540 = vector.broadcast %add3A_539 : i32 to vector<16xi32>
        %add3A_541 = arith.addi %and3A_534, %add3A_540 : vector<16xi32>
        %and3A_542 = arith.constant 127 : i32
        %and3A_543 = vector.broadcast %and3A_542 : i32 to vector<16xi32>
        %and3A_544 = arith.andi %add3A_541, %and3A_543 : vector<16xi32>
        %gather3A_545 = tpu.vector_load_idx %arg12[%add3A_354, %and3A_544] : memref<80x128xf32, #tpu.memory_space<vmem>>[vector<16xi32>, vector<16xi32>], vector<16xf32>,
        %gather3A_546 = tpu.vector_load_idx %arg13[%add3A_354, %and3A_544] : memref<80x128xf32, #tpu.memory_space<vmem>>[vector<16xi32>, vector<16xi32>], vector<16xf32>,
        %mul3A_547 = arith.mulf %gather3A_545, %gather3A_546 : vector<16xf32>
        %add3A_548 = arith.addf %add3A_538, %mul3A_547 : vector<16xf32>
        %add3A_549 = arith.constant 1 : i32
        %add3A_550 = vector.broadcast %add3A_549 : i32 to vector<16xi32>
        %add3A_551 = arith.addi %and3A_544, %add3A_550 : vector<16xi32>
        %and3A_552 = arith.constant 127 : i32
        %and3A_553 = vector.broadcast %and3A_552 : i32 to vector<16xi32>
        %and3A_554 = arith.andi %add3A_551, %and3A_553 : vector<16xi32>
        scf.yield %add3A_548, %and3A_554 : vector<16xf32>, vector<16xi32>
      }
      %scan3A_362 = arith.constant 16 : i32
      %swap3A_363 = arith.constant 208 : index
      %swap3A_364 = tpu.vector_load %arg16[%swap3A_363] {strides = array<i32>} : memref<320xf32, #tpu.memory_space<vmem>>, vector<16xf32>,
      tpu.vector_store %arg16[%swap3A_363], %scan3A_361#0 {strides = array<i32>} : memref<320xf32, #tpu.memory_space<vmem>>, vector<16xf32>,
      %add3A_365 = arith.constant 64 : i32
      %add3A_366 = vector.broadcast %add3A_365 : i32 to vector<16xi32>
      %add3A_367 = arith.addi %iota3A, %add3A_366 : vector<16xi32>
      %broadcast_in_dim3A_368 = arith.constant 0.000000e+00 : f32
      %broadcast_in_dim3A_369 = vector.broadcast %broadcast_in_dim3A_368 : f32 to vector<16xf32>
      %scan3A_370 = arith.constant 0 : i32
      %scan3A_371 = arith.constant 16 : i32
      %scan3A_372 = arith.addi %scan3A_370, %scan3A_371 : i32
      %scan3A_373 = arith.constant 1 : i32
      %scan3A_374:2 = scf.for %scan3A_474 = %scan3A_370 to %scan3A_372 step %scan3A_373 iter_args(%scan3A_475 = %broadcast_in_dim3A_369, %scan3A_476 = %iota3A) -> (vector<16xf32>, vector<16xi32>)  : i32 {
        %gather3A = tpu.vector_load_idx %arg12[%add3A_367, %scan3A_476] : memref<80x128xf32, #tpu.memory_space<vmem>>[vector<16xi32>, vector<16xi32>], vector<16xf32>,
        %gather3A_477 = tpu.vector_load_idx %arg13[%add3A_367, %scan3A_476] : memref<80x128xf32, #tpu.memory_space<vmem>>[vector<16xi32>, vector<16xi32>], vector<16xf32>,
        %mul3A_478 = arith.mulf %gather3A, %gather3A_477 : vector<16xf32>
        %add3A_479 = arith.addf %scan3A_475, %mul3A_478 : vector<16xf32>
        %add3A_480 = arith.constant 1 : i32
        %add3A_481 = vector.broadcast %add3A_480 : i32 to vector<16xi32>
        %add3A_482 = arith.addi %scan3A_476, %add3A_481 : vector<16xi32>
        %and3A = arith.constant 127 : i32
        %and3A_483 = vector.broadcast %and3A : i32 to vector<16xi32>
        %and3A_484 = arith.andi %add3A_482, %and3A_483 : vector<16xi32>
        %gather3A_485 = tpu.vector_load_idx %arg12[%add3A_367, %and3A_484] : memref<80x128xf32, #tpu.memory_space<vmem>>[vector<16xi32>, vector<16xi32>], vector<16xf32>,
        %gather3A_486 = tpu.vector_load_idx %arg13[%add3A_367, %and3A_484] : memref<80x128xf32, #tpu.memory_space<vmem>>[vector<16xi32>, vector<16xi32>], vector<16xf32>,
        %mul3A_487 = arith.mulf %gather3A_485, %gather3A_486 : vector<16xf32>
        %add3A_488 = arith.addf %add3A_479, %mul3A_487 : vector<16xf32>
        %add3A_489 = arith.constant 1 : i32
        %add3A_490 = vector.broadcast %add3A_489 : i32 to vector<16xi32>
        %add3A_491 = arith.addi %and3A_484, %add3A_490 : vector<16xi32>
        %and3A_492 = arith.constant 127 : i32
        %and3A_493 = vector.broadcast %and3A_492 : i32 to vector<16xi32>
        %and3A_494 = arith.andi %add3A_491, %and3A_493 : vector<16xi32>
        %gather3A_495 = tpu.vector_load_idx %arg12[%add3A_367, %and3A_494] : memref<80x128xf32, #tpu.memory_space<vmem>>[vector<16xi32>, vector<16xi32>], vector<16xf32>,
        %gather3A_496 = tpu.vector_load_idx %arg13[%add3A_367, %and3A_494] : memref<80x128xf32, #tpu.memory_space<vmem>>[vector<16xi32>, vector<16xi32>], vector<16xf32>,
        %mul3A_497 = arith.mulf %gather3A_495, %gather3A_496 : vector<16xf32>
        %add3A_498 = arith.addf %add3A_488, %mul3A_497 : vector<16xf32>
        %add3A_499 = arith.constant 1 : i32
        %add3A_500 = vector.broadcast %add3A_499 : i32 to vector<16xi32>
        %add3A_501 = arith.addi %and3A_494, %add3A_500 : vector<16xi32>
        %and3A_502 = arith.constant 127 : i32
        %and3A_503 = vector.broadcast %and3A_502 : i32 to vector<16xi32>
        %and3A_504 = arith.andi %add3A_501, %and3A_503 : vector<16xi32>
        %gather3A_505 = tpu.vector_load_idx %arg12[%add3A_367, %and3A_504] : memref<80x128xf32, #tpu.memory_space<vmem>>[vector<16xi32>, vector<16xi32>], vector<16xf32>,
        %gather3A_506 = tpu.vector_load_idx %arg13[%add3A_367, %and3A_504] : memref<80x128xf32, #tpu.memory_space<vmem>>[vector<16xi32>, vector<16xi32>], vector<16xf32>,
        %mul3A_507 = arith.mulf %gather3A_505, %gather3A_506 : vector<16xf32>
        %add3A_508 = arith.addf %add3A_498, %mul3A_507 : vector<16xf32>
        %add3A_509 = arith.constant 1 : i32
        %add3A_510 = vector.broadcast %add3A_509 : i32 to vector<16xi32>
        %add3A_511 = arith.addi %and3A_504, %add3A_510 : vector<16xi32>
        %and3A_512 = arith.constant 127 : i32
        %and3A_513 = vector.broadcast %and3A_512 : i32 to vector<16xi32>
        %and3A_514 = arith.andi %add3A_511, %and3A_513 : vector<16xi32>
        %gather3A_515 = tpu.vector_load_idx %arg12[%add3A_367, %and3A_514] : memref<80x128xf32, #tpu.memory_space<vmem>>[vector<16xi32>, vector<16xi32>], vector<16xf32>,
        %gather3A_516 = tpu.vector_load_idx %arg13[%add3A_367, %and3A_514] : memref<80x128xf32, #tpu.memory_space<vmem>>[vector<16xi32>, vector<16xi32>], vector<16xf32>,
        %mul3A_517 = arith.mulf %gather3A_515, %gather3A_516 : vector<16xf32>
        %add3A_518 = arith.addf %add3A_508, %mul3A_517 : vector<16xf32>
        %add3A_519 = arith.constant 1 : i32
        %add3A_520 = vector.broadcast %add3A_519 : i32 to vector<16xi32>
        %add3A_521 = arith.addi %and3A_514, %add3A_520 : vector<16xi32>
        %and3A_522 = arith.constant 127 : i32
        %and3A_523 = vector.broadcast %and3A_522 : i32 to vector<16xi32>
        %and3A_524 = arith.andi %add3A_521, %and3A_523 : vector<16xi32>
        %gather3A_525 = tpu.vector_load_idx %arg12[%add3A_367, %and3A_524] : memref<80x128xf32, #tpu.memory_space<vmem>>[vector<16xi32>, vector<16xi32>], vector<16xf32>,
        %gather3A_526 = tpu.vector_load_idx %arg13[%add3A_367, %and3A_524] : memref<80x128xf32, #tpu.memory_space<vmem>>[vector<16xi32>, vector<16xi32>], vector<16xf32>,
        %mul3A_527 = arith.mulf %gather3A_525, %gather3A_526 : vector<16xf32>
        %add3A_528 = arith.addf %add3A_518, %mul3A_527 : vector<16xf32>
        %add3A_529 = arith.constant 1 : i32
        %add3A_530 = vector.broadcast %add3A_529 : i32 to vector<16xi32>
        %add3A_531 = arith.addi %and3A_524, %add3A_530 : vector<16xi32>
        %and3A_532 = arith.constant 127 : i32
        %and3A_533 = vector.broadcast %and3A_532 : i32 to vector<16xi32>
        %and3A_534 = arith.andi %add3A_531, %and3A_533 : vector<16xi32>
        %gather3A_535 = tpu.vector_load_idx %arg12[%add3A_367, %and3A_534] : memref<80x128xf32, #tpu.memory_space<vmem>>[vector<16xi32>, vector<16xi32>], vector<16xf32>,
        %gather3A_536 = tpu.vector_load_idx %arg13[%add3A_367, %and3A_534] : memref<80x128xf32, #tpu.memory_space<vmem>>[vector<16xi32>, vector<16xi32>], vector<16xf32>,
        %mul3A_537 = arith.mulf %gather3A_535, %gather3A_536 : vector<16xf32>
        %add3A_538 = arith.addf %add3A_528, %mul3A_537 : vector<16xf32>
        %add3A_539 = arith.constant 1 : i32
        %add3A_540 = vector.broadcast %add3A_539 : i32 to vector<16xi32>
        %add3A_541 = arith.addi %and3A_534, %add3A_540 : vector<16xi32>
        %and3A_542 = arith.constant 127 : i32
        %and3A_543 = vector.broadcast %and3A_542 : i32 to vector<16xi32>
        %and3A_544 = arith.andi %add3A_541, %and3A_543 : vector<16xi32>
        %gather3A_545 = tpu.vector_load_idx %arg12[%add3A_367, %and3A_544] : memref<80x128xf32, #tpu.memory_space<vmem>>[vector<16xi32>, vector<16xi32>], vector<16xf32>,
        %gather3A_546 = tpu.vector_load_idx %arg13[%add3A_367, %and3A_544] : memref<80x128xf32, #tpu.memory_space<vmem>>[vector<16xi32>, vector<16xi32>], vector<16xf32>,
        %mul3A_547 = arith.mulf %gather3A_545, %gather3A_546 : vector<16xf32>
        %add3A_548 = arith.addf %add3A_538, %mul3A_547 : vector<16xf32>
        %add3A_549 = arith.constant 1 : i32
        %add3A_550 = vector.broadcast %add3A_549 : i32 to vector<16xi32>
        %add3A_551 = arith.addi %and3A_544, %add3A_550 : vector<16xi32>
        %and3A_552 = arith.constant 127 : i32
        %and3A_553 = vector.broadcast %and3A_552 : i32 to vector<16xi32>
        %and3A_554 = arith.andi %add3A_551, %and3A_553 : vector<16xi32>
        scf.yield %add3A_548, %and3A_554 : vector<16xf32>, vector<16xi32>
      }
      %scan3A_375 = arith.constant 16 : i32
      %swap3A_376 = arith.constant 224 : index
      %swap3A_377 = tpu.vector_load %arg16[%swap3A_376] {strides = array<i32>} : memref<320xf32, #tpu.memory_space<vmem>>, vector<16xf32>,
      tpu.vector_store %arg16[%swap3A_376], %scan3A_374#0 {strides = array<i32>} : memref<320xf32, #tpu.memory_space<vmem>>, vector<16xf32>,
      %mul3A_378 = arith.constant 4 : i32
      %mul3A_379 = arith.muli %mul3A_378, %scan3A_113 : i32
      %add3A_380 = arith.constant 3 : i32
      %add3A_381 = arith.addi %mul3A_379, %add3A_380 : i32
      %add3A_382 = arith.constant 4 : i32
      %add3A_383 = arith.addi %add3A_381, %add3A_382 : i32
      %sub3A_384 = arith.constant 1 : i32
      %sub3A_385 = arith.subi %add3A_383, %sub3A_384 : i32
      %lt3A_386 = arith.constant 125 : i32
      %lt3A_387 = arith.cmpi slt, %sub3A_385, %lt3A_386 : i32
      %convert_element_type3A_388 = arith.extui %lt3A_387 : i1 to i32
      %cond3A_389 = arith.constant 0 : i32
      %cond3A_390 = arith.cmpi ne, %convert_element_type3A_388, %cond3A_389 : i32
      scf.if %cond3A_390 {
        %mul3A_474 = arith.constant 80 : i32
        %mul3A_475 = arith.muli %sub3A_385, %mul3A_474 : i32
        %multiple_of3A_476 = tpu.assume_multiple %mul3A_475, 8 : i32
        %dma_start3A_477 = tpu.memref_slice %arg6[%multiple_of3A_476] : memref<10000xi32, #tpu.memory_space<vmem>> -> memref<80xi32, #tpu.memory_space<vmem>>
        %dma_start3A_478 = arith.constant 0 : i32
        %dma_start3A_479 = arith.constant 0 : i32
        %dma_start3A_480 = tpu.memref_slice %arg2[%dma_start3A_478, %dma_start3A_479] : memref<10000x128xf32, #tpu.memory_space<hbm>> -> memref<10000x128xf32, #tpu.memory_space<hbm>>
        tpu.enqueue_indirect_dma source(%dma_start3A_480 : memref<10000x128xf32, #tpu.memory_space<hbm>>) target(%arg12 : memref<80x128xf32, #tpu.memory_space<vmem>>) offsets(%dma_start3A_477 : memref<80xi32, #tpu.memory_space<vmem>>) semaphore(%arg19 : memref<!tpu.dma_semaphore, #tpu.memory_space<semaphore_mem>>)
        %dma_start3A_481 = tpu.memref_slice %arg7[%multiple_of3A_476] : memref<10000xi32, #tpu.memory_space<vmem>> -> memref<80xi32, #tpu.memory_space<vmem>>
        %dma_start3A_482 = arith.constant 0 : i32
        %dma_start3A_483 = arith.constant 0 : i32
        %dma_start3A_484 = tpu.memref_slice %arg2[%dma_start3A_482, %dma_start3A_483] : memref<10000x128xf32, #tpu.memory_space<hbm>> -> memref<10000x128xf32, #tpu.memory_space<hbm>>
        tpu.enqueue_indirect_dma source(%dma_start3A_484 : memref<10000x128xf32, #tpu.memory_space<hbm>>) target(%arg13 : memref<80x128xf32, #tpu.memory_space<vmem>>) offsets(%dma_start3A_481 : memref<80xi32, #tpu.memory_space<vmem>>) semaphore(%arg19 : memref<!tpu.dma_semaphore, #tpu.memory_space<semaphore_mem>>)
      } else {
      }
      %dma_wait3A_391 = arith.constant 0 : i32
      %dma_wait3A_392 = tpu.memref_slice %arg6[%dma_wait3A_391] : memref<10000xi32, #tpu.memory_space<vmem>> -> memref<80xi32, #tpu.memory_space<vmem>>
      %dma_wait3A_393 = arith.constant 0 : i32
      %dma_wait3A_394 = arith.constant 0 : i32
      %dma_wait3A_395 = tpu.memref_slice %arg2[%dma_wait3A_393, %dma_wait3A_394] : memref<10000x128xf32, #tpu.memory_space<hbm>> -> memref<10000x128xf32, #tpu.memory_space<hbm>>
      tpu.wait_indirect_dma semaphore(%arg20 : memref<!tpu.dma_semaphore, #tpu.memory_space<semaphore_mem>>) src(%dma_wait3A_395 : memref<10000x128xf32, #tpu.memory_space<hbm>>) dst(%arg14 : memref<80x128xf32, #tpu.memory_space<vmem>>)
      %dma_wait3A_396 = arith.constant 0 : i32
      %dma_wait3A_397 = tpu.memref_slice %arg7[%dma_wait3A_396] : memref<10000xi32, #tpu.memory_space<vmem>> -> memref<80xi32, #tpu.memory_space<vmem>>
      %dma_wait3A_398 = arith.constant 0 : i32
      %dma_wait3A_399 = arith.constant 0 : i32
      %dma_wait3A_400 = tpu.memref_slice %arg2[%dma_wait3A_398, %dma_wait3A_399] : memref<10000x128xf32, #tpu.memory_space<hbm>> -> memref<10000x128xf32, #tpu.memory_space<hbm>>
      tpu.wait_indirect_dma semaphore(%arg20 : memref<!tpu.dma_semaphore, #tpu.memory_space<semaphore_mem>>) src(%dma_wait3A_400 : memref<10000x128xf32, #tpu.memory_space<hbm>>) dst(%arg15 : memref<80x128xf32, #tpu.memory_space<vmem>>)
      %add3A_401 = arith.constant 0 : i32
      %add3A_402 = vector.broadcast %add3A_401 : i32 to vector<16xi32>
      %add3A_403 = arith.addi %iota3A, %add3A_402 : vector<16xi32>
      %broadcast_in_dim3A_404 = arith.constant 0.000000e+00 : f32
      %broadcast_in_dim3A_405 = vector.broadcast %broadcast_in_dim3A_404 : f32 to vector<16xf32>
      %scan3A_406 = arith.constant 0 : i32
      %scan3A_407 = arith.constant 16 : i32
      %scan3A_408 = arith.addi %scan3A_406, %scan3A_407 : i32
      %scan3A_409 = arith.constant 1 : i32
      %scan3A_410:2 = scf.for %scan3A_474 = %scan3A_406 to %scan3A_408 step %scan3A_409 iter_args(%scan3A_475 = %broadcast_in_dim3A_405, %scan3A_476 = %iota3A) -> (vector<16xf32>, vector<16xi32>)  : i32 {
        %gather3A = tpu.vector_load_idx %arg14[%add3A_403, %scan3A_476] : memref<80x128xf32, #tpu.memory_space<vmem>>[vector<16xi32>, vector<16xi32>], vector<16xf32>,
        %gather3A_477 = tpu.vector_load_idx %arg15[%add3A_403, %scan3A_476] : memref<80x128xf32, #tpu.memory_space<vmem>>[vector<16xi32>, vector<16xi32>], vector<16xf32>,
        %mul3A_478 = arith.mulf %gather3A, %gather3A_477 : vector<16xf32>
        %add3A_479 = arith.addf %scan3A_475, %mul3A_478 : vector<16xf32>
        %add3A_480 = arith.constant 1 : i32
        %add3A_481 = vector.broadcast %add3A_480 : i32 to vector<16xi32>
        %add3A_482 = arith.addi %scan3A_476, %add3A_481 : vector<16xi32>
        %and3A = arith.constant 127 : i32
        %and3A_483 = vector.broadcast %and3A : i32 to vector<16xi32>
        %and3A_484 = arith.andi %add3A_482, %and3A_483 : vector<16xi32>
        %gather3A_485 = tpu.vector_load_idx %arg14[%add3A_403, %and3A_484] : memref<80x128xf32, #tpu.memory_space<vmem>>[vector<16xi32>, vector<16xi32>], vector<16xf32>,
        %gather3A_486 = tpu.vector_load_idx %arg15[%add3A_403, %and3A_484] : memref<80x128xf32, #tpu.memory_space<vmem>>[vector<16xi32>, vector<16xi32>], vector<16xf32>,
        %mul3A_487 = arith.mulf %gather3A_485, %gather3A_486 : vector<16xf32>
        %add3A_488 = arith.addf %add3A_479, %mul3A_487 : vector<16xf32>
        %add3A_489 = arith.constant 1 : i32
        %add3A_490 = vector.broadcast %add3A_489 : i32 to vector<16xi32>
        %add3A_491 = arith.addi %and3A_484, %add3A_490 : vector<16xi32>
        %and3A_492 = arith.constant 127 : i32
        %and3A_493 = vector.broadcast %and3A_492 : i32 to vector<16xi32>
        %and3A_494 = arith.andi %add3A_491, %and3A_493 : vector<16xi32>
        %gather3A_495 = tpu.vector_load_idx %arg14[%add3A_403, %and3A_494] : memref<80x128xf32, #tpu.memory_space<vmem>>[vector<16xi32>, vector<16xi32>], vector<16xf32>,
        %gather3A_496 = tpu.vector_load_idx %arg15[%add3A_403, %and3A_494] : memref<80x128xf32, #tpu.memory_space<vmem>>[vector<16xi32>, vector<16xi32>], vector<16xf32>,
        %mul3A_497 = arith.mulf %gather3A_495, %gather3A_496 : vector<16xf32>
        %add3A_498 = arith.addf %add3A_488, %mul3A_497 : vector<16xf32>
        %add3A_499 = arith.constant 1 : i32
        %add3A_500 = vector.broadcast %add3A_499 : i32 to vector<16xi32>
        %add3A_501 = arith.addi %and3A_494, %add3A_500 : vector<16xi32>
        %and3A_502 = arith.constant 127 : i32
        %and3A_503 = vector.broadcast %and3A_502 : i32 to vector<16xi32>
        %and3A_504 = arith.andi %add3A_501, %and3A_503 : vector<16xi32>
        %gather3A_505 = tpu.vector_load_idx %arg14[%add3A_403, %and3A_504] : memref<80x128xf32, #tpu.memory_space<vmem>>[vector<16xi32>, vector<16xi32>], vector<16xf32>,
        %gather3A_506 = tpu.vector_load_idx %arg15[%add3A_403, %and3A_504] : memref<80x128xf32, #tpu.memory_space<vmem>>[vector<16xi32>, vector<16xi32>], vector<16xf32>,
        %mul3A_507 = arith.mulf %gather3A_505, %gather3A_506 : vector<16xf32>
        %add3A_508 = arith.addf %add3A_498, %mul3A_507 : vector<16xf32>
        %add3A_509 = arith.constant 1 : i32
        %add3A_510 = vector.broadcast %add3A_509 : i32 to vector<16xi32>
        %add3A_511 = arith.addi %and3A_504, %add3A_510 : vector<16xi32>
        %and3A_512 = arith.constant 127 : i32
        %and3A_513 = vector.broadcast %and3A_512 : i32 to vector<16xi32>
        %and3A_514 = arith.andi %add3A_511, %and3A_513 : vector<16xi32>
        %gather3A_515 = tpu.vector_load_idx %arg14[%add3A_403, %and3A_514] : memref<80x128xf32, #tpu.memory_space<vmem>>[vector<16xi32>, vector<16xi32>], vector<16xf32>,
        %gather3A_516 = tpu.vector_load_idx %arg15[%add3A_403, %and3A_514] : memref<80x128xf32, #tpu.memory_space<vmem>>[vector<16xi32>, vector<16xi32>], vector<16xf32>,
        %mul3A_517 = arith.mulf %gather3A_515, %gather3A_516 : vector<16xf32>
        %add3A_518 = arith.addf %add3A_508, %mul3A_517 : vector<16xf32>
        %add3A_519 = arith.constant 1 : i32
        %add3A_520 = vector.broadcast %add3A_519 : i32 to vector<16xi32>
        %add3A_521 = arith.addi %and3A_514, %add3A_520 : vector<16xi32>
        %and3A_522 = arith.constant 127 : i32
        %and3A_523 = vector.broadcast %and3A_522 : i32 to vector<16xi32>
        %and3A_524 = arith.andi %add3A_521, %and3A_523 : vector<16xi32>
        %gather3A_525 = tpu.vector_load_idx %arg14[%add3A_403, %and3A_524] : memref<80x128xf32, #tpu.memory_space<vmem>>[vector<16xi32>, vector<16xi32>], vector<16xf32>,
        %gather3A_526 = tpu.vector_load_idx %arg15[%add3A_403, %and3A_524] : memref<80x128xf32, #tpu.memory_space<vmem>>[vector<16xi32>, vector<16xi32>], vector<16xf32>,
        %mul3A_527 = arith.mulf %gather3A_525, %gather3A_526 : vector<16xf32>
        %add3A_528 = arith.addf %add3A_518, %mul3A_527 : vector<16xf32>
        %add3A_529 = arith.constant 1 : i32
        %add3A_530 = vector.broadcast %add3A_529 : i32 to vector<16xi32>
        %add3A_531 = arith.addi %and3A_524, %add3A_530 : vector<16xi32>
        %and3A_532 = arith.constant 127 : i32
        %and3A_533 = vector.broadcast %and3A_532 : i32 to vector<16xi32>
        %and3A_534 = arith.andi %add3A_531, %and3A_533 : vector<16xi32>
        %gather3A_535 = tpu.vector_load_idx %arg14[%add3A_403, %and3A_534] : memref<80x128xf32, #tpu.memory_space<vmem>>[vector<16xi32>, vector<16xi32>], vector<16xf32>,
        %gather3A_536 = tpu.vector_load_idx %arg15[%add3A_403, %and3A_534] : memref<80x128xf32, #tpu.memory_space<vmem>>[vector<16xi32>, vector<16xi32>], vector<16xf32>,
        %mul3A_537 = arith.mulf %gather3A_535, %gather3A_536 : vector<16xf32>
        %add3A_538 = arith.addf %add3A_528, %mul3A_537 : vector<16xf32>
        %add3A_539 = arith.constant 1 : i32
        %add3A_540 = vector.broadcast %add3A_539 : i32 to vector<16xi32>
        %add3A_541 = arith.addi %and3A_534, %add3A_540 : vector<16xi32>
        %and3A_542 = arith.constant 127 : i32
        %and3A_543 = vector.broadcast %and3A_542 : i32 to vector<16xi32>
        %and3A_544 = arith.andi %add3A_541, %and3A_543 : vector<16xi32>
        %gather3A_545 = tpu.vector_load_idx %arg14[%add3A_403, %and3A_544] : memref<80x128xf32, #tpu.memory_space<vmem>>[vector<16xi32>, vector<16xi32>], vector<16xf32>,
        %gather3A_546 = tpu.vector_load_idx %arg15[%add3A_403, %and3A_544] : memref<80x128xf32, #tpu.memory_space<vmem>>[vector<16xi32>, vector<16xi32>], vector<16xf32>,
        %mul3A_547 = arith.mulf %gather3A_545, %gather3A_546 : vector<16xf32>
        %add3A_548 = arith.addf %add3A_538, %mul3A_547 : vector<16xf32>
        %add3A_549 = arith.constant 1 : i32
        %add3A_550 = vector.broadcast %add3A_549 : i32 to vector<16xi32>
        %add3A_551 = arith.addi %and3A_544, %add3A_550 : vector<16xi32>
        %and3A_552 = arith.constant 127 : i32
        %and3A_553 = vector.broadcast %and3A_552 : i32 to vector<16xi32>
        %and3A_554 = arith.andi %add3A_551, %and3A_553 : vector<16xi32>
        scf.yield %add3A_548, %and3A_554 : vector<16xf32>, vector<16xi32>
      }
      %scan3A_411 = arith.constant 16 : i32
      %swap3A_412 = arith.constant 240 : index
      %swap3A_413 = tpu.vector_load %arg16[%swap3A_412] {strides = array<i32>} : memref<320xf32, #tpu.memory_space<vmem>>, vector<16xf32>,
      tpu.vector_store %arg16[%swap3A_412], %scan3A_410#0 {strides = array<i32>} : memref<320xf32, #tpu.memory_space<vmem>>, vector<16xf32>,
      %add3A_414 = arith.constant 16 : i32
      %add3A_415 = vector.broadcast %add3A_414 : i32 to vector<16xi32>
      %add3A_416 = arith.addi %iota3A, %add3A_415 : vector<16xi32>
      %broadcast_in_dim3A_417 = arith.constant 0.000000e+00 : f32
      %broadcast_in_dim3A_418 = vector.broadcast %broadcast_in_dim3A_417 : f32 to vector<16xf32>
      %scan3A_419 = arith.constant 0 : i32
      %scan3A_420 = arith.constant 16 : i32
      %scan3A_421 = arith.addi %scan3A_419, %scan3A_420 : i32
      %scan3A_422 = arith.constant 1 : i32
      %scan3A_423:2 = scf.for %scan3A_474 = %scan3A_419 to %scan3A_421 step %scan3A_422 iter_args(%scan3A_475 = %broadcast_in_dim3A_418, %scan3A_476 = %iota3A) -> (vector<16xf32>, vector<16xi32>)  : i32 {
        %gather3A = tpu.vector_load_idx %arg14[%add3A_416, %scan3A_476] : memref<80x128xf32, #tpu.memory_space<vmem>>[vector<16xi32>, vector<16xi32>], vector<16xf32>,
        %gather3A_477 = tpu.vector_load_idx %arg15[%add3A_416, %scan3A_476] : memref<80x128xf32, #tpu.memory_space<vmem>>[vector<16xi32>, vector<16xi32>], vector<16xf32>,
        %mul3A_478 = arith.mulf %gather3A, %gather3A_477 : vector<16xf32>
        %add3A_479 = arith.addf %scan3A_475, %mul3A_478 : vector<16xf32>
        %add3A_480 = arith.constant 1 : i32
        %add3A_481 = vector.broadcast %add3A_480 : i32 to vector<16xi32>
        %add3A_482 = arith.addi %scan3A_476, %add3A_481 : vector<16xi32>
        %and3A = arith.constant 127 : i32
        %and3A_483 = vector.broadcast %and3A : i32 to vector<16xi32>
        %and3A_484 = arith.andi %add3A_482, %and3A_483 : vector<16xi32>
        %gather3A_485 = tpu.vector_load_idx %arg14[%add3A_416, %and3A_484] : memref<80x128xf32, #tpu.memory_space<vmem>>[vector<16xi32>, vector<16xi32>], vector<16xf32>,
        %gather3A_486 = tpu.vector_load_idx %arg15[%add3A_416, %and3A_484] : memref<80x128xf32, #tpu.memory_space<vmem>>[vector<16xi32>, vector<16xi32>], vector<16xf32>,
        %mul3A_487 = arith.mulf %gather3A_485, %gather3A_486 : vector<16xf32>
        %add3A_488 = arith.addf %add3A_479, %mul3A_487 : vector<16xf32>
        %add3A_489 = arith.constant 1 : i32
        %add3A_490 = vector.broadcast %add3A_489 : i32 to vector<16xi32>
        %add3A_491 = arith.addi %and3A_484, %add3A_490 : vector<16xi32>
        %and3A_492 = arith.constant 127 : i32
        %and3A_493 = vector.broadcast %and3A_492 : i32 to vector<16xi32>
        %and3A_494 = arith.andi %add3A_491, %and3A_493 : vector<16xi32>
        %gather3A_495 = tpu.vector_load_idx %arg14[%add3A_416, %and3A_494] : memref<80x128xf32, #tpu.memory_space<vmem>>[vector<16xi32>, vector<16xi32>], vector<16xf32>,
        %gather3A_496 = tpu.vector_load_idx %arg15[%add3A_416, %and3A_494] : memref<80x128xf32, #tpu.memory_space<vmem>>[vector<16xi32>, vector<16xi32>], vector<16xf32>,
        %mul3A_497 = arith.mulf %gather3A_495, %gather3A_496 : vector<16xf32>
        %add3A_498 = arith.addf %add3A_488, %mul3A_497 : vector<16xf32>
        %add3A_499 = arith.constant 1 : i32
        %add3A_500 = vector.broadcast %add3A_499 : i32 to vector<16xi32>
        %add3A_501 = arith.addi %and3A_494, %add3A_500 : vector<16xi32>
        %and3A_502 = arith.constant 127 : i32
        %and3A_503 = vector.broadcast %and3A_502 : i32 to vector<16xi32>
        %and3A_504 = arith.andi %add3A_501, %and3A_503 : vector<16xi32>
        %gather3A_505 = tpu.vector_load_idx %arg14[%add3A_416, %and3A_504] : memref<80x128xf32, #tpu.memory_space<vmem>>[vector<16xi32>, vector<16xi32>], vector<16xf32>,
        %gather3A_506 = tpu.vector_load_idx %arg15[%add3A_416, %and3A_504] : memref<80x128xf32, #tpu.memory_space<vmem>>[vector<16xi32>, vector<16xi32>], vector<16xf32>,
        %mul3A_507 = arith.mulf %gather3A_505, %gather3A_506 : vector<16xf32>
        %add3A_508 = arith.addf %add3A_498, %mul3A_507 : vector<16xf32>
        %add3A_509 = arith.constant 1 : i32
        %add3A_510 = vector.broadcast %add3A_509 : i32 to vector<16xi32>
        %add3A_511 = arith.addi %and3A_504, %add3A_510 : vector<16xi32>
        %and3A_512 = arith.constant 127 : i32
        %and3A_513 = vector.broadcast %and3A_512 : i32 to vector<16xi32>
        %and3A_514 = arith.andi %add3A_511, %and3A_513 : vector<16xi32>
        %gather3A_515 = tpu.vector_load_idx %arg14[%add3A_416, %and3A_514] : memref<80x128xf32, #tpu.memory_space<vmem>>[vector<16xi32>, vector<16xi32>], vector<16xf32>,
        %gather3A_516 = tpu.vector_load_idx %arg15[%add3A_416, %and3A_514] : memref<80x128xf32, #tpu.memory_space<vmem>>[vector<16xi32>, vector<16xi32>], vector<16xf32>,
        %mul3A_517 = arith.mulf %gather3A_515, %gather3A_516 : vector<16xf32>
        %add3A_518 = arith.addf %add3A_508, %mul3A_517 : vector<16xf32>
        %add3A_519 = arith.constant 1 : i32
        %add3A_520 = vector.broadcast %add3A_519 : i32 to vector<16xi32>
        %add3A_521 = arith.addi %and3A_514, %add3A_520 : vector<16xi32>
        %and3A_522 = arith.constant 127 : i32
        %and3A_523 = vector.broadcast %and3A_522 : i32 to vector<16xi32>
        %and3A_524 = arith.andi %add3A_521, %and3A_523 : vector<16xi32>
        %gather3A_525 = tpu.vector_load_idx %arg14[%add3A_416, %and3A_524] : memref<80x128xf32, #tpu.memory_space<vmem>>[vector<16xi32>, vector<16xi32>], vector<16xf32>,
        %gather3A_526 = tpu.vector_load_idx %arg15[%add3A_416, %and3A_524] : memref<80x128xf32, #tpu.memory_space<vmem>>[vector<16xi32>, vector<16xi32>], vector<16xf32>,
        %mul3A_527 = arith.mulf %gather3A_525, %gather3A_526 : vector<16xf32>
        %add3A_528 = arith.addf %add3A_518, %mul3A_527 : vector<16xf32>
        %add3A_529 = arith.constant 1 : i32
        %add3A_530 = vector.broadcast %add3A_529 : i32 to vector<16xi32>
        %add3A_531 = arith.addi %and3A_524, %add3A_530 : vector<16xi32>
        %and3A_532 = arith.constant 127 : i32
        %and3A_533 = vector.broadcast %and3A_532 : i32 to vector<16xi32>
        %and3A_534 = arith.andi %add3A_531, %and3A_533 : vector<16xi32>
        %gather3A_535 = tpu.vector_load_idx %arg14[%add3A_416, %and3A_534] : memref<80x128xf32, #tpu.memory_space<vmem>>[vector<16xi32>, vector<16xi32>], vector<16xf32>,
        %gather3A_536 = tpu.vector_load_idx %arg15[%add3A_416, %and3A_534] : memref<80x128xf32, #tpu.memory_space<vmem>>[vector<16xi32>, vector<16xi32>], vector<16xf32>,
        %mul3A_537 = arith.mulf %gather3A_535, %gather3A_536 : vector<16xf32>
        %add3A_538 = arith.addf %add3A_528, %mul3A_537 : vector<16xf32>
        %add3A_539 = arith.constant 1 : i32
        %add3A_540 = vector.broadcast %add3A_539 : i32 to vector<16xi32>
        %add3A_541 = arith.addi %and3A_534, %add3A_540 : vector<16xi32>
        %and3A_542 = arith.constant 127 : i32
        %and3A_543 = vector.broadcast %and3A_542 : i32 to vector<16xi32>
        %and3A_544 = arith.andi %add3A_541, %and3A_543 : vector<16xi32>
        %gather3A_545 = tpu.vector_load_idx %arg14[%add3A_416, %and3A_544] : memref<80x128xf32, #tpu.memory_space<vmem>>[vector<16xi32>, vector<16xi32>], vector<16xf32>,
        %gather3A_546 = tpu.vector_load_idx %arg15[%add3A_416, %and3A_544] : memref<80x128xf32, #tpu.memory_space<vmem>>[vector<16xi32>, vector<16xi32>], vector<16xf32>,
        %mul3A_547 = arith.mulf %gather3A_545, %gather3A_546 : vector<16xf32>
        %add3A_548 = arith.addf %add3A_538, %mul3A_547 : vector<16xf32>
        %add3A_549 = arith.constant 1 : i32
        %add3A_550 = vector.broadcast %add3A_549 : i32 to vector<16xi32>
        %add3A_551 = arith.addi %and3A_544, %add3A_550 : vector<16xi32>
        %and3A_552 = arith.constant 127 : i32
        %and3A_553 = vector.broadcast %and3A_552 : i32 to vector<16xi32>
        %and3A_554 = arith.andi %add3A_551, %and3A_553 : vector<16xi32>
        scf.yield %add3A_548, %and3A_554 : vector<16xf32>, vector<16xi32>
      }
      %scan3A_424 = arith.constant 16 : i32
      %swap3A_425 = arith.constant 256 : index
      %swap3A_426 = tpu.vector_load %arg16[%swap3A_425] {strides = array<i32>} : memref<320xf32, #tpu.memory_space<vmem>>, vector<16xf32>,
      tpu.vector_store %arg16[%swap3A_425], %scan3A_423#0 {strides = array<i32>} : memref<320xf32, #tpu.memory_space<vmem>>, vector<16xf32>,
      %add3A_427 = arith.constant 32 : i32
      %add3A_428 = vector.broadcast %add3A_427 : i32 to vector<16xi32>
      %add3A_429 = arith.addi %iota3A, %add3A_428 : vector<16xi32>
      %broadcast_in_dim3A_430 = arith.constant 0.000000e+00 : f32
      %broadcast_in_dim3A_431 = vector.broadcast %broadcast_in_dim3A_430 : f32 to vector<16xf32>
      %scan3A_432 = arith.constant 0 : i32
      %scan3A_433 = arith.constant 16 : i32
      %scan3A_434 = arith.addi %scan3A_432, %scan3A_433 : i32
      %scan3A_435 = arith.constant 1 : i32
      %scan3A_436:2 = scf.for %scan3A_474 = %scan3A_432 to %scan3A_434 step %scan3A_435 iter_args(%scan3A_475 = %broadcast_in_dim3A_431, %scan3A_476 = %iota3A) -> (vector<16xf32>, vector<16xi32>)  : i32 {
        %gather3A = tpu.vector_load_idx %arg14[%add3A_429, %scan3A_476] : memref<80x128xf32, #tpu.memory_space<vmem>>[vector<16xi32>, vector<16xi32>], vector<16xf32>,
        %gather3A_477 = tpu.vector_load_idx %arg15[%add3A_429, %scan3A_476] : memref<80x128xf32, #tpu.memory_space<vmem>>[vector<16xi32>, vector<16xi32>], vector<16xf32>,
        %mul3A_478 = arith.mulf %gather3A, %gather3A_477 : vector<16xf32>
        %add3A_479 = arith.addf %scan3A_475, %mul3A_478 : vector<16xf32>
        %add3A_480 = arith.constant 1 : i32
        %add3A_481 = vector.broadcast %add3A_480 : i32 to vector<16xi32>
        %add3A_482 = arith.addi %scan3A_476, %add3A_481 : vector<16xi32>
        %and3A = arith.constant 127 : i32
        %and3A_483 = vector.broadcast %and3A : i32 to vector<16xi32>
        %and3A_484 = arith.andi %add3A_482, %and3A_483 : vector<16xi32>
        %gather3A_485 = tpu.vector_load_idx %arg14[%add3A_429, %and3A_484] : memref<80x128xf32, #tpu.memory_space<vmem>>[vector<16xi32>, vector<16xi32>], vector<16xf32>,
        %gather3A_486 = tpu.vector_load_idx %arg15[%add3A_429, %and3A_484] : memref<80x128xf32, #tpu.memory_space<vmem>>[vector<16xi32>, vector<16xi32>], vector<16xf32>,
        %mul3A_487 = arith.mulf %gather3A_485, %gather3A_486 : vector<16xf32>
        %add3A_488 = arith.addf %add3A_479, %mul3A_487 : vector<16xf32>
        %add3A_489 = arith.constant 1 : i32
        %add3A_490 = vector.broadcast %add3A_489 : i32 to vector<16xi32>
        %add3A_491 = arith.addi %and3A_484, %add3A_490 : vector<16xi32>
        %and3A_492 = arith.constant 127 : i32
        %and3A_493 = vector.broadcast %and3A_492 : i32 to vector<16xi32>
        %and3A_494 = arith.andi %add3A_491, %and3A_493 : vector<16xi32>
        %gather3A_495 = tpu.vector_load_idx %arg14[%add3A_429, %and3A_494] : memref<80x128xf32, #tpu.memory_space<vmem>>[vector<16xi32>, vector<16xi32>], vector<16xf32>,
        %gather3A_496 = tpu.vector_load_idx %arg15[%add3A_429, %and3A_494] : memref<80x128xf32, #tpu.memory_space<vmem>>[vector<16xi32>, vector<16xi32>], vector<16xf32>,
        %mul3A_497 = arith.mulf %gather3A_495, %gather3A_496 : vector<16xf32>
        %add3A_498 = arith.addf %add3A_488, %mul3A_497 : vector<16xf32>
        %add3A_499 = arith.constant 1 : i32
        %add3A_500 = vector.broadcast %add3A_499 : i32 to vector<16xi32>
        %add3A_501 = arith.addi %and3A_494, %add3A_500 : vector<16xi32>
        %and3A_502 = arith.constant 127 : i32
        %and3A_503 = vector.broadcast %and3A_502 : i32 to vector<16xi32>
        %and3A_504 = arith.andi %add3A_501, %and3A_503 : vector<16xi32>
        %gather3A_505 = tpu.vector_load_idx %arg14[%add3A_429, %and3A_504] : memref<80x128xf32, #tpu.memory_space<vmem>>[vector<16xi32>, vector<16xi32>], vector<16xf32>,
        %gather3A_506 = tpu.vector_load_idx %arg15[%add3A_429, %and3A_504] : memref<80x128xf32, #tpu.memory_space<vmem>>[vector<16xi32>, vector<16xi32>], vector<16xf32>,
        %mul3A_507 = arith.mulf %gather3A_505, %gather3A_506 : vector<16xf32>
        %add3A_508 = arith.addf %add3A_498, %mul3A_507 : vector<16xf32>
        %add3A_509 = arith.constant 1 : i32
        %add3A_510 = vector.broadcast %add3A_509 : i32 to vector<16xi32>
        %add3A_511 = arith.addi %and3A_504, %add3A_510 : vector<16xi32>
        %and3A_512 = arith.constant 127 : i32
        %and3A_513 = vector.broadcast %and3A_512 : i32 to vector<16xi32>
        %and3A_514 = arith.andi %add3A_511, %and3A_513 : vector<16xi32>
        %gather3A_515 = tpu.vector_load_idx %arg14[%add3A_429, %and3A_514] : memref<80x128xf32, #tpu.memory_space<vmem>>[vector<16xi32>, vector<16xi32>], vector<16xf32>,
        %gather3A_516 = tpu.vector_load_idx %arg15[%add3A_429, %and3A_514] : memref<80x128xf32, #tpu.memory_space<vmem>>[vector<16xi32>, vector<16xi32>], vector<16xf32>,
        %mul3A_517 = arith.mulf %gather3A_515, %gather3A_516 : vector<16xf32>
        %add3A_518 = arith.addf %add3A_508, %mul3A_517 : vector<16xf32>
        %add3A_519 = arith.constant 1 : i32
        %add3A_520 = vector.broadcast %add3A_519 : i32 to vector<16xi32>
        %add3A_521 = arith.addi %and3A_514, %add3A_520 : vector<16xi32>
        %and3A_522 = arith.constant 127 : i32
        %and3A_523 = vector.broadcast %and3A_522 : i32 to vector<16xi32>
        %and3A_524 = arith.andi %add3A_521, %and3A_523 : vector<16xi32>
        %gather3A_525 = tpu.vector_load_idx %arg14[%add3A_429, %and3A_524] : memref<80x128xf32, #tpu.memory_space<vmem>>[vector<16xi32>, vector<16xi32>], vector<16xf32>,
        %gather3A_526 = tpu.vector_load_idx %arg15[%add3A_429, %and3A_524] : memref<80x128xf32, #tpu.memory_space<vmem>>[vector<16xi32>, vector<16xi32>], vector<16xf32>,
        %mul3A_527 = arith.mulf %gather3A_525, %gather3A_526 : vector<16xf32>
        %add3A_528 = arith.addf %add3A_518, %mul3A_527 : vector<16xf32>
        %add3A_529 = arith.constant 1 : i32
        %add3A_530 = vector.broadcast %add3A_529 : i32 to vector<16xi32>
        %add3A_531 = arith.addi %and3A_524, %add3A_530 : vector<16xi32>
        %and3A_532 = arith.constant 127 : i32
        %and3A_533 = vector.broadcast %and3A_532 : i32 to vector<16xi32>
        %and3A_534 = arith.andi %add3A_531, %and3A_533 : vector<16xi32>
        %gather3A_535 = tpu.vector_load_idx %arg14[%add3A_429, %and3A_534] : memref<80x128xf32, #tpu.memory_space<vmem>>[vector<16xi32>, vector<16xi32>], vector<16xf32>,
        %gather3A_536 = tpu.vector_load_idx %arg15[%add3A_429, %and3A_534] : memref<80x128xf32, #tpu.memory_space<vmem>>[vector<16xi32>, vector<16xi32>], vector<16xf32>,
        %mul3A_537 = arith.mulf %gather3A_535, %gather3A_536 : vector<16xf32>
        %add3A_538 = arith.addf %add3A_528, %mul3A_537 : vector<16xf32>
        %add3A_539 = arith.constant 1 : i32
        %add3A_540 = vector.broadcast %add3A_539 : i32 to vector<16xi32>
        %add3A_541 = arith.addi %and3A_534, %add3A_540 : vector<16xi32>
        %and3A_542 = arith.constant 127 : i32
        %and3A_543 = vector.broadcast %and3A_542 : i32 to vector<16xi32>
        %and3A_544 = arith.andi %add3A_541, %and3A_543 : vector<16xi32>
        %gather3A_545 = tpu.vector_load_idx %arg14[%add3A_429, %and3A_544] : memref<80x128xf32, #tpu.memory_space<vmem>>[vector<16xi32>, vector<16xi32>], vector<16xf32>,
        %gather3A_546 = tpu.vector_load_idx %arg15[%add3A_429, %and3A_544] : memref<80x128xf32, #tpu.memory_space<vmem>>[vector<16xi32>, vector<16xi32>], vector<16xf32>,
        %mul3A_547 = arith.mulf %gather3A_545, %gather3A_546 : vector<16xf32>
        %add3A_548 = arith.addf %add3A_538, %mul3A_547 : vector<16xf32>
        %add3A_549 = arith.constant 1 : i32
        %add3A_550 = vector.broadcast %add3A_549 : i32 to vector<16xi32>
        %add3A_551 = arith.addi %and3A_544, %add3A_550 : vector<16xi32>
        %and3A_552 = arith.constant 127 : i32
        %and3A_553 = vector.broadcast %and3A_552 : i32 to vector<16xi32>
        %and3A_554 = arith.andi %add3A_551, %and3A_553 : vector<16xi32>
        scf.yield %add3A_548, %and3A_554 : vector<16xf32>, vector<16xi32>
      }
      %scan3A_437 = arith.constant 16 : i32
      %swap3A_438 = arith.constant 272 : index
      %swap3A_439 = tpu.vector_load %arg16[%swap3A_438] {strides = array<i32>} : memref<320xf32, #tpu.memory_space<vmem>>, vector<16xf32>,
      tpu.vector_store %arg16[%swap3A_438], %scan3A_436#0 {strides = array<i32>} : memref<320xf32, #tpu.memory_space<vmem>>, vector<16xf32>,
      %add3A_440 = arith.constant 48 : i32
      %add3A_441 = vector.broadcast %add3A_440 : i32 to vector<16xi32>
      %add3A_442 = arith.addi %iota3A, %add3A_441 : vector<16xi32>
      %broadcast_in_dim3A_443 = arith.constant 0.000000e+00 : f32
      %broadcast_in_dim3A_444 = vector.broadcast %broadcast_in_dim3A_443 : f32 to vector<16xf32>
      %scan3A_445 = arith.constant 0 : i32
      %scan3A_446 = arith.constant 16 : i32
      %scan3A_447 = arith.addi %scan3A_445, %scan3A_446 : i32
      %scan3A_448 = arith.constant 1 : i32
      %scan3A_449:2 = scf.for %scan3A_474 = %scan3A_445 to %scan3A_447 step %scan3A_448 iter_args(%scan3A_475 = %broadcast_in_dim3A_444, %scan3A_476 = %iota3A) -> (vector<16xf32>, vector<16xi32>)  : i32 {
        %gather3A = tpu.vector_load_idx %arg14[%add3A_442, %scan3A_476] : memref<80x128xf32, #tpu.memory_space<vmem>>[vector<16xi32>, vector<16xi32>], vector<16xf32>,
        %gather3A_477 = tpu.vector_load_idx %arg15[%add3A_442, %scan3A_476] : memref<80x128xf32, #tpu.memory_space<vmem>>[vector<16xi32>, vector<16xi32>], vector<16xf32>,
        %mul3A_478 = arith.mulf %gather3A, %gather3A_477 : vector<16xf32>
        %add3A_479 = arith.addf %scan3A_475, %mul3A_478 : vector<16xf32>
        %add3A_480 = arith.constant 1 : i32
        %add3A_481 = vector.broadcast %add3A_480 : i32 to vector<16xi32>
        %add3A_482 = arith.addi %scan3A_476, %add3A_481 : vector<16xi32>
        %and3A = arith.constant 127 : i32
        %and3A_483 = vector.broadcast %and3A : i32 to vector<16xi32>
        %and3A_484 = arith.andi %add3A_482, %and3A_483 : vector<16xi32>
        %gather3A_485 = tpu.vector_load_idx %arg14[%add3A_442, %and3A_484] : memref<80x128xf32, #tpu.memory_space<vmem>>[vector<16xi32>, vector<16xi32>], vector<16xf32>,
        %gather3A_486 = tpu.vector_load_idx %arg15[%add3A_442, %and3A_484] : memref<80x128xf32, #tpu.memory_space<vmem>>[vector<16xi32>, vector<16xi32>], vector<16xf32>,
        %mul3A_487 = arith.mulf %gather3A_485, %gather3A_486 : vector<16xf32>
        %add3A_488 = arith.addf %add3A_479, %mul3A_487 : vector<16xf32>
        %add3A_489 = arith.constant 1 : i32
        %add3A_490 = vector.broadcast %add3A_489 : i32 to vector<16xi32>
        %add3A_491 = arith.addi %and3A_484, %add3A_490 : vector<16xi32>
        %and3A_492 = arith.constant 127 : i32
        %and3A_493 = vector.broadcast %and3A_492 : i32 to vector<16xi32>
        %and3A_494 = arith.andi %add3A_491, %and3A_493 : vector<16xi32>
        %gather3A_495 = tpu.vector_load_idx %arg14[%add3A_442, %and3A_494] : memref<80x128xf32, #tpu.memory_space<vmem>>[vector<16xi32>, vector<16xi32>], vector<16xf32>,
        %gather3A_496 = tpu.vector_load_idx %arg15[%add3A_442, %and3A_494] : memref<80x128xf32, #tpu.memory_space<vmem>>[vector<16xi32>, vector<16xi32>], vector<16xf32>,
        %mul3A_497 = arith.mulf %gather3A_495, %gather3A_496 : vector<16xf32>
        %add3A_498 = arith.addf %add3A_488, %mul3A_497 : vector<16xf32>
        %add3A_499 = arith.constant 1 : i32
        %add3A_500 = vector.broadcast %add3A_499 : i32 to vector<16xi32>
        %add3A_501 = arith.addi %and3A_494, %add3A_500 : vector<16xi32>
        %and3A_502 = arith.constant 127 : i32
        %and3A_503 = vector.broadcast %and3A_502 : i32 to vector<16xi32>
        %and3A_504 = arith.andi %add3A_501, %and3A_503 : vector<16xi32>
        %gather3A_505 = tpu.vector_load_idx %arg14[%add3A_442, %and3A_504] : memref<80x128xf32, #tpu.memory_space<vmem>>[vector<16xi32>, vector<16xi32>], vector<16xf32>,
        %gather3A_506 = tpu.vector_load_idx %arg15[%add3A_442, %and3A_504] : memref<80x128xf32, #tpu.memory_space<vmem>>[vector<16xi32>, vector<16xi32>], vector<16xf32>,
        %mul3A_507 = arith.mulf %gather3A_505, %gather3A_506 : vector<16xf32>
        %add3A_508 = arith.addf %add3A_498, %mul3A_507 : vector<16xf32>
        %add3A_509 = arith.constant 1 : i32
        %add3A_510 = vector.broadcast %add3A_509 : i32 to vector<16xi32>
        %add3A_511 = arith.addi %and3A_504, %add3A_510 : vector<16xi32>
        %and3A_512 = arith.constant 127 : i32
        %and3A_513 = vector.broadcast %and3A_512 : i32 to vector<16xi32>
        %and3A_514 = arith.andi %add3A_511, %and3A_513 : vector<16xi32>
        %gather3A_515 = tpu.vector_load_idx %arg14[%add3A_442, %and3A_514] : memref<80x128xf32, #tpu.memory_space<vmem>>[vector<16xi32>, vector<16xi32>], vector<16xf32>,
        %gather3A_516 = tpu.vector_load_idx %arg15[%add3A_442, %and3A_514] : memref<80x128xf32, #tpu.memory_space<vmem>>[vector<16xi32>, vector<16xi32>], vector<16xf32>,
        %mul3A_517 = arith.mulf %gather3A_515, %gather3A_516 : vector<16xf32>
        %add3A_518 = arith.addf %add3A_508, %mul3A_517 : vector<16xf32>
        %add3A_519 = arith.constant 1 : i32
        %add3A_520 = vector.broadcast %add3A_519 : i32 to vector<16xi32>
        %add3A_521 = arith.addi %and3A_514, %add3A_520 : vector<16xi32>
        %and3A_522 = arith.constant 127 : i32
        %and3A_523 = vector.broadcast %and3A_522 : i32 to vector<16xi32>
        %and3A_524 = arith.andi %add3A_521, %and3A_523 : vector<16xi32>
        %gather3A_525 = tpu.vector_load_idx %arg14[%add3A_442, %and3A_524] : memref<80x128xf32, #tpu.memory_space<vmem>>[vector<16xi32>, vector<16xi32>], vector<16xf32>,
        %gather3A_526 = tpu.vector_load_idx %arg15[%add3A_442, %and3A_524] : memref<80x128xf32, #tpu.memory_space<vmem>>[vector<16xi32>, vector<16xi32>], vector<16xf32>,
        %mul3A_527 = arith.mulf %gather3A_525, %gather3A_526 : vector<16xf32>
        %add3A_528 = arith.addf %add3A_518, %mul3A_527 : vector<16xf32>
        %add3A_529 = arith.constant 1 : i32
        %add3A_530 = vector.broadcast %add3A_529 : i32 to vector<16xi32>
        %add3A_531 = arith.addi %and3A_524, %add3A_530 : vector<16xi32>
        %and3A_532 = arith.constant 127 : i32
        %and3A_533 = vector.broadcast %and3A_532 : i32 to vector<16xi32>
        %and3A_534 = arith.andi %add3A_531, %and3A_533 : vector<16xi32>
        %gather3A_535 = tpu.vector_load_idx %arg14[%add3A_442, %and3A_534] : memref<80x128xf32, #tpu.memory_space<vmem>>[vector<16xi32>, vector<16xi32>], vector<16xf32>,
        %gather3A_536 = tpu.vector_load_idx %arg15[%add3A_442, %and3A_534] : memref<80x128xf32, #tpu.memory_space<vmem>>[vector<16xi32>, vector<16xi32>], vector<16xf32>,
        %mul3A_537 = arith.mulf %gather3A_535, %gather3A_536 : vector<16xf32>
        %add3A_538 = arith.addf %add3A_528, %mul3A_537 : vector<16xf32>
        %add3A_539 = arith.constant 1 : i32
        %add3A_540 = vector.broadcast %add3A_539 : i32 to vector<16xi32>
        %add3A_541 = arith.addi %and3A_534, %add3A_540 : vector<16xi32>
        %and3A_542 = arith.constant 127 : i32
        %and3A_543 = vector.broadcast %and3A_542 : i32 to vector<16xi32>
        %and3A_544 = arith.andi %add3A_541, %and3A_543 : vector<16xi32>
        %gather3A_545 = tpu.vector_load_idx %arg14[%add3A_442, %and3A_544] : memref<80x128xf32, #tpu.memory_space<vmem>>[vector<16xi32>, vector<16xi32>], vector<16xf32>,
        %gather3A_546 = tpu.vector_load_idx %arg15[%add3A_442, %and3A_544] : memref<80x128xf32, #tpu.memory_space<vmem>>[vector<16xi32>, vector<16xi32>], vector<16xf32>,
        %mul3A_547 = arith.mulf %gather3A_545, %gather3A_546 : vector<16xf32>
        %add3A_548 = arith.addf %add3A_538, %mul3A_547 : vector<16xf32>
        %add3A_549 = arith.constant 1 : i32
        %add3A_550 = vector.broadcast %add3A_549 : i32 to vector<16xi32>
        %add3A_551 = arith.addi %and3A_544, %add3A_550 : vector<16xi32>
        %and3A_552 = arith.constant 127 : i32
        %and3A_553 = vector.broadcast %and3A_552 : i32 to vector<16xi32>
        %and3A_554 = arith.andi %add3A_551, %and3A_553 : vector<16xi32>
        scf.yield %add3A_548, %and3A_554 : vector<16xf32>, vector<16xi32>
      }
      %scan3A_450 = arith.constant 16 : i32
      %swap3A_451 = arith.constant 288 : index
      %swap3A_452 = tpu.vector_load %arg16[%swap3A_451] {strides = array<i32>} : memref<320xf32, #tpu.memory_space<vmem>>, vector<16xf32>,
      tpu.vector_store %arg16[%swap3A_451], %scan3A_449#0 {strides = array<i32>} : memref<320xf32, #tpu.memory_space<vmem>>, vector<16xf32>,
      %add3A_453 = arith.constant 64 : i32
      %add3A_454 = vector.broadcast %add3A_453 : i32 to vector<16xi32>
      %add3A_455 = arith.addi %iota3A, %add3A_454 : vector<16xi32>
      %broadcast_in_dim3A_456 = arith.constant 0.000000e+00 : f32
      %broadcast_in_dim3A_457 = vector.broadcast %broadcast_in_dim3A_456 : f32 to vector<16xf32>
      %scan3A_458 = arith.constant 0 : i32
      %scan3A_459 = arith.constant 16 : i32
      %scan3A_460 = arith.addi %scan3A_458, %scan3A_459 : i32
      %scan3A_461 = arith.constant 1 : i32
      %scan3A_462:2 = scf.for %scan3A_474 = %scan3A_458 to %scan3A_460 step %scan3A_461 iter_args(%scan3A_475 = %broadcast_in_dim3A_457, %scan3A_476 = %iota3A) -> (vector<16xf32>, vector<16xi32>)  : i32 {
        %gather3A = tpu.vector_load_idx %arg14[%add3A_455, %scan3A_476] : memref<80x128xf32, #tpu.memory_space<vmem>>[vector<16xi32>, vector<16xi32>], vector<16xf32>,
        %gather3A_477 = tpu.vector_load_idx %arg15[%add3A_455, %scan3A_476] : memref<80x128xf32, #tpu.memory_space<vmem>>[vector<16xi32>, vector<16xi32>], vector<16xf32>,
        %mul3A_478 = arith.mulf %gather3A, %gather3A_477 : vector<16xf32>
        %add3A_479 = arith.addf %scan3A_475, %mul3A_478 : vector<16xf32>
        %add3A_480 = arith.constant 1 : i32
        %add3A_481 = vector.broadcast %add3A_480 : i32 to vector<16xi32>
        %add3A_482 = arith.addi %scan3A_476, %add3A_481 : vector<16xi32>
        %and3A = arith.constant 127 : i32
        %and3A_483 = vector.broadcast %and3A : i32 to vector<16xi32>
        %and3A_484 = arith.andi %add3A_482, %and3A_483 : vector<16xi32>
        %gather3A_485 = tpu.vector_load_idx %arg14[%add3A_455, %and3A_484] : memref<80x128xf32, #tpu.memory_space<vmem>>[vector<16xi32>, vector<16xi32>], vector<16xf32>,
        %gather3A_486 = tpu.vector_load_idx %arg15[%add3A_455, %and3A_484] : memref<80x128xf32, #tpu.memory_space<vmem>>[vector<16xi32>, vector<16xi32>], vector<16xf32>,
        %mul3A_487 = arith.mulf %gather3A_485, %gather3A_486 : vector<16xf32>
        %add3A_488 = arith.addf %add3A_479, %mul3A_487 : vector<16xf32>
        %add3A_489 = arith.constant 1 : i32
        %add3A_490 = vector.broadcast %add3A_489 : i32 to vector<16xi32>
        %add3A_491 = arith.addi %and3A_484, %add3A_490 : vector<16xi32>
        %and3A_492 = arith.constant 127 : i32
        %and3A_493 = vector.broadcast %and3A_492 : i32 to vector<16xi32>
        %and3A_494 = arith.andi %add3A_491, %and3A_493 : vector<16xi32>
        %gather3A_495 = tpu.vector_load_idx %arg14[%add3A_455, %and3A_494] : memref<80x128xf32, #tpu.memory_space<vmem>>[vector<16xi32>, vector<16xi32>], vector<16xf32>,
        %gather3A_496 = tpu.vector_load_idx %arg15[%add3A_455, %and3A_494] : memref<80x128xf32, #tpu.memory_space<vmem>>[vector<16xi32>, vector<16xi32>], vector<16xf32>,
        %mul3A_497 = arith.mulf %gather3A_495, %gather3A_496 : vector<16xf32>
        %add3A_498 = arith.addf %add3A_488, %mul3A_497 : vector<16xf32>
        %add3A_499 = arith.constant 1 : i32
        %add3A_500 = vector.broadcast %add3A_499 : i32 to vector<16xi32>
        %add3A_501 = arith.addi %and3A_494, %add3A_500 : vector<16xi32>
        %and3A_502 = arith.constant 127 : i32
        %and3A_503 = vector.broadcast %and3A_502 : i32 to vector<16xi32>
        %and3A_504 = arith.andi %add3A_501, %and3A_503 : vector<16xi32>
        %gather3A_505 = tpu.vector_load_idx %arg14[%add3A_455, %and3A_504] : memref<80x128xf32, #tpu.memory_space<vmem>>[vector<16xi32>, vector<16xi32>], vector<16xf32>,
        %gather3A_506 = tpu.vector_load_idx %arg15[%add3A_455, %and3A_504] : memref<80x128xf32, #tpu.memory_space<vmem>>[vector<16xi32>, vector<16xi32>], vector<16xf32>,
        %mul3A_507 = arith.mulf %gather3A_505, %gather3A_506 : vector<16xf32>
        %add3A_508 = arith.addf %add3A_498, %mul3A_507 : vector<16xf32>
        %add3A_509 = arith.constant 1 : i32
        %add3A_510 = vector.broadcast %add3A_509 : i32 to vector<16xi32>
        %add3A_511 = arith.addi %and3A_504, %add3A_510 : vector<16xi32>
        %and3A_512 = arith.constant 127 : i32
        %and3A_513 = vector.broadcast %and3A_512 : i32 to vector<16xi32>
        %and3A_514 = arith.andi %add3A_511, %and3A_513 : vector<16xi32>
        %gather3A_515 = tpu.vector_load_idx %arg14[%add3A_455, %and3A_514] : memref<80x128xf32, #tpu.memory_space<vmem>>[vector<16xi32>, vector<16xi32>], vector<16xf32>,
        %gather3A_516 = tpu.vector_load_idx %arg15[%add3A_455, %and3A_514] : memref<80x128xf32, #tpu.memory_space<vmem>>[vector<16xi32>, vector<16xi32>], vector<16xf32>,
        %mul3A_517 = arith.mulf %gather3A_515, %gather3A_516 : vector<16xf32>
        %add3A_518 = arith.addf %add3A_508, %mul3A_517 : vector<16xf32>
        %add3A_519 = arith.constant 1 : i32
        %add3A_520 = vector.broadcast %add3A_519 : i32 to vector<16xi32>
        %add3A_521 = arith.addi %and3A_514, %add3A_520 : vector<16xi32>
        %and3A_522 = arith.constant 127 : i32
        %and3A_523 = vector.broadcast %and3A_522 : i32 to vector<16xi32>
        %and3A_524 = arith.andi %add3A_521, %and3A_523 : vector<16xi32>
        %gather3A_525 = tpu.vector_load_idx %arg14[%add3A_455, %and3A_524] : memref<80x128xf32, #tpu.memory_space<vmem>>[vector<16xi32>, vector<16xi32>], vector<16xf32>,
        %gather3A_526 = tpu.vector_load_idx %arg15[%add3A_455, %and3A_524] : memref<80x128xf32, #tpu.memory_space<vmem>>[vector<16xi32>, vector<16xi32>], vector<16xf32>,
        %mul3A_527 = arith.mulf %gather3A_525, %gather3A_526 : vector<16xf32>
        %add3A_528 = arith.addf %add3A_518, %mul3A_527 : vector<16xf32>
        %add3A_529 = arith.constant 1 : i32
        %add3A_530 = vector.broadcast %add3A_529 : i32 to vector<16xi32>
        %add3A_531 = arith.addi %and3A_524, %add3A_530 : vector<16xi32>
        %and3A_532 = arith.constant 127 : i32
        %and3A_533 = vector.broadcast %and3A_532 : i32 to vector<16xi32>
        %and3A_534 = arith.andi %add3A_531, %and3A_533 : vector<16xi32>
        %gather3A_535 = tpu.vector_load_idx %arg14[%add3A_455, %and3A_534] : memref<80x128xf32, #tpu.memory_space<vmem>>[vector<16xi32>, vector<16xi32>], vector<16xf32>,
        %gather3A_536 = tpu.vector_load_idx %arg15[%add3A_455, %and3A_534] : memref<80x128xf32, #tpu.memory_space<vmem>>[vector<16xi32>, vector<16xi32>], vector<16xf32>,
        %mul3A_537 = arith.mulf %gather3A_535, %gather3A_536 : vector<16xf32>
        %add3A_538 = arith.addf %add3A_528, %mul3A_537 : vector<16xf32>
        %add3A_539 = arith.constant 1 : i32
        %add3A_540 = vector.broadcast %add3A_539 : i32 to vector<16xi32>
        %add3A_541 = arith.addi %and3A_534, %add3A_540 : vector<16xi32>
        %and3A_542 = arith.constant 127 : i32
        %and3A_543 = vector.broadcast %and3A_542 : i32 to vector<16xi32>
        %and3A_544 = arith.andi %add3A_541, %and3A_543 : vector<16xi32>
        %gather3A_545 = tpu.vector_load_idx %arg14[%add3A_455, %and3A_544] : memref<80x128xf32, #tpu.memory_space<vmem>>[vector<16xi32>, vector<16xi32>], vector<16xf32>,
        %gather3A_546 = tpu.vector_load_idx %arg15[%add3A_455, %and3A_544] : memref<80x128xf32, #tpu.memory_space<vmem>>[vector<16xi32>, vector<16xi32>], vector<16xf32>,
        %mul3A_547 = arith.mulf %gather3A_545, %gather3A_546 : vector<16xf32>
        %add3A_548 = arith.addf %add3A_538, %mul3A_547 : vector<16xf32>
        %add3A_549 = arith.constant 1 : i32
        %add3A_550 = vector.broadcast %add3A_549 : i32 to vector<16xi32>
        %add3A_551 = arith.addi %and3A_544, %add3A_550 : vector<16xi32>
        %and3A_552 = arith.constant 127 : i32
        %and3A_553 = vector.broadcast %and3A_552 : i32 to vector<16xi32>
        %and3A_554 = arith.andi %add3A_551, %and3A_553 : vector<16xi32>
        scf.yield %add3A_548, %and3A_554 : vector<16xf32>, vector<16xi32>
      }
      %scan3A_463 = arith.constant 16 : i32
      %swap3A_464 = arith.constant 304 : index
      %swap3A_465 = tpu.vector_load %arg16[%swap3A_464] {strides = array<i32>} : memref<320xf32, #tpu.memory_space<vmem>>, vector<16xf32>,
      tpu.vector_store %arg16[%swap3A_464], %scan3A_462#0 {strides = array<i32>} : memref<320xf32, #tpu.memory_space<vmem>>, vector<16xf32>,
      %mul3A_466 = arith.constant 4 : i32
      %mul3A_467 = arith.muli %scan3A_113, %mul3A_466 : i32
      %mul3A_468 = arith.constant 80 : i32
      %mul3A_469 = arith.muli %mul3A_467, %mul3A_468 : i32
      %add3A_470 = arith.addi %mul3A_2, %mul3A_469 : i32
      %multiple_of3A_471 = tpu.assume_multiple %add3A_470, 8 : i32
      %dma_start3A_472 = tpu.memref_slice %arg5[%multiple_of3A_471] : memref<320000xf32, #tpu.memory_space<hbm>> -> memref<320xf32, #tpu.memory_space<hbm>>
      %dma_start3A_473 = tpu.memref_slice %arg5[%multiple_of3A_471] : memref<320000xf32, #tpu.memory_space<hbm>> -> memref<320xf32, #tpu.memory_space<hbm>>
      tpu.enqueue_dma source(%arg16 : memref<320xf32, #tpu.memory_space<vmem>>) target(%dma_start3A_473 : memref<320xf32, #tpu.memory_space<hbm>>) target_semaphore(%arg21 : memref<!tpu.dma_semaphore, #tpu.memory_space<semaphore_mem>>)
    }
    %scan3A_35 = arith.constant 31 : i32
    %dma_wait3A = tpu.memref_slice %arg5[%mul3A_2] : memref<320000xf32, #tpu.memory_space<hbm>> -> memref<320xf32, #tpu.memory_space<hbm>>
    %dma_wait3A_36 = tpu.memref_slice %arg5[%mul3A_2] : memref<320000xf32, #tpu.memory_space<hbm>> -> memref<320xf32, #tpu.memory_space<hbm>>
    tpu.wait_dma2 semaphore(%arg21 : memref<!tpu.dma_semaphore, #tpu.memory_space<semaphore_mem>>) src(%arg16 : memref<320xf32, #tpu.memory_space<vmem>>) dst(%dma_wait3A_36 : memref<320xf32, #tpu.memory_space<hbm>>)
    %dma_wait3A_37 = arith.constant 0 : i32
    %dma_wait3A_38 = tpu.memref_slice %arg6[%dma_wait3A_37] : memref<10000xi32, #tpu.memory_space<vmem>> -> memref<80xi32, #tpu.memory_space<vmem>>
    %dma_wait3A_39 = arith.constant 0 : i32
    %dma_wait3A_40 = arith.constant 0 : i32
    %dma_wait3A_41 = tpu.memref_slice %arg2[%dma_wait3A_39, %dma_wait3A_40] : memref<10000x128xf32, #tpu.memory_space<hbm>> -> memref<10000x128xf32, #tpu.memory_space<hbm>>
    tpu.wait_indirect_dma semaphore(%arg17 : memref<!tpu.dma_semaphore, #tpu.memory_space<semaphore_mem>>) src(%dma_wait3A_41 : memref<10000x128xf32, #tpu.memory_space<hbm>>) dst(%arg8 : memref<80x128xf32, #tpu.memory_space<vmem>>)
    %dma_wait3A_42 = arith.constant 0 : i32
    %dma_wait3A_43 = tpu.memref_slice %arg7[%dma_wait3A_42] : memref<10000xi32, #tpu.memory_space<vmem>> -> memref<80xi32, #tpu.memory_space<vmem>>
    %dma_wait3A_44 = arith.constant 0 : i32
    %dma_wait3A_45 = arith.constant 0 : i32
    %dma_wait3A_46 = tpu.memref_slice %arg2[%dma_wait3A_44, %dma_wait3A_45] : memref<10000x128xf32, #tpu.memory_space<hbm>> -> memref<10000x128xf32, #tpu.memory_space<hbm>>
    tpu.wait_indirect_dma semaphore(%arg17 : memref<!tpu.dma_semaphore, #tpu.memory_space<semaphore_mem>>) src(%dma_wait3A_46 : memref<10000x128xf32, #tpu.memory_space<hbm>>) dst(%arg9 : memref<80x128xf32, #tpu.memory_space<vmem>>)
    %add3A_47 = arith.constant 0 : i32
    %add3A_48 = vector.broadcast %add3A_47 : i32 to vector<16xi32>
    %add3A_49 = arith.addi %iota3A, %add3A_48 : vector<16xi32>
    %broadcast_in_dim3A = arith.constant 0.000000e+00 : f32
    %broadcast_in_dim3A_50 = vector.broadcast %broadcast_in_dim3A : f32 to vector<16xf32>
    %scan3A_51 = arith.constant 0 : i32
    %scan3A_52 = arith.constant 16 : i32
    %scan3A_53 = arith.addi %scan3A_51, %scan3A_52 : i32
    %scan3A_54 = arith.constant 1 : i32
    %scan3A_55:2 = scf.for %scan3A_113 = %scan3A_51 to %scan3A_53 step %scan3A_54 iter_args(%scan3A_114 = %broadcast_in_dim3A_50, %scan3A_115 = %iota3A) -> (vector<16xf32>, vector<16xi32>)  : i32 {
      %gather3A = tpu.vector_load_idx %arg8[%add3A_49, %scan3A_115] : memref<80x128xf32, #tpu.memory_space<vmem>>[vector<16xi32>, vector<16xi32>], vector<16xf32>,
      %gather3A_116 = tpu.vector_load_idx %arg9[%add3A_49, %scan3A_115] : memref<80x128xf32, #tpu.memory_space<vmem>>[vector<16xi32>, vector<16xi32>], vector<16xf32>,
      %mul3A_117 = arith.mulf %gather3A, %gather3A_116 : vector<16xf32>
      %add3A_118 = arith.addf %scan3A_114, %mul3A_117 : vector<16xf32>
      %add3A_119 = arith.constant 1 : i32
      %add3A_120 = vector.broadcast %add3A_119 : i32 to vector<16xi32>
      %add3A_121 = arith.addi %scan3A_115, %add3A_120 : vector<16xi32>
      %and3A = arith.constant 127 : i32
      %and3A_122 = vector.broadcast %and3A : i32 to vector<16xi32>
      %and3A_123 = arith.andi %add3A_121, %and3A_122 : vector<16xi32>
      %gather3A_124 = tpu.vector_load_idx %arg8[%add3A_49, %and3A_123] : memref<80x128xf32, #tpu.memory_space<vmem>>[vector<16xi32>, vector<16xi32>], vector<16xf32>,
      %gather3A_125 = tpu.vector_load_idx %arg9[%add3A_49, %and3A_123] : memref<80x128xf32, #tpu.memory_space<vmem>>[vector<16xi32>, vector<16xi32>], vector<16xf32>,
      %mul3A_126 = arith.mulf %gather3A_124, %gather3A_125 : vector<16xf32>
      %add3A_127 = arith.addf %add3A_118, %mul3A_126 : vector<16xf32>
      %add3A_128 = arith.constant 1 : i32
      %add3A_129 = vector.broadcast %add3A_128 : i32 to vector<16xi32>
      %add3A_130 = arith.addi %and3A_123, %add3A_129 : vector<16xi32>
      %and3A_131 = arith.constant 127 : i32
      %and3A_132 = vector.broadcast %and3A_131 : i32 to vector<16xi32>
      %and3A_133 = arith.andi %add3A_130, %and3A_132 : vector<16xi32>
      %gather3A_134 = tpu.vector_load_idx %arg8[%add3A_49, %and3A_133] : memref<80x128xf32, #tpu.memory_space<vmem>>[vector<16xi32>, vector<16xi32>], vector<16xf32>,
      %gather3A_135 = tpu.vector_load_idx %arg9[%add3A_49, %and3A_133] : memref<80x128xf32, #tpu.memory_space<vmem>>[vector<16xi32>, vector<16xi32>], vector<16xf32>,
      %mul3A_136 = arith.mulf %gather3A_134, %gather3A_135 : vector<16xf32>
      %add3A_137 = arith.addf %add3A_127, %mul3A_136 : vector<16xf32>
      %add3A_138 = arith.constant 1 : i32
      %add3A_139 = vector.broadcast %add3A_138 : i32 to vector<16xi32>
      %add3A_140 = arith.addi %and3A_133, %add3A_139 : vector<16xi32>
      %and3A_141 = arith.constant 127 : i32
      %and3A_142 = vector.broadcast %and3A_141 : i32 to vector<16xi32>
      %and3A_143 = arith.andi %add3A_140, %and3A_142 : vector<16xi32>
      %gather3A_144 = tpu.vector_load_idx %arg8[%add3A_49, %and3A_143] : memref<80x128xf32, #tpu.memory_space<vmem>>[vector<16xi32>, vector<16xi32>], vector<16xf32>,
      %gather3A_145 = tpu.vector_load_idx %arg9[%add3A_49, %and3A_143] : memref<80x128xf32, #tpu.memory_space<vmem>>[vector<16xi32>, vector<16xi32>], vector<16xf32>,
      %mul3A_146 = arith.mulf %gather3A_144, %gather3A_145 : vector<16xf32>
      %add3A_147 = arith.addf %add3A_137, %mul3A_146 : vector<16xf32>
      %add3A_148 = arith.constant 1 : i32
      %add3A_149 = vector.broadcast %add3A_148 : i32 to vector<16xi32>
      %add3A_150 = arith.addi %and3A_143, %add3A_149 : vector<16xi32>
      %and3A_151 = arith.constant 127 : i32
      %and3A_152 = vector.broadcast %and3A_151 : i32 to vector<16xi32>
      %and3A_153 = arith.andi %add3A_150, %and3A_152 : vector<16xi32>
      %gather3A_154 = tpu.vector_load_idx %arg8[%add3A_49, %and3A_153] : memref<80x128xf32, #tpu.memory_space<vmem>>[vector<16xi32>, vector<16xi32>], vector<16xf32>,
      %gather3A_155 = tpu.vector_load_idx %arg9[%add3A_49, %and3A_153] : memref<80x128xf32, #tpu.memory_space<vmem>>[vector<16xi32>, vector<16xi32>], vector<16xf32>,
      %mul3A_156 = arith.mulf %gather3A_154, %gather3A_155 : vector<16xf32>
      %add3A_157 = arith.addf %add3A_147, %mul3A_156 : vector<16xf32>
      %add3A_158 = arith.constant 1 : i32
      %add3A_159 = vector.broadcast %add3A_158 : i32 to vector<16xi32>
      %add3A_160 = arith.addi %and3A_153, %add3A_159 : vector<16xi32>
      %and3A_161 = arith.constant 127 : i32
      %and3A_162 = vector.broadcast %and3A_161 : i32 to vector<16xi32>
      %and3A_163 = arith.andi %add3A_160, %and3A_162 : vector<16xi32>
      %gather3A_164 = tpu.vector_load_idx %arg8[%add3A_49, %and3A_163] : memref<80x128xf32, #tpu.memory_space<vmem>>[vector<16xi32>, vector<16xi32>], vector<16xf32>,
      %gather3A_165 = tpu.vector_load_idx %arg9[%add3A_49, %and3A_163] : memref<80x128xf32, #tpu.memory_space<vmem>>[vector<16xi32>, vector<16xi32>], vector<16xf32>,
      %mul3A_166 = arith.mulf %gather3A_164, %gather3A_165 : vector<16xf32>
      %add3A_167 = arith.addf %add3A_157, %mul3A_166 : vector<16xf32>
      %add3A_168 = arith.constant 1 : i32
      %add3A_169 = vector.broadcast %add3A_168 : i32 to vector<16xi32>
      %add3A_170 = arith.addi %and3A_163, %add3A_169 : vector<16xi32>
      %and3A_171 = arith.constant 127 : i32
      %and3A_172 = vector.broadcast %and3A_171 : i32 to vector<16xi32>
      %and3A_173 = arith.andi %add3A_170, %and3A_172 : vector<16xi32>
      %gather3A_174 = tpu.vector_load_idx %arg8[%add3A_49, %and3A_173] : memref<80x128xf32, #tpu.memory_space<vmem>>[vector<16xi32>, vector<16xi32>], vector<16xf32>,
      %gather3A_175 = tpu.vector_load_idx %arg9[%add3A_49, %and3A_173] : memref<80x128xf32, #tpu.memory_space<vmem>>[vector<16xi32>, vector<16xi32>], vector<16xf32>,
      %mul3A_176 = arith.mulf %gather3A_174, %gather3A_175 : vector<16xf32>
      %add3A_177 = arith.addf %add3A_167, %mul3A_176 : vector<16xf32>
      %add3A_178 = arith.constant 1 : i32
      %add3A_179 = vector.broadcast %add3A_178 : i32 to vector<16xi32>
      %add3A_180 = arith.addi %and3A_173, %add3A_179 : vector<16xi32>
      %and3A_181 = arith.constant 127 : i32
      %and3A_182 = vector.broadcast %and3A_181 : i32 to vector<16xi32>
      %and3A_183 = arith.andi %add3A_180, %and3A_182 : vector<16xi32>
      %gather3A_184 = tpu.vector_load_idx %arg8[%add3A_49, %and3A_183] : memref<80x128xf32, #tpu.memory_space<vmem>>[vector<16xi32>, vector<16xi32>], vector<16xf32>,
      %gather3A_185 = tpu.vector_load_idx %arg9[%add3A_49, %and3A_183] : memref<80x128xf32, #tpu.memory_space<vmem>>[vector<16xi32>, vector<16xi32>], vector<16xf32>,
      %mul3A_186 = arith.mulf %gather3A_184, %gather3A_185 : vector<16xf32>
      %add3A_187 = arith.addf %add3A_177, %mul3A_186 : vector<16xf32>
      %add3A_188 = arith.constant 1 : i32
      %add3A_189 = vector.broadcast %add3A_188 : i32 to vector<16xi32>
      %add3A_190 = arith.addi %and3A_183, %add3A_189 : vector<16xi32>
      %and3A_191 = arith.constant 127 : i32
      %and3A_192 = vector.broadcast %and3A_191 : i32 to vector<16xi32>
      %and3A_193 = arith.andi %add3A_190, %and3A_192 : vector<16xi32>
      scf.yield %add3A_187, %and3A_193 : vector<16xf32>, vector<16xi32>
    }
    %scan3A_56 = arith.constant 16 : i32
    %swap3A = arith.constant 0 : index
    %swap3A_57 = tpu.vector_load %arg16[%swap3A] {strides = array<i32>} : memref<320xf32, #tpu.memory_space<vmem>>, vector<16xf32>,
    tpu.vector_store %arg16[%swap3A], %scan3A_55#0 {strides = array<i32>} : memref<320xf32, #tpu.memory_space<vmem>>, vector<16xf32>,
    %add3A_58 = arith.constant 16 : i32
    %add3A_59 = vector.broadcast %add3A_58 : i32 to vector<16xi32>
    %add3A_60 = arith.addi %iota3A, %add3A_59 : vector<16xi32>
    %broadcast_in_dim3A_61 = arith.constant 0.000000e+00 : f32
    %broadcast_in_dim3A_62 = vector.broadcast %broadcast_in_dim3A_61 : f32 to vector<16xf32>
    %scan3A_63 = arith.constant 0 : i32
    %scan3A_64 = arith.constant 16 : i32
    %scan3A_65 = arith.addi %scan3A_63, %scan3A_64 : i32
    %scan3A_66 = arith.constant 1 : i32
    %scan3A_67:2 = scf.for %scan3A_113 = %scan3A_63 to %scan3A_65 step %scan3A_66 iter_args(%scan3A_114 = %broadcast_in_dim3A_62, %scan3A_115 = %iota3A) -> (vector<16xf32>, vector<16xi32>)  : i32 {
      %gather3A = tpu.vector_load_idx %arg8[%add3A_60, %scan3A_115] : memref<80x128xf32, #tpu.memory_space<vmem>>[vector<16xi32>, vector<16xi32>], vector<16xf32>,
      %gather3A_116 = tpu.vector_load_idx %arg9[%add3A_60, %scan3A_115] : memref<80x128xf32, #tpu.memory_space<vmem>>[vector<16xi32>, vector<16xi32>], vector<16xf32>,
      %mul3A_117 = arith.mulf %gather3A, %gather3A_116 : vector<16xf32>
      %add3A_118 = arith.addf %scan3A_114, %mul3A_117 : vector<16xf32>
      %add3A_119 = arith.constant 1 : i32
      %add3A_120 = vector.broadcast %add3A_119 : i32 to vector<16xi32>
      %add3A_121 = arith.addi %scan3A_115, %add3A_120 : vector<16xi32>
      %and3A = arith.constant 127 : i32
      %and3A_122 = vector.broadcast %and3A : i32 to vector<16xi32>
      %and3A_123 = arith.andi %add3A_121, %and3A_122 : vector<16xi32>
      %gather3A_124 = tpu.vector_load_idx %arg8[%add3A_60, %and3A_123] : memref<80x128xf32, #tpu.memory_space<vmem>>[vector<16xi32>, vector<16xi32>], vector<16xf32>,
      %gather3A_125 = tpu.vector_load_idx %arg9[%add3A_60, %and3A_123] : memref<80x128xf32, #tpu.memory_space<vmem>>[vector<16xi32>, vector<16xi32>], vector<16xf32>,
      %mul3A_126 = arith.mulf %gather3A_124, %gather3A_125 : vector<16xf32>
      %add3A_127 = arith.addf %add3A_118, %mul3A_126 : vector<16xf32>
      %add3A_128 = arith.constant 1 : i32
      %add3A_129 = vector.broadcast %add3A_128 : i32 to vector<16xi32>
      %add3A_130 = arith.addi %and3A_123, %add3A_129 : vector<16xi32>
      %and3A_131 = arith.constant 127 : i32
      %and3A_132 = vector.broadcast %and3A_131 : i32 to vector<16xi32>
      %and3A_133 = arith.andi %add3A_130, %and3A_132 : vector<16xi32>
      %gather3A_134 = tpu.vector_load_idx %arg8[%add3A_60, %and3A_133] : memref<80x128xf32, #tpu.memory_space<vmem>>[vector<16xi32>, vector<16xi32>], vector<16xf32>,
      %gather3A_135 = tpu.vector_load_idx %arg9[%add3A_60, %and3A_133] : memref<80x128xf32, #tpu.memory_space<vmem>>[vector<16xi32>, vector<16xi32>], vector<16xf32>,
      %mul3A_136 = arith.mulf %gather3A_134, %gather3A_135 : vector<16xf32>
      %add3A_137 = arith.addf %add3A_127, %mul3A_136 : vector<16xf32>
      %add3A_138 = arith.constant 1 : i32
      %add3A_139 = vector.broadcast %add3A_138 : i32 to vector<16xi32>
      %add3A_140 = arith.addi %and3A_133, %add3A_139 : vector<16xi32>
      %and3A_141 = arith.constant 127 : i32
      %and3A_142 = vector.broadcast %and3A_141 : i32 to vector<16xi32>
      %and3A_143 = arith.andi %add3A_140, %and3A_142 : vector<16xi32>
      %gather3A_144 = tpu.vector_load_idx %arg8[%add3A_60, %and3A_143] : memref<80x128xf32, #tpu.memory_space<vmem>>[vector<16xi32>, vector<16xi32>], vector<16xf32>,
      %gather3A_145 = tpu.vector_load_idx %arg9[%add3A_60, %and3A_143] : memref<80x128xf32, #tpu.memory_space<vmem>>[vector<16xi32>, vector<16xi32>], vector<16xf32>,
      %mul3A_146 = arith.mulf %gather3A_144, %gather3A_145 : vector<16xf32>
      %add3A_147 = arith.addf %add3A_137, %mul3A_146 : vector<16xf32>
      %add3A_148 = arith.constant 1 : i32
      %add3A_149 = vector.broadcast %add3A_148 : i32 to vector<16xi32>
      %add3A_150 = arith.addi %and3A_143, %add3A_149 : vector<16xi32>
      %and3A_151 = arith.constant 127 : i32
      %and3A_152 = vector.broadcast %and3A_151 : i32 to vector<16xi32>
      %and3A_153 = arith.andi %add3A_150, %and3A_152 : vector<16xi32>
      %gather3A_154 = tpu.vector_load_idx %arg8[%add3A_60, %and3A_153] : memref<80x128xf32, #tpu.memory_space<vmem>>[vector<16xi32>, vector<16xi32>], vector<16xf32>,
      %gather3A_155 = tpu.vector_load_idx %arg9[%add3A_60, %and3A_153] : memref<80x128xf32, #tpu.memory_space<vmem>>[vector<16xi32>, vector<16xi32>], vector<16xf32>,
      %mul3A_156 = arith.mulf %gather3A_154, %gather3A_155 : vector<16xf32>
      %add3A_157 = arith.addf %add3A_147, %mul3A_156 : vector<16xf32>
      %add3A_158 = arith.constant 1 : i32
      %add3A_159 = vector.broadcast %add3A_158 : i32 to vector<16xi32>
      %add3A_160 = arith.addi %and3A_153, %add3A_159 : vector<16xi32>
      %and3A_161 = arith.constant 127 : i32
      %and3A_162 = vector.broadcast %and3A_161 : i32 to vector<16xi32>
      %and3A_163 = arith.andi %add3A_160, %and3A_162 : vector<16xi32>
      %gather3A_164 = tpu.vector_load_idx %arg8[%add3A_60, %and3A_163] : memref<80x128xf32, #tpu.memory_space<vmem>>[vector<16xi32>, vector<16xi32>], vector<16xf32>,
      %gather3A_165 = tpu.vector_load_idx %arg9[%add3A_60, %and3A_163] : memref<80x128xf32, #tpu.memory_space<vmem>>[vector<16xi32>, vector<16xi32>], vector<16xf32>,
      %mul3A_166 = arith.mulf %gather3A_164, %gather3A_165 : vector<16xf32>
      %add3A_167 = arith.addf %add3A_157, %mul3A_166 : vector<16xf32>
      %add3A_168 = arith.constant 1 : i32
      %add3A_169 = vector.broadcast %add3A_168 : i32 to vector<16xi32>
      %add3A_170 = arith.addi %and3A_163, %add3A_169 : vector<16xi32>
      %and3A_171 = arith.constant 127 : i32
      %and3A_172 = vector.broadcast %and3A_171 : i32 to vector<16xi32>
      %and3A_173 = arith.andi %add3A_170, %and3A_172 : vector<16xi32>
      %gather3A_174 = tpu.vector_load_idx %arg8[%add3A_60, %and3A_173] : memref<80x128xf32, #tpu.memory_space<vmem>>[vector<16xi32>, vector<16xi32>], vector<16xf32>,
      %gather3A_175 = tpu.vector_load_idx %arg9[%add3A_60, %and3A_173] : memref<80x128xf32, #tpu.memory_space<vmem>>[vector<16xi32>, vector<16xi32>], vector<16xf32>,
      %mul3A_176 = arith.mulf %gather3A_174, %gather3A_175 : vector<16xf32>
      %add3A_177 = arith.addf %add3A_167, %mul3A_176 : vector<16xf32>
      %add3A_178 = arith.constant 1 : i32
      %add3A_179 = vector.broadcast %add3A_178 : i32 to vector<16xi32>
      %add3A_180 = arith.addi %and3A_173, %add3A_179 : vector<16xi32>
      %and3A_181 = arith.constant 127 : i32
      %and3A_182 = vector.broadcast %and3A_181 : i32 to vector<16xi32>
      %and3A_183 = arith.andi %add3A_180, %and3A_182 : vector<16xi32>
      %gather3A_184 = tpu.vector_load_idx %arg8[%add3A_60, %and3A_183] : memref<80x128xf32, #tpu.memory_space<vmem>>[vector<16xi32>, vector<16xi32>], vector<16xf32>,
      %gather3A_185 = tpu.vector_load_idx %arg9[%add3A_60, %and3A_183] : memref<80x128xf32, #tpu.memory_space<vmem>>[vector<16xi32>, vector<16xi32>], vector<16xf32>,
      %mul3A_186 = arith.mulf %gather3A_184, %gather3A_185 : vector<16xf32>
      %add3A_187 = arith.addf %add3A_177, %mul3A_186 : vector<16xf32>
      %add3A_188 = arith.constant 1 : i32
      %add3A_189 = vector.broadcast %add3A_188 : i32 to vector<16xi32>
      %add3A_190 = arith.addi %and3A_183, %add3A_189 : vector<16xi32>
      %and3A_191 = arith.constant 127 : i32
      %and3A_192 = vector.broadcast %and3A_191 : i32 to vector<16xi32>
      %and3A_193 = arith.andi %add3A_190, %and3A_192 : vector<16xi32>
      scf.yield %add3A_187, %and3A_193 : vector<16xf32>, vector<16xi32>
    }
    %scan3A_68 = arith.constant 16 : i32
    %swap3A_69 = arith.constant 16 : index
    %swap3A_70 = tpu.vector_load %arg16[%swap3A_69] {strides = array<i32>} : memref<320xf32, #tpu.memory_space<vmem>>, vector<16xf32>,
    tpu.vector_store %arg16[%swap3A_69], %scan3A_67#0 {strides = array<i32>} : memref<320xf32, #tpu.memory_space<vmem>>, vector<16xf32>,
    %add3A_71 = arith.constant 32 : i32
    %add3A_72 = vector.broadcast %add3A_71 : i32 to vector<16xi32>
    %add3A_73 = arith.addi %iota3A, %add3A_72 : vector<16xi32>
    %broadcast_in_dim3A_74 = arith.constant 0.000000e+00 : f32
    %broadcast_in_dim3A_75 = vector.broadcast %broadcast_in_dim3A_74 : f32 to vector<16xf32>
    %scan3A_76 = arith.constant 0 : i32
    %scan3A_77 = arith.constant 16 : i32
    %scan3A_78 = arith.addi %scan3A_76, %scan3A_77 : i32
    %scan3A_79 = arith.constant 1 : i32
    %scan3A_80:2 = scf.for %scan3A_113 = %scan3A_76 to %scan3A_78 step %scan3A_79 iter_args(%scan3A_114 = %broadcast_in_dim3A_75, %scan3A_115 = %iota3A) -> (vector<16xf32>, vector<16xi32>)  : i32 {
      %gather3A = tpu.vector_load_idx %arg8[%add3A_73, %scan3A_115] : memref<80x128xf32, #tpu.memory_space<vmem>>[vector<16xi32>, vector<16xi32>], vector<16xf32>,
      %gather3A_116 = tpu.vector_load_idx %arg9[%add3A_73, %scan3A_115] : memref<80x128xf32, #tpu.memory_space<vmem>>[vector<16xi32>, vector<16xi32>], vector<16xf32>,
      %mul3A_117 = arith.mulf %gather3A, %gather3A_116 : vector<16xf32>
      %add3A_118 = arith.addf %scan3A_114, %mul3A_117 : vector<16xf32>
      %add3A_119 = arith.constant 1 : i32
      %add3A_120 = vector.broadcast %add3A_119 : i32 to vector<16xi32>
      %add3A_121 = arith.addi %scan3A_115, %add3A_120 : vector<16xi32>
      %and3A = arith.constant 127 : i32
      %and3A_122 = vector.broadcast %and3A : i32 to vector<16xi32>
      %and3A_123 = arith.andi %add3A_121, %and3A_122 : vector<16xi32>
      %gather3A_124 = tpu.vector_load_idx %arg8[%add3A_73, %and3A_123] : memref<80x128xf32, #tpu.memory_space<vmem>>[vector<16xi32>, vector<16xi32>], vector<16xf32>,
      %gather3A_125 = tpu.vector_load_idx %arg9[%add3A_73, %and3A_123] : memref<80x128xf32, #tpu.memory_space<vmem>>[vector<16xi32>, vector<16xi32>], vector<16xf32>,
      %mul3A_126 = arith.mulf %gather3A_124, %gather3A_125 : vector<16xf32>
      %add3A_127 = arith.addf %add3A_118, %mul3A_126 : vector<16xf32>
      %add3A_128 = arith.constant 1 : i32
      %add3A_129 = vector.broadcast %add3A_128 : i32 to vector<16xi32>
      %add3A_130 = arith.addi %and3A_123, %add3A_129 : vector<16xi32>
      %and3A_131 = arith.constant 127 : i32
      %and3A_132 = vector.broadcast %and3A_131 : i32 to vector<16xi32>
      %and3A_133 = arith.andi %add3A_130, %and3A_132 : vector<16xi32>
      %gather3A_134 = tpu.vector_load_idx %arg8[%add3A_73, %and3A_133] : memref<80x128xf32, #tpu.memory_space<vmem>>[vector<16xi32>, vector<16xi32>], vector<16xf32>,
      %gather3A_135 = tpu.vector_load_idx %arg9[%add3A_73, %and3A_133] : memref<80x128xf32, #tpu.memory_space<vmem>>[vector<16xi32>, vector<16xi32>], vector<16xf32>,
      %mul3A_136 = arith.mulf %gather3A_134, %gather3A_135 : vector<16xf32>
      %add3A_137 = arith.addf %add3A_127, %mul3A_136 : vector<16xf32>
      %add3A_138 = arith.constant 1 : i32
      %add3A_139 = vector.broadcast %add3A_138 : i32 to vector<16xi32>
      %add3A_140 = arith.addi %and3A_133, %add3A_139 : vector<16xi32>
      %and3A_141 = arith.constant 127 : i32
      %and3A_142 = vector.broadcast %and3A_141 : i32 to vector<16xi32>
      %and3A_143 = arith.andi %add3A_140, %and3A_142 : vector<16xi32>
      %gather3A_144 = tpu.vector_load_idx %arg8[%add3A_73, %and3A_143] : memref<80x128xf32, #tpu.memory_space<vmem>>[vector<16xi32>, vector<16xi32>], vector<16xf32>,
      %gather3A_145 = tpu.vector_load_idx %arg9[%add3A_73, %and3A_143] : memref<80x128xf32, #tpu.memory_space<vmem>>[vector<16xi32>, vector<16xi32>], vector<16xf32>,
      %mul3A_146 = arith.mulf %gather3A_144, %gather3A_145 : vector<16xf32>
      %add3A_147 = arith.addf %add3A_137, %mul3A_146 : vector<16xf32>
      %add3A_148 = arith.constant 1 : i32
      %add3A_149 = vector.broadcast %add3A_148 : i32 to vector<16xi32>
      %add3A_150 = arith.addi %and3A_143, %add3A_149 : vector<16xi32>
      %and3A_151 = arith.constant 127 : i32
      %and3A_152 = vector.broadcast %and3A_151 : i32 to vector<16xi32>
      %and3A_153 = arith.andi %add3A_150, %and3A_152 : vector<16xi32>
      %gather3A_154 = tpu.vector_load_idx %arg8[%add3A_73, %and3A_153] : memref<80x128xf32, #tpu.memory_space<vmem>>[vector<16xi32>, vector<16xi32>], vector<16xf32>,
      %gather3A_155 = tpu.vector_load_idx %arg9[%add3A_73, %and3A_153] : memref<80x128xf32, #tpu.memory_space<vmem>>[vector<16xi32>, vector<16xi32>], vector<16xf32>,
      %mul3A_156 = arith.mulf %gather3A_154, %gather3A_155 : vector<16xf32>
      %add3A_157 = arith.addf %add3A_147, %mul3A_156 : vector<16xf32>
      %add3A_158 = arith.constant 1 : i32
      %add3A_159 = vector.broadcast %add3A_158 : i32 to vector<16xi32>
      %add3A_160 = arith.addi %and3A_153, %add3A_159 : vector<16xi32>
      %and3A_161 = arith.constant 127 : i32
      %and3A_162 = vector.broadcast %and3A_161 : i32 to vector<16xi32>
      %and3A_163 = arith.andi %add3A_160, %and3A_162 : vector<16xi32>
      %gather3A_164 = tpu.vector_load_idx %arg8[%add3A_73, %and3A_163] : memref<80x128xf32, #tpu.memory_space<vmem>>[vector<16xi32>, vector<16xi32>], vector<16xf32>,
      %gather3A_165 = tpu.vector_load_idx %arg9[%add3A_73, %and3A_163] : memref<80x128xf32, #tpu.memory_space<vmem>>[vector<16xi32>, vector<16xi32>], vector<16xf32>,
      %mul3A_166 = arith.mulf %gather3A_164, %gather3A_165 : vector<16xf32>
      %add3A_167 = arith.addf %add3A_157, %mul3A_166 : vector<16xf32>
      %add3A_168 = arith.constant 1 : i32
      %add3A_169 = vector.broadcast %add3A_168 : i32 to vector<16xi32>
      %add3A_170 = arith.addi %and3A_163, %add3A_169 : vector<16xi32>
      %and3A_171 = arith.constant 127 : i32
      %and3A_172 = vector.broadcast %and3A_171 : i32 to vector<16xi32>
      %and3A_173 = arith.andi %add3A_170, %and3A_172 : vector<16xi32>
      %gather3A_174 = tpu.vector_load_idx %arg8[%add3A_73, %and3A_173] : memref<80x128xf32, #tpu.memory_space<vmem>>[vector<16xi32>, vector<16xi32>], vector<16xf32>,
      %gather3A_175 = tpu.vector_load_idx %arg9[%add3A_73, %and3A_173] : memref<80x128xf32, #tpu.memory_space<vmem>>[vector<16xi32>, vector<16xi32>], vector<16xf32>,
      %mul3A_176 = arith.mulf %gather3A_174, %gather3A_175 : vector<16xf32>
      %add3A_177 = arith.addf %add3A_167, %mul3A_176 : vector<16xf32>
      %add3A_178 = arith.constant 1 : i32
      %add3A_179 = vector.broadcast %add3A_178 : i32 to vector<16xi32>
      %add3A_180 = arith.addi %and3A_173, %add3A_179 : vector<16xi32>
      %and3A_181 = arith.constant 127 : i32
      %and3A_182 = vector.broadcast %and3A_181 : i32 to vector<16xi32>
      %and3A_183 = arith.andi %add3A_180, %and3A_182 : vector<16xi32>
      %gather3A_184 = tpu.vector_load_idx %arg8[%add3A_73, %and3A_183] : memref<80x128xf32, #tpu.memory_space<vmem>>[vector<16xi32>, vector<16xi32>], vector<16xf32>,
      %gather3A_185 = tpu.vector_load_idx %arg9[%add3A_73, %and3A_183] : memref<80x128xf32, #tpu.memory_space<vmem>>[vector<16xi32>, vector<16xi32>], vector<16xf32>,
      %mul3A_186 = arith.mulf %gather3A_184, %gather3A_185 : vector<16xf32>
      %add3A_187 = arith.addf %add3A_177, %mul3A_186 : vector<16xf32>
      %add3A_188 = arith.constant 1 : i32
      %add3A_189 = vector.broadcast %add3A_188 : i32 to vector<16xi32>
      %add3A_190 = arith.addi %and3A_183, %add3A_189 : vector<16xi32>
      %and3A_191 = arith.constant 127 : i32
      %and3A_192 = vector.broadcast %and3A_191 : i32 to vector<16xi32>
      %and3A_193 = arith.andi %add3A_190, %and3A_192 : vector<16xi32>
      scf.yield %add3A_187, %and3A_193 : vector<16xf32>, vector<16xi32>
    }
    %scan3A_81 = arith.constant 16 : i32
    %swap3A_82 = arith.constant 32 : index
    %swap3A_83 = tpu.vector_load %arg16[%swap3A_82] {strides = array<i32>} : memref<320xf32, #tpu.memory_space<vmem>>, vector<16xf32>,
    tpu.vector_store %arg16[%swap3A_82], %scan3A_80#0 {strides = array<i32>} : memref<320xf32, #tpu.memory_space<vmem>>, vector<16xf32>,
    %add3A_84 = arith.constant 48 : i32
    %add3A_85 = vector.broadcast %add3A_84 : i32 to vector<16xi32>
    %add3A_86 = arith.addi %iota3A, %add3A_85 : vector<16xi32>
    %broadcast_in_dim3A_87 = arith.constant 0.000000e+00 : f32
    %broadcast_in_dim3A_88 = vector.broadcast %broadcast_in_dim3A_87 : f32 to vector<16xf32>
    %scan3A_89 = arith.constant 0 : i32
    %scan3A_90 = arith.constant 16 : i32
    %scan3A_91 = arith.addi %scan3A_89, %scan3A_90 : i32
    %scan3A_92 = arith.constant 1 : i32
    %scan3A_93:2 = scf.for %scan3A_113 = %scan3A_89 to %scan3A_91 step %scan3A_92 iter_args(%scan3A_114 = %broadcast_in_dim3A_88, %scan3A_115 = %iota3A) -> (vector<16xf32>, vector<16xi32>)  : i32 {
      %gather3A = tpu.vector_load_idx %arg8[%add3A_86, %scan3A_115] : memref<80x128xf32, #tpu.memory_space<vmem>>[vector<16xi32>, vector<16xi32>], vector<16xf32>,
      %gather3A_116 = tpu.vector_load_idx %arg9[%add3A_86, %scan3A_115] : memref<80x128xf32, #tpu.memory_space<vmem>>[vector<16xi32>, vector<16xi32>], vector<16xf32>,
      %mul3A_117 = arith.mulf %gather3A, %gather3A_116 : vector<16xf32>
      %add3A_118 = arith.addf %scan3A_114, %mul3A_117 : vector<16xf32>
      %add3A_119 = arith.constant 1 : i32
      %add3A_120 = vector.broadcast %add3A_119 : i32 to vector<16xi32>
      %add3A_121 = arith.addi %scan3A_115, %add3A_120 : vector<16xi32>
      %and3A = arith.constant 127 : i32
      %and3A_122 = vector.broadcast %and3A : i32 to vector<16xi32>
      %and3A_123 = arith.andi %add3A_121, %and3A_122 : vector<16xi32>
      %gather3A_124 = tpu.vector_load_idx %arg8[%add3A_86, %and3A_123] : memref<80x128xf32, #tpu.memory_space<vmem>>[vector<16xi32>, vector<16xi32>], vector<16xf32>,
      %gather3A_125 = tpu.vector_load_idx %arg9[%add3A_86, %and3A_123] : memref<80x128xf32, #tpu.memory_space<vmem>>[vector<16xi32>, vector<16xi32>], vector<16xf32>,
      %mul3A_126 = arith.mulf %gather3A_124, %gather3A_125 : vector<16xf32>
      %add3A_127 = arith.addf %add3A_118, %mul3A_126 : vector<16xf32>
      %add3A_128 = arith.constant 1 : i32
      %add3A_129 = vector.broadcast %add3A_128 : i32 to vector<16xi32>
      %add3A_130 = arith.addi %and3A_123, %add3A_129 : vector<16xi32>
      %and3A_131 = arith.constant 127 : i32
      %and3A_132 = vector.broadcast %and3A_131 : i32 to vector<16xi32>
      %and3A_133 = arith.andi %add3A_130, %and3A_132 : vector<16xi32>
      %gather3A_134 = tpu.vector_load_idx %arg8[%add3A_86, %and3A_133] : memref<80x128xf32, #tpu.memory_space<vmem>>[vector<16xi32>, vector<16xi32>], vector<16xf32>,
      %gather3A_135 = tpu.vector_load_idx %arg9[%add3A_86, %and3A_133] : memref<80x128xf32, #tpu.memory_space<vmem>>[vector<16xi32>, vector<16xi32>], vector<16xf32>,
      %mul3A_136 = arith.mulf %gather3A_134, %gather3A_135 : vector<16xf32>
      %add3A_137 = arith.addf %add3A_127, %mul3A_136 : vector<16xf32>
      %add3A_138 = arith.constant 1 : i32
      %add3A_139 = vector.broadcast %add3A_138 : i32 to vector<16xi32>
      %add3A_140 = arith.addi %and3A_133, %add3A_139 : vector<16xi32>
      %and3A_141 = arith.constant 127 : i32
      %and3A_142 = vector.broadcast %and3A_141 : i32 to vector<16xi32>
      %and3A_143 = arith.andi %add3A_140, %and3A_142 : vector<16xi32>
      %gather3A_144 = tpu.vector_load_idx %arg8[%add3A_86, %and3A_143] : memref<80x128xf32, #tpu.memory_space<vmem>>[vector<16xi32>, vector<16xi32>], vector<16xf32>,
      %gather3A_145 = tpu.vector_load_idx %arg9[%add3A_86, %and3A_143] : memref<80x128xf32, #tpu.memory_space<vmem>>[vector<16xi32>, vector<16xi32>], vector<16xf32>,
      %mul3A_146 = arith.mulf %gather3A_144, %gather3A_145 : vector<16xf32>
      %add3A_147 = arith.addf %add3A_137, %mul3A_146 : vector<16xf32>
      %add3A_148 = arith.constant 1 : i32
      %add3A_149 = vector.broadcast %add3A_148 : i32 to vector<16xi32>
      %add3A_150 = arith.addi %and3A_143, %add3A_149 : vector<16xi32>
      %and3A_151 = arith.constant 127 : i32
      %and3A_152 = vector.broadcast %and3A_151 : i32 to vector<16xi32>
      %and3A_153 = arith.andi %add3A_150, %and3A_152 : vector<16xi32>
      %gather3A_154 = tpu.vector_load_idx %arg8[%add3A_86, %and3A_153] : memref<80x128xf32, #tpu.memory_space<vmem>>[vector<16xi32>, vector<16xi32>], vector<16xf32>,
      %gather3A_155 = tpu.vector_load_idx %arg9[%add3A_86, %and3A_153] : memref<80x128xf32, #tpu.memory_space<vmem>>[vector<16xi32>, vector<16xi32>], vector<16xf32>,
      %mul3A_156 = arith.mulf %gather3A_154, %gather3A_155 : vector<16xf32>
      %add3A_157 = arith.addf %add3A_147, %mul3A_156 : vector<16xf32>
      %add3A_158 = arith.constant 1 : i32
      %add3A_159 = vector.broadcast %add3A_158 : i32 to vector<16xi32>
      %add3A_160 = arith.addi %and3A_153, %add3A_159 : vector<16xi32>
      %and3A_161 = arith.constant 127 : i32
      %and3A_162 = vector.broadcast %and3A_161 : i32 to vector<16xi32>
      %and3A_163 = arith.andi %add3A_160, %and3A_162 : vector<16xi32>
      %gather3A_164 = tpu.vector_load_idx %arg8[%add3A_86, %and3A_163] : memref<80x128xf32, #tpu.memory_space<vmem>>[vector<16xi32>, vector<16xi32>], vector<16xf32>,
      %gather3A_165 = tpu.vector_load_idx %arg9[%add3A_86, %and3A_163] : memref<80x128xf32, #tpu.memory_space<vmem>>[vector<16xi32>, vector<16xi32>], vector<16xf32>,
      %mul3A_166 = arith.mulf %gather3A_164, %gather3A_165 : vector<16xf32>
      %add3A_167 = arith.addf %add3A_157, %mul3A_166 : vector<16xf32>
      %add3A_168 = arith.constant 1 : i32
      %add3A_169 = vector.broadcast %add3A_168 : i32 to vector<16xi32>
      %add3A_170 = arith.addi %and3A_163, %add3A_169 : vector<16xi32>
      %and3A_171 = arith.constant 127 : i32
      %and3A_172 = vector.broadcast %and3A_171 : i32 to vector<16xi32>
      %and3A_173 = arith.andi %add3A_170, %and3A_172 : vector<16xi32>
      %gather3A_174 = tpu.vector_load_idx %arg8[%add3A_86, %and3A_173] : memref<80x128xf32, #tpu.memory_space<vmem>>[vector<16xi32>, vector<16xi32>], vector<16xf32>,
      %gather3A_175 = tpu.vector_load_idx %arg9[%add3A_86, %and3A_173] : memref<80x128xf32, #tpu.memory_space<vmem>>[vector<16xi32>, vector<16xi32>], vector<16xf32>,
      %mul3A_176 = arith.mulf %gather3A_174, %gather3A_175 : vector<16xf32>
      %add3A_177 = arith.addf %add3A_167, %mul3A_176 : vector<16xf32>
      %add3A_178 = arith.constant 1 : i32
      %add3A_179 = vector.broadcast %add3A_178 : i32 to vector<16xi32>
      %add3A_180 = arith.addi %and3A_173, %add3A_179 : vector<16xi32>
      %and3A_181 = arith.constant 127 : i32
      %and3A_182 = vector.broadcast %and3A_181 : i32 to vector<16xi32>
      %and3A_183 = arith.andi %add3A_180, %and3A_182 : vector<16xi32>
      %gather3A_184 = tpu.vector_load_idx %arg8[%add3A_86, %and3A_183] : memref<80x128xf32, #tpu.memory_space<vmem>>[vector<16xi32>, vector<16xi32>], vector<16xf32>,
      %gather3A_185 = tpu.vector_load_idx %arg9[%add3A_86, %and3A_183] : memref<80x128xf32, #tpu.memory_space<vmem>>[vector<16xi32>, vector<16xi32>], vector<16xf32>,
      %mul3A_186 = arith.mulf %gather3A_184, %gather3A_185 : vector<16xf32>
      %add3A_187 = arith.addf %add3A_177, %mul3A_186 : vector<16xf32>
      %add3A_188 = arith.constant 1 : i32
      %add3A_189 = vector.broadcast %add3A_188 : i32 to vector<16xi32>
      %add3A_190 = arith.addi %and3A_183, %add3A_189 : vector<16xi32>
      %and3A_191 = arith.constant 127 : i32
      %and3A_192 = vector.broadcast %and3A_191 : i32 to vector<16xi32>
      %and3A_193 = arith.andi %add3A_190, %and3A_192 : vector<16xi32>
      scf.yield %add3A_187, %and3A_193 : vector<16xf32>, vector<16xi32>
    }
    %scan3A_94 = arith.constant 16 : i32
    %swap3A_95 = arith.constant 48 : index
    %swap3A_96 = tpu.vector_load %arg16[%swap3A_95] {strides = array<i32>} : memref<320xf32, #tpu.memory_space<vmem>>, vector<16xf32>,
    tpu.vector_store %arg16[%swap3A_95], %scan3A_93#0 {strides = array<i32>} : memref<320xf32, #tpu.memory_space<vmem>>, vector<16xf32>,
    %add3A_97 = arith.constant 64 : i32
    %add3A_98 = vector.broadcast %add3A_97 : i32 to vector<16xi32>
    %add3A_99 = arith.addi %iota3A, %add3A_98 : vector<16xi32>
    %broadcast_in_dim3A_100 = arith.constant 0.000000e+00 : f32
    %broadcast_in_dim3A_101 = vector.broadcast %broadcast_in_dim3A_100 : f32 to vector<16xf32>
    %scan3A_102 = arith.constant 0 : i32
    %scan3A_103 = arith.constant 16 : i32
    %scan3A_104 = arith.addi %scan3A_102, %scan3A_103 : i32
    %scan3A_105 = arith.constant 1 : i32
    %scan3A_106:2 = scf.for %scan3A_113 = %scan3A_102 to %scan3A_104 step %scan3A_105 iter_args(%scan3A_114 = %broadcast_in_dim3A_101, %scan3A_115 = %iota3A) -> (vector<16xf32>, vector<16xi32>)  : i32 {
      %gather3A = tpu.vector_load_idx %arg8[%add3A_99, %scan3A_115] : memref<80x128xf32, #tpu.memory_space<vmem>>[vector<16xi32>, vector<16xi32>], vector<16xf32>,
      %gather3A_116 = tpu.vector_load_idx %arg9[%add3A_99, %scan3A_115] : memref<80x128xf32, #tpu.memory_space<vmem>>[vector<16xi32>, vector<16xi32>], vector<16xf32>,
      %mul3A_117 = arith.mulf %gather3A, %gather3A_116 : vector<16xf32>
      %add3A_118 = arith.addf %scan3A_114, %mul3A_117 : vector<16xf32>
      %add3A_119 = arith.constant 1 : i32
      %add3A_120 = vector.broadcast %add3A_119 : i32 to vector<16xi32>
      %add3A_121 = arith.addi %scan3A_115, %add3A_120 : vector<16xi32>
      %and3A = arith.constant 127 : i32
      %and3A_122 = vector.broadcast %and3A : i32 to vector<16xi32>
      %and3A_123 = arith.andi %add3A_121, %and3A_122 : vector<16xi32>
      %gather3A_124 = tpu.vector_load_idx %arg8[%add3A_99, %and3A_123] : memref<80x128xf32, #tpu.memory_space<vmem>>[vector<16xi32>, vector<16xi32>], vector<16xf32>,
      %gather3A_125 = tpu.vector_load_idx %arg9[%add3A_99, %and3A_123] : memref<80x128xf32, #tpu.memory_space<vmem>>[vector<16xi32>, vector<16xi32>], vector<16xf32>,
      %mul3A_126 = arith.mulf %gather3A_124, %gather3A_125 : vector<16xf32>
      %add3A_127 = arith.addf %add3A_118, %mul3A_126 : vector<16xf32>
      %add3A_128 = arith.constant 1 : i32
      %add3A_129 = vector.broadcast %add3A_128 : i32 to vector<16xi32>
      %add3A_130 = arith.addi %and3A_123, %add3A_129 : vector<16xi32>
      %and3A_131 = arith.constant 127 : i32
      %and3A_132 = vector.broadcast %and3A_131 : i32 to vector<16xi32>
      %and3A_133 = arith.andi %add3A_130, %and3A_132 : vector<16xi32>
      %gather3A_134 = tpu.vector_load_idx %arg8[%add3A_99, %and3A_133] : memref<80x128xf32, #tpu.memory_space<vmem>>[vector<16xi32>, vector<16xi32>], vector<16xf32>,
      %gather3A_135 = tpu.vector_load_idx %arg9[%add3A_99, %and3A_133] : memref<80x128xf32, #tpu.memory_space<vmem>>[vector<16xi32>, vector<16xi32>], vector<16xf32>,
      %mul3A_136 = arith.mulf %gather3A_134, %gather3A_135 : vector<16xf32>
      %add3A_137 = arith.addf %add3A_127, %mul3A_136 : vector<16xf32>
      %add3A_138 = arith.constant 1 : i32
      %add3A_139 = vector.broadcast %add3A_138 : i32 to vector<16xi32>
      %add3A_140 = arith.addi %and3A_133, %add3A_139 : vector<16xi32>
      %and3A_141 = arith.constant 127 : i32
      %and3A_142 = vector.broadcast %and3A_141 : i32 to vector<16xi32>
      %and3A_143 = arith.andi %add3A_140, %and3A_142 : vector<16xi32>
      %gather3A_144 = tpu.vector_load_idx %arg8[%add3A_99, %and3A_143] : memref<80x128xf32, #tpu.memory_space<vmem>>[vector<16xi32>, vector<16xi32>], vector<16xf32>,
      %gather3A_145 = tpu.vector_load_idx %arg9[%add3A_99, %and3A_143] : memref<80x128xf32, #tpu.memory_space<vmem>>[vector<16xi32>, vector<16xi32>], vector<16xf32>,
      %mul3A_146 = arith.mulf %gather3A_144, %gather3A_145 : vector<16xf32>
      %add3A_147 = arith.addf %add3A_137, %mul3A_146 : vector<16xf32>
      %add3A_148 = arith.constant 1 : i32
      %add3A_149 = vector.broadcast %add3A_148 : i32 to vector<16xi32>
      %add3A_150 = arith.addi %and3A_143, %add3A_149 : vector<16xi32>
      %and3A_151 = arith.constant 127 : i32
      %and3A_152 = vector.broadcast %and3A_151 : i32 to vector<16xi32>
      %and3A_153 = arith.andi %add3A_150, %and3A_152 : vector<16xi32>
      %gather3A_154 = tpu.vector_load_idx %arg8[%add3A_99, %and3A_153] : memref<80x128xf32, #tpu.memory_space<vmem>>[vector<16xi32>, vector<16xi32>], vector<16xf32>,
      %gather3A_155 = tpu.vector_load_idx %arg9[%add3A_99, %and3A_153] : memref<80x128xf32, #tpu.memory_space<vmem>>[vector<16xi32>, vector<16xi32>], vector<16xf32>,
      %mul3A_156 = arith.mulf %gather3A_154, %gather3A_155 : vector<16xf32>
      %add3A_157 = arith.addf %add3A_147, %mul3A_156 : vector<16xf32>
      %add3A_158 = arith.constant 1 : i32
      %add3A_159 = vector.broadcast %add3A_158 : i32 to vector<16xi32>
      %add3A_160 = arith.addi %and3A_153, %add3A_159 : vector<16xi32>
      %and3A_161 = arith.constant 127 : i32
      %and3A_162 = vector.broadcast %and3A_161 : i32 to vector<16xi32>
      %and3A_163 = arith.andi %add3A_160, %and3A_162 : vector<16xi32>
      %gather3A_164 = tpu.vector_load_idx %arg8[%add3A_99, %and3A_163] : memref<80x128xf32, #tpu.memory_space<vmem>>[vector<16xi32>, vector<16xi32>], vector<16xf32>,
      %gather3A_165 = tpu.vector_load_idx %arg9[%add3A_99, %and3A_163] : memref<80x128xf32, #tpu.memory_space<vmem>>[vector<16xi32>, vector<16xi32>], vector<16xf32>,
      %mul3A_166 = arith.mulf %gather3A_164, %gather3A_165 : vector<16xf32>
      %add3A_167 = arith.addf %add3A_157, %mul3A_166 : vector<16xf32>
      %add3A_168 = arith.constant 1 : i32
      %add3A_169 = vector.broadcast %add3A_168 : i32 to vector<16xi32>
      %add3A_170 = arith.addi %and3A_163, %add3A_169 : vector<16xi32>
      %and3A_171 = arith.constant 127 : i32
      %and3A_172 = vector.broadcast %and3A_171 : i32 to vector<16xi32>
      %and3A_173 = arith.andi %add3A_170, %and3A_172 : vector<16xi32>
      %gather3A_174 = tpu.vector_load_idx %arg8[%add3A_99, %and3A_173] : memref<80x128xf32, #tpu.memory_space<vmem>>[vector<16xi32>, vector<16xi32>], vector<16xf32>,
      %gather3A_175 = tpu.vector_load_idx %arg9[%add3A_99, %and3A_173] : memref<80x128xf32, #tpu.memory_space<vmem>>[vector<16xi32>, vector<16xi32>], vector<16xf32>,
      %mul3A_176 = arith.mulf %gather3A_174, %gather3A_175 : vector<16xf32>
      %add3A_177 = arith.addf %add3A_167, %mul3A_176 : vector<16xf32>
      %add3A_178 = arith.constant 1 : i32
      %add3A_179 = vector.broadcast %add3A_178 : i32 to vector<16xi32>
      %add3A_180 = arith.addi %and3A_173, %add3A_179 : vector<16xi32>
      %and3A_181 = arith.constant 127 : i32
      %and3A_182 = vector.broadcast %and3A_181 : i32 to vector<16xi32>
      %and3A_183 = arith.andi %add3A_180, %and3A_182 : vector<16xi32>
      %gather3A_184 = tpu.vector_load_idx %arg8[%add3A_99, %and3A_183] : memref<80x128xf32, #tpu.memory_space<vmem>>[vector<16xi32>, vector<16xi32>], vector<16xf32>,
      %gather3A_185 = tpu.vector_load_idx %arg9[%add3A_99, %and3A_183] : memref<80x128xf32, #tpu.memory_space<vmem>>[vector<16xi32>, vector<16xi32>], vector<16xf32>,
      %mul3A_186 = arith.mulf %gather3A_184, %gather3A_185 : vector<16xf32>
      %add3A_187 = arith.addf %add3A_177, %mul3A_186 : vector<16xf32>
      %add3A_188 = arith.constant 1 : i32
      %add3A_189 = vector.broadcast %add3A_188 : i32 to vector<16xi32>
      %add3A_190 = arith.addi %and3A_183, %add3A_189 : vector<16xi32>
      %and3A_191 = arith.constant 127 : i32
      %and3A_192 = vector.broadcast %and3A_191 : i32 to vector<16xi32>
      %and3A_193 = arith.andi %add3A_190, %and3A_192 : vector<16xi32>
      scf.yield %add3A_187, %and3A_193 : vector<16xf32>, vector<16xi32>
    }
    %scan3A_107 = arith.constant 16 : i32
    %swap3A_108 = arith.constant 64 : index
    %swap3A_109 = tpu.vector_load %arg16[%swap3A_108] {strides = array<i32>} : memref<320xf32, #tpu.memory_space<vmem>>, vector<16xf32>,
    tpu.vector_store %arg16[%swap3A_108], %scan3A_106#0 {strides = array<i32>} : memref<320xf32, #tpu.memory_space<vmem>>, vector<16xf32>,
    %add3A_110 = arith.constant 9920 : i32
    %add3A_111 = arith.addi %mul3A_2, %add3A_110 : i32
    %multiple_of3A_112 = tpu.assume_multiple %add3A_111, 8 : i32
    "tpu.region"() ({
      %run_scoped3A = tpu.sem_alloc : memref<!tpu.dma_semaphore, #tpu.memory_space<semaphore_mem>>
      %dma_start3A_113 = arith.constant 0 : i32
      %dma_start3A_114 = tpu.memref_slice %arg16[%dma_start3A_113] : memref<320xf32, #tpu.memory_space<vmem>> -> memref<80xf32, #tpu.memory_space<vmem>>
      %dma_start3A_115 = tpu.memref_slice %arg5[%multiple_of3A_112] : memref<320000xf32, #tpu.memory_space<hbm>> -> memref<80xf32, #tpu.memory_space<hbm>>
      %dma_start3A_116 = tpu.memref_slice %arg5[%multiple_of3A_112] : memref<320000xf32, #tpu.memory_space<hbm>> -> memref<80xf32, #tpu.memory_space<hbm>>
      %dma_start3A_117 = arith.constant 0 : i32
      %dma_start3A_118 = tpu.memref_slice %arg16[%dma_start3A_117] : memref<320xf32, #tpu.memory_space<vmem>> -> memref<80xf32, #tpu.memory_space<vmem>>
      tpu.enqueue_dma source(%dma_start3A_118 : memref<80xf32, #tpu.memory_space<vmem>>) target(%dma_start3A_116 : memref<80xf32, #tpu.memory_space<hbm>>) target_semaphore(%run_scoped3A : memref<!tpu.dma_semaphore, #tpu.memory_space<semaphore_mem>>)
      %dma_wait3A_119 = arith.constant 0 : i32
      %dma_wait3A_120 = tpu.memref_slice %arg16[%dma_wait3A_119] : memref<320xf32, #tpu.memory_space<vmem>> -> memref<80xf32, #tpu.memory_space<vmem>>
      %dma_wait3A_121 = tpu.memref_slice %arg5[%multiple_of3A_112] : memref<320000xf32, #tpu.memory_space<hbm>> -> memref<80xf32, #tpu.memory_space<hbm>>
      %dma_wait3A_122 = tpu.memref_slice %arg5[%multiple_of3A_112] : memref<320000xf32, #tpu.memory_space<hbm>> -> memref<80xf32, #tpu.memory_space<hbm>>
      %dma_wait3A_123 = arith.constant 0 : i32
      %dma_wait3A_124 = tpu.memref_slice %arg16[%dma_wait3A_123] : memref<320xf32, #tpu.memory_space<vmem>> -> memref<80xf32, #tpu.memory_space<vmem>>
      tpu.wait_dma2 semaphore(%run_scoped3A : memref<!tpu.dma_semaphore, #tpu.memory_space<semaphore_mem>>) src(%dma_wait3A_124 : memref<80xf32, #tpu.memory_space<vmem>>) dst(%dma_wait3A_122 : memref<80xf32, #tpu.memory_space<hbm>>)
      tpu.yield
    }) : () -> ()
    return
  }
}

</mosaic_0001>

<sc_bundles>
// kernel: kernel.3.cloned.1.call-start
scs
__scs_entry_jumppad:
0x0: {  	(pc) =	sbr.rel $0x88, $3  }
0x1: {  	(tag) =	ssettag $0x0;
	lr =	simm.s32 $0x1  }
0x2: {  	[smem:$0x3F9F] =	sst lr;
	_ =	strace $0xD0000000  }
0x3: {  	_ = 	snop  }
0x4: {  	_ = 	snop  }
0x5: {  	_ = 	snop  }
0x6: {  	_ = 	snop  }
0x7: {  	_ = 	snop  }
__scs_overlays_trampoline_lowered:
0x8: {  	[smem:$0x3FAE] =	sst s0  }
0x9: {  	[smem:$0x3FAF] =	sst s1  }
0xa: {  	[smem:$0x3FB0] =	sst s2  }
0xb: {  	[smem:$0x3FB1] =	sst s3  }
0xc: {  	[smem:$0x3FB2] =	sst s4  }
0xd: {  	[smem:$0x3FB3] =	sst s5  }
0xe: {  	[smem:$0x3FB4] =	sst s6  }
0xf: {  	[smem:$0x3FB5] =	sst s7  }
0x10: {  	[smem:$0x3FB6] =	sst s8  }
0x11: {  	[smem:$0x3FB7] =	sst s9;
	s0 =	simm.s32 @!p0 $0x0  }
0x12: {  	s1 =	sld [smem:$0x3F9D];
	s0 =	simm.s32 @p0 $0x1  }
0x13: {  	[smem:$0x3FB8] =	sst s0;
	s0 =	simm.s32 @!p1 $0x0  }
0x14: {  	s2 =	sld [smem:$0x3F9C];
	s0 =	simm.s32 @p1 $0x1  }
0x15: {  	[smem:$0x3FB9] =	sst s0;
	s0 =	simm.s32 @!p2 $0x0  }
0x16: {  	s3 =	sld [smem:$0x3FDB];
	s0 =	simm.s32 @p2 $0x1  }
0x17: {  	s4 =	simm.s32 $0x1BF5;
	[smem:$0x3FBB] =	sst s0  }
0x18: {  	s0 =	sld [smem:$0x3F9E];
	_ =	swait.ge [sflag:s4], $0x0  }
0x19: {  	s7 =	sld [smem:$0x3F9F]  }
0x1a: {  	s8 =	sadd.s32 $0xFFFFE003, lr  }
0x1b: {  	s9 =	sadd.s32 $0xFFFFFEF7, lr;
	s5 =	simm.s32 $0xFFFFFFFF;
	p2 =	slt.u32 s8, $0xFFFFF086  }
0x1c: {  	p1 =	slt.u32 s9, $0xF7A;
	s5 =	simm.s32 @!p2 $0x0  }
0x1d: {  	s5 =	simm.s32 @p1 $0x1;
	p0 =	seq.s32 s7, s2  }
0x1e: {  	s7 =	smul.u32 @!p0 $0xF7A, s2;
	p2 =	seq.s32 @!p0 s5, $0x0  }
0x1f: {  	s9 =	smul.u32 $0xF7A, s1;
	s8 =	simm.s32 @!p0 $0x1BF5;
	p2 =	por !p2, p0  }
0x20: {  	[sflag:s8] =	ssyncset.s32 @!p0 $0xFFFFF086;
	s6 =	sadd.s32 @!p0 s3, s7;
	s7 =	simm.s32 @!p0 $0x108  }
0x21: {  	s3 =	sadd.s32 s3, s9;
	s6 =	sadd.s32 @!p0 $0x88, s6;
	s7 =	simm.s32 @p2 $0x1082  }
0x22: {  	[simem:s7], [sflag:s8] =	dma.local @!p0 [hbm:s6], $0xF7A  }
0x23: {  	s9 =	sor.u32 $0xD0000000, s2;
	s6 =	simm.s32 $0x108;
	_ =	swait.ge @!p0 [sflag:s8], $0x0  }
0x24: {  	s3 =	sadd.s32 $0x88, s3;
	s6 =	simm.s32 @!p1 $0x1082;
	[sflag:s4] =	ssyncset.s32 $0xFFFFF086  }
0x25: {  	[simem:s6], [sflag:s4] =	dma.local [hbm:s3], $0xF7A  }
0x26: {  	[smem:$0x3F9F] =	sst s1;
	(tag) =	ssettag s2;
	_ =	strace s9  }
0x27: {  	s1 =	sld [smem:$0x3FAF]  }
0x28: {  	s2 =	sld [smem:$0x3FB0]  }
0x29: {  	s4 =	sld [smem:$0x3FB2]  }
0x2a: {  	p0 =	seq.s32 s5, $0x0;
	s5 =	sld [smem:$0x3FB3]  }
0x2b: {  	s6 =	sld [smem:$0x3FB4]  }
0x2c: {  	s7 =	sld [smem:$0x3FB5]  }
0x2d: {  	s3 =	simm.s32 $0x108;
	s8 =	sld [smem:$0x3FB6]  }
0x2e: {  	s3 =	simm.s32 @!p0 $0x1082;
	s9 =	sld [smem:$0x3FB7]  }
0x2f: {  	lr =	sadd.s32 s0, s3;
	s0 =	sld [smem:$0x3FAE]  }
0x30: {  	s3 =	sld [smem:$0x3FB1]  }
0x31: {  	[smem:$0x3FBA] =	sst s10  }
0x32: {  	s10 =	sld [smem:$0x3FB8];
	_ =	sdelay $0x3  }
0x33: {  	p0 =	seq.s32 s10, $0x1;
	s10 =	sld [smem:$0x3FBA];
	_ =	sdelay $0x3  }
0x34: {  	[smem:$0x3FBA] =	sst s10  }
0x35: {  	s10 =	sld [smem:$0x3FB9];
	_ =	sdelay $0x3  }
0x36: {  	p1 =	seq.s32 s10, $0x1;
	s10 =	sld [smem:$0x3FBA];
	_ =	sdelay $0x3  }
0x37: {  	[smem:$0x3FBA] =	sst s10  }
0x38: {  	s10 =	sld [smem:$0x3FBB]  }
0x39: {  	_ = 	snop;
	(pc) =	sbr.ind lr, $3  }
0x3a: {  	_ = 	snop  }
0x3b: {  	_ = 	snop  }
0x3c: {  	p2 =	seq.s32 s10, $0x1;
	s10 =	sld [smem:$0x3FBA]  }
0x3d: {  	_ =	shalt  }
0x3e: {  	_ =	shalt  }
0x3f: {  	_ =	shalt  }
0x40: {  	_ =	shalt  }
0x41: {  	_ =	shalt  }
0x42: {  	_ =	shalt  }
0x43: {  	_ =	shalt  }
0x44: {  	_ =	shalt  }
0x45: {  	_ =	shalt  }
0x46: {  	_ =	shalt  }
0x47: {  	_ =	shalt  }
0x48: {  	_ =	shalt  }
0x49: {  	_ =	shalt  }
0x4a: {  	_ =	shalt  }
0x4b: {  	_ =	shalt  }
0x4c: {  	_ =	shalt  }
0x4d: {  	_ =	shalt  }
0x4e: {  	_ =	shalt  }
0x4f: {  	_ =	shalt  }
0x50: {  	_ =	shalt  }
0x51: {  	_ =	shalt  }
0x52: {  	_ =	shalt  }
0x53: {  	_ =	shalt  }
0x54: {  	_ =	shalt  }
0x55: {  	_ =	shalt  }
0x56: {  	_ =	shalt  }
0x57: {  	_ =	shalt  }
0x58: {  	_ =	shalt  }
0x59: {  	_ =	shalt  }
0x5a: {  	_ =	shalt  }
0x5b: {  	_ =	shalt  }
0x5c: {  	_ =	shalt  }
0x5d: {  	_ =	shalt  }
0x5e: {  	_ =	shalt  }
0x5f: {  	_ =	shalt  }
0x60: {  	_ =	shalt  }
0x61: {  	_ =	shalt  }
0x62: {  	_ =	shalt  }
0x63: {  	_ =	shalt  }
0x64: {  	_ =	shalt  }
0x65: {  	_ =	shalt  }
0x66: {  	_ =	shalt  }
0x67: {  	_ =	shalt  }
0x68: {  	_ =	shalt  }
0x69: {  	_ =	shalt  }
0x6a: {  	_ =	shalt  }
0x6b: {  	_ =	shalt  }
0x6c: {  	_ =	shalt  }
0x6d: {  	_ =	shalt  }
0x6e: {  	_ =	shalt  }
0x6f: {  	_ =	shalt  }
0x70: {  	_ =	shalt  }
0x71: {  	_ =	shalt  }
0x72: {  	_ =	shalt  }
0x73: {  	_ =	shalt  }
0x74: {  	_ =	shalt  }
0x75: {  	_ =	shalt  }
0x76: {  	_ =	shalt  }
0x77: {  	_ =	shalt  }
0x78: {  	_ =	shalt  }
0x79: {  	_ =	shalt  }
0x7a: {  	_ =	shalt  }
0x7b: {  	_ =	shalt  }
0x7c: {  	_ =	shalt  }
0x7d: {  	_ =	shalt  }
0x7e: {  	_ =	shalt  }
0x7f: {  	_ =	shalt  }
0x80: {  	_ =	shalt  }
0x81: {  	_ =	shalt  }
0x82: {  	_ =	shalt  }
0x83: {  	_ =	shalt  }
0x84: {  	_ =	shalt  }
0x85: {  	_ =	shalt  }
0x86: {  	_ =	shalt  }
0x87: {  	_ =	shalt  }
.Lfunc_end0:
.L_simem_size_0:
called_computation_lowered:
.L_overlay_start_0:
0x88: {  	s2 =	sld [smem:$0x3FD9]  }
0x89: {  	s3 =	sld [smem:$0x3FFE];
	_ =	sdelay $0x1  }
0x8a: {  	s1 =	srdreg.scid  }
0x8b: {  	s0 =	sand.u32 $0x1, s1  }
0x8c: {  	s17 =	sshll.u32 s0, $0xA;
	s2 =	sadd.s32 s3, s2  }
0x8d: {  	s2 =	sadd.s32 s2, s17  }
0x8e: {  	[smem:$0x3FC6] =	sst s2  }
0x8f: {  	_ = 	snop  }
0x90: {  	s2 =	sld [smem:$0x3FC9];
	(tm) =	ssettm $0x1  }
0x91: {  	s18 =	sld [smem:$0x3FFB];
	_ =	sdelay $0x3  }
0x92: {  	_ =	strace s18  }
0x93: {  	s3 =	sld [smem:$0x3FFC];
	_ =	sdelay $0x3  }
0x94: {  	_ =	strace s3  }
0x95: {  	s3 =	sld [smem:$0x3FFD];
	_ =	sdelay $0x3  }
0x96: {  	_ =	strace s3  }
0x97: {  	_ =	strace $0x8FFFFFFF  }
0x98: {  	s19 =	sld [smem:$0x3FDB];
	_ =	sdelay $0x1  }
0x99: {  	s4 =	simm.s32 $_scs_section_size  }
0x9a: {  	s5 =	simm.s32 $_size__tile_overlayer_lowered;
	s6 =	simm.s32 $_tile_overlayer_lowered  }
0x9b: {  	s22 =	simm.s32 $0x1BFF;
	s21 =	sshll.u32 s6, $0x1;
	s3 =	sadd.s32 s4, s19  }
0x9c: {  	s7 =	simm.s32 $0x0;
	s20 =	sshll.u32 s5, $0x1;
	s5 =	sadd.s32 s21, s3  }
0x9d: {  	[timem:s7], [sflag:s22] =	dma.local [hbm:s5], s20  }
0x9e: {  	_ =	swait.ge [sflag:s22], s20  }
0x9f: {  	s4 =	ssub.s32 $0x0, s20;
	[sflag:s22] =	ssyncset.done $0x0  }
0xa0: {  	[sflag:s22] =	ssyncadd.s32 s4;
	_ =	sdelay $0x1  }
0xa1: {  	s23 =	simm.s32 $0x1B8B  }
0xa2: {  	_ =	swait.ge [sflag:s23], $0x1  }
0xa3: {  	[sflag:s23] =	ssyncset.done $0x0  }
0xa4: {  	s25 =	simm.s32 $0x1B8E;
	s24 =	sld [smem:$0x3FFE];
	[sflag:s23] =	ssyncadd.s32 $0xFFFFFFFF  }
0xa5: {  	s26 =	simm.s32 $execute0_lowered;
	[smem:$0x3FD2] =	sst s25  }
0xa6: {  	s5 =	sshll.u32 s26, $0x1;
	_ =	strace $0x80000046;
	[dreg:$0x1] =	wrdreg $0xFFFFFFFF  }
0xa7: {  	s28 =	simm.s32 $_size_execute0_lowered;
	s3 =	sadd.s32 s3, s5;
	[dreg:$0x0] =	wrdreg $0x0  }
0xa8: {  	s5 =	sshll.u32 s28, $0x1;
	[dreg:$0x2] =	wrdreg s3  }
0xa9: {  	[dreg:$0x3] =	wrdreg s5  }
0xaa: {  	[dreg:$0x4] =	wrdreg $0xC0  }
0xab: {  	_ =	task [dreg:s7], $0x5FFFF  }
0xac: {  	[dreg:$0x1] =	wrdreg $0xFFFFFFFF  }
0xad: {  	[dreg:$0x0] =	wrdreg $0x60  }
0xae: {  	[dreg:$0x2] =	wrdreg s2  }
0xaf: {  	[dreg:$0x3] =	wrdreg s24  }
0xb0: {  	[dreg:$0x4] =	wrdreg $0x9  }
0xb1: {  	_ =	task.clear_ibuf [dreg:s7], $0x5FFFF;
	_ =	strace $0x90000046  }
0xb2: {  	s29 =	simm.s32 $0x9;
	_ =	strace $0x80000048  }
0xb3: {  	_ =	swait.ge [sflag:s29], $0x1  }
0xb4: {  	[sflag:s29] =	ssyncadd.s32 $0xFFFFFFFF  }
0xb5: {  	_ =	strace $0x90000048  }
0xb6: {  	_ =	sfence  }
0xb7: {  	s30 =	sld [smem:$0x0];
	_ =	sdelay $0x2  }
0xb8: {  	s31 =	sshll.u32 s1, $0xD;
	s1 =	sshrl.u32 s1, $0x2  }
0xb9: {  	s3 =	sand.u32 $0x4000, s31;
	s1 =	sadd.s32 s1, s30  }
0xba: {  	s0 =	sor.u32 s3, s0;
	s1 =	sshll.u32 s1, $0x11  }
0xbb: {  	s0 =	sor.u32 s1, s0  }
0xbc: {  	s0 =	sadd.s32 $0x8F2B, s0  }
0xbd: {  	[sflag:s0] =	ssyncadd.remote.s32 $0x1  }
0xbe: {  	_ =	sfence.sel $0xFFFF  }
0xbf: {  	[dreg:$0x0] =	wrdreg $0xFFFFFFFF;
	(pc) =	sbr.abs _section_cstart, $3  }
0xc0: {  	[dreg:$0x1] =	wrdreg $0xFFFFFFFF  }
0xc1: {  	_ =	task.clear_ibuf [dreg:s7], $0x2FFFF;
	_ =	strace $0x9FFFFFFF  }
0xc2: {  	(tm) =	ssettm $0x7FFFFFFF  }
0xc3: {  	_ =	shalt  }
tec
execute0_lowered:
.L_overlay_start_1:
0x0: {  	(tag) =	ssettag $0x1  }
0x1: {  	s2 =	rddreg [dreg:$0x0]  }
0x2: {  	s0 =	srdreg.scid;
	s3 =	stileid.u32  }
0x3: {  	s1 =	rddreg [dreg:$0x1];
	s10 =	simm.s32 $0x6;
	s11 =	simm.s32 $0x2780  }
0x4: {  	s12 =	simm.s32 $0x50;
	s13 =	simm.s32 $0x4F00;
	s14 =	simm.s32 $0x7700  }
0x5: {  	s15 =	simm.s32 $0x9F00;
	s17 =	simm.s32 $0xC700;
	s19 =	simm.s32 $0xEF00  }
0x6: {  	s21 =	simm.s32 $0x11700;
	s22 =	simm.s32 $0x13F00;
	s23 =	simm.s32 $0x16700  }
0x7: {  	s24 =	simm.s32 $0x1;
	s25 =	simm.s32 $0x2;
	s28 =	simm.s32 $0x4  }
0x8: {  	s29 =	simm.s32 $0x18F00;
	s0 =	sand.u32 $0x1, s0;
	s4 =	sshll.u32 s3, $0x1  }
0x9: {  	s30 =	simm.s32 $0x5;
	s31 =	simm.s32 $0x0;
	s4 =	sor.u32 s0, s4  }
0xa: {  	v0 =	vlaneseq.u32;
	s3 =	simm.s32 $0x0;
	s0 =	ssub.s32 $0x2, s0;
	s4 =	smul.u32 $0x2710, s4  }
0xb: {  	s5 =	sadd.s32 $0x13C00, s1;
	v0 =	vmul.u32 $0x80, v0;
	[smem:$0x7FF] =	sst s3;
	s6 =	sshrl.u32 s0, $0x1  }
0xc: {  	_ =	strace $0x80000047;
	s0 =	ssub.s32 s0, s6;
	s7 =	sshrl.u32 s4, $0x3  }
0xd: {  	v1 =	vor.u32 $0x800, v0;
	s9 =	smax.u32 s0, $0x1;
	s6 =	sadd.s32 s1, s7;
	s26 =	sadd.s32 s5, s7  }
0xe: {  	v2 =	vor.u32 $0x1000, v0;
	v3 =	vor.u32 $0x1800, v0;
	v4 =	vor.u32 $0x2000, v0;
	s7 =	sadd.s32 $0x9E00, s6;
	s8 =	sadd.s32 $0x4D8, s26;
	s26 =	simm.s32 $0x3  }
.LBB2_1:
0xf: {  	[tilespmem:s3], [sflag:$0x6] =	stream.linear.gather [hbm4b:s7+s3], $0x2710, $0x38;
	[tilespmem:$0x19080] =	vst v63  }
0x10: {  	_ =	swait.ge [sflag:s10], $0x2710  }
0x11: {  	[sflag:s10] =	ssyncset.done $0x0  }
0x12: {  	[sflag:s10] =	ssyncadd.s32 $0xFFFFD8F0  }
0x13: {  	[tilespmem:s11], [sflag:$0x6] =	stream.linear.gather [hbm4b:s6+s3], $0x2710, $0x38;
	[tilespmem:$0x19080] =	vst v63  }
0x14: {  	_ =	swait.ge [sflag:s10], $0x2710  }
0x15: {  	[sflag:s10] =	ssyncset.done $0x0  }
0x16: {  	[sflag:s10] =	ssyncadd.s32 $0xFFFFD8F0  }
0x17: {  	[tilespmem:s13], [sflag:$0x1] =	stream.indirect.gather [hbm4b:s2+s12], $0x80, s3, s12, $0xb8;
	[tilespmem:$0x19080] =	vst v63  }
0x18: {  	_ = 	snop  }
0x19: {  	[tilespmem:s14], [sflag:$0x1] =	stream.indirect.gather [hbm4b:s2+s12], $0x80, s11, s12, $0xb8;
	[tilespmem:$0x19080] =	vst v63  }
0x1a: {  	_ = 	snop  }
0x1b: {  	[tilespmem:s15], [sflag:$0x2] =	stream.indirect.gather [hbm4b:s2+s12], $0x80, s12, s12, $0xb8;
	[tilespmem:$0x19080] =	vst v63  }
0x1c: {  	s0 =	simm.s32 $0x27D0  }
0x1d: {  	[tilespmem:s17], [sflag:$0x2] =	stream.indirect.gather [hbm4b:s2+s12], $0x80, s0, s12, $0xb8;
	[tilespmem:$0x19080] =	vst v63  }
0x1e: {  	s18 =	simm.s32 $0xA0  }
0x1f: {  	[tilespmem:s19], [sflag:$0x3] =	stream.indirect.gather [hbm4b:s2+s12], $0x80, s18, s12, $0xb8;
	[tilespmem:$0x19080] =	vst v63  }
0x20: {  	s20 =	simm.s32 $0x2820;
	s1 =	simm.s32 $0x0  }
0x21: {  	[tilespmem:s21], [sflag:$0x3] =	stream.indirect.gather [hbm4b:s2+s12], $0x80, s20, s12, $0xb8;
	[tilespmem:$0x19080] =	vst v63  }
.LBB2_2:
0x22: {  	p0 =	seq.s32 s1, $0x0  }
0x23: {  	s0 =	simm.s32 @!p0 $0x5;
	s16 =	smul.u32 @!p0 $0x140, s1  }
0x24: {  	_ =	swait.ge @!p0 [sflag:s0], $0x140  }
0x25: {  	[sflag:s0] =	ssyncset.done @!p0 $0x0;
	s16 =	sadd.s32 @!p0 $0xF0, s16  }
0x26: {  	[sflag:s0] =	ssyncadd.s32 @!p0 $0xFFFFFEC0;
	s16 =	simm.s32 @p0 $0xF0  }
0x27: {  	[tilespmem:s22], [sflag:$0x4] =	stream.indirect.gather [hbm4b:s2+s12], $0x80, s16, s12, $0xb8;
	[tilespmem:$0x19080] =	vst v63  }
0x28: {  	s20 =	sadd.s32 $0x2780, s16  }
0x29: {  	[tilespmem:s23], [sflag:$0x4] =	stream.indirect.gather [hbm4b:s2+s12], $0x80, s20, s12, $0xb8;
	[tilespmem:$0x19080] =	vst v63  }
0x2a: {  	v5 =	vlaneseq.u32;
	_ =	swait.ge [sflag:s24], $0x2800  }
0x2b: {  	v6 =	vor.u32 v0, v5;
	v7 =	vadd.s32 $0x1, v5;
	[sflag:s24] =	ssyncset.done $0x0  }
0x2c: {  	v7 =	vand.u32 $0x7F, v7;
	[sflag:s24] =	ssyncadd.s32 $0xFFFFD800  }
0x2d: {  	v8 =	vadd.s32 $0x2, v5;
	v7 =	vor.u32 v0, v7;
	_ =	swait.ge [sflag:s24], $0x2800  }
0x2e: {  	v8 =	vand.u32 $0x7F, v8;
	[sflag:s24] =	ssyncset.done $0x0  }
0x2f: {  	v9 =	vadd.s32 $0x3, v5;
	v8 =	vor.u32 v0, v8;
	[sflag:s24] =	ssyncadd.s32 $0xFFFFD800  }
0x30: {  	v9 =	vand.u32 $0x7F, v9;
	v12 =	vld.idx.msk [tilespmem:v6+s13+$0x0], $0xffff  }
0x31: {  	v11 =	vor.u32 v0, v9;
	v13 =	vld.idx.msk [tilespmem:v6+s14+$0x0], $0xffff;
	v6 =	vadd.s32 $0x4, v5  }
0x32: {  	v14 =	vld.idx.msk [tilespmem:v7+s13+$0x0], $0xffff;
	v6 =	vand.u32 $0x7F, v6  }
0x33: {  	v15 =	vld.idx.msk [tilespmem:v7+s14+$0x0], $0xffff;
	v7 =	vadd.s32 $0x5, v5;
	v17 =	vor.u32 v0, v6  }
0x34: {  	v9 =	vld.idx.msk [tilespmem:v8+s14+$0x0], $0xffff;
	v7 =	vand.u32 $0x7F, v7  }
0x35: {  	v6 =	vld.idx.msk [tilespmem:v8+s13+$0x0], $0xffff;
	v10 =	vor.u32 v0, v7;
	v8 =	vadd.s32 $0x6, v5  }
0x36: {  	v7 =	vld.idx.msk [tilespmem:v11+s13+$0x0], $0xffff;
	v8 =	vand.u32 $0x7F, v8  }
0x37: {  	v16 =	vadd.s32 $0x7, v5;
	v11 =	vld.idx.msk [tilespmem:v11+s14+$0x0], $0xffff;
	v12 =	vmul.f32 v13, v12;
	v13 =	vor.u32 v0, v8  }
0x38: {  	v18 =	vimm.f32 $0.0e+00;
	v19 =	vand.u32 $0x7F, v16;
	v8 =	vld.idx.msk [tilespmem:v17+s13+$0x0], $0xffff  }
0x39: {  	v5 =	vadd.s32 $0x8, v5;
	v16 =	vmul.f32 v15, v14;
	v15 =	vor.u32 v0, v19;
	v14 =	vld.idx.msk [tilespmem:v17+s14+$0x0], $0xffff  }
0x3a: {  	s0 =	simm.s32 $0xF;
	v5 =	vand.u32 $0x7F, v5;
	v17 =	vadd.f32 v12, v18;
	v12 =	vld.idx.msk [tilespmem:v10+s13+$0x0], $0xffff  }
.LBB2_3:
0x3b: {  	v18 =	vor.u32 v0, v5;
	v19 =	vadd.s32 $0x1, v5;
	p0 =	sne.s32 s0, $0x1;
	s0 =	sadd.s32 $0xFFFFFFFF, s0;
	v6 =	vmul.f32 v9, v6;
	v9 =	vld.idx.msk [tilespmem:v10+s14+$0x0], $0xffff  }
0x3c: {  	v10 =	vand.u32 $0x7F, v19;
	v19 =	vadd.s32 $0x2, v5;
	v16 =	vadd.f32 v16, v17;
	v17 =	vld.idx.msk [tilespmem:v13+s13+$0x0], $0xffff  }
0x3d: {  	v7 =	vmul.f32 v11, v7;
	v10 =	vor.u32 v0, v10;
	v11 =	vld.idx.msk [tilespmem:v13+s14+$0x0], $0xffff  }
0x3e: {  	v13 =	vand.u32 $0x7F, v19;
	v6 =	vadd.f32 v6, v16;
	v16 =	vld.idx.msk [tilespmem:v15+s13+$0x0], $0xffff  }
0x3f: {  	v19 =	vadd.s32 $0x3, v5;
	v13 =	vor.u32 v0, v13;
	v8 =	vmul.f32 v14, v8;
	v14 =	vld.idx.msk [tilespmem:v15+s14+$0x0], $0xffff  }
0x40: {  	v19 =	vand.u32 $0x7F, v19;
	v15 =	vld.idx.msk [tilespmem:v18+s13+$0x0], $0xffff;
	v6 =	vadd.f32 v7, v6  }
0x41: {  	v19 =	vor.u32 v0, v19;
	v7 =	vadd.s32 $0x4, v5;
	v9 =	vmul.f32 v9, v12;
	v18 =	vld.idx.msk [tilespmem:v18+s14+$0x0], $0xffff  }
0x42: {  	v7 =	vand.u32 $0x7F, v7;
	v12 =	vld.idx.msk [tilespmem:v10+s13+$0x0], $0xffff;
	v8 =	vadd.f32 v8, v6  }
0x43: {  	v21 =	vor.u32 v0, v7;
	v7 =	vadd.s32 $0x5, v5;
	v11 =	vmul.f32 v11, v17;
	v20 =	vld.idx.msk [tilespmem:v10+s14+$0x0], $0xffff  }
0x44: {  	v7 =	vand.u32 $0x7F, v7;
	v6 =	vld.idx.msk [tilespmem:v13+s13+$0x0], $0xffff;
	v8 =	vadd.f32 v9, v8  }
0x45: {  	v10 =	vor.u32 v0, v7;
	v14 =	vmul.f32 v14, v16;
	v9 =	vld.idx.msk [tilespmem:v13+s14+$0x0], $0xffff;
	v13 =	vadd.s32 $0x6, v5  }
.Ltmp0:
0x46: {  	v7 =	vld.idx.msk [tilespmem:v19+s13+$0x0], $0xffff;
	v13 =	vand.u32 $0x7F, v13;
	v16 =	vadd.f32 v11, v8;
	(pc) =	sbr.rel @p0 .LBB2_3-.Ltmp0, $4  }
0x47: {  	v17 =	vmul.f32 v18, v15;
	v15 =	vadd.s32 $0x7, v5;
	v11 =	vld.idx.msk [tilespmem:v19+s14+$0x0], $0xffff;
	v13 =	vor.u32 v0, v13  }
0x48: {  	v15 =	vand.u32 $0x7F, v15;
	v8 =	vld.idx.msk [tilespmem:v21+s13+$0x0], $0xffff;
	v18 =	vadd.f32 v14, v16  }
0x49: {  	v5 =	vadd.s32 $0x8, v5;
	v16 =	vmul.f32 v20, v12;
	v15 =	vor.u32 v0, v15;
	v14 =	vld.idx.msk [tilespmem:v21+s14+$0x0], $0xffff  }
0x4a: {  	v5 =	vand.u32 $0x7F, v5;
	v17 =	vadd.f32 v17, v18;
	v12 =	vld.idx.msk [tilespmem:v10+s13+$0x0], $0xffff  }
0x4b: {  	_ =	sdelay $0x2  }
0x4c: {  	v5 =	vmul.f32 v9, v6;
	v9 =	vadd.f32 v16, v17  }
0x4d: {  	v6 =	vld.idx.msk [tilespmem:v10+s14+$0x0], $0xffff  }
0x4e: {  	v10 =	vld.idx.msk [tilespmem:v13+s13+$0x0], $0xffff;
	v7 =	vmul.f32 v11, v7;
	v5 =	vadd.f32 v5, v9  }
0x4f: {  	v11 =	vld.idx.msk [tilespmem:v13+s14+$0x0], $0xffff  }
0x50: {  	v13 =	vld.idx.msk [tilespmem:v15+s14+$0x0], $0xffff;
	v8 =	vmul.f32 v14, v8;
	v5 =	vadd.f32 v7, v5  }
0x51: {  	v9 =	vld.idx.msk [tilespmem:v15+s13+$0x0], $0xffff  }
0x52: {  	v6 =	vmul.f32 v6, v12;
	v5 =	vadd.f32 v8, v5;
	_ =	sdelay $0x1  }
0x53: {  	v12 =	vlaneseq.u32;
	v7 =	vmul.f32 v11, v10;
	v5 =	vadd.f32 v6, v5  }
0x54: {  	v8 =	vadd.s32 $0x1, v12  }
0x55: {  	v6 =	vmul.f32 v13, v9;
	v5 =	vadd.f32 v7, v5;
	v7 =	vor.u32 v1, v12  }
0x56: {  	v8 =	vand.u32 $0x7F, v8  }
0x57: {  	v8 =	vor.u32 v1, v8;
	v5 =	vadd.f32 v6, v5;
	v6 =	vadd.s32 $0x2, v12  }
0x58: {  	v6 =	vand.u32 $0x7F, v6  }
0x59: {  	[tilespmem:$0x18F00] =	vst v5;
	v5 =	vor.u32 v1, v6;
	v6 =	vadd.s32 $0x3, v12  }
0x5a: {  	v13 =	vld.idx.msk [tilespmem:v7+s13+$0x0], $0xffff;
	v6 =	vand.u32 $0x7F, v6  }
0x5b: {  	v14 =	vld.idx.msk [tilespmem:v7+s14+$0x0], $0xffff;
	v7 =	vadd.s32 $0x5, v12;
	v11 =	vor.u32 v1, v6  }
0x5c: {  	v15 =	vld.idx.msk [tilespmem:v8+s13+$0x0], $0xffff;
	v6 =	vadd.s32 $0x4, v12;
	v7 =	vand.u32 $0x7F, v7  }
0x5d: {  	v16 =	vld.idx.msk [tilespmem:v8+s14+$0x0], $0xffff;
	v6 =	vand.u32 $0x7F, v6;
	v10 =	vor.u32 v1, v7  }
0x5e: {  	v17 =	vor.u32 v1, v6;
	v6 =	vld.idx.msk [tilespmem:v5+s13+$0x0], $0xffff  }
0x5f: {  	v9 =	vld.idx.msk [tilespmem:v5+s14+$0x0], $0xffff;
	v5 =	vadd.s32 $0x6, v12  }
0x60: {  	v5 =	vand.u32 $0x7F, v5;
	v7 =	vld.idx.msk [tilespmem:v11+s13+$0x0], $0xffff  }
0x61: {  	v19 =	vmul.f32 v14, v13;
	v11 =	vld.idx.msk [tilespmem:v11+s14+$0x0], $0xffff;
	v13 =	vor.u32 v1, v5;
	v5 =	vadd.s32 $0x7, v12  }
0x62: {  	v20 =	vadd.s32 $0x8, v12;
	v5 =	vand.u32 $0x7F, v5;
	v12 =	vld.idx.msk [tilespmem:v10+s13+$0x0], $0xffff  }
0x63: {  	v18 =	vimm.f32 $0.0e+00;
	v16 =	vmul.f32 v16, v15;
	v8 =	vld.idx.msk [tilespmem:v17+s13+$0x0], $0xffff;
	v15 =	vor.u32 v1, v5  }
0x64: {  	s0 =	simm.s32 $0xF;
	v14 =	vld.idx.msk [tilespmem:v17+s14+$0x0], $0xffff;
	v17 =	vadd.f32 v19, v18;
	v5 =	vand.u32 $0x7F, v20  }
.LBB2_5:
0x65: {  	v18 =	vor.u32 v1, v5;
	v19 =	vadd.s32 $0x1, v5;
	p0 =	sne.s32 s0, $0x1;
	s0 =	sadd.s32 $0xFFFFFFFF, s0;
	v6 =	vmul.f32 v9, v6;
	v9 =	vld.idx.msk [tilespmem:v10+s14+$0x0], $0xffff  }
0x66: {  	v10 =	vand.u32 $0x7F, v19;
	v19 =	vadd.s32 $0x2, v5;
	v16 =	vadd.f32 v16, v17;
	v17 =	vld.idx.msk [tilespmem:v13+s13+$0x0], $0xffff  }
0x67: {  	v7 =	vmul.f32 v11, v7;
	v10 =	vor.u32 v1, v10;
	v11 =	vld.idx.msk [tilespmem:v13+s14+$0x0], $0xffff  }
0x68: {  	v13 =	vand.u32 $0x7F, v19;
	v6 =	vadd.f32 v6, v16;
	v16 =	vld.idx.msk [tilespmem:v15+s13+$0x0], $0xffff  }
0x69: {  	v19 =	vadd.s32 $0x3, v5;
	v13 =	vor.u32 v1, v13;
	v8 =	vmul.f32 v14, v8;
	v14 =	vld.idx.msk [tilespmem:v15+s14+$0x0], $0xffff  }
0x6a: {  	v19 =	vand.u32 $0x7F, v19;
	v15 =	vld.idx.msk [tilespmem:v18+s13+$0x0], $0xffff;
	v6 =	vadd.f32 v7, v6  }
0x6b: {  	v19 =	vor.u32 v1, v19;
	v7 =	vadd.s32 $0x4, v5;
	v9 =	vmul.f32 v9, v12;
	v18 =	vld.idx.msk [tilespmem:v18+s14+$0x0], $0xffff  }
0x6c: {  	v7 =	vand.u32 $0x7F, v7;
	v12 =	vld.idx.msk [tilespmem:v10+s13+$0x0], $0xffff;
	v8 =	vadd.f32 v8, v6  }
0x6d: {  	v21 =	vor.u32 v1, v7;
	v7 =	vadd.s32 $0x5, v5;
	v11 =	vmul.f32 v11, v17;
	v20 =	vld.idx.msk [tilespmem:v10+s14+$0x0], $0xffff  }
0x6e: {  	v7 =	vand.u32 $0x7F, v7;
	v6 =	vld.idx.msk [tilespmem:v13+s13+$0x0], $0xffff;
	v8 =	vadd.f32 v9, v8  }
0x6f: {  	v10 =	vor.u32 v1, v7;
	v14 =	vmul.f32 v14, v16;
	v9 =	vld.idx.msk [tilespmem:v13+s14+$0x0], $0xffff;
	v13 =	vadd.s32 $0x6, v5  }
.Ltmp1:
0x70: {  	v7 =	vld.idx.msk [tilespmem:v19+s13+$0x0], $0xffff;
	v13 =	vand.u32 $0x7F, v13;
	v16 =	vadd.f32 v11, v8;
	(pc) =	sbr.rel @p0 .LBB2_5-.Ltmp1, $4  }
0x71: {  	v17 =	vmul.f32 v18, v15;
	v15 =	vadd.s32 $0x7, v5;
	v11 =	vld.idx.msk [tilespmem:v19+s14+$0x0], $0xffff;
	v13 =	vor.u32 v1, v13  }
0x72: {  	v15 =	vand.u32 $0x7F, v15;
	v8 =	vld.idx.msk [tilespmem:v21+s13+$0x0], $0xffff;
	v18 =	vadd.f32 v14, v16  }
0x73: {  	v5 =	vadd.s32 $0x8, v5;
	v16 =	vmul.f32 v20, v12;
	v15 =	vor.u32 v1, v15;
	v14 =	vld.idx.msk [tilespmem:v21+s14+$0x0], $0xffff  }
0x74: {  	v5 =	vand.u32 $0x7F, v5;
	v17 =	vadd.f32 v17, v18;
	v12 =	vld.idx.msk [tilespmem:v10+s13+$0x0], $0xffff  }
0x75: {  	_ =	sdelay $0x2  }
0x76: {  	v5 =	vmul.f32 v9, v6;
	v9 =	vadd.f32 v16, v17  }
0x77: {  	v6 =	vld.idx.msk [tilespmem:v10+s14+$0x0], $0xffff  }
0x78: {  	v10 =	vld.idx.msk [tilespmem:v13+s13+$0x0], $0xffff;
	v7 =	vmul.f32 v11, v7;
	v5 =	vadd.f32 v5, v9  }
0x79: {  	v11 =	vld.idx.msk [tilespmem:v13+s14+$0x0], $0xffff  }
0x7a: {  	v13 =	vld.idx.msk [tilespmem:v15+s14+$0x0], $0xffff;
	v8 =	vmul.f32 v14, v8;
	v5 =	vadd.f32 v7, v5  }
0x7b: {  	v9 =	vld.idx.msk [tilespmem:v15+s13+$0x0], $0xffff  }
0x7c: {  	v6 =	vmul.f32 v6, v12;
	v5 =	vadd.f32 v8, v5;
	_ =	sdelay $0x1  }
0x7d: {  	v12 =	vlaneseq.u32;
	v7 =	vmul.f32 v11, v10;
	v5 =	vadd.f32 v6, v5  }
0x7e: {  	v8 =	vadd.s32 $0x1, v12  }
0x7f: {  	v6 =	vmul.f32 v13, v9;
	v5 =	vadd.f32 v7, v5;
	v7 =	vor.u32 v2, v12  }
0x80: {  	v8 =	vand.u32 $0x7F, v8  }
0x81: {  	v8 =	vor.u32 v2, v8;
	v5 =	vadd.f32 v6, v5;
	v6 =	vadd.s32 $0x2, v12  }
0x82: {  	v6 =	vand.u32 $0x7F, v6  }
0x83: {  	[tilespmem:$0x18F10] =	vst v5;
	v5 =	vor.u32 v2, v6;
	v6 =	vadd.s32 $0x3, v12  }
0x84: {  	v13 =	vld.idx.msk [tilespmem:v7+s13+$0x0], $0xffff;
	v6 =	vand.u32 $0x7F, v6  }
0x85: {  	v14 =	vld.idx.msk [tilespmem:v7+s14+$0x0], $0xffff;
	v7 =	vadd.s32 $0x5, v12;
	v11 =	vor.u32 v2, v6  }
0x86: {  	v15 =	vld.idx.msk [tilespmem:v8+s13+$0x0], $0xffff;
	v6 =	vadd.s32 $0x4, v12;
	v7 =	vand.u32 $0x7F, v7  }
0x87: {  	v16 =	vld.idx.msk [tilespmem:v8+s14+$0x0], $0xffff;
	v6 =	vand.u32 $0x7F, v6;
	v10 =	vor.u32 v2, v7  }
0x88: {  	v17 =	vor.u32 v2, v6;
	v6 =	vld.idx.msk [tilespmem:v5+s13+$0x0], $0xffff  }
0x89: {  	v9 =	vld.idx.msk [tilespmem:v5+s14+$0x0], $0xffff;
	v5 =	vadd.s32 $0x6, v12  }
0x8a: {  	v5 =	vand.u32 $0x7F, v5;
	v7 =	vld.idx.msk [tilespmem:v11+s13+$0x0], $0xffff  }
0x8b: {  	v19 =	vmul.f32 v14, v13;
	v11 =	vld.idx.msk [tilespmem:v11+s14+$0x0], $0xffff;
	v13 =	vor.u32 v2, v5;
	v5 =	vadd.s32 $0x7, v12  }
0x8c: {  	v20 =	vadd.s32 $0x8, v12;
	v5 =	vand.u32 $0x7F, v5;
	v12 =	vld.idx.msk [tilespmem:v10+s13+$0x0], $0xffff  }
0x8d: {  	v18 =	vimm.f32 $0.0e+00;
	v16 =	vmul.f32 v16, v15;
	v8 =	vld.idx.msk [tilespmem:v17+s13+$0x0], $0xffff;
	v15 =	vor.u32 v2, v5  }
0x8e: {  	s0 =	simm.s32 $0xF;
	v14 =	vld.idx.msk [tilespmem:v17+s14+$0x0], $0xffff;
	v17 =	vadd.f32 v19, v18;
	v5 =	vand.u32 $0x7F, v20  }
.LBB2_7:
0x8f: {  	v18 =	vor.u32 v2, v5;
	v19 =	vadd.s32 $0x1, v5;
	p0 =	sne.s32 s0, $0x1;
	s0 =	sadd.s32 $0xFFFFFFFF, s0;
	v6 =	vmul.f32 v9, v6;
	v9 =	vld.idx.msk [tilespmem:v10+s14+$0x0], $0xffff  }
0x90: {  	v10 =	vand.u32 $0x7F, v19;
	v19 =	vadd.s32 $0x2, v5;
	v16 =	vadd.f32 v16, v17;
	v17 =	vld.idx.msk [tilespmem:v13+s13+$0x0], $0xffff  }
0x91: {  	v7 =	vmul.f32 v11, v7;
	v10 =	vor.u32 v2, v10;
	v11 =	vld.idx.msk [tilespmem:v13+s14+$0x0], $0xffff  }
0x92: {  	v13 =	vand.u32 $0x7F, v19;
	v6 =	vadd.f32 v6, v16;
	v16 =	vld.idx.msk [tilespmem:v15+s13+$0x0], $0xffff  }
0x93: {  	v19 =	vadd.s32 $0x3, v5;
	v13 =	vor.u32 v2, v13;
	v8 =	vmul.f32 v14, v8;
	v14 =	vld.idx.msk [tilespmem:v15+s14+$0x0], $0xffff  }
0x94: {  	v19 =	vand.u32 $0x7F, v19;
	v15 =	vld.idx.msk [tilespmem:v18+s13+$0x0], $0xffff;
	v6 =	vadd.f32 v7, v6  }
0x95: {  	v19 =	vor.u32 v2, v19;
	v7 =	vadd.s32 $0x4, v5;
	v9 =	vmul.f32 v9, v12;
	v18 =	vld.idx.msk [tilespmem:v18+s14+$0x0], $0xffff  }
0x96: {  	v7 =	vand.u32 $0x7F, v7;
	v12 =	vld.idx.msk [tilespmem:v10+s13+$0x0], $0xffff;
	v8 =	vadd.f32 v8, v6  }
0x97: {  	v21 =	vor.u32 v2, v7;
	v7 =	vadd.s32 $0x5, v5;
	v11 =	vmul.f32 v11, v17;
	v20 =	vld.idx.msk [tilespmem:v10+s14+$0x0], $0xffff  }
0x98: {  	v7 =	vand.u32 $0x7F, v7;
	v6 =	vld.idx.msk [tilespmem:v13+s13+$0x0], $0xffff;
	v8 =	vadd.f32 v9, v8  }
0x99: {  	v10 =	vor.u32 v2, v7;
	v14 =	vmul.f32 v14, v16;
	v9 =	vld.idx.msk [tilespmem:v13+s14+$0x0], $0xffff;
	v13 =	vadd.s32 $0x6, v5  }
.Ltmp2:
0x9a: {  	v7 =	vld.idx.msk [tilespmem:v19+s13+$0x0], $0xffff;
	v13 =	vand.u32 $0x7F, v13;
	v16 =	vadd.f32 v11, v8;
	(pc) =	sbr.rel @p0 .LBB2_7-.Ltmp2, $4  }
0x9b: {  	v17 =	vmul.f32 v18, v15;
	v15 =	vadd.s32 $0x7, v5;
	v11 =	vld.idx.msk [tilespmem:v19+s14+$0x0], $0xffff;
	v13 =	vor.u32 v2, v13  }
0x9c: {  	v15 =	vand.u32 $0x7F, v15;
	v8 =	vld.idx.msk [tilespmem:v21+s13+$0x0], $0xffff;
	v18 =	vadd.f32 v14, v16  }
0x9d: {  	v5 =	vadd.s32 $0x8, v5;
	v16 =	vmul.f32 v20, v12;
	v15 =	vor.u32 v2, v15;
	v14 =	vld.idx.msk [tilespmem:v21+s14+$0x0], $0xffff  }
0x9e: {  	v5 =	vand.u32 $0x7F, v5;
	v17 =	vadd.f32 v17, v18;
	v12 =	vld.idx.msk [tilespmem:v10+s13+$0x0], $0xffff  }
0x9f: {  	_ =	sdelay $0x2  }
0xa0: {  	v5 =	vmul.f32 v9, v6;
	v9 =	vadd.f32 v16, v17  }
0xa1: {  	v6 =	vld.idx.msk [tilespmem:v10+s14+$0x0], $0xffff  }
0xa2: {  	v10 =	vld.idx.msk [tilespmem:v13+s13+$0x0], $0xffff;
	v7 =	vmul.f32 v11, v7;
	v5 =	vadd.f32 v5, v9  }
0xa3: {  	v11 =	vld.idx.msk [tilespmem:v13+s14+$0x0], $0xffff  }
0xa4: {  	v13 =	vld.idx.msk [tilespmem:v15+s14+$0x0], $0xffff;
	v8 =	vmul.f32 v14, v8;
	v5 =	vadd.f32 v7, v5  }
0xa5: {  	v9 =	vld.idx.msk [tilespmem:v15+s13+$0x0], $0xffff  }
0xa6: {  	v6 =	vmul.f32 v6, v12;
	v5 =	vadd.f32 v8, v5;
	_ =	sdelay $0x1  }
0xa7: {  	v12 =	vlaneseq.u32;
	v7 =	vmul.f32 v11, v10;
	v5 =	vadd.f32 v6, v5  }
0xa8: {  	v8 =	vadd.s32 $0x1, v12  }
0xa9: {  	v6 =	vmul.f32 v13, v9;
	v5 =	vadd.f32 v7, v5;
	v7 =	vor.u32 v3, v12  }
0xaa: {  	v8 =	vand.u32 $0x7F, v8  }
0xab: {  	v8 =	vor.u32 v3, v8;
	v5 =	vadd.f32 v6, v5;
	v6 =	vadd.s32 $0x2, v12  }
0xac: {  	v6 =	vand.u32 $0x7F, v6  }
0xad: {  	[tilespmem:$0x18F20] =	vst v5;
	v5 =	vor.u32 v3, v6;
	v6 =	vadd.s32 $0x3, v12  }
0xae: {  	v13 =	vld.idx.msk [tilespmem:v7+s13+$0x0], $0xffff;
	v6 =	vand.u32 $0x7F, v6  }
0xaf: {  	v14 =	vld.idx.msk [tilespmem:v7+s14+$0x0], $0xffff;
	v7 =	vadd.s32 $0x5, v12;
	v11 =	vor.u32 v3, v6  }
0xb0: {  	v15 =	vld.idx.msk [tilespmem:v8+s13+$0x0], $0xffff;
	v6 =	vadd.s32 $0x4, v12;
	v7 =	vand.u32 $0x7F, v7  }
0xb1: {  	v16 =	vld.idx.msk [tilespmem:v8+s14+$0x0], $0xffff;
	v6 =	vand.u32 $0x7F, v6;
	v10 =	vor.u32 v3, v7  }
0xb2: {  	v17 =	vor.u32 v3, v6;
	v6 =	vld.idx.msk [tilespmem:v5+s13+$0x0], $0xffff  }
0xb3: {  	v9 =	vld.idx.msk [tilespmem:v5+s14+$0x0], $0xffff;
	v5 =	vadd.s32 $0x6, v12  }
0xb4: {  	v5 =	vand.u32 $0x7F, v5;
	v7 =	vld.idx.msk [tilespmem:v11+s13+$0x0], $0xffff  }
0xb5: {  	v19 =	vmul.f32 v14, v13;
	v11 =	vld.idx.msk [tilespmem:v11+s14+$0x0], $0xffff;
	v13 =	vor.u32 v3, v5;
	v5 =	vadd.s32 $0x7, v12  }
0xb6: {  	v20 =	vadd.s32 $0x8, v12;
	v5 =	vand.u32 $0x7F, v5;
	v12 =	vld.idx.msk [tilespmem:v10+s13+$0x0], $0xffff  }
0xb7: {  	v18 =	vimm.f32 $0.0e+00;
	v16 =	vmul.f32 v16, v15;
	v8 =	vld.idx.msk [tilespmem:v17+s13+$0x0], $0xffff;
	v15 =	vor.u32 v3, v5  }
0xb8: {  	s0 =	simm.s32 $0xF;
	v14 =	vld.idx.msk [tilespmem:v17+s14+$0x0], $0xffff;
	v17 =	vadd.f32 v19, v18;
	v5 =	vand.u32 $0x7F, v20  }
.LBB2_9:
0xb9: {  	v18 =	vor.u32 v3, v5;
	v19 =	vadd.s32 $0x1, v5;
	p0 =	sne.s32 s0, $0x1;
	s0 =	sadd.s32 $0xFFFFFFFF, s0;
	v6 =	vmul.f32 v9, v6;
	v9 =	vld.idx.msk [tilespmem:v10+s14+$0x0], $0xffff  }
0xba: {  	v10 =	vand.u32 $0x7F, v19;
	v19 =	vadd.s32 $0x2, v5;
	v16 =	vadd.f32 v16, v17;
	v17 =	vld.idx.msk [tilespmem:v13+s13+$0x0], $0xffff  }
0xbb: {  	v7 =	vmul.f32 v11, v7;
	v10 =	vor.u32 v3, v10;
	v11 =	vld.idx.msk [tilespmem:v13+s14+$0x0], $0xffff  }
0xbc: {  	v13 =	vand.u32 $0x7F, v19;
	v6 =	vadd.f32 v6, v16;
	v16 =	vld.idx.msk [tilespmem:v15+s13+$0x0], $0xffff  }
0xbd: {  	v19 =	vadd.s32 $0x3, v5;
	v13 =	vor.u32 v3, v13;
	v8 =	vmul.f32 v14, v8;
	v14 =	vld.idx.msk [tilespmem:v15+s14+$0x0], $0xffff  }
0xbe: {  	v19 =	vand.u32 $0x7F, v19;
	v15 =	vld.idx.msk [tilespmem:v18+s13+$0x0], $0xffff;
	v6 =	vadd.f32 v7, v6  }
0xbf: {  	v19 =	vor.u32 v3, v19;
	v7 =	vadd.s32 $0x4, v5;
	v9 =	vmul.f32 v9, v12;
	v18 =	vld.idx.msk [tilespmem:v18+s14+$0x0], $0xffff  }
0xc0: {  	v7 =	vand.u32 $0x7F, v7;
	v12 =	vld.idx.msk [tilespmem:v10+s13+$0x0], $0xffff;
	v8 =	vadd.f32 v8, v6  }
0xc1: {  	v21 =	vor.u32 v3, v7;
	v7 =	vadd.s32 $0x5, v5;
	v11 =	vmul.f32 v11, v17;
	v20 =	vld.idx.msk [tilespmem:v10+s14+$0x0], $0xffff  }
0xc2: {  	v7 =	vand.u32 $0x7F, v7;
	v6 =	vld.idx.msk [tilespmem:v13+s13+$0x0], $0xffff;
	v8 =	vadd.f32 v9, v8  }
0xc3: {  	v10 =	vor.u32 v3, v7;
	v14 =	vmul.f32 v14, v16;
	v9 =	vld.idx.msk [tilespmem:v13+s14+$0x0], $0xffff;
	v13 =	vadd.s32 $0x6, v5  }
.Ltmp3:
0xc4: {  	v7 =	vld.idx.msk [tilespmem:v19+s13+$0x0], $0xffff;
	v13 =	vand.u32 $0x7F, v13;
	v16 =	vadd.f32 v11, v8;
	(pc) =	sbr.rel @p0 .LBB2_9-.Ltmp3, $4  }
0xc5: {  	v17 =	vmul.f32 v18, v15;
	v15 =	vadd.s32 $0x7, v5;
	v11 =	vld.idx.msk [tilespmem:v19+s14+$0x0], $0xffff;
	v13 =	vor.u32 v3, v13  }
0xc6: {  	v15 =	vand.u32 $0x7F, v15;
	v8 =	vld.idx.msk [tilespmem:v21+s13+$0x0], $0xffff;
	v18 =	vadd.f32 v14, v16  }
0xc7: {  	v5 =	vadd.s32 $0x8, v5;
	v16 =	vmul.f32 v20, v12;
	v15 =	vor.u32 v3, v15;
	v14 =	vld.idx.msk [tilespmem:v21+s14+$0x0], $0xffff  }
0xc8: {  	v5 =	vand.u32 $0x7F, v5;
	v17 =	vadd.f32 v17, v18;
	v12 =	vld.idx.msk [tilespmem:v10+s13+$0x0], $0xffff  }
0xc9: {  	_ =	sdelay $0x3  }
0xca: {  	v5 =	vmul.f32 v9, v6;
	v6 =	vld.idx.msk [tilespmem:v10+s14+$0x0], $0xffff;
	v9 =	vadd.f32 v16, v17  }
0xcb: {  	v10 =	vld.idx.msk [tilespmem:v13+s13+$0x0], $0xffff  }
0xcc: {  	v7 =	vmul.f32 v11, v7;
	v11 =	vld.idx.msk [tilespmem:v13+s14+$0x0], $0xffff;
	v5 =	vadd.f32 v5, v9  }
0xcd: {  	v13 =	vld.idx.msk [tilespmem:v15+s14+$0x0], $0xffff  }
0xce: {  	v9 =	vld.idx.msk [tilespmem:v15+s13+$0x0], $0xffff;
	v8 =	vmul.f32 v14, v8;
	v5 =	vadd.f32 v7, v5;
	_ =	sdelay $0x1  }
0xcf: {  	v6 =	vmul.f32 v6, v12;
	v5 =	vadd.f32 v8, v5;
	_ =	sdelay $0x1  }
0xd0: {  	v7 =	vmul.f32 v11, v10;
	v5 =	vadd.f32 v6, v5  }
0xd1: {  	v6 =	vmul.f32 v13, v9;
	v13 =	vlaneseq.u32  }
0xd2: {  	v8 =	vadd.s32 $0x1, v13;
	v5 =	vadd.f32 v7, v5;
	v7 =	vor.u32 v4, v13  }
0xd3: {  	v8 =	vand.u32 $0x7F, v8  }
0xd4: {  	v8 =	vor.u32 v4, v8;
	v5 =	vadd.f32 v6, v5;
	v6 =	vadd.s32 $0x2, v13  }
0xd5: {  	v6 =	vand.u32 $0x7F, v6  }
0xd6: {  	[tilespmem:$0x18F30] =	vst v5;
	v5 =	vor.u32 v4, v6;
	v6 =	vadd.s32 $0x3, v13  }
0xd7: {  	v11 =	vld.idx.msk [tilespmem:v7+s13+$0x0], $0xffff;
	v6 =	vand.u32 $0x7F, v6  }
0xd8: {  	v14 =	vld.idx.msk [tilespmem:v7+s14+$0x0], $0xffff;
	v7 =	vadd.s32 $0x5, v13;
	v12 =	vor.u32 v4, v6  }
0xd9: {  	v6 =	vadd.s32 $0x4, v13;
	v15 =	vld.idx.msk [tilespmem:v8+s13+$0x0], $0xffff;
	v7 =	vand.u32 $0x7F, v7  }
0xda: {  	v16 =	vld.idx.msk [tilespmem:v8+s14+$0x0], $0xffff;
	v6 =	vand.u32 $0x7F, v6;
	v9 =	vor.u32 v4, v7  }
0xdb: {  	v17 =	vor.u32 v4, v6;
	v6 =	vld.idx.msk [tilespmem:v5+s13+$0x0], $0xffff  }
0xdc: {  	v10 =	vld.idx.msk [tilespmem:v5+s14+$0x0], $0xffff;
	v5 =	vadd.s32 $0x6, v13  }
0xdd: {  	v5 =	vand.u32 $0x7F, v5;
	v7 =	vld.idx.msk [tilespmem:v12+s13+$0x0], $0xffff  }
0xde: {  	v19 =	vmul.f32 v14, v11;
	v12 =	vld.idx.msk [tilespmem:v12+s14+$0x0], $0xffff;
	v11 =	vor.u32 v4, v5;
	v5 =	vadd.s32 $0x7, v13  }
0xdf: {  	v20 =	vadd.s32 $0x8, v13;
	v5 =	vand.u32 $0x7F, v5;
	v13 =	vld.idx.msk [tilespmem:v9+s13+$0x0], $0xffff  }
0xe0: {  	v18 =	vimm.f32 $0.0e+00;
	v16 =	vmul.f32 v16, v15;
	v8 =	vld.idx.msk [tilespmem:v17+s13+$0x0], $0xffff;
	v15 =	vor.u32 v4, v5  }
0xe1: {  	s0 =	simm.s32 $0xF;
	v14 =	vld.idx.msk [tilespmem:v17+s14+$0x0], $0xffff;
	v17 =	vadd.f32 v19, v18;
	v5 =	vand.u32 $0x7F, v20  }
.LBB2_11:
0xe2: {  	v18 =	vor.u32 v4, v5;
	v19 =	vadd.s32 $0x1, v5;
	p0 =	sne.s32 s0, $0x1;
	s0 =	sadd.s32 $0xFFFFFFFF, s0;
	v6 =	vmul.f32 v10, v6;
	v9 =	vld.idx.msk [tilespmem:v9+s14+$0x0], $0xffff  }
0xe3: {  	v10 =	vand.u32 $0x7F, v19;
	v19 =	vadd.s32 $0x2, v5;
	v16 =	vadd.f32 v16, v17;
	v17 =	vld.idx.msk [tilespmem:v11+s13+$0x0], $0xffff  }
0xe4: {  	v7 =	vmul.f32 v12, v7;
	v10 =	vor.u32 v4, v10;
	v11 =	vld.idx.msk [tilespmem:v11+s14+$0x0], $0xffff  }
0xe5: {  	v12 =	vand.u32 $0x7F, v19;
	v6 =	vadd.f32 v6, v16;
	v16 =	vld.idx.msk [tilespmem:v15+s13+$0x0], $0xffff  }
0xe6: {  	v19 =	vadd.s32 $0x3, v5;
	v12 =	vor.u32 v4, v12;
	v8 =	vmul.f32 v14, v8;
	v14 =	vld.idx.msk [tilespmem:v15+s14+$0x0], $0xffff  }
0xe7: {  	v19 =	vand.u32 $0x7F, v19;
	v15 =	vld.idx.msk [tilespmem:v18+s13+$0x0], $0xffff;
	v6 =	vadd.f32 v7, v6  }
0xe8: {  	v19 =	vor.u32 v4, v19;
	v7 =	vadd.s32 $0x4, v5;
	v9 =	vmul.f32 v9, v13;
	v18 =	vld.idx.msk [tilespmem:v18+s14+$0x0], $0xffff  }
0xe9: {  	v7 =	vand.u32 $0x7F, v7;
	v13 =	vld.idx.msk [tilespmem:v10+s13+$0x0], $0xffff;
	v8 =	vadd.f32 v8, v6  }
0xea: {  	v21 =	vor.u32 v4, v7;
	v7 =	vadd.s32 $0x5, v5;
	v11 =	vmul.f32 v11, v17;
	v20 =	vld.idx.msk [tilespmem:v10+s14+$0x0], $0xffff  }
0xeb: {  	v7 =	vand.u32 $0x7F, v7;
	v6 =	vld.idx.msk [tilespmem:v12+s13+$0x0], $0xffff;
	v8 =	vadd.f32 v9, v8  }
0xec: {  	v9 =	vor.u32 v4, v7;
	v14 =	vmul.f32 v14, v16;
	v10 =	vld.idx.msk [tilespmem:v12+s14+$0x0], $0xffff;
	v12 =	vadd.s32 $0x6, v5  }
.Ltmp4:
0xed: {  	v7 =	vld.idx.msk [tilespmem:v19+s13+$0x0], $0xffff;
	v16 =	vand.u32 $0x7F, v12;
	v17 =	vadd.f32 v11, v8;
	(pc) =	sbr.rel @p0 .LBB2_11-.Ltmp4, $4  }
0xee: {  	v18 =	vmul.f32 v18, v15;
	v15 =	vadd.s32 $0x7, v5;
	v12 =	vld.idx.msk [tilespmem:v19+s14+$0x0], $0xffff;
	v11 =	vor.u32 v4, v16  }
0xef: {  	v15 =	vand.u32 $0x7F, v15;
	v8 =	vld.idx.msk [tilespmem:v21+s13+$0x0], $0xffff;
	v17 =	vadd.f32 v14, v17  }
0xf0: {  	v5 =	vadd.s32 $0x8, v5;
	v16 =	vmul.f32 v20, v13;
	v15 =	vor.u32 v4, v15;
	v14 =	vld.idx.msk [tilespmem:v21+s14+$0x0], $0xffff  }
0xf1: {  	v5 =	vand.u32 $0x7F, v5;
	v17 =	vadd.f32 v18, v17;
	v13 =	vld.idx.msk [tilespmem:v9+s13+$0x0], $0xffff  }
0xf2: {  	_ =	sdelay $0x2  }
0xf3: {  	v5 =	vmul.f32 v10, v6;
	v6 =	vadd.f32 v16, v17  }
0xf4: {  	v9 =	vld.idx.msk [tilespmem:v9+s14+$0x0], $0xffff  }
0xf5: {  	v10 =	vld.idx.msk [tilespmem:v11+s13+$0x0], $0xffff;
	v7 =	vmul.f32 v12, v7;
	v5 =	vadd.f32 v5, v6  }
0xf6: {  	v6 =	vld.idx.msk [tilespmem:v11+s14+$0x0], $0xffff  }
0xf7: {  	v11 =	vld.idx.msk [tilespmem:v15+s13+$0x0], $0xffff;
	v8 =	vmul.f32 v14, v8;
	v5 =	vadd.f32 v7, v5  }
0xf8: {  	v7 =	vld.idx.msk [tilespmem:v15+s14+$0x0], $0xffff  }
0xf9: {  	v9 =	vmul.f32 v9, v13;
	v5 =	vadd.f32 v8, v5;
	_ =	sdelay $0x1  }
0xfa: {  	v6 =	vmul.f32 v6, v10;
	v5 =	vadd.f32 v9, v5;
	_ =	sdelay $0x1  }
0xfb: {  	v7 =	vmul.f32 v7, v11;
	v5 =	vadd.f32 v6, v5;
	_ =	sdelay $0x1  }
0xfc: {  	s0 =	smul.u32 $0x140, s1;
	v5 =	vadd.f32 v7, v5;
	_ =	sdelay $0x1  }
0xfd: {  	s16 =	sadd.s32 $0x140, s0;
	[tilespmem:$0x18F40] =	vst v5  }
0xfe: {  	[tilespmem:s13], [sflag:$0x1] =	stream.indirect.gather [hbm4b:s2+s12], $0x80, s16, s12, $0xb8;
	[tilespmem:$0x19080] =	vst v63  }
0xff: {  	s20 =	sadd.s32 $0x28C0, s0  }
0x100: {  	[tilespmem:s14], [sflag:$0x1] =	stream.indirect.gather [hbm4b:s2+s12], $0x80, s20, s12, $0xb8;
	[tilespmem:$0x19080] =	vst v63  }
0x101: {  	v5 =	vlaneseq.u32;
	_ =	swait.ge [sflag:s25], $0x2800  }
0x102: {  	v6 =	vor.u32 v0, v5;
	v7 =	vadd.s32 $0x1, v5;
	[sflag:s25] =	ssyncset.done $0x0  }
0x103: {  	v7 =	vand.u32 $0x7F, v7;
	[sflag:s25] =	ssyncadd.s32 $0xFFFFD800  }
0x104: {  	v8 =	vadd.s32 $0x2, v5;
	v7 =	vor.u32 v0, v7;
	_ =	swait.ge [sflag:s25], $0x2800  }
0x105: {  	v8 =	vand.u32 $0x7F, v8;
	[sflag:s25] =	ssyncset.done $0x0  }
0x106: {  	v9 =	vadd.s32 $0x3, v5;
	v8 =	vor.u32 v0, v8;
	[sflag:s25] =	ssyncadd.s32 $0xFFFFD800  }
0x107: {  	v9 =	vand.u32 $0x7F, v9;
	v12 =	vld.idx.msk [tilespmem:v6+s15+$0x0], $0xffff  }
0x108: {  	v11 =	vor.u32 v0, v9;
	v13 =	vld.idx.msk [tilespmem:v6+s17+$0x0], $0xffff;
	v6 =	vadd.s32 $0x4, v5  }
0x109: {  	v14 =	vld.idx.msk [tilespmem:v7+s15+$0x0], $0xffff;
	v6 =	vand.u32 $0x7F, v6  }
0x10a: {  	v15 =	vld.idx.msk [tilespmem:v7+s17+$0x0], $0xffff;
	v7 =	vadd.s32 $0x5, v5;
	v17 =	vor.u32 v0, v6  }
0x10b: {  	v9 =	vld.idx.msk [tilespmem:v8+s17+$0x0], $0xffff;
	v7 =	vand.u32 $0x7F, v7  }
0x10c: {  	v6 =	vld.idx.msk [tilespmem:v8+s15+$0x0], $0xffff;
	v10 =	vor.u32 v0, v7;
	v8 =	vadd.s32 $0x6, v5  }
0x10d: {  	v7 =	vld.idx.msk [tilespmem:v11+s15+$0x0], $0xffff;
	v8 =	vand.u32 $0x7F, v8  }
0x10e: {  	v16 =	vadd.s32 $0x7, v5;
	v11 =	vld.idx.msk [tilespmem:v11+s17+$0x0], $0xffff;
	v12 =	vmul.f32 v13, v12;
	v13 =	vor.u32 v0, v8  }
0x10f: {  	v18 =	vimm.f32 $0.0e+00;
	v19 =	vand.u32 $0x7F, v16;
	v8 =	vld.idx.msk [tilespmem:v17+s15+$0x0], $0xffff  }
0x110: {  	v5 =	vadd.s32 $0x8, v5;
	v16 =	vmul.f32 v15, v14;
	v15 =	vor.u32 v0, v19;
	v14 =	vld.idx.msk [tilespmem:v17+s17+$0x0], $0xffff  }
0x111: {  	s16 =	simm.s32 $0xF;
	v5 =	vand.u32 $0x7F, v5;
	v17 =	vadd.f32 v12, v18;
	v12 =	vld.idx.msk [tilespmem:v10+s15+$0x0], $0xffff  }
.LBB2_13:
0x112: {  	v18 =	vor.u32 v0, v5;
	v19 =	vadd.s32 $0x1, v5;
	p0 =	sne.s32 s16, $0x1;
	s16 =	sadd.s32 $0xFFFFFFFF, s16;
	v6 =	vmul.f32 v9, v6;
	v9 =	vld.idx.msk [tilespmem:v10+s17+$0x0], $0xffff  }
0x113: {  	v10 =	vand.u32 $0x7F, v19;
	v19 =	vadd.s32 $0x2, v5;
	v16 =	vadd.f32 v16, v17;
	v17 =	vld.idx.msk [tilespmem:v13+s15+$0x0], $0xffff  }
0x114: {  	v7 =	vmul.f32 v11, v7;
	v10 =	vor.u32 v0, v10;
	v11 =	vld.idx.msk [tilespmem:v13+s17+$0x0], $0xffff  }
0x115: {  	v13 =	vand.u32 $0x7F, v19;
	v6 =	vadd.f32 v6, v16;
	v16 =	vld.idx.msk [tilespmem:v15+s15+$0x0], $0xffff  }
0x116: {  	v19 =	vadd.s32 $0x3, v5;
	v13 =	vor.u32 v0, v13;
	v8 =	vmul.f32 v14, v8;
	v14 =	vld.idx.msk [tilespmem:v15+s17+$0x0], $0xffff  }
0x117: {  	v19 =	vand.u32 $0x7F, v19;
	v15 =	vld.idx.msk [tilespmem:v18+s15+$0x0], $0xffff;
	v6 =	vadd.f32 v7, v6  }
0x118: {  	v19 =	vor.u32 v0, v19;
	v7 =	vadd.s32 $0x4, v5;
	v9 =	vmul.f32 v9, v12;
	v18 =	vld.idx.msk [tilespmem:v18+s17+$0x0], $0xffff  }
0x119: {  	v7 =	vand.u32 $0x7F, v7;
	v12 =	vld.idx.msk [tilespmem:v10+s15+$0x0], $0xffff;
	v8 =	vadd.f32 v8, v6  }
0x11a: {  	v21 =	vor.u32 v0, v7;
	v7 =	vadd.s32 $0x5, v5;
	v11 =	vmul.f32 v11, v17;
	v20 =	vld.idx.msk [tilespmem:v10+s17+$0x0], $0xffff  }
0x11b: {  	v7 =	vand.u32 $0x7F, v7;
	v6 =	vld.idx.msk [tilespmem:v13+s15+$0x0], $0xffff;
	v8 =	vadd.f32 v9, v8  }
0x11c: {  	v10 =	vor.u32 v0, v7;
	v14 =	vmul.f32 v14, v16;
	v9 =	vld.idx.msk [tilespmem:v13+s17+$0x0], $0xffff;
	v13 =	vadd.s32 $0x6, v5  }
.Ltmp5:
0x11d: {  	v7 =	vld.idx.msk [tilespmem:v19+s15+$0x0], $0xffff;
	v13 =	vand.u32 $0x7F, v13;
	v16 =	vadd.f32 v11, v8;
	(pc) =	sbr.rel @p0 .LBB2_13-.Ltmp5, $4  }
0x11e: {  	v17 =	vmul.f32 v18, v15;
	v15 =	vadd.s32 $0x7, v5;
	v11 =	vld.idx.msk [tilespmem:v19+s17+$0x0], $0xffff;
	v13 =	vor.u32 v0, v13  }
0x11f: {  	v15 =	vand.u32 $0x7F, v15;
	v8 =	vld.idx.msk [tilespmem:v21+s15+$0x0], $0xffff;
	v18 =	vadd.f32 v14, v16  }
0x120: {  	v5 =	vadd.s32 $0x8, v5;
	v16 =	vmul.f32 v20, v12;
	v15 =	vor.u32 v0, v15;
	v14 =	vld.idx.msk [tilespmem:v21+s17+$0x0], $0xffff  }
0x121: {  	v5 =	vand.u32 $0x7F, v5;
	v17 =	vadd.f32 v17, v18;
	v12 =	vld.idx.msk [tilespmem:v10+s15+$0x0], $0xffff  }
0x122: {  	_ =	sdelay $0x2  }
0x123: {  	v5 =	vmul.f32 v9, v6;
	v9 =	vadd.f32 v16, v17  }
0x124: {  	v6 =	vld.idx.msk [tilespmem:v10+s17+$0x0], $0xffff  }
0x125: {  	v10 =	vld.idx.msk [tilespmem:v13+s15+$0x0], $0xffff;
	v7 =	vmul.f32 v11, v7;
	v5 =	vadd.f32 v5, v9  }
0x126: {  	v11 =	vld.idx.msk [tilespmem:v13+s17+$0x0], $0xffff  }
0x127: {  	v13 =	vld.idx.msk [tilespmem:v15+s17+$0x0], $0xffff;
	v8 =	vmul.f32 v14, v8;
	v5 =	vadd.f32 v7, v5  }
0x128: {  	v9 =	vld.idx.msk [tilespmem:v15+s15+$0x0], $0xffff  }
0x129: {  	v6 =	vmul.f32 v6, v12;
	v5 =	vadd.f32 v8, v5;
	_ =	sdelay $0x1  }
0x12a: {  	v12 =	vlaneseq.u32;
	v7 =	vmul.f32 v11, v10;
	v5 =	vadd.f32 v6, v5  }
0x12b: {  	v8 =	vadd.s32 $0x1, v12  }
0x12c: {  	v6 =	vmul.f32 v13, v9;
	v5 =	vadd.f32 v7, v5;
	v7 =	vor.u32 v1, v12  }
0x12d: {  	v8 =	vand.u32 $0x7F, v8  }
0x12e: {  	v8 =	vor.u32 v1, v8;
	v5 =	vadd.f32 v6, v5;
	v6 =	vadd.s32 $0x2, v12  }
0x12f: {  	v6 =	vand.u32 $0x7F, v6  }
0x130: {  	[tilespmem:$0x18F50] =	vst v5;
	v5 =	vor.u32 v1, v6;
	v6 =	vadd.s32 $0x3, v12  }
0x131: {  	v13 =	vld.idx.msk [tilespmem:v7+s15+$0x0], $0xffff;
	v6 =	vand.u32 $0x7F, v6  }
0x132: {  	v14 =	vld.idx.msk [tilespmem:v7+s17+$0x0], $0xffff;
	v7 =	vadd.s32 $0x5, v12;
	v11 =	vor.u32 v1, v6  }
0x133: {  	v15 =	vld.idx.msk [tilespmem:v8+s15+$0x0], $0xffff;
	v6 =	vadd.s32 $0x4, v12;
	v7 =	vand.u32 $0x7F, v7  }
0x134: {  	v16 =	vld.idx.msk [tilespmem:v8+s17+$0x0], $0xffff;
	v6 =	vand.u32 $0x7F, v6;
	v10 =	vor.u32 v1, v7  }
0x135: {  	v17 =	vor.u32 v1, v6;
	v6 =	vld.idx.msk [tilespmem:v5+s15+$0x0], $0xffff  }
0x136: {  	v9 =	vld.idx.msk [tilespmem:v5+s17+$0x0], $0xffff;
	v5 =	vadd.s32 $0x6, v12  }
0x137: {  	v5 =	vand.u32 $0x7F, v5;
	v7 =	vld.idx.msk [tilespmem:v11+s15+$0x0], $0xffff  }
0x138: {  	v19 =	vmul.f32 v14, v13;
	v11 =	vld.idx.msk [tilespmem:v11+s17+$0x0], $0xffff;
	v13 =	vor.u32 v1, v5;
	v5 =	vadd.s32 $0x7, v12  }
0x139: {  	v20 =	vadd.s32 $0x8, v12;
	v5 =	vand.u32 $0x7F, v5;
	v12 =	vld.idx.msk [tilespmem:v10+s15+$0x0], $0xffff  }
0x13a: {  	v18 =	vimm.f32 $0.0e+00;
	v16 =	vmul.f32 v16, v15;
	v8 =	vld.idx.msk [tilespmem:v17+s15+$0x0], $0xffff;
	v15 =	vor.u32 v1, v5  }
0x13b: {  	s16 =	simm.s32 $0xF;
	v14 =	vld.idx.msk [tilespmem:v17+s17+$0x0], $0xffff;
	v17 =	vadd.f32 v19, v18;
	v5 =	vand.u32 $0x7F, v20  }
.LBB2_15:
0x13c: {  	v18 =	vor.u32 v1, v5;
	v19 =	vadd.s32 $0x1, v5;
	p0 =	sne.s32 s16, $0x1;
	s16 =	sadd.s32 $0xFFFFFFFF, s16;
	v6 =	vmul.f32 v9, v6;
	v9 =	vld.idx.msk [tilespmem:v10+s17+$0x0], $0xffff  }
0x13d: {  	v10 =	vand.u32 $0x7F, v19;
	v19 =	vadd.s32 $0x2, v5;
	v16 =	vadd.f32 v16, v17;
	v17 =	vld.idx.msk [tilespmem:v13+s15+$0x0], $0xffff  }
0x13e: {  	v7 =	vmul.f32 v11, v7;
	v10 =	vor.u32 v1, v10;
	v11 =	vld.idx.msk [tilespmem:v13+s17+$0x0], $0xffff  }
0x13f: {  	v13 =	vand.u32 $0x7F, v19;
	v6 =	vadd.f32 v6, v16;
	v16 =	vld.idx.msk [tilespmem:v15+s15+$0x0], $0xffff  }
0x140: {  	v19 =	vadd.s32 $0x3, v5;
	v13 =	vor.u32 v1, v13;
	v8 =	vmul.f32 v14, v8;
	v14 =	vld.idx.msk [tilespmem:v15+s17+$0x0], $0xffff  }
0x141: {  	v19 =	vand.u32 $0x7F, v19;
	v15 =	vld.idx.msk [tilespmem:v18+s15+$0x0], $0xffff;
	v6 =	vadd.f32 v7, v6  }
0x142: {  	v19 =	vor.u32 v1, v19;
	v7 =	vadd.s32 $0x4, v5;
	v9 =	vmul.f32 v9, v12;
	v18 =	vld.idx.msk [tilespmem:v18+s17+$0x0], $0xffff  }
0x143: {  	v7 =	vand.u32 $0x7F, v7;
	v12 =	vld.idx.msk [tilespmem:v10+s15+$0x0], $0xffff;
	v8 =	vadd.f32 v8, v6  }
0x144: {  	v21 =	vor.u32 v1, v7;
	v7 =	vadd.s32 $0x5, v5;
	v11 =	vmul.f32 v11, v17;
	v20 =	vld.idx.msk [tilespmem:v10+s17+$0x0], $0xffff  }
0x145: {  	v7 =	vand.u32 $0x7F, v7;
	v6 =	vld.idx.msk [tilespmem:v13+s15+$0x0], $0xffff;
	v8 =	vadd.f32 v9, v8  }
0x146: {  	v10 =	vor.u32 v1, v7;
	v14 =	vmul.f32 v14, v16;
	v9 =	vld.idx.msk [tilespmem:v13+s17+$0x0], $0xffff;
	v13 =	vadd.s32 $0x6, v5  }
.Ltmp6:
0x147: {  	v7 =	vld.idx.msk [tilespmem:v19+s15+$0x0], $0xffff;
	v13 =	vand.u32 $0x7F, v13;
	v16 =	vadd.f32 v11, v8;
	(pc) =	sbr.rel @p0 .LBB2_15-.Ltmp6, $4  }
0x148: {  	v17 =	vmul.f32 v18, v15;
	v15 =	vadd.s32 $0x7, v5;
	v11 =	vld.idx.msk [tilespmem:v19+s17+$0x0], $0xffff;
	v13 =	vor.u32 v1, v13  }
0x149: {  	v15 =	vand.u32 $0x7F, v15;
	v8 =	vld.idx.msk [tilespmem:v21+s15+$0x0], $0xffff;
	v18 =	vadd.f32 v14, v16  }
0x14a: {  	v5 =	vadd.s32 $0x8, v5;
	v16 =	vmul.f32 v20, v12;
	v15 =	vor.u32 v1, v15;
	v14 =	vld.idx.msk [tilespmem:v21+s17+$0x0], $0xffff  }
0x14b: {  	v5 =	vand.u32 $0x7F, v5;
	v17 =	vadd.f32 v17, v18;
	v12 =	vld.idx.msk [tilespmem:v10+s15+$0x0], $0xffff  }
0x14c: {  	_ =	sdelay $0x2  }
0x14d: {  	v5 =	vmul.f32 v9, v6;
	v9 =	vadd.f32 v16, v17  }
0x14e: {  	v6 =	vld.idx.msk [tilespmem:v10+s17+$0x0], $0xffff  }
0x14f: {  	v10 =	vld.idx.msk [tilespmem:v13+s15+$0x0], $0xffff;
	v7 =	vmul.f32 v11, v7;
	v5 =	vadd.f32 v5, v9  }
0x150: {  	v11 =	vld.idx.msk [tilespmem:v13+s17+$0x0], $0xffff  }
0x151: {  	v13 =	vld.idx.msk [tilespmem:v15+s17+$0x0], $0xffff;
	v8 =	vmul.f32 v14, v8;
	v5 =	vadd.f32 v7, v5  }
0x152: {  	v9 =	vld.idx.msk [tilespmem:v15+s15+$0x0], $0xffff  }
0x153: {  	v6 =	vmul.f32 v6, v12;
	v5 =	vadd.f32 v8, v5;
	_ =	sdelay $0x1  }
0x154: {  	v12 =	vlaneseq.u32;
	v7 =	vmul.f32 v11, v10;
	v5 =	vadd.f32 v6, v5  }
0x155: {  	v8 =	vadd.s32 $0x1, v12  }
0x156: {  	v6 =	vmul.f32 v13, v9;
	v5 =	vadd.f32 v7, v5;
	v7 =	vor.u32 v2, v12  }
0x157: {  	v8 =	vand.u32 $0x7F, v8  }
0x158: {  	v8 =	vor.u32 v2, v8;
	v5 =	vadd.f32 v6, v5;
	v6 =	vadd.s32 $0x2, v12  }
0x159: {  	v6 =	vand.u32 $0x7F, v6  }
0x15a: {  	[tilespmem:$0x18F60] =	vst v5;
	v5 =	vor.u32 v2, v6;
	v6 =	vadd.s32 $0x3, v12  }
0x15b: {  	v13 =	vld.idx.msk [tilespmem:v7+s15+$0x0], $0xffff;
	v6 =	vand.u32 $0x7F, v6  }
0x15c: {  	v14 =	vld.idx.msk [tilespmem:v7+s17+$0x0], $0xffff;
	v7 =	vadd.s32 $0x5, v12;
	v11 =	vor.u32 v2, v6  }
0x15d: {  	v15 =	vld.idx.msk [tilespmem:v8+s15+$0x0], $0xffff;
	v6 =	vadd.s32 $0x4, v12;
	v7 =	vand.u32 $0x7F, v7  }
0x15e: {  	v16 =	vld.idx.msk [tilespmem:v8+s17+$0x0], $0xffff;
	v6 =	vand.u32 $0x7F, v6;
	v10 =	vor.u32 v2, v7  }
0x15f: {  	v17 =	vor.u32 v2, v6;
	v6 =	vld.idx.msk [tilespmem:v5+s15+$0x0], $0xffff  }
0x160: {  	v9 =	vld.idx.msk [tilespmem:v5+s17+$0x0], $0xffff;
	v5 =	vadd.s32 $0x6, v12  }
0x161: {  	v5 =	vand.u32 $0x7F, v5;
	v7 =	vld.idx.msk [tilespmem:v11+s15+$0x0], $0xffff  }
0x162: {  	v19 =	vmul.f32 v14, v13;
	v11 =	vld.idx.msk [tilespmem:v11+s17+$0x0], $0xffff;
	v13 =	vor.u32 v2, v5;
	v5 =	vadd.s32 $0x7, v12  }
0x163: {  	v20 =	vadd.s32 $0x8, v12;
	v5 =	vand.u32 $0x7F, v5;
	v12 =	vld.idx.msk [tilespmem:v10+s15+$0x0], $0xffff  }
0x164: {  	v18 =	vimm.f32 $0.0e+00;
	v16 =	vmul.f32 v16, v15;
	v8 =	vld.idx.msk [tilespmem:v17+s15+$0x0], $0xffff;
	v15 =	vor.u32 v2, v5  }
0x165: {  	s16 =	simm.s32 $0xF;
	v14 =	vld.idx.msk [tilespmem:v17+s17+$0x0], $0xffff;
	v17 =	vadd.f32 v19, v18;
	v5 =	vand.u32 $0x7F, v20  }
.LBB2_17:
0x166: {  	v18 =	vor.u32 v2, v5;
	v19 =	vadd.s32 $0x1, v5;
	p0 =	sne.s32 s16, $0x1;
	s16 =	sadd.s32 $0xFFFFFFFF, s16;
	v6 =	vmul.f32 v9, v6;
	v9 =	vld.idx.msk [tilespmem:v10+s17+$0x0], $0xffff  }
0x167: {  	v10 =	vand.u32 $0x7F, v19;
	v19 =	vadd.s32 $0x2, v5;
	v16 =	vadd.f32 v16, v17;
	v17 =	vld.idx.msk [tilespmem:v13+s15+$0x0], $0xffff  }
0x168: {  	v7 =	vmul.f32 v11, v7;
	v10 =	vor.u32 v2, v10;
	v11 =	vld.idx.msk [tilespmem:v13+s17+$0x0], $0xffff  }
0x169: {  	v13 =	vand.u32 $0x7F, v19;
	v6 =	vadd.f32 v6, v16;
	v16 =	vld.idx.msk [tilespmem:v15+s15+$0x0], $0xffff  }
0x16a: {  	v19 =	vadd.s32 $0x3, v5;
	v13 =	vor.u32 v2, v13;
	v8 =	vmul.f32 v14, v8;
	v14 =	vld.idx.msk [tilespmem:v15+s17+$0x0], $0xffff  }
0x16b: {  	v19 =	vand.u32 $0x7F, v19;
	v15 =	vld.idx.msk [tilespmem:v18+s15+$0x0], $0xffff;
	v6 =	vadd.f32 v7, v6  }
0x16c: {  	v19 =	vor.u32 v2, v19;
	v7 =	vadd.s32 $0x4, v5;
	v9 =	vmul.f32 v9, v12;
	v18 =	vld.idx.msk [tilespmem:v18+s17+$0x0], $0xffff  }
0x16d: {  	v7 =	vand.u32 $0x7F, v7;
	v12 =	vld.idx.msk [tilespmem:v10+s15+$0x0], $0xffff;
	v8 =	vadd.f32 v8, v6  }
0x16e: {  	v21 =	vor.u32 v2, v7;
	v7 =	vadd.s32 $0x5, v5;
	v11 =	vmul.f32 v11, v17;
	v20 =	vld.idx.msk [tilespmem:v10+s17+$0x0], $0xffff  }
0x16f: {  	v7 =	vand.u32 $0x7F, v7;
	v6 =	vld.idx.msk [tilespmem:v13+s15+$0x0], $0xffff;
	v8 =	vadd.f32 v9, v8  }
0x170: {  	v10 =	vor.u32 v2, v7;
	v14 =	vmul.f32 v14, v16;
	v9 =	vld.idx.msk [tilespmem:v13+s17+$0x0], $0xffff;
	v13 =	vadd.s32 $0x6, v5  }
.Ltmp7:
0x171: {  	v7 =	vld.idx.msk [tilespmem:v19+s15+$0x0], $0xffff;
	v13 =	vand.u32 $0x7F, v13;
	v16 =	vadd.f32 v11, v8;
	(pc) =	sbr.rel @p0 .LBB2_17-.Ltmp7, $4  }
0x172: {  	v17 =	vmul.f32 v18, v15;
	v15 =	vadd.s32 $0x7, v5;
	v11 =	vld.idx.msk [tilespmem:v19+s17+$0x0], $0xffff;
	v13 =	vor.u32 v2, v13  }
0x173: {  	v15 =	vand.u32 $0x7F, v15;
	v8 =	vld.idx.msk [tilespmem:v21+s15+$0x0], $0xffff;
	v18 =	vadd.f32 v14, v16  }
0x174: {  	v5 =	vadd.s32 $0x8, v5;
	v16 =	vmul.f32 v20, v12;
	v15 =	vor.u32 v2, v15;
	v14 =	vld.idx.msk [tilespmem:v21+s17+$0x0], $0xffff  }
0x175: {  	v5 =	vand.u32 $0x7F, v5;
	v17 =	vadd.f32 v17, v18;
	v12 =	vld.idx.msk [tilespmem:v10+s15+$0x0], $0xffff  }
0x176: {  	_ =	sdelay $0x2  }
0x177: {  	v5 =	vmul.f32 v9, v6;
	v9 =	vadd.f32 v16, v17  }
0x178: {  	v6 =	vld.idx.msk [tilespmem:v10+s17+$0x0], $0xffff  }
0x179: {  	v10 =	vld.idx.msk [tilespmem:v13+s15+$0x0], $0xffff;
	v7 =	vmul.f32 v11, v7;
	v5 =	vadd.f32 v5, v9  }
0x17a: {  	v11 =	vld.idx.msk [tilespmem:v13+s17+$0x0], $0xffff  }
0x17b: {  	v13 =	vld.idx.msk [tilespmem:v15+s17+$0x0], $0xffff;
	v8 =	vmul.f32 v14, v8;
	v5 =	vadd.f32 v7, v5  }
0x17c: {  	v9 =	vld.idx.msk [tilespmem:v15+s15+$0x0], $0xffff  }
0x17d: {  	v6 =	vmul.f32 v6, v12;
	v5 =	vadd.f32 v8, v5;
	_ =	sdelay $0x1  }
0x17e: {  	v12 =	vlaneseq.u32;
	v7 =	vmul.f32 v11, v10;
	v5 =	vadd.f32 v6, v5  }
0x17f: {  	v8 =	vadd.s32 $0x1, v12  }
0x180: {  	v6 =	vmul.f32 v13, v9;
	v5 =	vadd.f32 v7, v5;
	v7 =	vor.u32 v3, v12  }
0x181: {  	v8 =	vand.u32 $0x7F, v8  }
0x182: {  	v8 =	vor.u32 v3, v8;
	v5 =	vadd.f32 v6, v5;
	v6 =	vadd.s32 $0x2, v12  }
0x183: {  	v6 =	vand.u32 $0x7F, v6  }
0x184: {  	[tilespmem:$0x18F70] =	vst v5;
	v5 =	vor.u32 v3, v6;
	v6 =	vadd.s32 $0x3, v12  }
0x185: {  	v13 =	vld.idx.msk [tilespmem:v7+s15+$0x0], $0xffff;
	v6 =	vand.u32 $0x7F, v6  }
0x186: {  	v14 =	vld.idx.msk [tilespmem:v7+s17+$0x0], $0xffff;
	v7 =	vadd.s32 $0x5, v12;
	v11 =	vor.u32 v3, v6  }
0x187: {  	v15 =	vld.idx.msk [tilespmem:v8+s15+$0x0], $0xffff;
	v6 =	vadd.s32 $0x4, v12;
	v7 =	vand.u32 $0x7F, v7  }
0x188: {  	v16 =	vld.idx.msk [tilespmem:v8+s17+$0x0], $0xffff;
	v6 =	vand.u32 $0x7F, v6;
	v10 =	vor.u32 v3, v7  }
0x189: {  	v17 =	vor.u32 v3, v6;
	v6 =	vld.idx.msk [tilespmem:v5+s15+$0x0], $0xffff  }
0x18a: {  	v9 =	vld.idx.msk [tilespmem:v5+s17+$0x0], $0xffff;
	v5 =	vadd.s32 $0x6, v12  }
0x18b: {  	v5 =	vand.u32 $0x7F, v5;
	v7 =	vld.idx.msk [tilespmem:v11+s15+$0x0], $0xffff  }
0x18c: {  	v19 =	vmul.f32 v14, v13;
	v11 =	vld.idx.msk [tilespmem:v11+s17+$0x0], $0xffff;
	v13 =	vor.u32 v3, v5;
	v5 =	vadd.s32 $0x7, v12  }
0x18d: {  	v20 =	vadd.s32 $0x8, v12;
	v5 =	vand.u32 $0x7F, v5;
	v12 =	vld.idx.msk [tilespmem:v10+s15+$0x0], $0xffff  }
0x18e: {  	v18 =	vimm.f32 $0.0e+00;
	v16 =	vmul.f32 v16, v15;
	v8 =	vld.idx.msk [tilespmem:v17+s15+$0x0], $0xffff;
	v15 =	vor.u32 v3, v5  }
0x18f: {  	s16 =	simm.s32 $0xF;
	v14 =	vld.idx.msk [tilespmem:v17+s17+$0x0], $0xffff;
	v17 =	vadd.f32 v19, v18;
	v5 =	vand.u32 $0x7F, v20  }
.LBB2_19:
0x190: {  	v18 =	vor.u32 v3, v5;
	v19 =	vadd.s32 $0x1, v5;
	p0 =	sne.s32 s16, $0x1;
	s16 =	sadd.s32 $0xFFFFFFFF, s16;
	v6 =	vmul.f32 v9, v6;
	v9 =	vld.idx.msk [tilespmem:v10+s17+$0x0], $0xffff  }
0x191: {  	v10 =	vand.u32 $0x7F, v19;
	v19 =	vadd.s32 $0x2, v5;
	v16 =	vadd.f32 v16, v17;
	v17 =	vld.idx.msk [tilespmem:v13+s15+$0x0], $0xffff  }
0x192: {  	v7 =	vmul.f32 v11, v7;
	v10 =	vor.u32 v3, v10;
	v11 =	vld.idx.msk [tilespmem:v13+s17+$0x0], $0xffff  }
0x193: {  	v13 =	vand.u32 $0x7F, v19;
	v6 =	vadd.f32 v6, v16;
	v16 =	vld.idx.msk [tilespmem:v15+s15+$0x0], $0xffff  }
0x194: {  	v19 =	vadd.s32 $0x3, v5;
	v13 =	vor.u32 v3, v13;
	v8 =	vmul.f32 v14, v8;
	v14 =	vld.idx.msk [tilespmem:v15+s17+$0x0], $0xffff  }
0x195: {  	v19 =	vand.u32 $0x7F, v19;
	v15 =	vld.idx.msk [tilespmem:v18+s15+$0x0], $0xffff;
	v6 =	vadd.f32 v7, v6  }
0x196: {  	v19 =	vor.u32 v3, v19;
	v7 =	vadd.s32 $0x4, v5;
	v9 =	vmul.f32 v9, v12;
	v18 =	vld.idx.msk [tilespmem:v18+s17+$0x0], $0xffff  }
0x197: {  	v7 =	vand.u32 $0x7F, v7;
	v12 =	vld.idx.msk [tilespmem:v10+s15+$0x0], $0xffff;
	v8 =	vadd.f32 v8, v6  }
0x198: {  	v21 =	vor.u32 v3, v7;
	v7 =	vadd.s32 $0x5, v5;
	v11 =	vmul.f32 v11, v17;
	v20 =	vld.idx.msk [tilespmem:v10+s17+$0x0], $0xffff  }
0x199: {  	v7 =	vand.u32 $0x7F, v7;
	v6 =	vld.idx.msk [tilespmem:v13+s15+$0x0], $0xffff;
	v8 =	vadd.f32 v9, v8  }
0x19a: {  	v10 =	vor.u32 v3, v7;
	v14 =	vmul.f32 v14, v16;
	v9 =	vld.idx.msk [tilespmem:v13+s17+$0x0], $0xffff;
	v13 =	vadd.s32 $0x6, v5  }
.Ltmp8:
0x19b: {  	v7 =	vld.idx.msk [tilespmem:v19+s15+$0x0], $0xffff;
	v13 =	vand.u32 $0x7F, v13;
	v16 =	vadd.f32 v11, v8;
	(pc) =	sbr.rel @p0 .LBB2_19-.Ltmp8, $4  }
0x19c: {  	v17 =	vmul.f32 v18, v15;
	v15 =	vadd.s32 $0x7, v5;
	v11 =	vld.idx.msk [tilespmem:v19+s17+$0x0], $0xffff;
	v13 =	vor.u32 v3, v13  }
0x19d: {  	v15 =	vand.u32 $0x7F, v15;
	v8 =	vld.idx.msk [tilespmem:v21+s15+$0x0], $0xffff;
	v18 =	vadd.f32 v14, v16  }
0x19e: {  	v5 =	vadd.s32 $0x8, v5;
	v16 =	vmul.f32 v20, v12;
	v15 =	vor.u32 v3, v15;
	v14 =	vld.idx.msk [tilespmem:v21+s17+$0x0], $0xffff  }
0x19f: {  	v5 =	vand.u32 $0x7F, v5;
	v17 =	vadd.f32 v17, v18;
	v12 =	vld.idx.msk [tilespmem:v10+s15+$0x0], $0xffff  }
0x1a0: {  	_ =	sdelay $0x3  }
0x1a1: {  	v5 =	vmul.f32 v9, v6;
	v6 =	vld.idx.msk [tilespmem:v10+s17+$0x0], $0xffff;
	v9 =	vadd.f32 v16, v17  }
0x1a2: {  	v10 =	vld.idx.msk [tilespmem:v13+s15+$0x0], $0xffff  }
0x1a3: {  	v7 =	vmul.f32 v11, v7;
	v11 =	vld.idx.msk [tilespmem:v13+s17+$0x0], $0xffff;
	v5 =	vadd.f32 v5, v9  }
0x1a4: {  	v13 =	vld.idx.msk [tilespmem:v15+s17+$0x0], $0xffff  }
0x1a5: {  	v9 =	vld.idx.msk [tilespmem:v15+s15+$0x0], $0xffff;
	v8 =	vmul.f32 v14, v8;
	v5 =	vadd.f32 v7, v5;
	_ =	sdelay $0x1  }
0x1a6: {  	v6 =	vmul.f32 v6, v12;
	v5 =	vadd.f32 v8, v5;
	_ =	sdelay $0x1  }
0x1a7: {  	v7 =	vmul.f32 v11, v10;
	v5 =	vadd.f32 v6, v5  }
0x1a8: {  	v6 =	vmul.f32 v13, v9;
	v13 =	vlaneseq.u32  }
0x1a9: {  	v8 =	vadd.s32 $0x1, v13;
	v5 =	vadd.f32 v7, v5;
	v7 =	vor.u32 v4, v13  }
0x1aa: {  	v8 =	vand.u32 $0x7F, v8  }
0x1ab: {  	v8 =	vor.u32 v4, v8;
	v5 =	vadd.f32 v6, v5;
	v6 =	vadd.s32 $0x2, v13  }
0x1ac: {  	v6 =	vand.u32 $0x7F, v6  }
0x1ad: {  	[tilespmem:$0x18F80] =	vst v5;
	v5 =	vor.u32 v4, v6;
	v6 =	vadd.s32 $0x3, v13  }
0x1ae: {  	v11 =	vld.idx.msk [tilespmem:v7+s15+$0x0], $0xffff;
	v6 =	vand.u32 $0x7F, v6  }
0x1af: {  	v14 =	vld.idx.msk [tilespmem:v7+s17+$0x0], $0xffff;
	v7 =	vadd.s32 $0x5, v13;
	v12 =	vor.u32 v4, v6  }
0x1b0: {  	v6 =	vadd.s32 $0x4, v13;
	v15 =	vld.idx.msk [tilespmem:v8+s15+$0x0], $0xffff;
	v7 =	vand.u32 $0x7F, v7  }
0x1b1: {  	v16 =	vld.idx.msk [tilespmem:v8+s17+$0x0], $0xffff;
	v6 =	vand.u32 $0x7F, v6;
	v9 =	vor.u32 v4, v7  }
0x1b2: {  	v17 =	vor.u32 v4, v6;
	v6 =	vld.idx.msk [tilespmem:v5+s15+$0x0], $0xffff  }
0x1b3: {  	v10 =	vld.idx.msk [tilespmem:v5+s17+$0x0], $0xffff;
	v5 =	vadd.s32 $0x6, v13  }
0x1b4: {  	v5 =	vand.u32 $0x7F, v5;
	v7 =	vld.idx.msk [tilespmem:v12+s15+$0x0], $0xffff  }
0x1b5: {  	v19 =	vmul.f32 v14, v11;
	v12 =	vld.idx.msk [tilespmem:v12+s17+$0x0], $0xffff;
	v11 =	vor.u32 v4, v5;
	v5 =	vadd.s32 $0x7, v13  }
0x1b6: {  	v20 =	vadd.s32 $0x8, v13;
	v5 =	vand.u32 $0x7F, v5;
	v13 =	vld.idx.msk [tilespmem:v9+s15+$0x0], $0xffff  }
0x1b7: {  	v18 =	vimm.f32 $0.0e+00;
	v16 =	vmul.f32 v16, v15;
	v8 =	vld.idx.msk [tilespmem:v17+s15+$0x0], $0xffff;
	v15 =	vor.u32 v4, v5  }
0x1b8: {  	s16 =	simm.s32 $0xF;
	v14 =	vld.idx.msk [tilespmem:v17+s17+$0x0], $0xffff;
	v17 =	vadd.f32 v19, v18;
	v5 =	vand.u32 $0x7F, v20  }
.LBB2_21:
0x1b9: {  	v18 =	vor.u32 v4, v5;
	v19 =	vadd.s32 $0x1, v5;
	p0 =	sne.s32 s16, $0x1;
	s16 =	sadd.s32 $0xFFFFFFFF, s16;
	v6 =	vmul.f32 v10, v6;
	v9 =	vld.idx.msk [tilespmem:v9+s17+$0x0], $0xffff  }
0x1ba: {  	v10 =	vand.u32 $0x7F, v19;
	v19 =	vadd.s32 $0x2, v5;
	v16 =	vadd.f32 v16, v17;
	v17 =	vld.idx.msk [tilespmem:v11+s15+$0x0], $0xffff  }
0x1bb: {  	v7 =	vmul.f32 v12, v7;
	v10 =	vor.u32 v4, v10;
	v11 =	vld.idx.msk [tilespmem:v11+s17+$0x0], $0xffff  }
0x1bc: {  	v12 =	vand.u32 $0x7F, v19;
	v6 =	vadd.f32 v6, v16;
	v16 =	vld.idx.msk [tilespmem:v15+s15+$0x0], $0xffff  }
0x1bd: {  	v19 =	vadd.s32 $0x3, v5;
	v12 =	vor.u32 v4, v12;
	v8 =	vmul.f32 v14, v8;
	v14 =	vld.idx.msk [tilespmem:v15+s17+$0x0], $0xffff  }
0x1be: {  	v19 =	vand.u32 $0x7F, v19;
	v15 =	vld.idx.msk [tilespmem:v18+s15+$0x0], $0xffff;
	v6 =	vadd.f32 v7, v6  }
0x1bf: {  	v19 =	vor.u32 v4, v19;
	v7 =	vadd.s32 $0x4, v5;
	v9 =	vmul.f32 v9, v13;
	v18 =	vld.idx.msk [tilespmem:v18+s17+$0x0], $0xffff  }
0x1c0: {  	v7 =	vand.u32 $0x7F, v7;
	v13 =	vld.idx.msk [tilespmem:v10+s15+$0x0], $0xffff;
	v8 =	vadd.f32 v8, v6  }
0x1c1: {  	v21 =	vor.u32 v4, v7;
	v7 =	vadd.s32 $0x5, v5;
	v11 =	vmul.f32 v11, v17;
	v20 =	vld.idx.msk [tilespmem:v10+s17+$0x0], $0xffff  }
0x1c2: {  	v7 =	vand.u32 $0x7F, v7;
	v6 =	vld.idx.msk [tilespmem:v12+s15+$0x0], $0xffff;
	v8 =	vadd.f32 v9, v8  }
0x1c3: {  	v9 =	vor.u32 v4, v7;
	v14 =	vmul.f32 v14, v16;
	v10 =	vld.idx.msk [tilespmem:v12+s17+$0x0], $0xffff;
	v12 =	vadd.s32 $0x6, v5  }
.Ltmp9:
0x1c4: {  	v7 =	vld.idx.msk [tilespmem:v19+s15+$0x0], $0xffff;
	v16 =	vand.u32 $0x7F, v12;
	v17 =	vadd.f32 v11, v8;
	(pc) =	sbr.rel @p0 .LBB2_21-.Ltmp9, $4  }
0x1c5: {  	v18 =	vmul.f32 v18, v15;
	v15 =	vadd.s32 $0x7, v5;
	v12 =	vld.idx.msk [tilespmem:v19+s17+$0x0], $0xffff;
	v11 =	vor.u32 v4, v16  }
0x1c6: {  	v15 =	vand.u32 $0x7F, v15;
	v8 =	vld.idx.msk [tilespmem:v21+s15+$0x0], $0xffff;
	v17 =	vadd.f32 v14, v17  }
0x1c7: {  	v5 =	vadd.s32 $0x8, v5;
	v16 =	vmul.f32 v20, v13;
	v15 =	vor.u32 v4, v15;
	v14 =	vld.idx.msk [tilespmem:v21+s17+$0x0], $0xffff  }
0x1c8: {  	v5 =	vand.u32 $0x7F, v5;
	v17 =	vadd.f32 v18, v17;
	v13 =	vld.idx.msk [tilespmem:v9+s15+$0x0], $0xffff  }
0x1c9: {  	_ =	sdelay $0x2  }
0x1ca: {  	v5 =	vmul.f32 v10, v6;
	v6 =	vadd.f32 v16, v17  }
0x1cb: {  	v9 =	vld.idx.msk [tilespmem:v9+s17+$0x0], $0xffff  }
0x1cc: {  	v10 =	vld.idx.msk [tilespmem:v11+s15+$0x0], $0xffff;
	v7 =	vmul.f32 v12, v7;
	v5 =	vadd.f32 v5, v6  }
0x1cd: {  	v6 =	vld.idx.msk [tilespmem:v11+s17+$0x0], $0xffff  }
0x1ce: {  	v11 =	vld.idx.msk [tilespmem:v15+s15+$0x0], $0xffff;
	v8 =	vmul.f32 v14, v8;
	v5 =	vadd.f32 v7, v5  }
0x1cf: {  	v7 =	vld.idx.msk [tilespmem:v15+s17+$0x0], $0xffff  }
0x1d0: {  	v9 =	vmul.f32 v9, v13;
	v5 =	vadd.f32 v8, v5;
	_ =	sdelay $0x1  }
0x1d1: {  	v6 =	vmul.f32 v6, v10;
	v5 =	vadd.f32 v9, v5;
	_ =	sdelay $0x1  }
0x1d2: {  	v7 =	vmul.f32 v7, v11;
	v5 =	vadd.f32 v6, v5;
	_ =	sdelay $0x1  }
0x1d3: {  	v5 =	vadd.f32 v7, v5  }
0x1d4: {  	p0 =	seq.s32 s1, $0x1E  }
0x1d5: {  	s16 =	sadd.s32 @!p0 $0x190, s0;
	s18 =	simm.s32 @!p0 $0x50;
	s20 =	simm.s32 @!p0 $0x9F00;
	[tilespmem:$0x18F90] =	vst v5  }
0x1d6: {  	[tilespmem:s20], [sflag:$0x2] =	stream.indirect.gather @!p0 [hbm4b:s2+s18], $0x80, s16, s18, $0xb8;
	[tilespmem:$0x19080] =	vst v63  }
0x1d7: {  	s16 =	sadd.s32 @!p0 $0x2910, s0;
	s20 =	simm.s32 @!p0 $0xC700  }
0x1d8: {  	[tilespmem:s20], [sflag:$0x2] =	stream.indirect.gather @!p0 [hbm4b:s2+s18], $0x80, s16, s18, $0xb8;
	[tilespmem:$0x19080] =	vst v63  }
0x1d9: {  	v5 =	vlaneseq.u32;
	_ =	swait.ge [sflag:s26], $0x2800  }
0x1da: {  	v6 =	vor.u32 v0, v5;
	v7 =	vadd.s32 $0x1, v5;
	[sflag:s26] =	ssyncset.done $0x0  }
0x1db: {  	v7 =	vand.u32 $0x7F, v7;
	[sflag:s26] =	ssyncadd.s32 $0xFFFFD800  }
0x1dc: {  	v8 =	vadd.s32 $0x2, v5;
	v7 =	vor.u32 v0, v7;
	_ =	swait.ge [sflag:s26], $0x2800  }
0x1dd: {  	v8 =	vand.u32 $0x7F, v8;
	[sflag:s26] =	ssyncset.done $0x0  }
0x1de: {  	v9 =	vadd.s32 $0x3, v5;
	v8 =	vor.u32 v0, v8;
	[sflag:s26] =	ssyncadd.s32 $0xFFFFD800  }
0x1df: {  	v9 =	vand.u32 $0x7F, v9;
	v12 =	vld.idx.msk [tilespmem:v6+s19+$0x0], $0xffff  }
0x1e0: {  	v11 =	vor.u32 v0, v9;
	v13 =	vld.idx.msk [tilespmem:v6+s21+$0x0], $0xffff;
	v6 =	vadd.s32 $0x4, v5  }
0x1e1: {  	v14 =	vld.idx.msk [tilespmem:v7+s19+$0x0], $0xffff;
	v6 =	vand.u32 $0x7F, v6  }
0x1e2: {  	v15 =	vld.idx.msk [tilespmem:v7+s21+$0x0], $0xffff;
	v7 =	vadd.s32 $0x5, v5;
	v17 =	vor.u32 v0, v6  }
0x1e3: {  	v9 =	vld.idx.msk [tilespmem:v8+s21+$0x0], $0xffff;
	v7 =	vand.u32 $0x7F, v7  }
0x1e4: {  	v6 =	vld.idx.msk [tilespmem:v8+s19+$0x0], $0xffff;
	v10 =	vor.u32 v0, v7;
	v8 =	vadd.s32 $0x6, v5  }
0x1e5: {  	v7 =	vld.idx.msk [tilespmem:v11+s19+$0x0], $0xffff;
	v8 =	vand.u32 $0x7F, v8  }
0x1e6: {  	v16 =	vadd.s32 $0x7, v5;
	v11 =	vld.idx.msk [tilespmem:v11+s21+$0x0], $0xffff;
	v12 =	vmul.f32 v13, v12;
	v13 =	vor.u32 v0, v8  }
0x1e7: {  	v18 =	vimm.f32 $0.0e+00;
	v19 =	vand.u32 $0x7F, v16;
	v8 =	vld.idx.msk [tilespmem:v17+s19+$0x0], $0xffff  }
0x1e8: {  	v5 =	vadd.s32 $0x8, v5;
	v16 =	vmul.f32 v15, v14;
	v15 =	vor.u32 v0, v19;
	v14 =	vld.idx.msk [tilespmem:v17+s21+$0x0], $0xffff  }
0x1e9: {  	s16 =	simm.s32 $0xF;
	v5 =	vand.u32 $0x7F, v5;
	v17 =	vadd.f32 v12, v18;
	v12 =	vld.idx.msk [tilespmem:v10+s19+$0x0], $0xffff  }
.LBB2_23:
0x1ea: {  	v18 =	vor.u32 v0, v5;
	v19 =	vadd.s32 $0x1, v5;
	p1 =	sne.s32 s16, $0x1;
	s16 =	sadd.s32 $0xFFFFFFFF, s16;
	v6 =	vmul.f32 v9, v6;
	v9 =	vld.idx.msk [tilespmem:v10+s21+$0x0], $0xffff  }
0x1eb: {  	v10 =	vand.u32 $0x7F, v19;
	v19 =	vadd.s32 $0x2, v5;
	v16 =	vadd.f32 v16, v17;
	v17 =	vld.idx.msk [tilespmem:v13+s19+$0x0], $0xffff  }
0x1ec: {  	v7 =	vmul.f32 v11, v7;
	v10 =	vor.u32 v0, v10;
	v11 =	vld.idx.msk [tilespmem:v13+s21+$0x0], $0xffff  }
0x1ed: {  	v13 =	vand.u32 $0x7F, v19;
	v6 =	vadd.f32 v6, v16;
	v16 =	vld.idx.msk [tilespmem:v15+s19+$0x0], $0xffff  }
0x1ee: {  	v19 =	vadd.s32 $0x3, v5;
	v13 =	vor.u32 v0, v13;
	v8 =	vmul.f32 v14, v8;
	v14 =	vld.idx.msk [tilespmem:v15+s21+$0x0], $0xffff  }
0x1ef: {  	v19 =	vand.u32 $0x7F, v19;
	v15 =	vld.idx.msk [tilespmem:v18+s19+$0x0], $0xffff;
	v6 =	vadd.f32 v7, v6  }
0x1f0: {  	v19 =	vor.u32 v0, v19;
	v7 =	vadd.s32 $0x4, v5;
	v9 =	vmul.f32 v9, v12;
	v18 =	vld.idx.msk [tilespmem:v18+s21+$0x0], $0xffff  }
0x1f1: {  	v7 =	vand.u32 $0x7F, v7;
	v12 =	vld.idx.msk [tilespmem:v10+s19+$0x0], $0xffff;
	v8 =	vadd.f32 v8, v6  }
0x1f2: {  	v21 =	vor.u32 v0, v7;
	v7 =	vadd.s32 $0x5, v5;
	v11 =	vmul.f32 v11, v17;
	v20 =	vld.idx.msk [tilespmem:v10+s21+$0x0], $0xffff  }
0x1f3: {  	v7 =	vand.u32 $0x7F, v7;
	v6 =	vld.idx.msk [tilespmem:v13+s19+$0x0], $0xffff;
	v8 =	vadd.f32 v9, v8  }
0x1f4: {  	v10 =	vor.u32 v0, v7;
	v14 =	vmul.f32 v14, v16;
	v9 =	vld.idx.msk [tilespmem:v13+s21+$0x0], $0xffff;
	v13 =	vadd.s32 $0x6, v5  }
.Ltmp10:
0x1f5: {  	v7 =	vld.idx.msk [tilespmem:v19+s19+$0x0], $0xffff;
	v13 =	vand.u32 $0x7F, v13;
	v16 =	vadd.f32 v11, v8;
	(pc) =	sbr.rel @p1 .LBB2_23-.Ltmp10, $4  }
0x1f6: {  	v17 =	vmul.f32 v18, v15;
	v15 =	vadd.s32 $0x7, v5;
	v11 =	vld.idx.msk [tilespmem:v19+s21+$0x0], $0xffff;
	v13 =	vor.u32 v0, v13  }
0x1f7: {  	v15 =	vand.u32 $0x7F, v15;
	v8 =	vld.idx.msk [tilespmem:v21+s19+$0x0], $0xffff;
	v18 =	vadd.f32 v14, v16  }
0x1f8: {  	v5 =	vadd.s32 $0x8, v5;
	v16 =	vmul.f32 v20, v12;
	v15 =	vor.u32 v0, v15;
	v14 =	vld.idx.msk [tilespmem:v21+s21+$0x0], $0xffff  }
0x1f9: {  	v5 =	vand.u32 $0x7F, v5;
	v17 =	vadd.f32 v17, v18;
	v12 =	vld.idx.msk [tilespmem:v10+s19+$0x0], $0xffff  }
0x1fa: {  	_ =	sdelay $0x2  }
0x1fb: {  	v5 =	vmul.f32 v9, v6;
	v9 =	vadd.f32 v16, v17  }
0x1fc: {  	v6 =	vld.idx.msk [tilespmem:v10+s21+$0x0], $0xffff  }
0x1fd: {  	v10 =	vld.idx.msk [tilespmem:v13+s19+$0x0], $0xffff;
	v7 =	vmul.f32 v11, v7;
	v5 =	vadd.f32 v5, v9  }
0x1fe: {  	v11 =	vld.idx.msk [tilespmem:v13+s21+$0x0], $0xffff  }
0x1ff: {  	v13 =	vld.idx.msk [tilespmem:v15+s21+$0x0], $0xffff;
	v8 =	vmul.f32 v14, v8;
	v5 =	vadd.f32 v7, v5  }
0x200: {  	v9 =	vld.idx.msk [tilespmem:v15+s19+$0x0], $0xffff  }
0x201: {  	v6 =	vmul.f32 v6, v12;
	v5 =	vadd.f32 v8, v5;
	_ =	sdelay $0x1  }
0x202: {  	v12 =	vlaneseq.u32;
	v7 =	vmul.f32 v11, v10;
	v5 =	vadd.f32 v6, v5  }
0x203: {  	v8 =	vadd.s32 $0x1, v12  }
0x204: {  	v6 =	vmul.f32 v13, v9;
	v5 =	vadd.f32 v7, v5;
	v7 =	vor.u32 v1, v12  }
0x205: {  	v8 =	vand.u32 $0x7F, v8  }
0x206: {  	v8 =	vor.u32 v1, v8;
	v5 =	vadd.f32 v6, v5;
	v6 =	vadd.s32 $0x2, v12  }
0x207: {  	v6 =	vand.u32 $0x7F, v6  }
0x208: {  	[tilespmem:$0x18FA0] =	vst v5;
	v5 =	vor.u32 v1, v6;
	v6 =	vadd.s32 $0x3, v12  }
0x209: {  	v13 =	vld.idx.msk [tilespmem:v7+s19+$0x0], $0xffff;
	v6 =	vand.u32 $0x7F, v6  }
0x20a: {  	v14 =	vld.idx.msk [tilespmem:v7+s21+$0x0], $0xffff;
	v7 =	vadd.s32 $0x5, v12;
	v11 =	vor.u32 v1, v6  }
0x20b: {  	v15 =	vld.idx.msk [tilespmem:v8+s19+$0x0], $0xffff;
	v6 =	vadd.s32 $0x4, v12;
	v7 =	vand.u32 $0x7F, v7  }
0x20c: {  	v16 =	vld.idx.msk [tilespmem:v8+s21+$0x0], $0xffff;
	v6 =	vand.u32 $0x7F, v6;
	v10 =	vor.u32 v1, v7  }
0x20d: {  	v17 =	vor.u32 v1, v6;
	v6 =	vld.idx.msk [tilespmem:v5+s19+$0x0], $0xffff  }
0x20e: {  	v9 =	vld.idx.msk [tilespmem:v5+s21+$0x0], $0xffff;
	v5 =	vadd.s32 $0x6, v12  }
0x20f: {  	v5 =	vand.u32 $0x7F, v5;
	v7 =	vld.idx.msk [tilespmem:v11+s19+$0x0], $0xffff  }
0x210: {  	v19 =	vmul.f32 v14, v13;
	v11 =	vld.idx.msk [tilespmem:v11+s21+$0x0], $0xffff;
	v13 =	vor.u32 v1, v5;
	v5 =	vadd.s32 $0x7, v12  }
0x211: {  	v20 =	vadd.s32 $0x8, v12;
	v5 =	vand.u32 $0x7F, v5;
	v12 =	vld.idx.msk [tilespmem:v10+s19+$0x0], $0xffff  }
0x212: {  	v18 =	vimm.f32 $0.0e+00;
	v16 =	vmul.f32 v16, v15;
	v8 =	vld.idx.msk [tilespmem:v17+s19+$0x0], $0xffff;
	v15 =	vor.u32 v1, v5  }
0x213: {  	s16 =	simm.s32 $0xF;
	v14 =	vld.idx.msk [tilespmem:v17+s21+$0x0], $0xffff;
	v17 =	vadd.f32 v19, v18;
	v5 =	vand.u32 $0x7F, v20  }
.LBB2_25:
0x214: {  	v18 =	vor.u32 v1, v5;
	v19 =	vadd.s32 $0x1, v5;
	p1 =	sne.s32 s16, $0x1;
	s16 =	sadd.s32 $0xFFFFFFFF, s16;
	v6 =	vmul.f32 v9, v6;
	v9 =	vld.idx.msk [tilespmem:v10+s21+$0x0], $0xffff  }
0x215: {  	v10 =	vand.u32 $0x7F, v19;
	v19 =	vadd.s32 $0x2, v5;
	v16 =	vadd.f32 v16, v17;
	v17 =	vld.idx.msk [tilespmem:v13+s19+$0x0], $0xffff  }
0x216: {  	v7 =	vmul.f32 v11, v7;
	v10 =	vor.u32 v1, v10;
	v11 =	vld.idx.msk [tilespmem:v13+s21+$0x0], $0xffff  }
0x217: {  	v13 =	vand.u32 $0x7F, v19;
	v6 =	vadd.f32 v6, v16;
	v16 =	vld.idx.msk [tilespmem:v15+s19+$0x0], $0xffff  }
0x218: {  	v19 =	vadd.s32 $0x3, v5;
	v13 =	vor.u32 v1, v13;
	v8 =	vmul.f32 v14, v8;
	v14 =	vld.idx.msk [tilespmem:v15+s21+$0x0], $0xffff  }
0x219: {  	v19 =	vand.u32 $0x7F, v19;
	v15 =	vld.idx.msk [tilespmem:v18+s19+$0x0], $0xffff;
	v6 =	vadd.f32 v7, v6  }
0x21a: {  	v19 =	vor.u32 v1, v19;
	v7 =	vadd.s32 $0x4, v5;
	v9 =	vmul.f32 v9, v12;
	v18 =	vld.idx.msk [tilespmem:v18+s21+$0x0], $0xffff  }
0x21b: {  	v7 =	vand.u32 $0x7F, v7;
	v12 =	vld.idx.msk [tilespmem:v10+s19+$0x0], $0xffff;
	v8 =	vadd.f32 v8, v6  }
0x21c: {  	v21 =	vor.u32 v1, v7;
	v7 =	vadd.s32 $0x5, v5;
	v11 =	vmul.f32 v11, v17;
	v20 =	vld.idx.msk [tilespmem:v10+s21+$0x0], $0xffff  }
0x21d: {  	v7 =	vand.u32 $0x7F, v7;
	v6 =	vld.idx.msk [tilespmem:v13+s19+$0x0], $0xffff;
	v8 =	vadd.f32 v9, v8  }
0x21e: {  	v10 =	vor.u32 v1, v7;
	v14 =	vmul.f32 v14, v16;
	v9 =	vld.idx.msk [tilespmem:v13+s21+$0x0], $0xffff;
	v13 =	vadd.s32 $0x6, v5  }
.Ltmp11:
0x21f: {  	v7 =	vld.idx.msk [tilespmem:v19+s19+$0x0], $0xffff;
	v13 =	vand.u32 $0x7F, v13;
	v16 =	vadd.f32 v11, v8;
	(pc) =	sbr.rel @p1 .LBB2_25-.Ltmp11, $4  }
0x220: {  	v17 =	vmul.f32 v18, v15;
	v15 =	vadd.s32 $0x7, v5;
	v11 =	vld.idx.msk [tilespmem:v19+s21+$0x0], $0xffff;
	v13 =	vor.u32 v1, v13  }
0x221: {  	v15 =	vand.u32 $0x7F, v15;
	v8 =	vld.idx.msk [tilespmem:v21+s19+$0x0], $0xffff;
	v18 =	vadd.f32 v14, v16  }
0x222: {  	v5 =	vadd.s32 $0x8, v5;
	v16 =	vmul.f32 v20, v12;
	v15 =	vor.u32 v1, v15;
	v14 =	vld.idx.msk [tilespmem:v21+s21+$0x0], $0xffff  }
0x223: {  	v5 =	vand.u32 $0x7F, v5;
	v17 =	vadd.f32 v17, v18;
	v12 =	vld.idx.msk [tilespmem:v10+s19+$0x0], $0xffff  }
0x224: {  	_ =	sdelay $0x2  }
0x225: {  	v5 =	vmul.f32 v9, v6;
	v9 =	vadd.f32 v16, v17  }
0x226: {  	v6 =	vld.idx.msk [tilespmem:v10+s21+$0x0], $0xffff  }
0x227: {  	v10 =	vld.idx.msk [tilespmem:v13+s19+$0x0], $0xffff;
	v7 =	vmul.f32 v11, v7;
	v5 =	vadd.f32 v5, v9  }
0x228: {  	v11 =	vld.idx.msk [tilespmem:v13+s21+$0x0], $0xffff  }
0x229: {  	v13 =	vld.idx.msk [tilespmem:v15+s21+$0x0], $0xffff;
	v8 =	vmul.f32 v14, v8;
	v5 =	vadd.f32 v7, v5  }
0x22a: {  	v9 =	vld.idx.msk [tilespmem:v15+s19+$0x0], $0xffff  }
0x22b: {  	v6 =	vmul.f32 v6, v12;
	v5 =	vadd.f32 v8, v5;
	_ =	sdelay $0x1  }
0x22c: {  	v12 =	vlaneseq.u32;
	v7 =	vmul.f32 v11, v10;
	v5 =	vadd.f32 v6, v5  }
0x22d: {  	v8 =	vadd.s32 $0x1, v12  }
0x22e: {  	v6 =	vmul.f32 v13, v9;
	v5 =	vadd.f32 v7, v5;
	v7 =	vor.u32 v2, v12  }
0x22f: {  	v8 =	vand.u32 $0x7F, v8  }
0x230: {  	v8 =	vor.u32 v2, v8;
	v5 =	vadd.f32 v6, v5;
	v6 =	vadd.s32 $0x2, v12  }
0x231: {  	v6 =	vand.u32 $0x7F, v6  }
0x232: {  	[tilespmem:$0x18FB0] =	vst v5;
	v5 =	vor.u32 v2, v6;
	v6 =	vadd.s32 $0x3, v12  }
0x233: {  	v13 =	vld.idx.msk [tilespmem:v7+s19+$0x0], $0xffff;
	v6 =	vand.u32 $0x7F, v6  }
0x234: {  	v14 =	vld.idx.msk [tilespmem:v7+s21+$0x0], $0xffff;
	v7 =	vadd.s32 $0x5, v12;
	v11 =	vor.u32 v2, v6  }
0x235: {  	v15 =	vld.idx.msk [tilespmem:v8+s19+$0x0], $0xffff;
	v6 =	vadd.s32 $0x4, v12;
	v7 =	vand.u32 $0x7F, v7  }
0x236: {  	v16 =	vld.idx.msk [tilespmem:v8+s21+$0x0], $0xffff;
	v6 =	vand.u32 $0x7F, v6;
	v10 =	vor.u32 v2, v7  }
0x237: {  	v17 =	vor.u32 v2, v6;
	v6 =	vld.idx.msk [tilespmem:v5+s19+$0x0], $0xffff  }
0x238: {  	v9 =	vld.idx.msk [tilespmem:v5+s21+$0x0], $0xffff;
	v5 =	vadd.s32 $0x6, v12  }
0x239: {  	v5 =	vand.u32 $0x7F, v5;
	v7 =	vld.idx.msk [tilespmem:v11+s19+$0x0], $0xffff  }
0x23a: {  	v19 =	vmul.f32 v14, v13;
	v11 =	vld.idx.msk [tilespmem:v11+s21+$0x0], $0xffff;
	v13 =	vor.u32 v2, v5;
	v5 =	vadd.s32 $0x7, v12  }
0x23b: {  	v20 =	vadd.s32 $0x8, v12;
	v5 =	vand.u32 $0x7F, v5;
	v12 =	vld.idx.msk [tilespmem:v10+s19+$0x0], $0xffff  }
0x23c: {  	v18 =	vimm.f32 $0.0e+00;
	v16 =	vmul.f32 v16, v15;
	v8 =	vld.idx.msk [tilespmem:v17+s19+$0x0], $0xffff;
	v15 =	vor.u32 v2, v5  }
0x23d: {  	s16 =	simm.s32 $0xF;
	v14 =	vld.idx.msk [tilespmem:v17+s21+$0x0], $0xffff;
	v17 =	vadd.f32 v19, v18;
	v5 =	vand.u32 $0x7F, v20  }
.LBB2_27:
0x23e: {  	v18 =	vor.u32 v2, v5;
	v19 =	vadd.s32 $0x1, v5;
	p1 =	sne.s32 s16, $0x1;
	s16 =	sadd.s32 $0xFFFFFFFF, s16;
	v6 =	vmul.f32 v9, v6;
	v9 =	vld.idx.msk [tilespmem:v10+s21+$0x0], $0xffff  }
0x23f: {  	v10 =	vand.u32 $0x7F, v19;
	v19 =	vadd.s32 $0x2, v5;
	v16 =	vadd.f32 v16, v17;
	v17 =	vld.idx.msk [tilespmem:v13+s19+$0x0], $0xffff  }
0x240: {  	v7 =	vmul.f32 v11, v7;
	v10 =	vor.u32 v2, v10;
	v11 =	vld.idx.msk [tilespmem:v13+s21+$0x0], $0xffff  }
0x241: {  	v13 =	vand.u32 $0x7F, v19;
	v6 =	vadd.f32 v6, v16;
	v16 =	vld.idx.msk [tilespmem:v15+s19+$0x0], $0xffff  }
0x242: {  	v19 =	vadd.s32 $0x3, v5;
	v13 =	vor.u32 v2, v13;
	v8 =	vmul.f32 v14, v8;
	v14 =	vld.idx.msk [tilespmem:v15+s21+$0x0], $0xffff  }
0x243: {  	v19 =	vand.u32 $0x7F, v19;
	v15 =	vld.idx.msk [tilespmem:v18+s19+$0x0], $0xffff;
	v6 =	vadd.f32 v7, v6  }
0x244: {  	v19 =	vor.u32 v2, v19;
	v7 =	vadd.s32 $0x4, v5;
	v9 =	vmul.f32 v9, v12;
	v18 =	vld.idx.msk [tilespmem:v18+s21+$0x0], $0xffff  }
0x245: {  	v7 =	vand.u32 $0x7F, v7;
	v12 =	vld.idx.msk [tilespmem:v10+s19+$0x0], $0xffff;
	v8 =	vadd.f32 v8, v6  }
0x246: {  	v21 =	vor.u32 v2, v7;
	v7 =	vadd.s32 $0x5, v5;
	v11 =	vmul.f32 v11, v17;
	v20 =	vld.idx.msk [tilespmem:v10+s21+$0x0], $0xffff  }
0x247: {  	v7 =	vand.u32 $0x7F, v7;
	v6 =	vld.idx.msk [tilespmem:v13+s19+$0x0], $0xffff;
	v8 =	vadd.f32 v9, v8  }
0x248: {  	v10 =	vor.u32 v2, v7;
	v14 =	vmul.f32 v14, v16;
	v9 =	vld.idx.msk [tilespmem:v13+s21+$0x0], $0xffff;
	v13 =	vadd.s32 $0x6, v5  }
.Ltmp12:
0x249: {  	v7 =	vld.idx.msk [tilespmem:v19+s19+$0x0], $0xffff;
	v13 =	vand.u32 $0x7F, v13;
	v16 =	vadd.f32 v11, v8;
	(pc) =	sbr.rel @p1 .LBB2_27-.Ltmp12, $4  }
0x24a: {  	v17 =	vmul.f32 v18, v15;
	v15 =	vadd.s32 $0x7, v5;
	v11 =	vld.idx.msk [tilespmem:v19+s21+$0x0], $0xffff;
	v13 =	vor.u32 v2, v13  }
0x24b: {  	v15 =	vand.u32 $0x7F, v15;
	v8 =	vld.idx.msk [tilespmem:v21+s19+$0x0], $0xffff;
	v18 =	vadd.f32 v14, v16  }
0x24c: {  	v5 =	vadd.s32 $0x8, v5;
	v16 =	vmul.f32 v20, v12;
	v15 =	vor.u32 v2, v15;
	v14 =	vld.idx.msk [tilespmem:v21+s21+$0x0], $0xffff  }
0x24d: {  	v5 =	vand.u32 $0x7F, v5;
	v17 =	vadd.f32 v17, v18;
	v12 =	vld.idx.msk [tilespmem:v10+s19+$0x0], $0xffff  }
0x24e: {  	_ =	sdelay $0x2  }
0x24f: {  	v5 =	vmul.f32 v9, v6;
	v9 =	vadd.f32 v16, v17  }
0x250: {  	v6 =	vld.idx.msk [tilespmem:v10+s21+$0x0], $0xffff  }
0x251: {  	v10 =	vld.idx.msk [tilespmem:v13+s19+$0x0], $0xffff;
	v7 =	vmul.f32 v11, v7;
	v5 =	vadd.f32 v5, v9  }
0x252: {  	v11 =	vld.idx.msk [tilespmem:v13+s21+$0x0], $0xffff  }
0x253: {  	v13 =	vld.idx.msk [tilespmem:v15+s21+$0x0], $0xffff;
	v8 =	vmul.f32 v14, v8;
	v5 =	vadd.f32 v7, v5  }
0x254: {  	v9 =	vld.idx.msk [tilespmem:v15+s19+$0x0], $0xffff  }
0x255: {  	v6 =	vmul.f32 v6, v12;
	v5 =	vadd.f32 v8, v5;
	_ =	sdelay $0x1  }
0x256: {  	v12 =	vlaneseq.u32;
	v7 =	vmul.f32 v11, v10;
	v5 =	vadd.f32 v6, v5  }
0x257: {  	v8 =	vadd.s32 $0x1, v12  }
0x258: {  	v6 =	vmul.f32 v13, v9;
	v5 =	vadd.f32 v7, v5;
	v7 =	vor.u32 v3, v12  }
0x259: {  	v8 =	vand.u32 $0x7F, v8  }
0x25a: {  	v8 =	vor.u32 v3, v8;
	v5 =	vadd.f32 v6, v5;
	v6 =	vadd.s32 $0x2, v12  }
0x25b: {  	v6 =	vand.u32 $0x7F, v6  }
0x25c: {  	[tilespmem:$0x18FC0] =	vst v5;
	v5 =	vor.u32 v3, v6;
	v6 =	vadd.s32 $0x3, v12  }
0x25d: {  	v13 =	vld.idx.msk [tilespmem:v7+s19+$0x0], $0xffff;
	v6 =	vand.u32 $0x7F, v6  }
0x25e: {  	v14 =	vld.idx.msk [tilespmem:v7+s21+$0x0], $0xffff;
	v7 =	vadd.s32 $0x5, v12;
	v11 =	vor.u32 v3, v6  }
0x25f: {  	v15 =	vld.idx.msk [tilespmem:v8+s19+$0x0], $0xffff;
	v6 =	vadd.s32 $0x4, v12;
	v7 =	vand.u32 $0x7F, v7  }
0x260: {  	v16 =	vld.idx.msk [tilespmem:v8+s21+$0x0], $0xffff;
	v6 =	vand.u32 $0x7F, v6;
	v10 =	vor.u32 v3, v7  }
0x261: {  	v17 =	vor.u32 v3, v6;
	v6 =	vld.idx.msk [tilespmem:v5+s19+$0x0], $0xffff  }
0x262: {  	v9 =	vld.idx.msk [tilespmem:v5+s21+$0x0], $0xffff;
	v5 =	vadd.s32 $0x6, v12  }
0x263: {  	v5 =	vand.u32 $0x7F, v5;
	v7 =	vld.idx.msk [tilespmem:v11+s19+$0x0], $0xffff  }
0x264: {  	v19 =	vmul.f32 v14, v13;
	v11 =	vld.idx.msk [tilespmem:v11+s21+$0x0], $0xffff;
	v13 =	vor.u32 v3, v5;
	v5 =	vadd.s32 $0x7, v12  }
0x265: {  	v20 =	vadd.s32 $0x8, v12;
	v5 =	vand.u32 $0x7F, v5;
	v12 =	vld.idx.msk [tilespmem:v10+s19+$0x0], $0xffff  }
0x266: {  	v18 =	vimm.f32 $0.0e+00;
	v16 =	vmul.f32 v16, v15;
	v8 =	vld.idx.msk [tilespmem:v17+s19+$0x0], $0xffff;
	v15 =	vor.u32 v3, v5  }
0x267: {  	s16 =	simm.s32 $0xF;
	v14 =	vld.idx.msk [tilespmem:v17+s21+$0x0], $0xffff;
	v17 =	vadd.f32 v19, v18;
	v5 =	vand.u32 $0x7F, v20  }
.LBB2_29:
0x268: {  	v18 =	vor.u32 v3, v5;
	v19 =	vadd.s32 $0x1, v5;
	p1 =	sne.s32 s16, $0x1;
	s16 =	sadd.s32 $0xFFFFFFFF, s16;
	v6 =	vmul.f32 v9, v6;
	v9 =	vld.idx.msk [tilespmem:v10+s21+$0x0], $0xffff  }
0x269: {  	v10 =	vand.u32 $0x7F, v19;
	v19 =	vadd.s32 $0x2, v5;
	v16 =	vadd.f32 v16, v17;
	v17 =	vld.idx.msk [tilespmem:v13+s19+$0x0], $0xffff  }
0x26a: {  	v7 =	vmul.f32 v11, v7;
	v10 =	vor.u32 v3, v10;
	v11 =	vld.idx.msk [tilespmem:v13+s21+$0x0], $0xffff  }
0x26b: {  	v13 =	vand.u32 $0x7F, v19;
	v6 =	vadd.f32 v6, v16;
	v16 =	vld.idx.msk [tilespmem:v15+s19+$0x0], $0xffff  }
0x26c: {  	v19 =	vadd.s32 $0x3, v5;
	v13 =	vor.u32 v3, v13;
	v8 =	vmul.f32 v14, v8;
	v14 =	vld.idx.msk [tilespmem:v15+s21+$0x0], $0xffff  }
0x26d: {  	v19 =	vand.u32 $0x7F, v19;
	v15 =	vld.idx.msk [tilespmem:v18+s19+$0x0], $0xffff;
	v6 =	vadd.f32 v7, v6  }
0x26e: {  	v19 =	vor.u32 v3, v19;
	v7 =	vadd.s32 $0x4, v5;
	v9 =	vmul.f32 v9, v12;
	v18 =	vld.idx.msk [tilespmem:v18+s21+$0x0], $0xffff  }
0x26f: {  	v7 =	vand.u32 $0x7F, v7;
	v12 =	vld.idx.msk [tilespmem:v10+s19+$0x0], $0xffff;
	v8 =	vadd.f32 v8, v6  }
0x270: {  	v21 =	vor.u32 v3, v7;
	v7 =	vadd.s32 $0x5, v5;
	v11 =	vmul.f32 v11, v17;
	v20 =	vld.idx.msk [tilespmem:v10+s21+$0x0], $0xffff  }
0x271: {  	v7 =	vand.u32 $0x7F, v7;
	v6 =	vld.idx.msk [tilespmem:v13+s19+$0x0], $0xffff;
	v8 =	vadd.f32 v9, v8  }
0x272: {  	v10 =	vor.u32 v3, v7;
	v14 =	vmul.f32 v14, v16;
	v9 =	vld.idx.msk [tilespmem:v13+s21+$0x0], $0xffff;
	v13 =	vadd.s32 $0x6, v5  }
.Ltmp13:
0x273: {  	v7 =	vld.idx.msk [tilespmem:v19+s19+$0x0], $0xffff;
	v13 =	vand.u32 $0x7F, v13;
	v16 =	vadd.f32 v11, v8;
	(pc) =	sbr.rel @p1 .LBB2_29-.Ltmp13, $4  }
0x274: {  	v17 =	vmul.f32 v18, v15;
	v15 =	vadd.s32 $0x7, v5;
	v11 =	vld.idx.msk [tilespmem:v19+s21+$0x0], $0xffff;
	v13 =	vor.u32 v3, v13  }
0x275: {  	v15 =	vand.u32 $0x7F, v15;
	v8 =	vld.idx.msk [tilespmem:v21+s19+$0x0], $0xffff;
	v18 =	vadd.f32 v14, v16  }
0x276: {  	v5 =	vadd.s32 $0x8, v5;
	v16 =	vmul.f32 v20, v12;
	v15 =	vor.u32 v3, v15;
	v14 =	vld.idx.msk [tilespmem:v21+s21+$0x0], $0xffff  }
0x277: {  	v5 =	vand.u32 $0x7F, v5;
	v17 =	vadd.f32 v17, v18;
	v12 =	vld.idx.msk [tilespmem:v10+s19+$0x0], $0xffff  }
0x278: {  	_ =	sdelay $0x3  }
0x279: {  	v5 =	vmul.f32 v9, v6;
	v6 =	vld.idx.msk [tilespmem:v10+s21+$0x0], $0xffff;
	v9 =	vadd.f32 v16, v17  }
0x27a: {  	v10 =	vld.idx.msk [tilespmem:v13+s19+$0x0], $0xffff  }
0x27b: {  	v7 =	vmul.f32 v11, v7;
	v11 =	vld.idx.msk [tilespmem:v13+s21+$0x0], $0xffff;
	v5 =	vadd.f32 v5, v9  }
0x27c: {  	v13 =	vld.idx.msk [tilespmem:v15+s21+$0x0], $0xffff  }
0x27d: {  	v9 =	vld.idx.msk [tilespmem:v15+s19+$0x0], $0xffff;
	v8 =	vmul.f32 v14, v8;
	v5 =	vadd.f32 v7, v5;
	_ =	sdelay $0x1  }
0x27e: {  	v6 =	vmul.f32 v6, v12;
	v5 =	vadd.f32 v8, v5;
	_ =	sdelay $0x1  }
0x27f: {  	v7 =	vmul.f32 v11, v10;
	v5 =	vadd.f32 v6, v5  }
0x280: {  	v6 =	vmul.f32 v13, v9;
	v13 =	vlaneseq.u32  }
0x281: {  	v8 =	vadd.s32 $0x1, v13;
	v5 =	vadd.f32 v7, v5;
	v7 =	vor.u32 v4, v13  }
0x282: {  	v8 =	vand.u32 $0x7F, v8  }
0x283: {  	v8 =	vor.u32 v4, v8;
	v5 =	vadd.f32 v6, v5;
	v6 =	vadd.s32 $0x2, v13  }
0x284: {  	v6 =	vand.u32 $0x7F, v6  }
0x285: {  	[tilespmem:$0x18FD0] =	vst v5;
	v5 =	vor.u32 v4, v6;
	v6 =	vadd.s32 $0x3, v13  }
0x286: {  	v11 =	vld.idx.msk [tilespmem:v7+s19+$0x0], $0xffff;
	v6 =	vand.u32 $0x7F, v6  }
0x287: {  	v14 =	vld.idx.msk [tilespmem:v7+s21+$0x0], $0xffff;
	v7 =	vadd.s32 $0x5, v13;
	v12 =	vor.u32 v4, v6  }
0x288: {  	v6 =	vadd.s32 $0x4, v13;
	v15 =	vld.idx.msk [tilespmem:v8+s19+$0x0], $0xffff;
	v7 =	vand.u32 $0x7F, v7  }
0x289: {  	v16 =	vld.idx.msk [tilespmem:v8+s21+$0x0], $0xffff;
	v6 =	vand.u32 $0x7F, v6;
	v9 =	vor.u32 v4, v7  }
0x28a: {  	v17 =	vor.u32 v4, v6;
	v6 =	vld.idx.msk [tilespmem:v5+s19+$0x0], $0xffff  }
0x28b: {  	v10 =	vld.idx.msk [tilespmem:v5+s21+$0x0], $0xffff;
	v5 =	vadd.s32 $0x6, v13  }
0x28c: {  	v5 =	vand.u32 $0x7F, v5;
	v7 =	vld.idx.msk [tilespmem:v12+s19+$0x0], $0xffff  }
0x28d: {  	v19 =	vmul.f32 v14, v11;
	v12 =	vld.idx.msk [tilespmem:v12+s21+$0x0], $0xffff;
	v11 =	vor.u32 v4, v5;
	v5 =	vadd.s32 $0x7, v13  }
0x28e: {  	v20 =	vadd.s32 $0x8, v13;
	v5 =	vand.u32 $0x7F, v5;
	v13 =	vld.idx.msk [tilespmem:v9+s19+$0x0], $0xffff  }
0x28f: {  	v18 =	vimm.f32 $0.0e+00;
	v16 =	vmul.f32 v16, v15;
	v8 =	vld.idx.msk [tilespmem:v17+s19+$0x0], $0xffff;
	v15 =	vor.u32 v4, v5  }
0x290: {  	s16 =	simm.s32 $0xF;
	v14 =	vld.idx.msk [tilespmem:v17+s21+$0x0], $0xffff;
	v17 =	vadd.f32 v19, v18;
	v5 =	vand.u32 $0x7F, v20  }
.LBB2_31:
0x291: {  	v18 =	vor.u32 v4, v5;
	v19 =	vadd.s32 $0x1, v5;
	p1 =	sne.s32 s16, $0x1;
	s16 =	sadd.s32 $0xFFFFFFFF, s16;
	v6 =	vmul.f32 v10, v6;
	v9 =	vld.idx.msk [tilespmem:v9+s21+$0x0], $0xffff  }
0x292: {  	v10 =	vand.u32 $0x7F, v19;
	v19 =	vadd.s32 $0x2, v5;
	v16 =	vadd.f32 v16, v17;
	v17 =	vld.idx.msk [tilespmem:v11+s19+$0x0], $0xffff  }
0x293: {  	v7 =	vmul.f32 v12, v7;
	v10 =	vor.u32 v4, v10;
	v11 =	vld.idx.msk [tilespmem:v11+s21+$0x0], $0xffff  }
0x294: {  	v12 =	vand.u32 $0x7F, v19;
	v6 =	vadd.f32 v6, v16;
	v16 =	vld.idx.msk [tilespmem:v15+s19+$0x0], $0xffff  }
0x295: {  	v19 =	vadd.s32 $0x3, v5;
	v12 =	vor.u32 v4, v12;
	v8 =	vmul.f32 v14, v8;
	v14 =	vld.idx.msk [tilespmem:v15+s21+$0x0], $0xffff  }
0x296: {  	v19 =	vand.u32 $0x7F, v19;
	v15 =	vld.idx.msk [tilespmem:v18+s19+$0x0], $0xffff;
	v6 =	vadd.f32 v7, v6  }
0x297: {  	v19 =	vor.u32 v4, v19;
	v7 =	vadd.s32 $0x4, v5;
	v9 =	vmul.f32 v9, v13;
	v18 =	vld.idx.msk [tilespmem:v18+s21+$0x0], $0xffff  }
0x298: {  	v7 =	vand.u32 $0x7F, v7;
	v13 =	vld.idx.msk [tilespmem:v10+s19+$0x0], $0xffff;
	v8 =	vadd.f32 v8, v6  }
0x299: {  	v21 =	vor.u32 v4, v7;
	v7 =	vadd.s32 $0x5, v5;
	v11 =	vmul.f32 v11, v17;
	v20 =	vld.idx.msk [tilespmem:v10+s21+$0x0], $0xffff  }
0x29a: {  	v7 =	vand.u32 $0x7F, v7;
	v6 =	vld.idx.msk [tilespmem:v12+s19+$0x0], $0xffff;
	v8 =	vadd.f32 v9, v8  }
0x29b: {  	v9 =	vor.u32 v4, v7;
	v14 =	vmul.f32 v14, v16;
	v10 =	vld.idx.msk [tilespmem:v12+s21+$0x0], $0xffff;
	v12 =	vadd.s32 $0x6, v5  }
.Ltmp14:
0x29c: {  	v7 =	vld.idx.msk [tilespmem:v19+s19+$0x0], $0xffff;
	v16 =	vand.u32 $0x7F, v12;
	v17 =	vadd.f32 v11, v8;
	(pc) =	sbr.rel @p1 .LBB2_31-.Ltmp14, $4  }
0x29d: {  	v18 =	vmul.f32 v18, v15;
	v15 =	vadd.s32 $0x7, v5;
	v12 =	vld.idx.msk [tilespmem:v19+s21+$0x0], $0xffff;
	v11 =	vor.u32 v4, v16  }
0x29e: {  	v15 =	vand.u32 $0x7F, v15;
	v8 =	vld.idx.msk [tilespmem:v21+s19+$0x0], $0xffff;
	v17 =	vadd.f32 v14, v17  }
0x29f: {  	v5 =	vadd.s32 $0x8, v5;
	v16 =	vmul.f32 v20, v13;
	v15 =	vor.u32 v4, v15;
	v14 =	vld.idx.msk [tilespmem:v21+s21+$0x0], $0xffff  }
0x2a0: {  	v5 =	vand.u32 $0x7F, v5;
	v17 =	vadd.f32 v18, v17;
	v13 =	vld.idx.msk [tilespmem:v9+s19+$0x0], $0xffff  }
0x2a1: {  	_ =	sdelay $0x2  }
0x2a2: {  	v5 =	vmul.f32 v10, v6;
	v6 =	vadd.f32 v16, v17  }
0x2a3: {  	v9 =	vld.idx.msk [tilespmem:v9+s21+$0x0], $0xffff  }
0x2a4: {  	v10 =	vld.idx.msk [tilespmem:v11+s19+$0x0], $0xffff;
	v7 =	vmul.f32 v12, v7;
	v5 =	vadd.f32 v5, v6  }
0x2a5: {  	v6 =	vld.idx.msk [tilespmem:v11+s21+$0x0], $0xffff  }
0x2a6: {  	v11 =	vld.idx.msk [tilespmem:v15+s19+$0x0], $0xffff;
	v8 =	vmul.f32 v14, v8;
	v5 =	vadd.f32 v7, v5  }
0x2a7: {  	v7 =	vld.idx.msk [tilespmem:v15+s21+$0x0], $0xffff  }
0x2a8: {  	v9 =	vmul.f32 v9, v13;
	v5 =	vadd.f32 v8, v5;
	_ =	sdelay $0x1  }
0x2a9: {  	v6 =	vmul.f32 v6, v10;
	v5 =	vadd.f32 v9, v5;
	_ =	sdelay $0x1  }
0x2aa: {  	v7 =	vmul.f32 v7, v11;
	v5 =	vadd.f32 v6, v5;
	_ =	sdelay $0x1  }
0x2ab: {  	v5 =	vadd.f32 v7, v5;
	_ =	sdelay $0x1  }
0x2ac: {  	s16 =	sadd.s32 @!p0 $0x1E0, s0;
	s18 =	simm.s32 @!p0 $0x50;
	s20 =	simm.s32 @!p0 $0xEF00;
	[tilespmem:$0x18FE0] =	vst v5  }
0x2ad: {  	[tilespmem:s20], [sflag:$0x3] =	stream.indirect.gather @!p0 [hbm4b:s2+s18], $0x80, s16, s18, $0xb8;
	[tilespmem:$0x19080] =	vst v63  }
0x2ae: {  	s16 =	sadd.s32 @!p0 $0x2960, s0;
	s20 =	simm.s32 @!p0 $0x11700  }
0x2af: {  	[tilespmem:s20], [sflag:$0x3] =	stream.indirect.gather @!p0 [hbm4b:s2+s18], $0x80, s16, s18, $0xb8;
	[tilespmem:$0x19080] =	vst v63  }
0x2b0: {  	v5 =	vlaneseq.u32;
	_ =	swait.ge [sflag:s28], $0x2800  }
0x2b1: {  	v6 =	vor.u32 v0, v5;
	v7 =	vadd.s32 $0x1, v5;
	[sflag:s28] =	ssyncset.done $0x0  }
0x2b2: {  	v7 =	vand.u32 $0x7F, v7;
	[sflag:s28] =	ssyncadd.s32 $0xFFFFD800  }
0x2b3: {  	v8 =	vadd.s32 $0x2, v5;
	v7 =	vor.u32 v0, v7;
	_ =	swait.ge [sflag:s28], $0x2800  }
0x2b4: {  	v8 =	vand.u32 $0x7F, v8;
	[sflag:s28] =	ssyncset.done $0x0  }
0x2b5: {  	v9 =	vadd.s32 $0x3, v5;
	v8 =	vor.u32 v0, v8;
	[sflag:s28] =	ssyncadd.s32 $0xFFFFD800  }
0x2b6: {  	v9 =	vand.u32 $0x7F, v9;
	v12 =	vld.idx.msk [tilespmem:v6+s22+$0x0], $0xffff  }
0x2b7: {  	v11 =	vor.u32 v0, v9;
	v13 =	vld.idx.msk [tilespmem:v6+s23+$0x0], $0xffff;
	v6 =	vadd.s32 $0x4, v5  }
0x2b8: {  	v14 =	vld.idx.msk [tilespmem:v7+s22+$0x0], $0xffff;
	v6 =	vand.u32 $0x7F, v6  }
0x2b9: {  	v15 =	vld.idx.msk [tilespmem:v7+s23+$0x0], $0xffff;
	v7 =	vadd.s32 $0x5, v5;
	v17 =	vor.u32 v0, v6  }
0x2ba: {  	v9 =	vld.idx.msk [tilespmem:v8+s23+$0x0], $0xffff;
	v7 =	vand.u32 $0x7F, v7  }
0x2bb: {  	v6 =	vld.idx.msk [tilespmem:v8+s22+$0x0], $0xffff;
	v10 =	vor.u32 v0, v7;
	v8 =	vadd.s32 $0x6, v5  }
0x2bc: {  	v7 =	vld.idx.msk [tilespmem:v11+s22+$0x0], $0xffff;
	v8 =	vand.u32 $0x7F, v8  }
0x2bd: {  	v16 =	vadd.s32 $0x7, v5;
	v11 =	vld.idx.msk [tilespmem:v11+s23+$0x0], $0xffff;
	v12 =	vmul.f32 v13, v12;
	v13 =	vor.u32 v0, v8  }
0x2be: {  	v18 =	vimm.f32 $0.0e+00;
	v19 =	vand.u32 $0x7F, v16;
	v8 =	vld.idx.msk [tilespmem:v17+s22+$0x0], $0xffff  }
0x2bf: {  	v5 =	vadd.s32 $0x8, v5;
	v16 =	vmul.f32 v15, v14;
	v15 =	vor.u32 v0, v19;
	v14 =	vld.idx.msk [tilespmem:v17+s23+$0x0], $0xffff  }
0x2c0: {  	s16 =	simm.s32 $0xF;
	v5 =	vand.u32 $0x7F, v5;
	v17 =	vadd.f32 v12, v18;
	v12 =	vld.idx.msk [tilespmem:v10+s22+$0x0], $0xffff  }
.LBB2_33:
0x2c1: {  	v18 =	vor.u32 v0, v5;
	v19 =	vadd.s32 $0x1, v5;
	p0 =	sne.s32 s16, $0x1;
	s16 =	sadd.s32 $0xFFFFFFFF, s16;
	v6 =	vmul.f32 v9, v6;
	v9 =	vld.idx.msk [tilespmem:v10+s23+$0x0], $0xffff  }
0x2c2: {  	v10 =	vand.u32 $0x7F, v19;
	v19 =	vadd.s32 $0x2, v5;
	v16 =	vadd.f32 v16, v17;
	v17 =	vld.idx.msk [tilespmem:v13+s22+$0x0], $0xffff  }
0x2c3: {  	v7 =	vmul.f32 v11, v7;
	v10 =	vor.u32 v0, v10;
	v11 =	vld.idx.msk [tilespmem:v13+s23+$0x0], $0xffff  }
0x2c4: {  	v13 =	vand.u32 $0x7F, v19;
	v6 =	vadd.f32 v6, v16;
	v16 =	vld.idx.msk [tilespmem:v15+s22+$0x0], $0xffff  }
0x2c5: {  	v19 =	vadd.s32 $0x3, v5;
	v13 =	vor.u32 v0, v13;
	v8 =	vmul.f32 v14, v8;
	v14 =	vld.idx.msk [tilespmem:v15+s23+$0x0], $0xffff  }
0x2c6: {  	v19 =	vand.u32 $0x7F, v19;
	v15 =	vld.idx.msk [tilespmem:v18+s22+$0x0], $0xffff;
	v6 =	vadd.f32 v7, v6  }
0x2c7: {  	v19 =	vor.u32 v0, v19;
	v7 =	vadd.s32 $0x4, v5;
	v9 =	vmul.f32 v9, v12;
	v18 =	vld.idx.msk [tilespmem:v18+s23+$0x0], $0xffff  }
0x2c8: {  	v7 =	vand.u32 $0x7F, v7;
	v12 =	vld.idx.msk [tilespmem:v10+s22+$0x0], $0xffff;
	v8 =	vadd.f32 v8, v6  }
0x2c9: {  	v21 =	vor.u32 v0, v7;
	v7 =	vadd.s32 $0x5, v5;
	v11 =	vmul.f32 v11, v17;
	v20 =	vld.idx.msk [tilespmem:v10+s23+$0x0], $0xffff  }
0x2ca: {  	v7 =	vand.u32 $0x7F, v7;
	v6 =	vld.idx.msk [tilespmem:v13+s22+$0x0], $0xffff;
	v8 =	vadd.f32 v9, v8  }
0x2cb: {  	v10 =	vor.u32 v0, v7;
	v14 =	vmul.f32 v14, v16;
	v9 =	vld.idx.msk [tilespmem:v13+s23+$0x0], $0xffff;
	v13 =	vadd.s32 $0x6, v5  }
.Ltmp15:
0x2cc: {  	v7 =	vld.idx.msk [tilespmem:v19+s22+$0x0], $0xffff;
	v13 =	vand.u32 $0x7F, v13;
	v16 =	vadd.f32 v11, v8;
	(pc) =	sbr.rel @p0 .LBB2_33-.Ltmp15, $4  }
0x2cd: {  	v17 =	vmul.f32 v18, v15;
	v15 =	vadd.s32 $0x7, v5;
	v11 =	vld.idx.msk [tilespmem:v19+s23+$0x0], $0xffff;
	v13 =	vor.u32 v0, v13  }
0x2ce: {  	v15 =	vand.u32 $0x7F, v15;
	v8 =	vld.idx.msk [tilespmem:v21+s22+$0x0], $0xffff;
	v18 =	vadd.f32 v14, v16  }
0x2cf: {  	v5 =	vadd.s32 $0x8, v5;
	v16 =	vmul.f32 v20, v12;
	v15 =	vor.u32 v0, v15;
	v14 =	vld.idx.msk [tilespmem:v21+s23+$0x0], $0xffff  }
0x2d0: {  	v5 =	vand.u32 $0x7F, v5;
	v17 =	vadd.f32 v17, v18;
	v12 =	vld.idx.msk [tilespmem:v10+s22+$0x0], $0xffff  }
0x2d1: {  	_ =	sdelay $0x2  }
0x2d2: {  	v5 =	vmul.f32 v9, v6;
	v9 =	vadd.f32 v16, v17  }
0x2d3: {  	v6 =	vld.idx.msk [tilespmem:v10+s23+$0x0], $0xffff  }
0x2d4: {  	v10 =	vld.idx.msk [tilespmem:v13+s22+$0x0], $0xffff;
	v7 =	vmul.f32 v11, v7;
	v5 =	vadd.f32 v5, v9  }
0x2d5: {  	v11 =	vld.idx.msk [tilespmem:v13+s23+$0x0], $0xffff  }
0x2d6: {  	v13 =	vld.idx.msk [tilespmem:v15+s23+$0x0], $0xffff;
	v8 =	vmul.f32 v14, v8;
	v5 =	vadd.f32 v7, v5  }
0x2d7: {  	v9 =	vld.idx.msk [tilespmem:v15+s22+$0x0], $0xffff  }
0x2d8: {  	v6 =	vmul.f32 v6, v12;
	v5 =	vadd.f32 v8, v5;
	_ =	sdelay $0x1  }
0x2d9: {  	v12 =	vlaneseq.u32;
	v7 =	vmul.f32 v11, v10;
	v5 =	vadd.f32 v6, v5  }
0x2da: {  	v8 =	vadd.s32 $0x1, v12  }
0x2db: {  	v6 =	vmul.f32 v13, v9;
	v5 =	vadd.f32 v7, v5;
	v7 =	vor.u32 v1, v12  }
0x2dc: {  	v8 =	vand.u32 $0x7F, v8  }
0x2dd: {  	v8 =	vor.u32 v1, v8;
	v5 =	vadd.f32 v6, v5;
	v6 =	vadd.s32 $0x2, v12  }
0x2de: {  	v6 =	vand.u32 $0x7F, v6  }
0x2df: {  	[tilespmem:$0x18FF0] =	vst v5;
	v5 =	vor.u32 v1, v6;
	v6 =	vadd.s32 $0x3, v12  }
0x2e0: {  	v13 =	vld.idx.msk [tilespmem:v7+s22+$0x0], $0xffff;
	v6 =	vand.u32 $0x7F, v6  }
0x2e1: {  	v14 =	vld.idx.msk [tilespmem:v7+s23+$0x0], $0xffff;
	v7 =	vadd.s32 $0x5, v12;
	v11 =	vor.u32 v1, v6  }
0x2e2: {  	v15 =	vld.idx.msk [tilespmem:v8+s22+$0x0], $0xffff;
	v6 =	vadd.s32 $0x4, v12;
	v7 =	vand.u32 $0x7F, v7  }
0x2e3: {  	v16 =	vld.idx.msk [tilespmem:v8+s23+$0x0], $0xffff;
	v6 =	vand.u32 $0x7F, v6;
	v10 =	vor.u32 v1, v7  }
0x2e4: {  	v17 =	vor.u32 v1, v6;
	v6 =	vld.idx.msk [tilespmem:v5+s22+$0x0], $0xffff  }
0x2e5: {  	v9 =	vld.idx.msk [tilespmem:v5+s23+$0x0], $0xffff;
	v5 =	vadd.s32 $0x6, v12  }
0x2e6: {  	v5 =	vand.u32 $0x7F, v5;
	v7 =	vld.idx.msk [tilespmem:v11+s22+$0x0], $0xffff  }
0x2e7: {  	v19 =	vmul.f32 v14, v13;
	v11 =	vld.idx.msk [tilespmem:v11+s23+$0x0], $0xffff;
	v13 =	vor.u32 v1, v5;
	v5 =	vadd.s32 $0x7, v12  }
0x2e8: {  	v20 =	vadd.s32 $0x8, v12;
	v5 =	vand.u32 $0x7F, v5;
	v12 =	vld.idx.msk [tilespmem:v10+s22+$0x0], $0xffff  }
0x2e9: {  	v18 =	vimm.f32 $0.0e+00;
	v16 =	vmul.f32 v16, v15;
	v8 =	vld.idx.msk [tilespmem:v17+s22+$0x0], $0xffff;
	v15 =	vor.u32 v1, v5  }
0x2ea: {  	s16 =	simm.s32 $0xF;
	v14 =	vld.idx.msk [tilespmem:v17+s23+$0x0], $0xffff;
	v17 =	vadd.f32 v19, v18;
	v5 =	vand.u32 $0x7F, v20  }
.LBB2_35:
0x2eb: {  	v18 =	vor.u32 v1, v5;
	v19 =	vadd.s32 $0x1, v5;
	p0 =	sne.s32 s16, $0x1;
	s16 =	sadd.s32 $0xFFFFFFFF, s16;
	v6 =	vmul.f32 v9, v6;
	v9 =	vld.idx.msk [tilespmem:v10+s23+$0x0], $0xffff  }
0x2ec: {  	v10 =	vand.u32 $0x7F, v19;
	v19 =	vadd.s32 $0x2, v5;
	v16 =	vadd.f32 v16, v17;
	v17 =	vld.idx.msk [tilespmem:v13+s22+$0x0], $0xffff  }
0x2ed: {  	v7 =	vmul.f32 v11, v7;
	v10 =	vor.u32 v1, v10;
	v11 =	vld.idx.msk [tilespmem:v13+s23+$0x0], $0xffff  }
0x2ee: {  	v13 =	vand.u32 $0x7F, v19;
	v6 =	vadd.f32 v6, v16;
	v16 =	vld.idx.msk [tilespmem:v15+s22+$0x0], $0xffff  }
0x2ef: {  	v19 =	vadd.s32 $0x3, v5;
	v13 =	vor.u32 v1, v13;
	v8 =	vmul.f32 v14, v8;
	v14 =	vld.idx.msk [tilespmem:v15+s23+$0x0], $0xffff  }
0x2f0: {  	v19 =	vand.u32 $0x7F, v19;
	v15 =	vld.idx.msk [tilespmem:v18+s22+$0x0], $0xffff;
	v6 =	vadd.f32 v7, v6  }
0x2f1: {  	v19 =	vor.u32 v1, v19;
	v7 =	vadd.s32 $0x4, v5;
	v9 =	vmul.f32 v9, v12;
	v18 =	vld.idx.msk [tilespmem:v18+s23+$0x0], $0xffff  }
0x2f2: {  	v7 =	vand.u32 $0x7F, v7;
	v12 =	vld.idx.msk [tilespmem:v10+s22+$0x0], $0xffff;
	v8 =	vadd.f32 v8, v6  }
0x2f3: {  	v21 =	vor.u32 v1, v7;
	v7 =	vadd.s32 $0x5, v5;
	v11 =	vmul.f32 v11, v17;
	v20 =	vld.idx.msk [tilespmem:v10+s23+$0x0], $0xffff  }
0x2f4: {  	v7 =	vand.u32 $0x7F, v7;
	v6 =	vld.idx.msk [tilespmem:v13+s22+$0x0], $0xffff;
	v8 =	vadd.f32 v9, v8  }
0x2f5: {  	v10 =	vor.u32 v1, v7;
	v14 =	vmul.f32 v14, v16;
	v9 =	vld.idx.msk [tilespmem:v13+s23+$0x0], $0xffff;
	v13 =	vadd.s32 $0x6, v5  }
.Ltmp16:
0x2f6: {  	v7 =	vld.idx.msk [tilespmem:v19+s22+$0x0], $0xffff;
	v13 =	vand.u32 $0x7F, v13;
	v16 =	vadd.f32 v11, v8;
	(pc) =	sbr.rel @p0 .LBB2_35-.Ltmp16, $4  }
0x2f7: {  	v17 =	vmul.f32 v18, v15;
	v15 =	vadd.s32 $0x7, v5;
	v11 =	vld.idx.msk [tilespmem:v19+s23+$0x0], $0xffff;
	v13 =	vor.u32 v1, v13  }
0x2f8: {  	v15 =	vand.u32 $0x7F, v15;
	v8 =	vld.idx.msk [tilespmem:v21+s22+$0x0], $0xffff;
	v18 =	vadd.f32 v14, v16  }
0x2f9: {  	v5 =	vadd.s32 $0x8, v5;
	v16 =	vmul.f32 v20, v12;
	v15 =	vor.u32 v1, v15;
	v14 =	vld.idx.msk [tilespmem:v21+s23+$0x0], $0xffff  }
0x2fa: {  	v5 =	vand.u32 $0x7F, v5;
	v17 =	vadd.f32 v17, v18;
	v12 =	vld.idx.msk [tilespmem:v10+s22+$0x0], $0xffff  }
0x2fb: {  	_ =	sdelay $0x2  }
0x2fc: {  	v5 =	vmul.f32 v9, v6;
	v9 =	vadd.f32 v16, v17  }
0x2fd: {  	v6 =	vld.idx.msk [tilespmem:v10+s23+$0x0], $0xffff  }
0x2fe: {  	v10 =	vld.idx.msk [tilespmem:v13+s22+$0x0], $0xffff;
	v7 =	vmul.f32 v11, v7;
	v5 =	vadd.f32 v5, v9  }
0x2ff: {  	v11 =	vld.idx.msk [tilespmem:v13+s23+$0x0], $0xffff  }
0x300: {  	v13 =	vld.idx.msk [tilespmem:v15+s23+$0x0], $0xffff;
	v8 =	vmul.f32 v14, v8;
	v5 =	vadd.f32 v7, v5  }
0x301: {  	v9 =	vld.idx.msk [tilespmem:v15+s22+$0x0], $0xffff  }
0x302: {  	v6 =	vmul.f32 v6, v12;
	v5 =	vadd.f32 v8, v5;
	_ =	sdelay $0x1  }
0x303: {  	v12 =	vlaneseq.u32;
	v7 =	vmul.f32 v11, v10;
	v5 =	vadd.f32 v6, v5  }
0x304: {  	v8 =	vadd.s32 $0x1, v12  }
0x305: {  	v6 =	vmul.f32 v13, v9;
	v5 =	vadd.f32 v7, v5;
	v7 =	vor.u32 v2, v12  }
0x306: {  	v8 =	vand.u32 $0x7F, v8  }
0x307: {  	v8 =	vor.u32 v2, v8;
	v5 =	vadd.f32 v6, v5;
	v6 =	vadd.s32 $0x2, v12  }
0x308: {  	v6 =	vand.u32 $0x7F, v6  }
0x309: {  	[tilespmem:$0x19000] =	vst v5;
	v5 =	vor.u32 v2, v6;
	v6 =	vadd.s32 $0x3, v12  }
0x30a: {  	v13 =	vld.idx.msk [tilespmem:v7+s22+$0x0], $0xffff;
	v6 =	vand.u32 $0x7F, v6  }
0x30b: {  	v14 =	vld.idx.msk [tilespmem:v7+s23+$0x0], $0xffff;
	v7 =	vadd.s32 $0x5, v12;
	v11 =	vor.u32 v2, v6  }
0x30c: {  	v15 =	vld.idx.msk [tilespmem:v8+s22+$0x0], $0xffff;
	v6 =	vadd.s32 $0x4, v12;
	v7 =	vand.u32 $0x7F, v7  }
0x30d: {  	v16 =	vld.idx.msk [tilespmem:v8+s23+$0x0], $0xffff;
	v6 =	vand.u32 $0x7F, v6;
	v10 =	vor.u32 v2, v7  }
0x30e: {  	v17 =	vor.u32 v2, v6;
	v6 =	vld.idx.msk [tilespmem:v5+s22+$0x0], $0xffff  }
0x30f: {  	v9 =	vld.idx.msk [tilespmem:v5+s23+$0x0], $0xffff;
	v5 =	vadd.s32 $0x6, v12  }
0x310: {  	v5 =	vand.u32 $0x7F, v5;
	v7 =	vld.idx.msk [tilespmem:v11+s22+$0x0], $0xffff  }
0x311: {  	v19 =	vmul.f32 v14, v13;
	v11 =	vld.idx.msk [tilespmem:v11+s23+$0x0], $0xffff;
	v13 =	vor.u32 v2, v5;
	v5 =	vadd.s32 $0x7, v12  }
0x312: {  	v20 =	vadd.s32 $0x8, v12;
	v5 =	vand.u32 $0x7F, v5;
	v12 =	vld.idx.msk [tilespmem:v10+s22+$0x0], $0xffff  }
0x313: {  	v18 =	vimm.f32 $0.0e+00;
	v16 =	vmul.f32 v16, v15;
	v8 =	vld.idx.msk [tilespmem:v17+s22+$0x0], $0xffff;
	v15 =	vor.u32 v2, v5  }
0x314: {  	s16 =	simm.s32 $0xF;
	v14 =	vld.idx.msk [tilespmem:v17+s23+$0x0], $0xffff;
	v17 =	vadd.f32 v19, v18;
	v5 =	vand.u32 $0x7F, v20  }
.LBB2_37:
0x315: {  	v18 =	vor.u32 v2, v5;
	v19 =	vadd.s32 $0x1, v5;
	p0 =	sne.s32 s16, $0x1;
	s16 =	sadd.s32 $0xFFFFFFFF, s16;
	v6 =	vmul.f32 v9, v6;
	v9 =	vld.idx.msk [tilespmem:v10+s23+$0x0], $0xffff  }
0x316: {  	v10 =	vand.u32 $0x7F, v19;
	v19 =	vadd.s32 $0x2, v5;
	v16 =	vadd.f32 v16, v17;
	v17 =	vld.idx.msk [tilespmem:v13+s22+$0x0], $0xffff  }
0x317: {  	v7 =	vmul.f32 v11, v7;
	v10 =	vor.u32 v2, v10;
	v11 =	vld.idx.msk [tilespmem:v13+s23+$0x0], $0xffff  }
0x318: {  	v13 =	vand.u32 $0x7F, v19;
	v6 =	vadd.f32 v6, v16;
	v16 =	vld.idx.msk [tilespmem:v15+s22+$0x0], $0xffff  }
0x319: {  	v19 =	vadd.s32 $0x3, v5;
	v13 =	vor.u32 v2, v13;
	v8 =	vmul.f32 v14, v8;
	v14 =	vld.idx.msk [tilespmem:v15+s23+$0x0], $0xffff  }
0x31a: {  	v19 =	vand.u32 $0x7F, v19;
	v15 =	vld.idx.msk [tilespmem:v18+s22+$0x0], $0xffff;
	v6 =	vadd.f32 v7, v6  }
0x31b: {  	v19 =	vor.u32 v2, v19;
	v7 =	vadd.s32 $0x4, v5;
	v9 =	vmul.f32 v9, v12;
	v18 =	vld.idx.msk [tilespmem:v18+s23+$0x0], $0xffff  }
0x31c: {  	v7 =	vand.u32 $0x7F, v7;
	v12 =	vld.idx.msk [tilespmem:v10+s22+$0x0], $0xffff;
	v8 =	vadd.f32 v8, v6  }
0x31d: {  	v21 =	vor.u32 v2, v7;
	v7 =	vadd.s32 $0x5, v5;
	v11 =	vmul.f32 v11, v17;
	v20 =	vld.idx.msk [tilespmem:v10+s23+$0x0], $0xffff  }
0x31e: {  	v7 =	vand.u32 $0x7F, v7;
	v6 =	vld.idx.msk [tilespmem:v13+s22+$0x0], $0xffff;
	v8 =	vadd.f32 v9, v8  }
0x31f: {  	v10 =	vor.u32 v2, v7;
	v14 =	vmul.f32 v14, v16;
	v9 =	vld.idx.msk [tilespmem:v13+s23+$0x0], $0xffff;
	v13 =	vadd.s32 $0x6, v5  }
.Ltmp17:
0x320: {  	v7 =	vld.idx.msk [tilespmem:v19+s22+$0x0], $0xffff;
	v13 =	vand.u32 $0x7F, v13;
	v16 =	vadd.f32 v11, v8;
	(pc) =	sbr.rel @p0 .LBB2_37-.Ltmp17, $4  }
0x321: {  	v17 =	vmul.f32 v18, v15;
	v15 =	vadd.s32 $0x7, v5;
	v11 =	vld.idx.msk [tilespmem:v19+s23+$0x0], $0xffff;
	v13 =	vor.u32 v2, v13  }
0x322: {  	v15 =	vand.u32 $0x7F, v15;
	v8 =	vld.idx.msk [tilespmem:v21+s22+$0x0], $0xffff;
	v18 =	vadd.f32 v14, v16  }
0x323: {  	v5 =	vadd.s32 $0x8, v5;
	v16 =	vmul.f32 v20, v12;
	v15 =	vor.u32 v2, v15;
	v14 =	vld.idx.msk [tilespmem:v21+s23+$0x0], $0xffff  }
0x324: {  	v5 =	vand.u32 $0x7F, v5;
	v17 =	vadd.f32 v17, v18;
	v12 =	vld.idx.msk [tilespmem:v10+s22+$0x0], $0xffff  }
0x325: {  	_ =	sdelay $0x2  }
0x326: {  	v5 =	vmul.f32 v9, v6;
	v9 =	vadd.f32 v16, v17  }
0x327: {  	v6 =	vld.idx.msk [tilespmem:v10+s23+$0x0], $0xffff  }
0x328: {  	v10 =	vld.idx.msk [tilespmem:v13+s22+$0x0], $0xffff;
	v7 =	vmul.f32 v11, v7;
	v5 =	vadd.f32 v5, v9  }
0x329: {  	v11 =	vld.idx.msk [tilespmem:v13+s23+$0x0], $0xffff  }
0x32a: {  	v13 =	vld.idx.msk [tilespmem:v15+s23+$0x0], $0xffff;
	v8 =	vmul.f32 v14, v8;
	v5 =	vadd.f32 v7, v5  }
0x32b: {  	v9 =	vld.idx.msk [tilespmem:v15+s22+$0x0], $0xffff  }
0x32c: {  	v6 =	vmul.f32 v6, v12;
	v5 =	vadd.f32 v8, v5;
	_ =	sdelay $0x1  }
0x32d: {  	v12 =	vlaneseq.u32;
	v7 =	vmul.f32 v11, v10;
	v5 =	vadd.f32 v6, v5  }
0x32e: {  	v8 =	vadd.s32 $0x1, v12  }
0x32f: {  	v6 =	vmul.f32 v13, v9;
	v5 =	vadd.f32 v7, v5;
	v7 =	vor.u32 v3, v12  }
0x330: {  	v8 =	vand.u32 $0x7F, v8  }
0x331: {  	v8 =	vor.u32 v3, v8;
	v5 =	vadd.f32 v6, v5;
	v6 =	vadd.s32 $0x2, v12  }
0x332: {  	v6 =	vand.u32 $0x7F, v6  }
0x333: {  	[tilespmem:$0x19010] =	vst v5;
	v5 =	vor.u32 v3, v6;
	v6 =	vadd.s32 $0x3, v12  }
0x334: {  	v13 =	vld.idx.msk [tilespmem:v7+s22+$0x0], $0xffff;
	v6 =	vand.u32 $0x7F, v6  }
0x335: {  	v14 =	vld.idx.msk [tilespmem:v7+s23+$0x0], $0xffff;
	v7 =	vadd.s32 $0x5, v12;
	v11 =	vor.u32 v3, v6  }
0x336: {  	v15 =	vld.idx.msk [tilespmem:v8+s22+$0x0], $0xffff;
	v6 =	vadd.s32 $0x4, v12;
	v7 =	vand.u32 $0x7F, v7  }
0x337: {  	v16 =	vld.idx.msk [tilespmem:v8+s23+$0x0], $0xffff;
	v6 =	vand.u32 $0x7F, v6;
	v10 =	vor.u32 v3, v7  }
0x338: {  	v17 =	vor.u32 v3, v6;
	v6 =	vld.idx.msk [tilespmem:v5+s22+$0x0], $0xffff  }
0x339: {  	v9 =	vld.idx.msk [tilespmem:v5+s23+$0x0], $0xffff;
	v5 =	vadd.s32 $0x6, v12  }
0x33a: {  	v5 =	vand.u32 $0x7F, v5;
	v7 =	vld.idx.msk [tilespmem:v11+s22+$0x0], $0xffff  }
0x33b: {  	v19 =	vmul.f32 v14, v13;
	v11 =	vld.idx.msk [tilespmem:v11+s23+$0x0], $0xffff;
	v13 =	vor.u32 v3, v5;
	v5 =	vadd.s32 $0x7, v12  }
0x33c: {  	v20 =	vadd.s32 $0x8, v12;
	v5 =	vand.u32 $0x7F, v5;
	v12 =	vld.idx.msk [tilespmem:v10+s22+$0x0], $0xffff  }
0x33d: {  	v18 =	vimm.f32 $0.0e+00;
	v16 =	vmul.f32 v16, v15;
	v8 =	vld.idx.msk [tilespmem:v17+s22+$0x0], $0xffff;
	v15 =	vor.u32 v3, v5  }
0x33e: {  	s16 =	simm.s32 $0xF;
	v14 =	vld.idx.msk [tilespmem:v17+s23+$0x0], $0xffff;
	v17 =	vadd.f32 v19, v18;
	v5 =	vand.u32 $0x7F, v20  }
.LBB2_39:
0x33f: {  	v18 =	vor.u32 v3, v5;
	v19 =	vadd.s32 $0x1, v5;
	p0 =	sne.s32 s16, $0x1;
	s16 =	sadd.s32 $0xFFFFFFFF, s16;
	v6 =	vmul.f32 v9, v6;
	v9 =	vld.idx.msk [tilespmem:v10+s23+$0x0], $0xffff  }
0x340: {  	v10 =	vand.u32 $0x7F, v19;
	v19 =	vadd.s32 $0x2, v5;
	v16 =	vadd.f32 v16, v17;
	v17 =	vld.idx.msk [tilespmem:v13+s22+$0x0], $0xffff  }
0x341: {  	v7 =	vmul.f32 v11, v7;
	v10 =	vor.u32 v3, v10;
	v11 =	vld.idx.msk [tilespmem:v13+s23+$0x0], $0xffff  }
0x342: {  	v13 =	vand.u32 $0x7F, v19;
	v6 =	vadd.f32 v6, v16;
	v16 =	vld.idx.msk [tilespmem:v15+s22+$0x0], $0xffff  }
0x343: {  	v19 =	vadd.s32 $0x3, v5;
	v13 =	vor.u32 v3, v13;
	v8 =	vmul.f32 v14, v8;
	v14 =	vld.idx.msk [tilespmem:v15+s23+$0x0], $0xffff  }
0x344: {  	v19 =	vand.u32 $0x7F, v19;
	v15 =	vld.idx.msk [tilespmem:v18+s22+$0x0], $0xffff;
	v6 =	vadd.f32 v7, v6  }
0x345: {  	v19 =	vor.u32 v3, v19;
	v7 =	vadd.s32 $0x4, v5;
	v9 =	vmul.f32 v9, v12;
	v18 =	vld.idx.msk [tilespmem:v18+s23+$0x0], $0xffff  }
0x346: {  	v7 =	vand.u32 $0x7F, v7;
	v12 =	vld.idx.msk [tilespmem:v10+s22+$0x0], $0xffff;
	v8 =	vadd.f32 v8, v6  }
0x347: {  	v21 =	vor.u32 v3, v7;
	v7 =	vadd.s32 $0x5, v5;
	v11 =	vmul.f32 v11, v17;
	v20 =	vld.idx.msk [tilespmem:v10+s23+$0x0], $0xffff  }
0x348: {  	v7 =	vand.u32 $0x7F, v7;
	v6 =	vld.idx.msk [tilespmem:v13+s22+$0x0], $0xffff;
	v8 =	vadd.f32 v9, v8  }
0x349: {  	v10 =	vor.u32 v3, v7;
	v14 =	vmul.f32 v14, v16;
	v9 =	vld.idx.msk [tilespmem:v13+s23+$0x0], $0xffff;
	v13 =	vadd.s32 $0x6, v5  }
.Ltmp18:
0x34a: {  	v7 =	vld.idx.msk [tilespmem:v19+s22+$0x0], $0xffff;
	v13 =	vand.u32 $0x7F, v13;
	v16 =	vadd.f32 v11, v8;
	(pc) =	sbr.rel @p0 .LBB2_39-.Ltmp18, $4  }
0x34b: {  	v17 =	vmul.f32 v18, v15;
	v15 =	vadd.s32 $0x7, v5;
	v11 =	vld.idx.msk [tilespmem:v19+s23+$0x0], $0xffff;
	v13 =	vor.u32 v3, v13  }
0x34c: {  	v15 =	vand.u32 $0x7F, v15;
	v8 =	vld.idx.msk [tilespmem:v21+s22+$0x0], $0xffff;
	v18 =	vadd.f32 v14, v16  }
0x34d: {  	v5 =	vadd.s32 $0x8, v5;
	v16 =	vmul.f32 v20, v12;
	v15 =	vor.u32 v3, v15;
	v14 =	vld.idx.msk [tilespmem:v21+s23+$0x0], $0xffff  }
0x34e: {  	v5 =	vand.u32 $0x7F, v5;
	v17 =	vadd.f32 v17, v18;
	v12 =	vld.idx.msk [tilespmem:v10+s22+$0x0], $0xffff  }
0x34f: {  	_ =	sdelay $0x3  }
0x350: {  	v5 =	vmul.f32 v9, v6;
	v6 =	vld.idx.msk [tilespmem:v10+s23+$0x0], $0xffff;
	v9 =	vadd.f32 v16, v17  }
0x351: {  	v10 =	vld.idx.msk [tilespmem:v13+s22+$0x0], $0xffff  }
0x352: {  	v7 =	vmul.f32 v11, v7;
	v11 =	vld.idx.msk [tilespmem:v13+s23+$0x0], $0xffff;
	v5 =	vadd.f32 v5, v9  }
0x353: {  	v13 =	vld.idx.msk [tilespmem:v15+s23+$0x0], $0xffff  }
0x354: {  	v9 =	vld.idx.msk [tilespmem:v15+s22+$0x0], $0xffff;
	v8 =	vmul.f32 v14, v8;
	v5 =	vadd.f32 v7, v5;
	_ =	sdelay $0x1  }
0x355: {  	v6 =	vmul.f32 v6, v12;
	v5 =	vadd.f32 v8, v5;
	_ =	sdelay $0x1  }
0x356: {  	v7 =	vmul.f32 v11, v10;
	v5 =	vadd.f32 v6, v5  }
0x357: {  	v6 =	vmul.f32 v13, v9;
	v13 =	vlaneseq.u32  }
0x358: {  	v8 =	vadd.s32 $0x1, v13;
	v5 =	vadd.f32 v7, v5;
	v7 =	vor.u32 v4, v13  }
0x359: {  	v8 =	vand.u32 $0x7F, v8  }
0x35a: {  	v8 =	vor.u32 v4, v8;
	v5 =	vadd.f32 v6, v5;
	v6 =	vadd.s32 $0x2, v13  }
0x35b: {  	v6 =	vand.u32 $0x7F, v6  }
0x35c: {  	[tilespmem:$0x19020] =	vst v5;
	v5 =	vor.u32 v4, v6;
	v6 =	vadd.s32 $0x3, v13  }
0x35d: {  	v11 =	vld.idx.msk [tilespmem:v7+s22+$0x0], $0xffff;
	v6 =	vand.u32 $0x7F, v6  }
0x35e: {  	v14 =	vld.idx.msk [tilespmem:v7+s23+$0x0], $0xffff;
	v7 =	vadd.s32 $0x5, v13;
	v12 =	vor.u32 v4, v6  }
0x35f: {  	v6 =	vadd.s32 $0x4, v13;
	v15 =	vld.idx.msk [tilespmem:v8+s22+$0x0], $0xffff;
	v7 =	vand.u32 $0x7F, v7  }
0x360: {  	v16 =	vld.idx.msk [tilespmem:v8+s23+$0x0], $0xffff;
	v6 =	vand.u32 $0x7F, v6;
	v9 =	vor.u32 v4, v7  }
0x361: {  	v17 =	vor.u32 v4, v6;
	v6 =	vld.idx.msk [tilespmem:v5+s22+$0x0], $0xffff  }
0x362: {  	v10 =	vld.idx.msk [tilespmem:v5+s23+$0x0], $0xffff;
	v5 =	vadd.s32 $0x6, v13  }
0x363: {  	v5 =	vand.u32 $0x7F, v5;
	v7 =	vld.idx.msk [tilespmem:v12+s22+$0x0], $0xffff  }
0x364: {  	v19 =	vmul.f32 v14, v11;
	v12 =	vld.idx.msk [tilespmem:v12+s23+$0x0], $0xffff;
	v11 =	vor.u32 v4, v5;
	v5 =	vadd.s32 $0x7, v13  }
0x365: {  	v20 =	vadd.s32 $0x8, v13;
	v5 =	vand.u32 $0x7F, v5;
	v13 =	vld.idx.msk [tilespmem:v9+s22+$0x0], $0xffff  }
0x366: {  	v18 =	vimm.f32 $0.0e+00;
	v16 =	vmul.f32 v16, v15;
	v8 =	vld.idx.msk [tilespmem:v17+s22+$0x0], $0xffff;
	v15 =	vor.u32 v4, v5  }
0x367: {  	s16 =	simm.s32 $0xF;
	v14 =	vld.idx.msk [tilespmem:v17+s23+$0x0], $0xffff;
	v17 =	vadd.f32 v19, v18;
	v5 =	vand.u32 $0x7F, v20  }
.LBB2_41:
0x368: {  	v18 =	vor.u32 v4, v5;
	v19 =	vadd.s32 $0x1, v5;
	p0 =	sne.s32 s16, $0x1;
	s16 =	sadd.s32 $0xFFFFFFFF, s16;
	v6 =	vmul.f32 v10, v6;
	v9 =	vld.idx.msk [tilespmem:v9+s23+$0x0], $0xffff  }
0x369: {  	v10 =	vand.u32 $0x7F, v19;
	v19 =	vadd.s32 $0x2, v5;
	v16 =	vadd.f32 v16, v17;
	v17 =	vld.idx.msk [tilespmem:v11+s22+$0x0], $0xffff  }
0x36a: {  	v7 =	vmul.f32 v12, v7;
	v10 =	vor.u32 v4, v10;
	v11 =	vld.idx.msk [tilespmem:v11+s23+$0x0], $0xffff  }
0x36b: {  	v12 =	vand.u32 $0x7F, v19;
	v6 =	vadd.f32 v6, v16;
	v16 =	vld.idx.msk [tilespmem:v15+s22+$0x0], $0xffff  }
0x36c: {  	v19 =	vadd.s32 $0x3, v5;
	v12 =	vor.u32 v4, v12;
	v8 =	vmul.f32 v14, v8;
	v14 =	vld.idx.msk [tilespmem:v15+s23+$0x0], $0xffff  }
0x36d: {  	v19 =	vand.u32 $0x7F, v19;
	v15 =	vld.idx.msk [tilespmem:v18+s22+$0x0], $0xffff;
	v6 =	vadd.f32 v7, v6  }
0x36e: {  	v19 =	vor.u32 v4, v19;
	v7 =	vadd.s32 $0x4, v5;
	v9 =	vmul.f32 v9, v13;
	v18 =	vld.idx.msk [tilespmem:v18+s23+$0x0], $0xffff  }
0x36f: {  	v7 =	vand.u32 $0x7F, v7;
	v13 =	vld.idx.msk [tilespmem:v10+s22+$0x0], $0xffff;
	v8 =	vadd.f32 v8, v6  }
0x370: {  	v21 =	vor.u32 v4, v7;
	v7 =	vadd.s32 $0x5, v5;
	v11 =	vmul.f32 v11, v17;
	v20 =	vld.idx.msk [tilespmem:v10+s23+$0x0], $0xffff  }
0x371: {  	v7 =	vand.u32 $0x7F, v7;
	v6 =	vld.idx.msk [tilespmem:v12+s22+$0x0], $0xffff;
	v8 =	vadd.f32 v9, v8  }
0x372: {  	v9 =	vor.u32 v4, v7;
	v14 =	vmul.f32 v14, v16;
	v10 =	vld.idx.msk [tilespmem:v12+s23+$0x0], $0xffff;
	v12 =	vadd.s32 $0x6, v5  }
.Ltmp19:
0x373: {  	v7 =	vld.idx.msk [tilespmem:v19+s22+$0x0], $0xffff;
	v16 =	vand.u32 $0x7F, v12;
	v17 =	vadd.f32 v11, v8;
	(pc) =	sbr.rel @p0 .LBB2_41-.Ltmp19, $4  }
0x374: {  	v18 =	vmul.f32 v18, v15;
	v15 =	vadd.s32 $0x7, v5;
	v12 =	vld.idx.msk [tilespmem:v19+s23+$0x0], $0xffff;
	v11 =	vor.u32 v4, v16  }
0x375: {  	v15 =	vand.u32 $0x7F, v15;
	v8 =	vld.idx.msk [tilespmem:v21+s22+$0x0], $0xffff;
	v17 =	vadd.f32 v14, v17  }
0x376: {  	v5 =	vadd.s32 $0x8, v5;
	v16 =	vmul.f32 v20, v13;
	v15 =	vor.u32 v4, v15;
	v14 =	vld.idx.msk [tilespmem:v21+s23+$0x0], $0xffff  }
0x377: {  	v5 =	vand.u32 $0x7F, v5;
	v17 =	vadd.f32 v18, v17;
	v13 =	vld.idx.msk [tilespmem:v9+s22+$0x0], $0xffff  }
0x378: {  	_ =	sdelay $0x2  }
0x379: {  	v5 =	vmul.f32 v10, v6;
	v6 =	vadd.f32 v16, v17  }
0x37a: {  	v9 =	vld.idx.msk [tilespmem:v9+s23+$0x0], $0xffff  }
0x37b: {  	v62 =	vld.idx.msk [tilespmem:v11+s22+$0x0], $0xffff;
	v7 =	vmul.f32 v12, v7;
	v5 =	vadd.f32 v5, v6  }
0x37c: {  	v6 =	vld.idx.msk [tilespmem:v11+s23+$0x0], $0xffff  }
0x37d: {  	v63 =	vld.idx.msk [tilespmem:v15+s22+$0x0], $0xffff;
	v8 =	vmul.f32 v14, v8;
	v5 =	vadd.f32 v7, v5  }
0x37e: {  	v7 =	vld.idx.msk [tilespmem:v15+s23+$0x0], $0xffff  }
0x37f: {  	v9 =	vmul.f32 v9, v13;
	v5 =	vadd.f32 v8, v5;
	_ =	sdelay $0x1  }
0x380: {  	v6 =	vmul.f32 v6, v62;
	v5 =	vadd.f32 v9, v5  }
0x381: {  	s1 =	sadd.s32 $0x1, s1  }
0x382: {  	p0 =	sne.s32 s1, $0x1F;
	v7 =	vmul.f32 v7, v63;
	v5 =	vadd.f32 v6, v5  }
.Ltmp20:
0x383: {  	_ = 	snop;
	(pc) =	sbr.rel @p0 .LBB2_2-.Ltmp20, $4  }
0x384: {  	s0 =	sadd.s32 s4, s0;
	v5 =	vadd.f32 v7, v5  }
0x385: {  	s0 =	sshrl.u32 s0, $0x3  }
0x386: {  	s0 =	sadd.s32 s5, s0;
	[tilespmem:$0x19030] =	vst v5  }
0x387: {  	[hbm4b:s0+s3] =	stream.linear.scatter [tilespmem:s29], [sflag:$0x5], $0x140, $0x38;
	[tilespmem:$0x19080] =	vst v63  }
0x388: {  	_ =	swait.ge [sflag:s30], $0x140  }
0x389: {  	[sflag:s30] =	ssyncset.done $0x0  }
0x38a: {  	[sflag:s30] =	ssyncadd.s32 $0xFFFFFEC0  }
0x38b: {  	v5 =	vlaneseq.u32;
	_ =	swait.ge [sflag:s24], $0x2800  }
0x38c: {  	v6 =	vor.u32 v0, v5;
	v7 =	vadd.s32 $0x1, v5;
	[sflag:s24] =	ssyncset.done $0x0  }
0x38d: {  	v7 =	vand.u32 $0x7F, v7;
	[sflag:s24] =	ssyncadd.s32 $0xFFFFD800  }
0x38e: {  	v8 =	vadd.s32 $0x2, v5;
	v7 =	vor.u32 v0, v7;
	_ =	swait.ge [sflag:s24], $0x2800  }
0x38f: {  	v8 =	vand.u32 $0x7F, v8;
	[sflag:s24] =	ssyncset.done $0x0  }
0x390: {  	v9 =	vadd.s32 $0x3, v5;
	v8 =	vor.u32 v0, v8;
	[sflag:s24] =	ssyncadd.s32 $0xFFFFD800  }
0x391: {  	v9 =	vand.u32 $0x7F, v9;
	v12 =	vld.idx.msk [tilespmem:v6+s13+$0x0], $0xffff  }
0x392: {  	v11 =	vor.u32 v0, v9;
	v13 =	vld.idx.msk [tilespmem:v6+s14+$0x0], $0xffff;
	v6 =	vadd.s32 $0x4, v5  }
0x393: {  	v14 =	vld.idx.msk [tilespmem:v7+s13+$0x0], $0xffff;
	v6 =	vand.u32 $0x7F, v6  }
0x394: {  	v15 =	vld.idx.msk [tilespmem:v7+s14+$0x0], $0xffff;
	v7 =	vadd.s32 $0x5, v5;
	v17 =	vor.u32 v0, v6  }
0x395: {  	v9 =	vld.idx.msk [tilespmem:v8+s14+$0x0], $0xffff;
	v7 =	vand.u32 $0x7F, v7  }
0x396: {  	v6 =	vld.idx.msk [tilespmem:v8+s13+$0x0], $0xffff;
	v10 =	vor.u32 v0, v7;
	v8 =	vadd.s32 $0x6, v5  }
0x397: {  	v7 =	vld.idx.msk [tilespmem:v11+s13+$0x0], $0xffff;
	v8 =	vand.u32 $0x7F, v8  }
0x398: {  	v16 =	vadd.s32 $0x7, v5;
	v11 =	vld.idx.msk [tilespmem:v11+s14+$0x0], $0xffff;
	v12 =	vmul.f32 v13, v12;
	v13 =	vor.u32 v0, v8  }
0x399: {  	v18 =	vimm.f32 $0.0e+00;
	v19 =	vand.u32 $0x7F, v16;
	v8 =	vld.idx.msk [tilespmem:v17+s13+$0x0], $0xffff  }
0x39a: {  	v5 =	vadd.s32 $0x8, v5;
	v16 =	vmul.f32 v15, v14;
	v15 =	vor.u32 v0, v19;
	v14 =	vld.idx.msk [tilespmem:v17+s14+$0x0], $0xffff  }
0x39b: {  	s0 =	simm.s32 $0xF;
	v5 =	vand.u32 $0x7F, v5;
	v17 =	vadd.f32 v12, v18;
	v12 =	vld.idx.msk [tilespmem:v10+s13+$0x0], $0xffff  }
.LBB2_44:
0x39c: {  	v18 =	vor.u32 v0, v5;
	v19 =	vadd.s32 $0x1, v5;
	p0 =	sne.s32 s0, $0x1;
	s0 =	sadd.s32 $0xFFFFFFFF, s0;
	v6 =	vmul.f32 v9, v6;
	v9 =	vld.idx.msk [tilespmem:v10+s14+$0x0], $0xffff  }
0x39d: {  	v10 =	vand.u32 $0x7F, v19;
	v19 =	vadd.s32 $0x2, v5;
	v16 =	vadd.f32 v16, v17;
	v17 =	vld.idx.msk [tilespmem:v13+s13+$0x0], $0xffff  }
0x39e: {  	v7 =	vmul.f32 v11, v7;
	v10 =	vor.u32 v0, v10;
	v11 =	vld.idx.msk [tilespmem:v13+s14+$0x0], $0xffff  }
0x39f: {  	v13 =	vand.u32 $0x7F, v19;
	v6 =	vadd.f32 v6, v16;
	v16 =	vld.idx.msk [tilespmem:v15+s13+$0x0], $0xffff  }
0x3a0: {  	v19 =	vadd.s32 $0x3, v5;
	v13 =	vor.u32 v0, v13;
	v8 =	vmul.f32 v14, v8;
	v14 =	vld.idx.msk [tilespmem:v15+s14+$0x0], $0xffff  }
0x3a1: {  	v19 =	vand.u32 $0x7F, v19;
	v15 =	vld.idx.msk [tilespmem:v18+s13+$0x0], $0xffff;
	v6 =	vadd.f32 v7, v6  }
0x3a2: {  	v19 =	vor.u32 v0, v19;
	v7 =	vadd.s32 $0x4, v5;
	v9 =	vmul.f32 v9, v12;
	v18 =	vld.idx.msk [tilespmem:v18+s14+$0x0], $0xffff  }
0x3a3: {  	v7 =	vand.u32 $0x7F, v7;
	v12 =	vld.idx.msk [tilespmem:v10+s13+$0x0], $0xffff;
	v8 =	vadd.f32 v8, v6  }
0x3a4: {  	v21 =	vor.u32 v0, v7;
	v7 =	vadd.s32 $0x5, v5;
	v11 =	vmul.f32 v11, v17;
	v20 =	vld.idx.msk [tilespmem:v10+s14+$0x0], $0xffff  }
0x3a5: {  	v7 =	vand.u32 $0x7F, v7;
	v6 =	vld.idx.msk [tilespmem:v13+s13+$0x0], $0xffff;
	v8 =	vadd.f32 v9, v8  }
0x3a6: {  	v10 =	vor.u32 v0, v7;
	v14 =	vmul.f32 v14, v16;
	v9 =	vld.idx.msk [tilespmem:v13+s14+$0x0], $0xffff;
	v13 =	vadd.s32 $0x6, v5  }
.Ltmp21:
0x3a7: {  	v7 =	vld.idx.msk [tilespmem:v19+s13+$0x0], $0xffff;
	v13 =	vand.u32 $0x7F, v13;
	v16 =	vadd.f32 v11, v8;
	(pc) =	sbr.rel @p0 .LBB2_44-.Ltmp21, $4  }
0x3a8: {  	v17 =	vmul.f32 v18, v15;
	v15 =	vadd.s32 $0x7, v5;
	v11 =	vld.idx.msk [tilespmem:v19+s14+$0x0], $0xffff;
	v13 =	vor.u32 v0, v13  }
0x3a9: {  	v15 =	vand.u32 $0x7F, v15;
	v8 =	vld.idx.msk [tilespmem:v21+s13+$0x0], $0xffff;
	v18 =	vadd.f32 v14, v16  }
0x3aa: {  	v5 =	vadd.s32 $0x8, v5;
	v16 =	vmul.f32 v20, v12;
	v15 =	vor.u32 v0, v15;
	v14 =	vld.idx.msk [tilespmem:v21+s14+$0x0], $0xffff  }
0x3ab: {  	v5 =	vand.u32 $0x7F, v5;
	v17 =	vadd.f32 v17, v18;
	v12 =	vld.idx.msk [tilespmem:v10+s13+$0x0], $0xffff  }
0x3ac: {  	_ =	sdelay $0x2  }
0x3ad: {  	v5 =	vmul.f32 v9, v6;
	v9 =	vadd.f32 v16, v17  }
0x3ae: {  	v6 =	vld.idx.msk [tilespmem:v10+s14+$0x0], $0xffff  }
0x3af: {  	v10 =	vld.idx.msk [tilespmem:v13+s13+$0x0], $0xffff;
	v7 =	vmul.f32 v11, v7;
	v5 =	vadd.f32 v5, v9  }
0x3b0: {  	v11 =	vld.idx.msk [tilespmem:v13+s14+$0x0], $0xffff  }
0x3b1: {  	v13 =	vld.idx.msk [tilespmem:v15+s14+$0x0], $0xffff;
	v8 =	vmul.f32 v14, v8;
	v5 =	vadd.f32 v7, v5  }
0x3b2: {  	v9 =	vld.idx.msk [tilespmem:v15+s13+$0x0], $0xffff  }
0x3b3: {  	v6 =	vmul.f32 v6, v12;
	v5 =	vadd.f32 v8, v5;
	_ =	sdelay $0x1  }
0x3b4: {  	v12 =	vlaneseq.u32;
	v7 =	vmul.f32 v11, v10;
	v5 =	vadd.f32 v6, v5  }
0x3b5: {  	v8 =	vadd.s32 $0x1, v12  }
0x3b6: {  	v6 =	vmul.f32 v13, v9;
	v5 =	vadd.f32 v7, v5;
	v7 =	vor.u32 v1, v12  }
0x3b7: {  	v8 =	vand.u32 $0x7F, v8  }
0x3b8: {  	v8 =	vor.u32 v1, v8;
	v5 =	vadd.f32 v6, v5;
	v6 =	vadd.s32 $0x2, v12  }
0x3b9: {  	v6 =	vand.u32 $0x7F, v6  }
0x3ba: {  	[tilespmem:$0x18F00] =	vst v5;
	v5 =	vor.u32 v1, v6;
	v6 =	vadd.s32 $0x3, v12  }
0x3bb: {  	v13 =	vld.idx.msk [tilespmem:v7+s13+$0x0], $0xffff;
	v6 =	vand.u32 $0x7F, v6  }
0x3bc: {  	v14 =	vld.idx.msk [tilespmem:v7+s14+$0x0], $0xffff;
	v7 =	vadd.s32 $0x5, v12;
	v11 =	vor.u32 v1, v6  }
0x3bd: {  	v15 =	vld.idx.msk [tilespmem:v8+s13+$0x0], $0xffff;
	v6 =	vadd.s32 $0x4, v12;
	v7 =	vand.u32 $0x7F, v7  }
0x3be: {  	v16 =	vld.idx.msk [tilespmem:v8+s14+$0x0], $0xffff;
	v6 =	vand.u32 $0x7F, v6;
	v10 =	vor.u32 v1, v7  }
0x3bf: {  	v17 =	vor.u32 v1, v6;
	v6 =	vld.idx.msk [tilespmem:v5+s13+$0x0], $0xffff  }
0x3c0: {  	v9 =	vld.idx.msk [tilespmem:v5+s14+$0x0], $0xffff;
	v5 =	vadd.s32 $0x6, v12  }
0x3c1: {  	v5 =	vand.u32 $0x7F, v5;
	v7 =	vld.idx.msk [tilespmem:v11+s13+$0x0], $0xffff  }
0x3c2: {  	v19 =	vmul.f32 v14, v13;
	v11 =	vld.idx.msk [tilespmem:v11+s14+$0x0], $0xffff;
	v13 =	vor.u32 v1, v5;
	v5 =	vadd.s32 $0x7, v12  }
0x3c3: {  	v20 =	vadd.s32 $0x8, v12;
	v5 =	vand.u32 $0x7F, v5;
	v12 =	vld.idx.msk [tilespmem:v10+s13+$0x0], $0xffff  }
0x3c4: {  	v18 =	vimm.f32 $0.0e+00;
	v16 =	vmul.f32 v16, v15;
	v8 =	vld.idx.msk [tilespmem:v17+s13+$0x0], $0xffff;
	v15 =	vor.u32 v1, v5  }
0x3c5: {  	s0 =	simm.s32 $0xF;
	v14 =	vld.idx.msk [tilespmem:v17+s14+$0x0], $0xffff;
	v17 =	vadd.f32 v19, v18;
	v5 =	vand.u32 $0x7F, v20  }
.LBB2_46:
0x3c6: {  	v18 =	vor.u32 v1, v5;
	v19 =	vadd.s32 $0x1, v5;
	p0 =	sne.s32 s0, $0x1;
	s0 =	sadd.s32 $0xFFFFFFFF, s0;
	v6 =	vmul.f32 v9, v6;
	v9 =	vld.idx.msk [tilespmem:v10+s14+$0x0], $0xffff  }
0x3c7: {  	v10 =	vand.u32 $0x7F, v19;
	v19 =	vadd.s32 $0x2, v5;
	v16 =	vadd.f32 v16, v17;
	v17 =	vld.idx.msk [tilespmem:v13+s13+$0x0], $0xffff  }
0x3c8: {  	v7 =	vmul.f32 v11, v7;
	v10 =	vor.u32 v1, v10;
	v11 =	vld.idx.msk [tilespmem:v13+s14+$0x0], $0xffff  }
0x3c9: {  	v13 =	vand.u32 $0x7F, v19;
	v6 =	vadd.f32 v6, v16;
	v16 =	vld.idx.msk [tilespmem:v15+s13+$0x0], $0xffff  }
0x3ca: {  	v19 =	vadd.s32 $0x3, v5;
	v13 =	vor.u32 v1, v13;
	v8 =	vmul.f32 v14, v8;
	v14 =	vld.idx.msk [tilespmem:v15+s14+$0x0], $0xffff  }
0x3cb: {  	v19 =	vand.u32 $0x7F, v19;
	v15 =	vld.idx.msk [tilespmem:v18+s13+$0x0], $0xffff;
	v6 =	vadd.f32 v7, v6  }
0x3cc: {  	v19 =	vor.u32 v1, v19;
	v7 =	vadd.s32 $0x4, v5;
	v9 =	vmul.f32 v9, v12;
	v18 =	vld.idx.msk [tilespmem:v18+s14+$0x0], $0xffff  }
0x3cd: {  	v7 =	vand.u32 $0x7F, v7;
	v12 =	vld.idx.msk [tilespmem:v10+s13+$0x0], $0xffff;
	v8 =	vadd.f32 v8, v6  }
0x3ce: {  	v21 =	vor.u32 v1, v7;
	v7 =	vadd.s32 $0x5, v5;
	v11 =	vmul.f32 v11, v17;
	v20 =	vld.idx.msk [tilespmem:v10+s14+$0x0], $0xffff  }
0x3cf: {  	v7 =	vand.u32 $0x7F, v7;
	v6 =	vld.idx.msk [tilespmem:v13+s13+$0x0], $0xffff;
	v8 =	vadd.f32 v9, v8  }
0x3d0: {  	v10 =	vor.u32 v1, v7;
	v14 =	vmul.f32 v14, v16;
	v9 =	vld.idx.msk [tilespmem:v13+s14+$0x0], $0xffff;
	v13 =	vadd.s32 $0x6, v5  }
.Ltmp22:
0x3d1: {  	v7 =	vld.idx.msk [tilespmem:v19+s13+$0x0], $0xffff;
	v13 =	vand.u32 $0x7F, v13;
	v16 =	vadd.f32 v11, v8;
	(pc) =	sbr.rel @p0 .LBB2_46-.Ltmp22, $4  }
0x3d2: {  	v17 =	vmul.f32 v18, v15;
	v15 =	vadd.s32 $0x7, v5;
	v11 =	vld.idx.msk [tilespmem:v19+s14+$0x0], $0xffff;
	v13 =	vor.u32 v1, v13  }
0x3d3: {  	v15 =	vand.u32 $0x7F, v15;
	v8 =	vld.idx.msk [tilespmem:v21+s13+$0x0], $0xffff;
	v18 =	vadd.f32 v14, v16  }
0x3d4: {  	v5 =	vadd.s32 $0x8, v5;
	v16 =	vmul.f32 v20, v12;
	v15 =	vor.u32 v1, v15;
	v14 =	vld.idx.msk [tilespmem:v21+s14+$0x0], $0xffff  }
0x3d5: {  	v5 =	vand.u32 $0x7F, v5;
	v17 =	vadd.f32 v17, v18;
	v12 =	vld.idx.msk [tilespmem:v10+s13+$0x0], $0xffff  }
0x3d6: {  	_ =	sdelay $0x2  }
0x3d7: {  	v5 =	vmul.f32 v9, v6;
	v9 =	vadd.f32 v16, v17  }
0x3d8: {  	v6 =	vld.idx.msk [tilespmem:v10+s14+$0x0], $0xffff  }
0x3d9: {  	v10 =	vld.idx.msk [tilespmem:v13+s13+$0x0], $0xffff;
	v7 =	vmul.f32 v11, v7;
	v5 =	vadd.f32 v5, v9  }
0x3da: {  	v11 =	vld.idx.msk [tilespmem:v13+s14+$0x0], $0xffff  }
0x3db: {  	v13 =	vld.idx.msk [tilespmem:v15+s14+$0x0], $0xffff;
	v8 =	vmul.f32 v14, v8;
	v5 =	vadd.f32 v7, v5  }
0x3dc: {  	v9 =	vld.idx.msk [tilespmem:v15+s13+$0x0], $0xffff  }
0x3dd: {  	v6 =	vmul.f32 v6, v12;
	v5 =	vadd.f32 v8, v5;
	_ =	sdelay $0x1  }
0x3de: {  	v12 =	vlaneseq.u32;
	v7 =	vmul.f32 v11, v10;
	v5 =	vadd.f32 v6, v5  }
0x3df: {  	v8 =	vadd.s32 $0x1, v12  }
0x3e0: {  	v6 =	vmul.f32 v13, v9;
	v5 =	vadd.f32 v7, v5;
	v7 =	vor.u32 v2, v12  }
0x3e1: {  	v8 =	vand.u32 $0x7F, v8  }
0x3e2: {  	v8 =	vor.u32 v2, v8;
	v5 =	vadd.f32 v6, v5;
	v6 =	vadd.s32 $0x2, v12  }
0x3e3: {  	v6 =	vand.u32 $0x7F, v6  }
0x3e4: {  	[tilespmem:$0x18F10] =	vst v5;
	v5 =	vor.u32 v2, v6;
	v6 =	vadd.s32 $0x3, v12  }
0x3e5: {  	v13 =	vld.idx.msk [tilespmem:v7+s13+$0x0], $0xffff;
	v6 =	vand.u32 $0x7F, v6  }
0x3e6: {  	v14 =	vld.idx.msk [tilespmem:v7+s14+$0x0], $0xffff;
	v7 =	vadd.s32 $0x5, v12;
	v11 =	vor.u32 v2, v6  }
0x3e7: {  	v15 =	vld.idx.msk [tilespmem:v8+s13+$0x0], $0xffff;
	v6 =	vadd.s32 $0x4, v12;
	v7 =	vand.u32 $0x7F, v7  }
0x3e8: {  	v16 =	vld.idx.msk [tilespmem:v8+s14+$0x0], $0xffff;
	v6 =	vand.u32 $0x7F, v6;
	v10 =	vor.u32 v2, v7  }
0x3e9: {  	v17 =	vor.u32 v2, v6;
	v6 =	vld.idx.msk [tilespmem:v5+s13+$0x0], $0xffff  }
0x3ea: {  	v9 =	vld.idx.msk [tilespmem:v5+s14+$0x0], $0xffff;
	v5 =	vadd.s32 $0x6, v12  }
0x3eb: {  	v5 =	vand.u32 $0x7F, v5;
	v7 =	vld.idx.msk [tilespmem:v11+s13+$0x0], $0xffff  }
0x3ec: {  	v19 =	vmul.f32 v14, v13;
	v11 =	vld.idx.msk [tilespmem:v11+s14+$0x0], $0xffff;
	v13 =	vor.u32 v2, v5;
	v5 =	vadd.s32 $0x7, v12  }
0x3ed: {  	v20 =	vadd.s32 $0x8, v12;
	v5 =	vand.u32 $0x7F, v5;
	v12 =	vld.idx.msk [tilespmem:v10+s13+$0x0], $0xffff  }
0x3ee: {  	v18 =	vimm.f32 $0.0e+00;
	v16 =	vmul.f32 v16, v15;
	v8 =	vld.idx.msk [tilespmem:v17+s13+$0x0], $0xffff;
	v15 =	vor.u32 v2, v5  }
0x3ef: {  	s0 =	simm.s32 $0xF;
	v14 =	vld.idx.msk [tilespmem:v17+s14+$0x0], $0xffff;
	v17 =	vadd.f32 v19, v18;
	v5 =	vand.u32 $0x7F, v20  }
.LBB2_48:
0x3f0: {  	v18 =	vor.u32 v2, v5;
	v19 =	vadd.s32 $0x1, v5;
	p0 =	sne.s32 s0, $0x1;
	s0 =	sadd.s32 $0xFFFFFFFF, s0;
	v6 =	vmul.f32 v9, v6;
	v9 =	vld.idx.msk [tilespmem:v10+s14+$0x0], $0xffff  }
0x3f1: {  	v10 =	vand.u32 $0x7F, v19;
	v19 =	vadd.s32 $0x2, v5;
	v16 =	vadd.f32 v16, v17;
	v17 =	vld.idx.msk [tilespmem:v13+s13+$0x0], $0xffff  }
0x3f2: {  	v7 =	vmul.f32 v11, v7;
	v10 =	vor.u32 v2, v10;
	v11 =	vld.idx.msk [tilespmem:v13+s14+$0x0], $0xffff  }
0x3f3: {  	v13 =	vand.u32 $0x7F, v19;
	v6 =	vadd.f32 v6, v16;
	v16 =	vld.idx.msk [tilespmem:v15+s13+$0x0], $0xffff  }
0x3f4: {  	v19 =	vadd.s32 $0x3, v5;
	v13 =	vor.u32 v2, v13;
	v8 =	vmul.f32 v14, v8;
	v14 =	vld.idx.msk [tilespmem:v15+s14+$0x0], $0xffff  }
0x3f5: {  	v19 =	vand.u32 $0x7F, v19;
	v15 =	vld.idx.msk [tilespmem:v18+s13+$0x0], $0xffff;
	v6 =	vadd.f32 v7, v6  }
0x3f6: {  	v19 =	vor.u32 v2, v19;
	v7 =	vadd.s32 $0x4, v5;
	v9 =	vmul.f32 v9, v12;
	v18 =	vld.idx.msk [tilespmem:v18+s14+$0x0], $0xffff  }
0x3f7: {  	v7 =	vand.u32 $0x7F, v7;
	v12 =	vld.idx.msk [tilespmem:v10+s13+$0x0], $0xffff;
	v8 =	vadd.f32 v8, v6  }
0x3f8: {  	v21 =	vor.u32 v2, v7;
	v7 =	vadd.s32 $0x5, v5;
	v11 =	vmul.f32 v11, v17;
	v20 =	vld.idx.msk [tilespmem:v10+s14+$0x0], $0xffff  }
0x3f9: {  	v7 =	vand.u32 $0x7F, v7;
	v6 =	vld.idx.msk [tilespmem:v13+s13+$0x0], $0xffff;
	v8 =	vadd.f32 v9, v8  }
0x3fa: {  	v10 =	vor.u32 v2, v7;
	v14 =	vmul.f32 v14, v16;
	v9 =	vld.idx.msk [tilespmem:v13+s14+$0x0], $0xffff;
	v13 =	vadd.s32 $0x6, v5  }
.Ltmp23:
0x3fb: {  	v7 =	vld.idx.msk [tilespmem:v19+s13+$0x0], $0xffff;
	v13 =	vand.u32 $0x7F, v13;
	v16 =	vadd.f32 v11, v8;
	(pc) =	sbr.rel @p0 .LBB2_48-.Ltmp23, $4  }
0x3fc: {  	v17 =	vmul.f32 v18, v15;
	v15 =	vadd.s32 $0x7, v5;
	v11 =	vld.idx.msk [tilespmem:v19+s14+$0x0], $0xffff;
	v13 =	vor.u32 v2, v13  }
0x3fd: {  	v15 =	vand.u32 $0x7F, v15;
	v8 =	vld.idx.msk [tilespmem:v21+s13+$0x0], $0xffff;
	v18 =	vadd.f32 v14, v16  }
0x3fe: {  	v5 =	vadd.s32 $0x8, v5;
	v16 =	vmul.f32 v20, v12;
	v15 =	vor.u32 v2, v15;
	v14 =	vld.idx.msk [tilespmem:v21+s14+$0x0], $0xffff  }
0x3ff: {  	v5 =	vand.u32 $0x7F, v5;
	v17 =	vadd.f32 v17, v18;
	v12 =	vld.idx.msk [tilespmem:v10+s13+$0x0], $0xffff  }
0x400: {  	_ =	sdelay $0x2  }
0x401: {  	v5 =	vmul.f32 v9, v6;
	v9 =	vadd.f32 v16, v17  }
0x402: {  	v6 =	vld.idx.msk [tilespmem:v10+s14+$0x0], $0xffff  }
0x403: {  	v10 =	vld.idx.msk [tilespmem:v13+s13+$0x0], $0xffff;
	v7 =	vmul.f32 v11, v7;
	v5 =	vadd.f32 v5, v9  }
0x404: {  	v11 =	vld.idx.msk [tilespmem:v13+s14+$0x0], $0xffff  }
0x405: {  	v13 =	vld.idx.msk [tilespmem:v15+s14+$0x0], $0xffff;
	v8 =	vmul.f32 v14, v8;
	v5 =	vadd.f32 v7, v5  }
0x406: {  	v9 =	vld.idx.msk [tilespmem:v15+s13+$0x0], $0xffff  }
0x407: {  	v6 =	vmul.f32 v6, v12;
	v5 =	vadd.f32 v8, v5;
	_ =	sdelay $0x1  }
0x408: {  	v12 =	vlaneseq.u32;
	v7 =	vmul.f32 v11, v10;
	v5 =	vadd.f32 v6, v5  }
0x409: {  	v8 =	vadd.s32 $0x1, v12  }
0x40a: {  	v6 =	vmul.f32 v13, v9;
	v5 =	vadd.f32 v7, v5;
	v7 =	vor.u32 v3, v12  }
0x40b: {  	v8 =	vand.u32 $0x7F, v8  }
0x40c: {  	v8 =	vor.u32 v3, v8;
	v5 =	vadd.f32 v6, v5;
	v6 =	vadd.s32 $0x2, v12  }
0x40d: {  	v6 =	vand.u32 $0x7F, v6  }
0x40e: {  	[tilespmem:$0x18F20] =	vst v5;
	v5 =	vor.u32 v3, v6;
	v6 =	vadd.s32 $0x3, v12  }
0x40f: {  	v13 =	vld.idx.msk [tilespmem:v7+s13+$0x0], $0xffff;
	v6 =	vand.u32 $0x7F, v6  }
0x410: {  	v14 =	vld.idx.msk [tilespmem:v7+s14+$0x0], $0xffff;
	v7 =	vadd.s32 $0x5, v12;
	v11 =	vor.u32 v3, v6  }
0x411: {  	v15 =	vld.idx.msk [tilespmem:v8+s13+$0x0], $0xffff;
	v6 =	vadd.s32 $0x4, v12;
	v7 =	vand.u32 $0x7F, v7  }
0x412: {  	v16 =	vld.idx.msk [tilespmem:v8+s14+$0x0], $0xffff;
	v6 =	vand.u32 $0x7F, v6;
	v10 =	vor.u32 v3, v7  }
0x413: {  	v17 =	vor.u32 v3, v6;
	v6 =	vld.idx.msk [tilespmem:v5+s13+$0x0], $0xffff  }
0x414: {  	v9 =	vld.idx.msk [tilespmem:v5+s14+$0x0], $0xffff;
	v5 =	vadd.s32 $0x6, v12  }
0x415: {  	v5 =	vand.u32 $0x7F, v5;
	v7 =	vld.idx.msk [tilespmem:v11+s13+$0x0], $0xffff  }
0x416: {  	v19 =	vmul.f32 v14, v13;
	v11 =	vld.idx.msk [tilespmem:v11+s14+$0x0], $0xffff;
	v13 =	vor.u32 v3, v5;
	v5 =	vadd.s32 $0x7, v12  }
0x417: {  	v20 =	vadd.s32 $0x8, v12;
	v5 =	vand.u32 $0x7F, v5;
	v12 =	vld.idx.msk [tilespmem:v10+s13+$0x0], $0xffff  }
0x418: {  	v18 =	vimm.f32 $0.0e+00;
	v16 =	vmul.f32 v16, v15;
	v8 =	vld.idx.msk [tilespmem:v17+s13+$0x0], $0xffff;
	v15 =	vor.u32 v3, v5  }
0x419: {  	s0 =	simm.s32 $0xF;
	v14 =	vld.idx.msk [tilespmem:v17+s14+$0x0], $0xffff;
	v17 =	vadd.f32 v19, v18;
	v5 =	vand.u32 $0x7F, v20  }
.LBB2_50:
0x41a: {  	v18 =	vor.u32 v3, v5;
	v19 =	vadd.s32 $0x1, v5;
	p0 =	sne.s32 s0, $0x1;
	s0 =	sadd.s32 $0xFFFFFFFF, s0;
	v6 =	vmul.f32 v9, v6;
	v9 =	vld.idx.msk [tilespmem:v10+s14+$0x0], $0xffff  }
0x41b: {  	v10 =	vand.u32 $0x7F, v19;
	v19 =	vadd.s32 $0x2, v5;
	v16 =	vadd.f32 v16, v17;
	v17 =	vld.idx.msk [tilespmem:v13+s13+$0x0], $0xffff  }
0x41c: {  	v7 =	vmul.f32 v11, v7;
	v10 =	vor.u32 v3, v10;
	v11 =	vld.idx.msk [tilespmem:v13+s14+$0x0], $0xffff  }
0x41d: {  	v13 =	vand.u32 $0x7F, v19;
	v6 =	vadd.f32 v6, v16;
	v16 =	vld.idx.msk [tilespmem:v15+s13+$0x0], $0xffff  }
0x41e: {  	v19 =	vadd.s32 $0x3, v5;
	v13 =	vor.u32 v3, v13;
	v8 =	vmul.f32 v14, v8;
	v14 =	vld.idx.msk [tilespmem:v15+s14+$0x0], $0xffff  }
0x41f: {  	v19 =	vand.u32 $0x7F, v19;
	v15 =	vld.idx.msk [tilespmem:v18+s13+$0x0], $0xffff;
	v6 =	vadd.f32 v7, v6  }
0x420: {  	v19 =	vor.u32 v3, v19;
	v7 =	vadd.s32 $0x4, v5;
	v9 =	vmul.f32 v9, v12;
	v18 =	vld.idx.msk [tilespmem:v18+s14+$0x0], $0xffff  }
0x421: {  	v7 =	vand.u32 $0x7F, v7;
	v12 =	vld.idx.msk [tilespmem:v10+s13+$0x0], $0xffff;
	v8 =	vadd.f32 v8, v6  }
0x422: {  	v21 =	vor.u32 v3, v7;
	v7 =	vadd.s32 $0x5, v5;
	v11 =	vmul.f32 v11, v17;
	v20 =	vld.idx.msk [tilespmem:v10+s14+$0x0], $0xffff  }
0x423: {  	v7 =	vand.u32 $0x7F, v7;
	v6 =	vld.idx.msk [tilespmem:v13+s13+$0x0], $0xffff;
	v8 =	vadd.f32 v9, v8  }
0x424: {  	v10 =	vor.u32 v3, v7;
	v14 =	vmul.f32 v14, v16;
	v9 =	vld.idx.msk [tilespmem:v13+s14+$0x0], $0xffff;
	v13 =	vadd.s32 $0x6, v5  }
.Ltmp24:
0x425: {  	v7 =	vld.idx.msk [tilespmem:v19+s13+$0x0], $0xffff;
	v13 =	vand.u32 $0x7F, v13;
	v16 =	vadd.f32 v11, v8;
	(pc) =	sbr.rel @p0 .LBB2_50-.Ltmp24, $4  }
0x426: {  	v17 =	vmul.f32 v18, v15;
	v15 =	vadd.s32 $0x7, v5;
	v11 =	vld.idx.msk [tilespmem:v19+s14+$0x0], $0xffff;
	v13 =	vor.u32 v3, v13  }
0x427: {  	v15 =	vand.u32 $0x7F, v15;
	v8 =	vld.idx.msk [tilespmem:v21+s13+$0x0], $0xffff;
	v18 =	vadd.f32 v14, v16  }
0x428: {  	v5 =	vadd.s32 $0x8, v5;
	v16 =	vmul.f32 v20, v12;
	v15 =	vor.u32 v3, v15;
	v14 =	vld.idx.msk [tilespmem:v21+s14+$0x0], $0xffff  }
0x429: {  	v5 =	vand.u32 $0x7F, v5;
	v17 =	vadd.f32 v17, v18;
	v12 =	vld.idx.msk [tilespmem:v10+s13+$0x0], $0xffff  }
0x42a: {  	_ =	sdelay $0x3  }
0x42b: {  	v5 =	vmul.f32 v9, v6;
	v6 =	vld.idx.msk [tilespmem:v10+s14+$0x0], $0xffff;
	v9 =	vadd.f32 v16, v17  }
0x42c: {  	v10 =	vld.idx.msk [tilespmem:v13+s13+$0x0], $0xffff  }
0x42d: {  	v7 =	vmul.f32 v11, v7;
	v11 =	vld.idx.msk [tilespmem:v13+s14+$0x0], $0xffff;
	v5 =	vadd.f32 v5, v9  }
0x42e: {  	v13 =	vld.idx.msk [tilespmem:v15+s14+$0x0], $0xffff  }
0x42f: {  	v9 =	vld.idx.msk [tilespmem:v15+s13+$0x0], $0xffff;
	v8 =	vmul.f32 v14, v8;
	v5 =	vadd.f32 v7, v5;
	_ =	sdelay $0x1  }
0x430: {  	v6 =	vmul.f32 v6, v12;
	v5 =	vadd.f32 v8, v5;
	_ =	sdelay $0x1  }
0x431: {  	v7 =	vmul.f32 v11, v10;
	v5 =	vadd.f32 v6, v5  }
0x432: {  	v6 =	vmul.f32 v13, v9;
	v13 =	vlaneseq.u32  }
0x433: {  	v8 =	vadd.s32 $0x1, v13;
	v5 =	vadd.f32 v7, v5;
	v7 =	vor.u32 v4, v13  }
0x434: {  	v8 =	vand.u32 $0x7F, v8  }
0x435: {  	v8 =	vor.u32 v4, v8;
	v5 =	vadd.f32 v6, v5;
	v6 =	vadd.s32 $0x2, v13  }
0x436: {  	v6 =	vand.u32 $0x7F, v6  }
0x437: {  	[tilespmem:$0x18F30] =	vst v5;
	v5 =	vor.u32 v4, v6;
	v6 =	vadd.s32 $0x3, v13  }
0x438: {  	v11 =	vld.idx.msk [tilespmem:v7+s13+$0x0], $0xffff;
	v6 =	vand.u32 $0x7F, v6  }
0x439: {  	v14 =	vld.idx.msk [tilespmem:v7+s14+$0x0], $0xffff;
	v7 =	vadd.s32 $0x5, v13;
	v12 =	vor.u32 v4, v6  }
0x43a: {  	v6 =	vadd.s32 $0x4, v13;
	v15 =	vld.idx.msk [tilespmem:v8+s13+$0x0], $0xffff;
	v7 =	vand.u32 $0x7F, v7  }
0x43b: {  	v16 =	vld.idx.msk [tilespmem:v8+s14+$0x0], $0xffff;
	v6 =	vand.u32 $0x7F, v6;
	v9 =	vor.u32 v4, v7  }
0x43c: {  	v17 =	vor.u32 v4, v6;
	v6 =	vld.idx.msk [tilespmem:v5+s13+$0x0], $0xffff  }
0x43d: {  	v10 =	vld.idx.msk [tilespmem:v5+s14+$0x0], $0xffff;
	v5 =	vadd.s32 $0x6, v13  }
0x43e: {  	v5 =	vand.u32 $0x7F, v5;
	v7 =	vld.idx.msk [tilespmem:v12+s13+$0x0], $0xffff  }
0x43f: {  	v19 =	vmul.f32 v14, v11;
	v12 =	vld.idx.msk [tilespmem:v12+s14+$0x0], $0xffff;
	v11 =	vor.u32 v4, v5;
	v5 =	vadd.s32 $0x7, v13  }
0x440: {  	v20 =	vadd.s32 $0x8, v13;
	v5 =	vand.u32 $0x7F, v5;
	v13 =	vld.idx.msk [tilespmem:v9+s13+$0x0], $0xffff  }
0x441: {  	v18 =	vimm.f32 $0.0e+00;
	v16 =	vmul.f32 v16, v15;
	v8 =	vld.idx.msk [tilespmem:v17+s13+$0x0], $0xffff;
	v15 =	vor.u32 v4, v5  }
0x442: {  	s0 =	simm.s32 $0xF;
	v14 =	vld.idx.msk [tilespmem:v17+s14+$0x0], $0xffff;
	v17 =	vadd.f32 v19, v18;
	v5 =	vand.u32 $0x7F, v20  }
.LBB2_52:
0x443: {  	v18 =	vor.u32 v4, v5;
	v19 =	vadd.s32 $0x1, v5;
	p0 =	sne.s32 s0, $0x1;
	s0 =	sadd.s32 $0xFFFFFFFF, s0;
	v6 =	vmul.f32 v10, v6;
	v9 =	vld.idx.msk [tilespmem:v9+s14+$0x0], $0xffff  }
0x444: {  	v10 =	vand.u32 $0x7F, v19;
	v19 =	vadd.s32 $0x2, v5;
	v16 =	vadd.f32 v16, v17;
	v17 =	vld.idx.msk [tilespmem:v11+s13+$0x0], $0xffff  }
0x445: {  	v7 =	vmul.f32 v12, v7;
	v10 =	vor.u32 v4, v10;
	v11 =	vld.idx.msk [tilespmem:v11+s14+$0x0], $0xffff  }
0x446: {  	v12 =	vand.u32 $0x7F, v19;
	v6 =	vadd.f32 v6, v16;
	v16 =	vld.idx.msk [tilespmem:v15+s13+$0x0], $0xffff  }
0x447: {  	v19 =	vadd.s32 $0x3, v5;
	v12 =	vor.u32 v4, v12;
	v8 =	vmul.f32 v14, v8;
	v14 =	vld.idx.msk [tilespmem:v15+s14+$0x0], $0xffff  }
0x448: {  	v19 =	vand.u32 $0x7F, v19;
	v15 =	vld.idx.msk [tilespmem:v18+s13+$0x0], $0xffff;
	v6 =	vadd.f32 v7, v6  }
0x449: {  	v19 =	vor.u32 v4, v19;
	v7 =	vadd.s32 $0x4, v5;
	v9 =	vmul.f32 v9, v13;
	v18 =	vld.idx.msk [tilespmem:v18+s14+$0x0], $0xffff  }
0x44a: {  	v7 =	vand.u32 $0x7F, v7;
	v13 =	vld.idx.msk [tilespmem:v10+s13+$0x0], $0xffff;
	v8 =	vadd.f32 v8, v6  }
0x44b: {  	v21 =	vor.u32 v4, v7;
	v7 =	vadd.s32 $0x5, v5;
	v11 =	vmul.f32 v11, v17;
	v20 =	vld.idx.msk [tilespmem:v10+s14+$0x0], $0xffff  }
0x44c: {  	v7 =	vand.u32 $0x7F, v7;
	v6 =	vld.idx.msk [tilespmem:v12+s13+$0x0], $0xffff;
	v8 =	vadd.f32 v9, v8  }
0x44d: {  	v9 =	vor.u32 v4, v7;
	v14 =	vmul.f32 v14, v16;
	v10 =	vld.idx.msk [tilespmem:v12+s14+$0x0], $0xffff;
	v12 =	vadd.s32 $0x6, v5  }
.Ltmp25:
0x44e: {  	v7 =	vld.idx.msk [tilespmem:v19+s13+$0x0], $0xffff;
	v16 =	vand.u32 $0x7F, v12;
	v17 =	vadd.f32 v11, v8;
	(pc) =	sbr.rel @p0 .LBB2_52-.Ltmp25, $4  }
0x44f: {  	v18 =	vmul.f32 v18, v15;
	v15 =	vadd.s32 $0x7, v5;
	v12 =	vld.idx.msk [tilespmem:v19+s14+$0x0], $0xffff;
	v11 =	vor.u32 v4, v16  }
0x450: {  	v15 =	vand.u32 $0x7F, v15;
	v8 =	vld.idx.msk [tilespmem:v21+s13+$0x0], $0xffff;
	v17 =	vadd.f32 v14, v17  }
0x451: {  	v5 =	vadd.s32 $0x8, v5;
	v16 =	vmul.f32 v20, v13;
	v15 =	vor.u32 v4, v15;
	v14 =	vld.idx.msk [tilespmem:v21+s14+$0x0], $0xffff  }
0x452: {  	v5 =	vand.u32 $0x7F, v5;
	v17 =	vadd.f32 v18, v17;
	v13 =	vld.idx.msk [tilespmem:v9+s13+$0x0], $0xffff  }
0x453: {  	_ =	sdelay $0x2  }
0x454: {  	v5 =	vmul.f32 v10, v6;
	v6 =	vadd.f32 v16, v17  }
0x455: {  	v9 =	vld.idx.msk [tilespmem:v9+s14+$0x0], $0xffff  }
0x456: {  	v62 =	vld.idx.msk [tilespmem:v11+s13+$0x0], $0xffff;
	v7 =	vmul.f32 v12, v7;
	v5 =	vadd.f32 v5, v6  }
0x457: {  	v6 =	vld.idx.msk [tilespmem:v11+s14+$0x0], $0xffff  }
0x458: {  	v63 =	vld.idx.msk [tilespmem:v15+s13+$0x0], $0xffff;
	v8 =	vmul.f32 v14, v8;
	v5 =	vadd.f32 v7, v5  }
0x459: {  	v7 =	vld.idx.msk [tilespmem:v15+s14+$0x0], $0xffff  }
0x45a: {  	v9 =	vmul.f32 v9, v13;
	v5 =	vadd.f32 v8, v5;
	_ =	sdelay $0x1  }
0x45b: {  	v6 =	vmul.f32 v6, v62;
	v5 =	vadd.f32 v9, v5;
	_ =	sdelay $0x1  }
0x45c: {  	v7 =	vmul.f32 v7, v63;
	v5 =	vadd.f32 v6, v5;
	_ =	sdelay $0x1  }
0x45d: {  	s31 =	sadd.s32 $0x1, s31;
	v5 =	vadd.f32 v7, v5  }
0x45e: {  	p0 =	sne.s32 s31, s9  }
.Ltmp26:
0x45f: {  	[tilespmem:$0x18F40] =	vst v5;
	(pc) =	sbr.rel @p0 .LBB2_1-.Ltmp26, $4  }
0x460: {  	[hbm4b:s8+s3] =	stream.linear.scatter [tilespmem:s29], [sflag:$0x6], $0x50, $0x38;
	[tilespmem:$0x19080] =	vst v63  }
0x461: {  	_ =	swait.ge [sflag:s10], $0x50  }
0x462: {  	[sflag:s10] =	ssyncset.done $0x0  }
0x463: {  	[sflag:s10] =	ssyncadd.s32 $0xFFFFFFB0  }
0x464: {  	_ =	sfence.sel $0x180000  }
0x465: {  	[bflag:$0x0] =	sbarrier.arrive $0xFFFF  }
0x466: {  	_ =	strace $0x90000047  }
0x467: {  	s0 =	stileid.u32;
	[bflag:$0x2] =	sbarrier.arrive $0xFFFF  }
0x468: {  	p0 =	sne.s32 s0, $0x0;
	s0 =	rddreg [dreg:$0x2]  }
0x469: {  	s0 =	sadd.s32 @!p0 $0x100000, s0  }
0x46a: {  	[sflag:s0] =	ssyncadd.tile.s32 @!p0 $0x1;
	_ =	shalt  }
.Lfunc_end2:
_tile_overlayer_lowered:
.L_overlay_start_2:
0x46b: {  	(tag) =	ssettag $0x2  }
0x46c: {  	s0 =	rddreg [dreg:$0x0];
	s2 =	stileid.u32  }
0x46d: {  	s1 =	rddreg [dreg:$0x1];
	p0 =	sne.s32 s2, $0x0  }
0x46e: {  	s3 =	rddreg [dreg:$0x2];
	[bflag:$0x3] =	sbarrier.arrive $0xFFFF;
	s2 =	simm.s32 @!p0 $0x1C06  }
0x46f: {  	[timem:s3], [sflag:s2] =	dma.local @!p0 [hbm:s0], s1  }
0x470: {  	s0 =	simm.s32 @!p0 $0x6  }
0x471: {  	_ =	swait.ge @!p0 [sflag:s0], s1  }
0x472: {  	s1 =	ssub.s32 @!p0 $0x0, s1;
	[sflag:s0] =	ssyncset.done @!p0 $0x0  }
0x473: {  	[sflag:s0] =	ssyncadd.s32 @!p0 s1  }
0x474: {  	[bflag:$0x3] =	sbarrier.arrive $0xFFFF  }
0x475: {  	_ =	shalt  }

</sc_bundles>
